<compile_context>
chip_gen: v7x
topology: tpu7x:2x2x1
jax: 0.10.2.dev20260603
libtpu: 0.0.44.dev20260713+nightly
codegen_flags: <defaults>
</compile_context>

<pallas_src>
import functools

import jax
import jax.numpy as jnp
from jax import lax
from jax.experimental import pallas as pl
from jax.experimental.pallas import tpu as pltpu
from jax.experimental.pallas import tpu_sc as plsc

NC = 2
NS = 16
L = 16
W = NC * NS

P = 2_000_000
HB = 128
NB = P // HB
BW = 488
CB = 61
NCHUNK = BW // CB
NXB = NB - W * BW
CPW = CB * 2 * HB
V = 1_000_000
VSTG = 62496
NSP = VSTG // CPW
SREM = VSTG - NSP * CPW
MARGIN = 1.0
INV_P = 1.0 / P


@functools.partial(
    pl.kernel,
    out_type=jax.ShapeDtypeStruct((W, L), jnp.float32),
    mesh=plsc.VectorSubcoreMesh(
        core_axis_name="c", subcore_axis_name="s",
        num_cores=NC, num_subcores=NS),
    scratch_types=[
        pltpu.VMEM((CB, 2, HB), jnp.int32),
        pltpu.VMEM((CPW,), jnp.int32),
        pltpu.VMEM((CPW,), jnp.float32),
        pltpu.VMEM((CPW,), jnp.float32),
        pltpu.VMEM((L,), jnp.float32),
        pltpu.VMEM_SHARED((V,), jnp.float32),
        pltpu.SemaphoreType.DMA,
        [pltpu.SemaphoreType.DMA] * 2,
        pltpu.SemaphoreType.DMA,
    ],
)
def _sc_loss(idx3_hbm, outputs_hbm, out_hbm,
             idx3_v, idx1d, val_v0, val_v1, acc_v, table_sh,
             isem, gsems, ssem):
    sid = lax.axis_index("s")
    wid = sid * NC + lax.axis_index("c")
    base = wid * BW
    val = [val_v0, val_v1]

    def start_idx(c):
        pltpu.async_copy(idx3_hbm.at[pl.ds(base + c * CB, CB)], idx3_v, isem)

    def wait_idx():
        pltpu.make_async_copy(idx3_hbm.at[pl.ds(0, CB)], idx3_v, isem).wait()

    def deinterleave():
        def row(t, _):
            b = t * (2 * HB)
            for k in range(HB // L):
                idx1d[pl.ds(b + k * L, L)] = idx3_v[t, 0, pl.ds(k * L, L)]
                idx1d[pl.ds(b + HB + k * L, L)] = idx3_v[t, 1, pl.ds(k * L, L)]
            return 0
        lax.fori_loop(0, CB, row, 0)

    def start_gather(b):
        pltpu.async_copy(table_sh.at[idx1d], val[b], gsems[b])

    def wait_gather(b):
        pltpu.make_async_copy(table_sh.at[idx1d], val[b], gsems[b]).wait()

    def accum(b, acc):
        def it(t, a):
            bb = t * (2 * HB)
            for k in range(HB // L):
                x0 = val[b][pl.ds(bb + k * L, L)]
                x1 = val[b][pl.ds(bb + HB + k * L, L)]
                a = a + jnp.maximum(MARGIN - x0 + x1, 0.0)
            return a
        return lax.fori_loop(0, CB, it, acc)

    start_idx(0)

    for p in range(NSP):
        b = p % 2
        poff = pl.multiple_of(sid * VSTG + p * CPW, 8)
        if p >= 2:
            pltpu.make_async_copy(val[b], table_sh.at[pl.ds(0, CPW)],
                                  ssem).wait()
        pltpu.async_copy(outputs_hbm.at[pl.ds(poff, CPW)], val[b],
                         gsems[b]).wait()
        pltpu.async_copy(val[b], table_sh.at[pl.ds(poff, CPW)], ssem)
    pltpu.make_async_copy(val[0], table_sh.at[pl.ds(0, CPW)], ssem).wait()
    pltpu.make_async_copy(val[1], table_sh.at[pl.ds(0, CPW)], ssem).wait()

    roff = pl.multiple_of(sid * VSTG + NSP * CPW, 8)
    pltpu.async_copy(outputs_hbm.at[pl.ds(roff, SREM)],
                     val_v0.at[pl.ds(0, SREM)], ssem).wait()
    pltpu.async_copy(val_v0.at[pl.ds(0, SREM)],
                     table_sh.at[pl.ds(roff, SREM)], ssem).wait()

    @pl.when(sid == NS - 1)
    def _():
        poff = pl.multiple_of(NS * VSTG, 8)
        rem = V - NS * VSTG
        pltpu.async_copy(outputs_hbm.at[pl.ds(poff, rem)],
                         val_v1.at[pl.ds(0, rem)], ssem).wait()
        pltpu.async_copy(val_v1.at[pl.ds(0, rem)],
                         table_sh.at[pl.ds(poff, rem)], ssem).wait()

    plsc.subcore_barrier()

    acc = jnp.zeros((L,), jnp.float32)
    for c in range(NCHUNK):
        wait_idx()
        if c > 0:
            wait_gather((c - 1) % 2)
        deinterleave()
        if c < NCHUNK - 1:
            start_idx(c + 1)
        start_gather(c % 2)
        if c > 0:
            acc = accum((c - 1) % 2, acc)
    wait_gather((NCHUNK - 1) % 2)
    acc = accum((NCHUNK - 1) % 2, acc)

    @pl.when(wid < NXB)
    def _():
        pltpu.async_copy(idx3_hbm.at[pl.ds(W * BW + wid, 1)],
                         idx3_v.at[pl.ds(0, 1)], isem)
        pltpu.make_async_copy(idx3_hbm.at[pl.ds(0, 1)],
                              idx3_v.at[pl.ds(0, 1)], isem).wait()
        c0 = pltpu.async_copy(table_sh.at[idx3_v.at[0, 0]],
                              val_v0.at[pl.ds(0, HB)], gsems[0])
        c1 = pltpu.async_copy(table_sh.at[idx3_v.at[0, 1]],
                              val_v0.at[pl.ds(HB, HB)], gsems[0])
        c0.wait()
        c1.wait()
        a2 = acc
        for k in range(HB // L):
            x0 = val_v0[pl.ds(k * L, L)]
            x1 = val_v0[pl.ds(HB + k * L, L)]
            a2 = a2 + jnp.maximum(MARGIN - x0 + x1, 0.0)
        acc_v[...] = a2 * INV_P

    @pl.when(wid >= NXB)
    def _():
        acc_v[...] = acc * INV_P

    pltpu.sync_copy(acc_v, out_hbm.at[wid])


def kernel(outputs, mask):
    idx3 = (
        mask.astype(jnp.int32).T
        .reshape(2, NB, HB)
        .transpose(1, 0, 2)
    )
    parts = _sc_loss(idx3, outputs)
    return jnp.sum(parts)

# --- scband reference (transcript-rebuilt; emitter-appended) ---
"""Pipeline reference for scband-custom-margin-ranking-loss-25744033973159 (READ-ONLY COPY).

The authoritative reference and input builder live on the scoring server;
editing this copy changes nothing except your own understanding.
"""

import jax, jax.numpy as jnp
import numpy as np

MARGIN = 1.0
REDUCTION = 'mean'

def setup_inputs(seed: int = 0) -> dict:
    key = jax.random.key(seed)
    k1, k2 = jax.random.split(key)
    outputs = jax.random.normal(k1, (1000000,), dtype=jnp.float32)
    mask = jax.random.randint(k2, (2000000, 2), 0, 1000000, dtype=jnp.int64)
    return {"outputs": outputs, "mask": mask}

def _reduce(loss, reduction):
    if reduction == 'none':
        return loss
    elif reduction == 'mean':
        return loss.mean()
    elif reduction == 'sum':
        return loss.sum()
    else:
        raise ValueError(f'Unknown reduction {reduction}')

def reference(outputs, mask):
    diff = jnp.take(outputs, mask[:, 0]) - jnp.take(outputs, mask[:, 1])
    per_pair = jnp.maximum(jnp.zeros_like(diff), MARGIN - diff)
    return _reduce(per_pair, REDUCTION)

if __name__ == "__main__":
    import jax
    _d = setup_inputs()
    print(jax.jit(kernel)(*tuple(_d.values())))

</pallas_src>

<mosaic_0001>
#map = affine_map<(d0, d1) -> (0, 0, 0)>
#map1 = affine_map<(d0, d1) -> (0)>
#map2 = affine_map<(d0, d1) -> (0, 0)>
module attributes {stable_mosaic.version = 14 : i64} {
  func.func @_sc_loss(%arg0: i32, %arg1: i32, %arg2: memref<15625x2x128xi32, #tpu.memory_space<hbm>>, %arg3: memref<1000000xf32, #tpu.memory_space<hbm>>, %arg4: memref<32x16xf32, #tpu.memory_space<hbm>>, %arg5: memref<61x2x128xi32, #tpu.memory_space<vmem>>, %arg6: memref<15616xi32, #tpu.memory_space<vmem>>, %arg7: memref<15616xf32, #tpu.memory_space<vmem>>, %arg8: memref<15616xf32, #tpu.memory_space<vmem>>, %arg9: memref<16xf32, #tpu.memory_space<vmem>>, %arg10: memref<1000000xf32, #tpu.memory_space<vmem_shared>>, %arg11: memref<!tpu.dma_semaphore, #tpu.memory_space<semaphore_mem>>, %arg12: memref<!tpu.dma_semaphore, #tpu.memory_space<semaphore_mem>>, %arg13: memref<!tpu.dma_semaphore, #tpu.memory_space<semaphore_mem>>, %arg14: memref<!tpu.dma_semaphore, #tpu.memory_space<semaphore_mem>>) attributes {dimension_semantics = [#tpu.dimension_semantics<core_parallel>, #tpu.dimension_semantics<subcore_parallel>], iteration_bounds = array<i64: 2, 16>, scalar_prefetch = 0 : i64, scratch_operands = 10 : i64, tpu.core_type = #tpu.core_type<sc_vector_subcore>, window_params = [{transform_indices = #map}, {transform_indices = #map1}, {transform_indices = #map2}]} {
    %mul3A = arith.constant 2 : i32
    %mul3A_0 = arith.muli %arg1, %mul3A : i32
    %add3A = arith.addi %mul3A_0, %arg0 : i32
    %mul3A_1 = arith.constant 488 : i32
    %mul3A_2 = arith.muli %add3A, %mul3A_1 : i32
    %add3A_3 = arith.constant 0 : i32
    %add3A_4 = arith.addi %mul3A_2, %add3A_3 : i32
    %dma_start3A = arith.constant 0 : i32
    %dma_start3A_5 = arith.constant 0 : i32
    %dma_start3A_6 = tpu.memref_slice %arg2[%add3A_4, %dma_start3A, %dma_start3A_5] : memref<15625x2x128xi32, #tpu.memory_space<hbm>> -> memref<61x2x128xi32, #tpu.memory_space<hbm>>
    %dma_start3A_7 = arith.constant 0 : i32
    %dma_start3A_8 = arith.constant 0 : i32
    %dma_start3A_9 = tpu.memref_slice %arg2[%add3A_4, %dma_start3A_7, %dma_start3A_8] : memref<15625x2x128xi32, #tpu.memory_space<hbm>> -> memref<61x2x128xi32, #tpu.memory_space<hbm>>
    tpu.enqueue_dma source(%dma_start3A_9 : memref<61x2x128xi32, #tpu.memory_space<hbm>>) target(%arg5 : memref<61x2x128xi32, #tpu.memory_space<vmem>>) target_semaphore(%arg11 : memref<!tpu.dma_semaphore, #tpu.memory_space<semaphore_mem>>)
    %mul3A_10 = arith.constant 62496 : i32
    %mul3A_11 = arith.muli %arg1, %mul3A_10 : i32
    %add3A_12 = arith.constant 0 : i32
    %add3A_13 = arith.addi %mul3A_11, %add3A_12 : i32
    %multiple_of3A = tpu.assume_multiple %add3A_13, 8 : i32
    %dma_start3A_14 = tpu.memref_slice %arg3[%multiple_of3A] : memref<1000000xf32, #tpu.memory_space<hbm>> -> memref<15616xf32, #tpu.memory_space<hbm>>
    %dma_start3A_15 = tpu.memref_slice %arg3[%multiple_of3A] : memref<1000000xf32, #tpu.memory_space<hbm>> -> memref<15616xf32, #tpu.memory_space<hbm>>
    tpu.enqueue_dma source(%dma_start3A_15 : memref<15616xf32, #tpu.memory_space<hbm>>) target(%arg7 : memref<15616xf32, #tpu.memory_space<vmem>>) target_semaphore(%arg12 : memref<!tpu.dma_semaphore, #tpu.memory_space<semaphore_mem>>)
    %dma_wait3A = tpu.memref_slice %arg3[%multiple_of3A] : memref<1000000xf32, #tpu.memory_space<hbm>> -> memref<15616xf32, #tpu.memory_space<hbm>>
    %dma_wait3A_16 = tpu.memref_slice %arg3[%multiple_of3A] : memref<1000000xf32, #tpu.memory_space<hbm>> -> memref<15616xf32, #tpu.memory_space<hbm>>
    tpu.wait_dma2 semaphore(%arg12 : memref<!tpu.dma_semaphore, #tpu.memory_space<semaphore_mem>>) src(%dma_wait3A_16 : memref<15616xf32, #tpu.memory_space<hbm>>) dst(%arg7 : memref<15616xf32, #tpu.memory_space<vmem>>)
    %dma_start3A_17 = tpu.memref_slice %arg10[%multiple_of3A] : memref<1000000xf32, #tpu.memory_space<vmem_shared>> -> memref<15616xf32, #tpu.memory_space<vmem_shared>>
    %dma_start3A_18 = tpu.memref_slice %arg10[%multiple_of3A] : memref<1000000xf32, #tpu.memory_space<vmem_shared>> -> memref<15616xf32, #tpu.memory_space<vmem_shared>>
    tpu.enqueue_dma source(%arg7 : memref<15616xf32, #tpu.memory_space<vmem>>) target(%dma_start3A_18 : memref<15616xf32, #tpu.memory_space<vmem_shared>>) target_semaphore(%arg14 : memref<!tpu.dma_semaphore, #tpu.memory_space<semaphore_mem>>)
    %mul3A_19 = arith.constant 62496 : i32
    %mul3A_20 = arith.muli %arg1, %mul3A_19 : i32
    %add3A_21 = arith.constant 15616 : i32
    %add3A_22 = arith.addi %mul3A_20, %add3A_21 : i32
    %multiple_of3A_23 = tpu.assume_multiple %add3A_22, 8 : i32
    %dma_start3A_24 = tpu.memref_slice %arg3[%multiple_of3A_23] : memref<1000000xf32, #tpu.memory_space<hbm>> -> memref<15616xf32, #tpu.memory_space<hbm>>
    %dma_start3A_25 = tpu.memref_slice %arg3[%multiple_of3A_23] : memref<1000000xf32, #tpu.memory_space<hbm>> -> memref<15616xf32, #tpu.memory_space<hbm>>
    tpu.enqueue_dma source(%dma_start3A_25 : memref<15616xf32, #tpu.memory_space<hbm>>) target(%arg8 : memref<15616xf32, #tpu.memory_space<vmem>>) target_semaphore(%arg13 : memref<!tpu.dma_semaphore, #tpu.memory_space<semaphore_mem>>)
    %dma_wait3A_26 = tpu.memref_slice %arg3[%multiple_of3A_23] : memref<1000000xf32, #tpu.memory_space<hbm>> -> memref<15616xf32, #tpu.memory_space<hbm>>
    %dma_wait3A_27 = tpu.memref_slice %arg3[%multiple_of3A_23] : memref<1000000xf32, #tpu.memory_space<hbm>> -> memref<15616xf32, #tpu.memory_space<hbm>>
    tpu.wait_dma2 semaphore(%arg13 : memref<!tpu.dma_semaphore, #tpu.memory_space<semaphore_mem>>) src(%dma_wait3A_27 : memref<15616xf32, #tpu.memory_space<hbm>>) dst(%arg8 : memref<15616xf32, #tpu.memory_space<vmem>>)
    %dma_start3A_28 = tpu.memref_slice %arg10[%multiple_of3A_23] : memref<1000000xf32, #tpu.memory_space<vmem_shared>> -> memref<15616xf32, #tpu.memory_space<vmem_shared>>
    %dma_start3A_29 = tpu.memref_slice %arg10[%multiple_of3A_23] : memref<1000000xf32, #tpu.memory_space<vmem_shared>> -> memref<15616xf32, #tpu.memory_space<vmem_shared>>
    tpu.enqueue_dma source(%arg8 : memref<15616xf32, #tpu.memory_space<vmem>>) target(%dma_start3A_29 : memref<15616xf32, #tpu.memory_space<vmem_shared>>) target_semaphore(%arg14 : memref<!tpu.dma_semaphore, #tpu.memory_space<semaphore_mem>>)
    %mul3A_30 = arith.constant 62496 : i32
    %mul3A_31 = arith.muli %arg1, %mul3A_30 : i32
    %add3A_32 = arith.constant 31232 : i32
    %add3A_33 = arith.addi %mul3A_31, %add3A_32 : i32
    %multiple_of3A_34 = tpu.assume_multiple %add3A_33, 8 : i32
    %dma_wait3A_35 = arith.constant 0 : i32
    %dma_wait3A_36 = tpu.memref_slice %arg10[%dma_wait3A_35] : memref<1000000xf32, #tpu.memory_space<vmem_shared>> -> memref<15616xf32, #tpu.memory_space<vmem_shared>>
    %dma_wait3A_37 = arith.constant 0 : i32
    %dma_wait3A_38 = tpu.memref_slice %arg10[%dma_wait3A_37] : memref<1000000xf32, #tpu.memory_space<vmem_shared>> -> memref<15616xf32, #tpu.memory_space<vmem_shared>>
    tpu.wait_dma2 semaphore(%arg14 : memref<!tpu.dma_semaphore, #tpu.memory_space<semaphore_mem>>) src(%arg7 : memref<15616xf32, #tpu.memory_space<vmem>>) dst(%dma_wait3A_38 : memref<15616xf32, #tpu.memory_space<vmem_shared>>)
    %dma_start3A_39 = tpu.memref_slice %arg3[%multiple_of3A_34] : memref<1000000xf32, #tpu.memory_space<hbm>> -> memref<15616xf32, #tpu.memory_space<hbm>>
    %dma_start3A_40 = tpu.memref_slice %arg3[%multiple_of3A_34] : memref<1000000xf32, #tpu.memory_space<hbm>> -> memref<15616xf32, #tpu.memory_space<hbm>>
    tpu.enqueue_dma source(%dma_start3A_40 : memref<15616xf32, #tpu.memory_space<hbm>>) target(%arg7 : memref<15616xf32, #tpu.memory_space<vmem>>) target_semaphore(%arg12 : memref<!tpu.dma_semaphore, #tpu.memory_space<semaphore_mem>>)
    %dma_wait3A_41 = tpu.memref_slice %arg3[%multiple_of3A_34] : memref<1000000xf32, #tpu.memory_space<hbm>> -> memref<15616xf32, #tpu.memory_space<hbm>>
    %dma_wait3A_42 = tpu.memref_slice %arg3[%multiple_of3A_34] : memref<1000000xf32, #tpu.memory_space<hbm>> -> memref<15616xf32, #tpu.memory_space<hbm>>
    tpu.wait_dma2 semaphore(%arg12 : memref<!tpu.dma_semaphore, #tpu.memory_space<semaphore_mem>>) src(%dma_wait3A_42 : memref<15616xf32, #tpu.memory_space<hbm>>) dst(%arg7 : memref<15616xf32, #tpu.memory_space<vmem>>)
    %dma_start3A_43 = tpu.memref_slice %arg10[%multiple_of3A_34] : memref<1000000xf32, #tpu.memory_space<vmem_shared>> -> memref<15616xf32, #tpu.memory_space<vmem_shared>>
    %dma_start3A_44 = tpu.memref_slice %arg10[%multiple_of3A_34] : memref<1000000xf32, #tpu.memory_space<vmem_shared>> -> memref<15616xf32, #tpu.memory_space<vmem_shared>>
    tpu.enqueue_dma source(%arg7 : memref<15616xf32, #tpu.memory_space<vmem>>) target(%dma_start3A_44 : memref<15616xf32, #tpu.memory_space<vmem_shared>>) target_semaphore(%arg14 : memref<!tpu.dma_semaphore, #tpu.memory_space<semaphore_mem>>)
    %mul3A_45 = arith.constant 62496 : i32
    %mul3A_46 = arith.muli %arg1, %mul3A_45 : i32
    %add3A_47 = arith.constant 46848 : i32
    %add3A_48 = arith.addi %mul3A_46, %add3A_47 : i32
    %multiple_of3A_49 = tpu.assume_multiple %add3A_48, 8 : i32
    %dma_wait3A_50 = arith.constant 0 : i32
    %dma_wait3A_51 = tpu.memref_slice %arg10[%dma_wait3A_50] : memref<1000000xf32, #tpu.memory_space<vmem_shared>> -> memref<15616xf32, #tpu.memory_space<vmem_shared>>
    %dma_wait3A_52 = arith.constant 0 : i32
    %dma_wait3A_53 = tpu.memref_slice %arg10[%dma_wait3A_52] : memref<1000000xf32, #tpu.memory_space<vmem_shared>> -> memref<15616xf32, #tpu.memory_space<vmem_shared>>
    tpu.wait_dma2 semaphore(%arg14 : memref<!tpu.dma_semaphore, #tpu.memory_space<semaphore_mem>>) src(%arg8 : memref<15616xf32, #tpu.memory_space<vmem>>) dst(%dma_wait3A_53 : memref<15616xf32, #tpu.memory_space<vmem_shared>>)
    %dma_start3A_54 = tpu.memref_slice %arg3[%multiple_of3A_49] : memref<1000000xf32, #tpu.memory_space<hbm>> -> memref<15616xf32, #tpu.memory_space<hbm>>
    %dma_start3A_55 = tpu.memref_slice %arg3[%multiple_of3A_49] : memref<1000000xf32, #tpu.memory_space<hbm>> -> memref<15616xf32, #tpu.memory_space<hbm>>
    tpu.enqueue_dma source(%dma_start3A_55 : memref<15616xf32, #tpu.memory_space<hbm>>) target(%arg8 : memref<15616xf32, #tpu.memory_space<vmem>>) target_semaphore(%arg13 : memref<!tpu.dma_semaphore, #tpu.memory_space<semaphore_mem>>)
    %dma_wait3A_56 = tpu.memref_slice %arg3[%multiple_of3A_49] : memref<1000000xf32, #tpu.memory_space<hbm>> -> memref<15616xf32, #tpu.memory_space<hbm>>
    %dma_wait3A_57 = tpu.memref_slice %arg3[%multiple_of3A_49] : memref<1000000xf32, #tpu.memory_space<hbm>> -> memref<15616xf32, #tpu.memory_space<hbm>>
    tpu.wait_dma2 semaphore(%arg13 : memref<!tpu.dma_semaphore, #tpu.memory_space<semaphore_mem>>) src(%dma_wait3A_57 : memref<15616xf32, #tpu.memory_space<hbm>>) dst(%arg8 : memref<15616xf32, #tpu.memory_space<vmem>>)
    %dma_start3A_58 = tpu.memref_slice %arg10[%multiple_of3A_49] : memref<1000000xf32, #tpu.memory_space<vmem_shared>> -> memref<15616xf32, #tpu.memory_space<vmem_shared>>
    %dma_start3A_59 = tpu.memref_slice %arg10[%multiple_of3A_49] : memref<1000000xf32, #tpu.memory_space<vmem_shared>> -> memref<15616xf32, #tpu.memory_space<vmem_shared>>
    tpu.enqueue_dma source(%arg8 : memref<15616xf32, #tpu.memory_space<vmem>>) target(%dma_start3A_59 : memref<15616xf32, #tpu.memory_space<vmem_shared>>) target_semaphore(%arg14 : memref<!tpu.dma_semaphore, #tpu.memory_space<semaphore_mem>>)
    %dma_wait3A_60 = arith.constant 0 : i32
    %dma_wait3A_61 = tpu.memref_slice %arg10[%dma_wait3A_60] : memref<1000000xf32, #tpu.memory_space<vmem_shared>> -> memref<15616xf32, #tpu.memory_space<vmem_shared>>
    %dma_wait3A_62 = arith.constant 0 : i32
    %dma_wait3A_63 = tpu.memref_slice %arg10[%dma_wait3A_62] : memref<1000000xf32, #tpu.memory_space<vmem_shared>> -> memref<15616xf32, #tpu.memory_space<vmem_shared>>
    tpu.wait_dma2 semaphore(%arg14 : memref<!tpu.dma_semaphore, #tpu.memory_space<semaphore_mem>>) src(%arg7 : memref<15616xf32, #tpu.memory_space<vmem>>) dst(%dma_wait3A_63 : memref<15616xf32, #tpu.memory_space<vmem_shared>>)
    %dma_wait3A_64 = arith.constant 0 : i32
    %dma_wait3A_65 = tpu.memref_slice %arg10[%dma_wait3A_64] : memref<1000000xf32, #tpu.memory_space<vmem_shared>> -> memref<15616xf32, #tpu.memory_space<vmem_shared>>
    %dma_wait3A_66 = arith.constant 0 : i32
    %dma_wait3A_67 = tpu.memref_slice %arg10[%dma_wait3A_66] : memref<1000000xf32, #tpu.memory_space<vmem_shared>> -> memref<15616xf32, #tpu.memory_space<vmem_shared>>
    tpu.wait_dma2 semaphore(%arg14 : memref<!tpu.dma_semaphore, #tpu.memory_space<semaphore_mem>>) src(%arg8 : memref<15616xf32, #tpu.memory_space<vmem>>) dst(%dma_wait3A_67 : memref<15616xf32, #tpu.memory_space<vmem_shared>>)
    %mul3A_68 = arith.constant 62496 : i32
    %mul3A_69 = arith.muli %arg1, %mul3A_68 : i32
    %add3A_70 = arith.constant 62464 : i32
    %add3A_71 = arith.addi %mul3A_69, %add3A_70 : i32
    %multiple_of3A_72 = tpu.assume_multiple %add3A_71, 8 : i32
    %dma_start3A_73 = arith.constant 0 : i32
    %dma_start3A_74 = tpu.memref_slice %arg7[%dma_start3A_73] : memref<15616xf32, #tpu.memory_space<vmem>> -> memref<32xf32, #tpu.memory_space<vmem>>
    %dma_start3A_75 = tpu.memref_slice %arg3[%multiple_of3A_72] : memref<1000000xf32, #tpu.memory_space<hbm>> -> memref<32xf32, #tpu.memory_space<hbm>>
    %dma_start3A_76 = arith.constant 0 : i32
    %dma_start3A_77 = tpu.memref_slice %arg7[%dma_start3A_76] : memref<15616xf32, #tpu.memory_space<vmem>> -> memref<32xf32, #tpu.memory_space<vmem>>
    %dma_start3A_78 = tpu.memref_slice %arg3[%multiple_of3A_72] : memref<1000000xf32, #tpu.memory_space<hbm>> -> memref<32xf32, #tpu.memory_space<hbm>>
    tpu.enqueue_dma source(%dma_start3A_78 : memref<32xf32, #tpu.memory_space<hbm>>) target(%dma_start3A_77 : memref<32xf32, #tpu.memory_space<vmem>>) target_semaphore(%arg14 : memref<!tpu.dma_semaphore, #tpu.memory_space<semaphore_mem>>)
    %dma_wait3A_79 = arith.constant 0 : i32
    %dma_wait3A_80 = tpu.memref_slice %arg7[%dma_wait3A_79] : memref<15616xf32, #tpu.memory_space<vmem>> -> memref<32xf32, #tpu.memory_space<vmem>>
    %dma_wait3A_81 = tpu.memref_slice %arg3[%multiple_of3A_72] : memref<1000000xf32, #tpu.memory_space<hbm>> -> memref<32xf32, #tpu.memory_space<hbm>>
    %dma_wait3A_82 = arith.constant 0 : i32
    %dma_wait3A_83 = tpu.memref_slice %arg7[%dma_wait3A_82] : memref<15616xf32, #tpu.memory_space<vmem>> -> memref<32xf32, #tpu.memory_space<vmem>>
    %dma_wait3A_84 = tpu.memref_slice %arg3[%multiple_of3A_72] : memref<1000000xf32, #tpu.memory_space<hbm>> -> memref<32xf32, #tpu.memory_space<hbm>>
    tpu.wait_dma2 semaphore(%arg14 : memref<!tpu.dma_semaphore, #tpu.memory_space<semaphore_mem>>) src(%dma_wait3A_84 : memref<32xf32, #tpu.memory_space<hbm>>) dst(%dma_wait3A_83 : memref<32xf32, #tpu.memory_space<vmem>>)
    %dma_start3A_85 = arith.constant 0 : i32
    %dma_start3A_86 = tpu.memref_slice %arg7[%dma_start3A_85] : memref<15616xf32, #tpu.memory_space<vmem>> -> memref<32xf32, #tpu.memory_space<vmem>>
    %dma_start3A_87 = tpu.memref_slice %arg10[%multiple_of3A_72] : memref<1000000xf32, #tpu.memory_space<vmem_shared>> -> memref<32xf32, #tpu.memory_space<vmem_shared>>
    %dma_start3A_88 = tpu.memref_slice %arg10[%multiple_of3A_72] : memref<1000000xf32, #tpu.memory_space<vmem_shared>> -> memref<32xf32, #tpu.memory_space<vmem_shared>>
    %dma_start3A_89 = arith.constant 0 : i32
    %dma_start3A_90 = tpu.memref_slice %arg7[%dma_start3A_89] : memref<15616xf32, #tpu.memory_space<vmem>> -> memref<32xf32, #tpu.memory_space<vmem>>
    tpu.enqueue_dma source(%dma_start3A_90 : memref<32xf32, #tpu.memory_space<vmem>>) target(%dma_start3A_88 : memref<32xf32, #tpu.memory_space<vmem_shared>>) target_semaphore(%arg14 : memref<!tpu.dma_semaphore, #tpu.memory_space<semaphore_mem>>)
    %dma_wait3A_91 = arith.constant 0 : i32
    %dma_wait3A_92 = tpu.memref_slice %arg7[%dma_wait3A_91] : memref<15616xf32, #tpu.memory_space<vmem>> -> memref<32xf32, #tpu.memory_space<vmem>>
    %dma_wait3A_93 = tpu.memref_slice %arg10[%multiple_of3A_72] : memref<1000000xf32, #tpu.memory_space<vmem_shared>> -> memref<32xf32, #tpu.memory_space<vmem_shared>>
    %dma_wait3A_94 = tpu.memref_slice %arg10[%multiple_of3A_72] : memref<1000000xf32, #tpu.memory_space<vmem_shared>> -> memref<32xf32, #tpu.memory_space<vmem_shared>>
    %dma_wait3A_95 = arith.constant 0 : i32
    %dma_wait3A_96 = tpu.memref_slice %arg7[%dma_wait3A_95] : memref<15616xf32, #tpu.memory_space<vmem>> -> memref<32xf32, #tpu.memory_space<vmem>>
    tpu.wait_dma2 semaphore(%arg14 : memref<!tpu.dma_semaphore, #tpu.memory_space<semaphore_mem>>) src(%dma_wait3A_96 : memref<32xf32, #tpu.memory_space<vmem>>) dst(%dma_wait3A_94 : memref<32xf32, #tpu.memory_space<vmem_shared>>)
    %eq3A = arith.constant 15 : i32
    %eq3A_97 = arith.cmpi eq, %arg1, %eq3A : i32
    %convert_element_type3A = arith.extui %eq3A_97 : i1 to i32
    %cond3A = arith.constant 0 : i32
    %cond3A_98 = arith.cmpi ne, %convert_element_type3A, %cond3A : i32
    scf.if %cond3A_98 {
      %multiple_of3A_363 = arith.constant 999936 : i32
      %multiple_of3A_364 = tpu.assume_multiple %multiple_of3A_363, 8 : i32
      %dma_start3A_365 = arith.constant 0 : i32
      %dma_start3A_366 = tpu.memref_slice %arg8[%dma_start3A_365] : memref<15616xf32, #tpu.memory_space<vmem>> -> memref<64xf32, #tpu.memory_space<vmem>>
      %dma_start3A_367 = tpu.memref_slice %arg3[%multiple_of3A_364] : memref<1000000xf32, #tpu.memory_space<hbm>> -> memref<64xf32, #tpu.memory_space<hbm>>
      %dma_start3A_368 = arith.constant 0 : i32
      %dma_start3A_369 = tpu.memref_slice %arg8[%dma_start3A_368] : memref<15616xf32, #tpu.memory_space<vmem>> -> memref<64xf32, #tpu.memory_space<vmem>>
      %dma_start3A_370 = tpu.memref_slice %arg3[%multiple_of3A_364] : memref<1000000xf32, #tpu.memory_space<hbm>> -> memref<64xf32, #tpu.memory_space<hbm>>
      tpu.enqueue_dma source(%dma_start3A_370 : memref<64xf32, #tpu.memory_space<hbm>>) target(%dma_start3A_369 : memref<64xf32, #tpu.memory_space<vmem>>) target_semaphore(%arg14 : memref<!tpu.dma_semaphore, #tpu.memory_space<semaphore_mem>>)
      %dma_wait3A_371 = arith.constant 0 : i32
      %dma_wait3A_372 = tpu.memref_slice %arg8[%dma_wait3A_371] : memref<15616xf32, #tpu.memory_space<vmem>> -> memref<64xf32, #tpu.memory_space<vmem>>
      %dma_wait3A_373 = tpu.memref_slice %arg3[%multiple_of3A_364] : memref<1000000xf32, #tpu.memory_space<hbm>> -> memref<64xf32, #tpu.memory_space<hbm>>
      %dma_wait3A_374 = arith.constant 0 : i32
      %dma_wait3A_375 = tpu.memref_slice %arg8[%dma_wait3A_374] : memref<15616xf32, #tpu.memory_space<vmem>> -> memref<64xf32, #tpu.memory_space<vmem>>
      %dma_wait3A_376 = tpu.memref_slice %arg3[%multiple_of3A_364] : memref<1000000xf32, #tpu.memory_space<hbm>> -> memref<64xf32, #tpu.memory_space<hbm>>
      tpu.wait_dma2 semaphore(%arg14 : memref<!tpu.dma_semaphore, #tpu.memory_space<semaphore_mem>>) src(%dma_wait3A_376 : memref<64xf32, #tpu.memory_space<hbm>>) dst(%dma_wait3A_375 : memref<64xf32, #tpu.memory_space<vmem>>)
      %dma_start3A_377 = arith.constant 0 : i32
      %dma_start3A_378 = tpu.memref_slice %arg8[%dma_start3A_377] : memref<15616xf32, #tpu.memory_space<vmem>> -> memref<64xf32, #tpu.memory_space<vmem>>
      %dma_start3A_379 = tpu.memref_slice %arg10[%multiple_of3A_364] : memref<1000000xf32, #tpu.memory_space<vmem_shared>> -> memref<64xf32, #tpu.memory_space<vmem_shared>>
      %dma_start3A_380 = tpu.memref_slice %arg10[%multiple_of3A_364] : memref<1000000xf32, #tpu.memory_space<vmem_shared>> -> memref<64xf32, #tpu.memory_space<vmem_shared>>
      %dma_start3A_381 = arith.constant 0 : i32
      %dma_start3A_382 = tpu.memref_slice %arg8[%dma_start3A_381] : memref<15616xf32, #tpu.memory_space<vmem>> -> memref<64xf32, #tpu.memory_space<vmem>>
      tpu.enqueue_dma source(%dma_start3A_382 : memref<64xf32, #tpu.memory_space<vmem>>) target(%dma_start3A_380 : memref<64xf32, #tpu.memory_space<vmem_shared>>) target_semaphore(%arg14 : memref<!tpu.dma_semaphore, #tpu.memory_space<semaphore_mem>>)
      %dma_wait3A_383 = arith.constant 0 : i32
      %dma_wait3A_384 = tpu.memref_slice %arg8[%dma_wait3A_383] : memref<15616xf32, #tpu.memory_space<vmem>> -> memref<64xf32, #tpu.memory_space<vmem>>
      %dma_wait3A_385 = tpu.memref_slice %arg10[%multiple_of3A_364] : memref<1000000xf32, #tpu.memory_space<vmem_shared>> -> memref<64xf32, #tpu.memory_space<vmem_shared>>
      %dma_wait3A_386 = tpu.memref_slice %arg10[%multiple_of3A_364] : memref<1000000xf32, #tpu.memory_space<vmem_shared>> -> memref<64xf32, #tpu.memory_space<vmem_shared>>
      %dma_wait3A_387 = arith.constant 0 : i32
      %dma_wait3A_388 = tpu.memref_slice %arg8[%dma_wait3A_387] : memref<15616xf32, #tpu.memory_space<vmem>> -> memref<64xf32, #tpu.memory_space<vmem>>
      tpu.wait_dma2 semaphore(%arg14 : memref<!tpu.dma_semaphore, #tpu.memory_space<semaphore_mem>>) src(%dma_wait3A_388 : memref<64xf32, #tpu.memory_space<vmem>>) dst(%dma_wait3A_386 : memref<64xf32, #tpu.memory_space<vmem_shared>>)
    } else {
    }
    %barrier3A = arith.constant 0 : index
    tpu.barrier barrier_id(%barrier3A)
    %broadcast_in_dim3A = arith.constant 0.000000e+00 : f32
    %broadcast_in_dim3A_99 = vector.broadcast %broadcast_in_dim3A : f32 to vector<16xf32>
    %dma_wait3A_100 = arith.constant 0 : i32
    %dma_wait3A_101 = arith.constant 0 : i32
    %dma_wait3A_102 = arith.constant 0 : i32
    %dma_wait3A_103 = tpu.memref_slice %arg2[%dma_wait3A_100, %dma_wait3A_101, %dma_wait3A_102] : memref<15625x2x128xi32, #tpu.memory_space<hbm>> -> memref<61x2x128xi32, #tpu.memory_space<hbm>>
    %dma_wait3A_104 = arith.constant 0 : i32
    %dma_wait3A_105 = arith.constant 0 : i32
    %dma_wait3A_106 = arith.constant 0 : i32
    %dma_wait3A_107 = tpu.memref_slice %arg2[%dma_wait3A_104, %dma_wait3A_105, %dma_wait3A_106] : memref<15625x2x128xi32, #tpu.memory_space<hbm>> -> memref<61x2x128xi32, #tpu.memory_space<hbm>>
    tpu.wait_dma2 semaphore(%arg11 : memref<!tpu.dma_semaphore, #tpu.memory_space<semaphore_mem>>) src(%dma_wait3A_107 : memref<61x2x128xi32, #tpu.memory_space<hbm>>) dst(%arg5 : memref<61x2x128xi32, #tpu.memory_space<vmem>>)
    %scan3A = arith.constant 0 : i32
    %scan3A_108 = arith.constant 0 : i32
    %scan3A_109 = arith.constant 61 : i32
    %scan3A_110 = arith.addi %scan3A_108, %scan3A_109 : i32
    %scan3A_111 = arith.constant 1 : i32
    %scan3A_112 = scf.for %scan3A_363 = %scan3A_108 to %scan3A_110 step %scan3A_111 iter_args(%scan3A_364 = %scan3A) -> (i32)  : i32 {
      %mul3A_365 = arith.constant 256 : i32
      %mul3A_366 = arith.muli %scan3A_363, %mul3A_365 : i32
      %get3A = arith.constant 0 : i32
      %get3A_367 = arith.index_cast %scan3A_363 : i32 to index
      %get3A_368 = arith.index_cast %get3A : i32 to index
      %get3A_369 = arith.constant 0 : index
      %get3A_370 = tpu.vector_load %arg5[%get3A_367, %get3A_368, %get3A_369] {strides = array<i32>} : memref<61x2x128xi32, #tpu.memory_space<vmem>>, vector<1x1x16xi32>,
      %get3A_371 = vector.shape_cast %get3A_370 : vector<1x1x16xi32> to vector<16xi32>
      %add3A_372 = arith.constant 0 : i32
      %add3A_373 = arith.addi %mul3A_366, %add3A_372 : i32
      %swap3A = arith.index_cast %add3A_373 : i32 to index
      %swap3A_374 = tpu.vector_load %arg6[%swap3A] {strides = array<i32>} : memref<15616xi32, #tpu.memory_space<vmem>>, vector<16xi32>,
      %swap3A_375 = vector.shape_cast %swap3A_374 : vector<16xi32> to vector<16xi32>
      %swap3A_376 = vector.shape_cast %get3A_371 : vector<16xi32> to vector<16xi32>
      tpu.vector_store %arg6[%swap3A], %swap3A_376 {strides = array<i32>} : memref<15616xi32, #tpu.memory_space<vmem>>, vector<16xi32>,
      %get3A_377 = arith.constant 1 : i32
      %get3A_378 = arith.index_cast %scan3A_363 : i32 to index
      %get3A_379 = arith.index_cast %get3A_377 : i32 to index
      %get3A_380 = arith.constant 0 : index
      %get3A_381 = tpu.vector_load %arg5[%get3A_378, %get3A_379, %get3A_380] {strides = array<i32>} : memref<61x2x128xi32, #tpu.memory_space<vmem>>, vector<1x1x16xi32>,
      %get3A_382 = vector.shape_cast %get3A_381 : vector<1x1x16xi32> to vector<16xi32>
      %add3A_383 = arith.constant 128 : i32
      %add3A_384 = arith.addi %mul3A_366, %add3A_383 : i32
      %add3A_385 = arith.constant 0 : i32
      %add3A_386 = arith.addi %add3A_384, %add3A_385 : i32
      %swap3A_387 = arith.index_cast %add3A_386 : i32 to index
      %swap3A_388 = tpu.vector_load %arg6[%swap3A_387] {strides = array<i32>} : memref<15616xi32, #tpu.memory_space<vmem>>, vector<16xi32>,
      %swap3A_389 = vector.shape_cast %swap3A_388 : vector<16xi32> to vector<16xi32>
      %swap3A_390 = vector.shape_cast %get3A_382 : vector<16xi32> to vector<16xi32>
      tpu.vector_store %arg6[%swap3A_387], %swap3A_390 {strides = array<i32>} : memref<15616xi32, #tpu.memory_space<vmem>>, vector<16xi32>,
      %get3A_391 = arith.constant 0 : i32
      %get3A_392 = arith.index_cast %scan3A_363 : i32 to index
      %get3A_393 = arith.index_cast %get3A_391 : i32 to index
      %get3A_394 = arith.constant 16 : index
      %get3A_395 = tpu.vector_load %arg5[%get3A_392, %get3A_393, %get3A_394] {strides = array<i32>} : memref<61x2x128xi32, #tpu.memory_space<vmem>>, vector<1x1x16xi32>,
      %get3A_396 = vector.shape_cast %get3A_395 : vector<1x1x16xi32> to vector<16xi32>
      %add3A_397 = arith.constant 16 : i32
      %add3A_398 = arith.addi %mul3A_366, %add3A_397 : i32
      %swap3A_399 = arith.index_cast %add3A_398 : i32 to index
      %swap3A_400 = tpu.vector_load %arg6[%swap3A_399] {strides = array<i32>} : memref<15616xi32, #tpu.memory_space<vmem>>, vector<16xi32>,
      %swap3A_401 = vector.shape_cast %swap3A_400 : vector<16xi32> to vector<16xi32>
      %swap3A_402 = vector.shape_cast %get3A_396 : vector<16xi32> to vector<16xi32>
      tpu.vector_store %arg6[%swap3A_399], %swap3A_402 {strides = array<i32>} : memref<15616xi32, #tpu.memory_space<vmem>>, vector<16xi32>,
      %get3A_403 = arith.constant 1 : i32
      %get3A_404 = arith.index_cast %scan3A_363 : i32 to index
      %get3A_405 = arith.index_cast %get3A_403 : i32 to index
      %get3A_406 = arith.constant 16 : index
      %get3A_407 = tpu.vector_load %arg5[%get3A_404, %get3A_405, %get3A_406] {strides = array<i32>} : memref<61x2x128xi32, #tpu.memory_space<vmem>>, vector<1x1x16xi32>,
      %get3A_408 = vector.shape_cast %get3A_407 : vector<1x1x16xi32> to vector<16xi32>
      %add3A_409 = arith.constant 128 : i32
      %add3A_410 = arith.addi %mul3A_366, %add3A_409 : i32
      %add3A_411 = arith.constant 16 : i32
      %add3A_412 = arith.addi %add3A_410, %add3A_411 : i32
      %swap3A_413 = arith.index_cast %add3A_412 : i32 to index
      %swap3A_414 = tpu.vector_load %arg6[%swap3A_413] {strides = array<i32>} : memref<15616xi32, #tpu.memory_space<vmem>>, vector<16xi32>,
      %swap3A_415 = vector.shape_cast %swap3A_414 : vector<16xi32> to vector<16xi32>
      %swap3A_416 = vector.shape_cast %get3A_408 : vector<16xi32> to vector<16xi32>
      tpu.vector_store %arg6[%swap3A_413], %swap3A_416 {strides = array<i32>} : memref<15616xi32, #tpu.memory_space<vmem>>, vector<16xi32>,
      %get3A_417 = arith.constant 0 : i32
      %get3A_418 = arith.index_cast %scan3A_363 : i32 to index
      %get3A_419 = arith.index_cast %get3A_417 : i32 to index
      %get3A_420 = arith.constant 32 : index
      %get3A_421 = tpu.vector_load %arg5[%get3A_418, %get3A_419, %get3A_420] {strides = array<i32>} : memref<61x2x128xi32, #tpu.memory_space<vmem>>, vector<1x1x16xi32>,
      %get3A_422 = vector.shape_cast %get3A_421 : vector<1x1x16xi32> to vector<16xi32>
      %add3A_423 = arith.constant 32 : i32
      %add3A_424 = arith.addi %mul3A_366, %add3A_423 : i32
      %swap3A_425 = arith.index_cast %add3A_424 : i32 to index
      %swap3A_426 = tpu.vector_load %arg6[%swap3A_425] {strides = array<i32>} : memref<15616xi32, #tpu.memory_space<vmem>>, vector<16xi32>,
      %swap3A_427 = vector.shape_cast %swap3A_426 : vector<16xi32> to vector<16xi32>
      %swap3A_428 = vector.shape_cast %get3A_422 : vector<16xi32> to vector<16xi32>
      tpu.vector_store %arg6[%swap3A_425], %swap3A_428 {strides = array<i32>} : memref<15616xi32, #tpu.memory_space<vmem>>, vector<16xi32>,
      %get3A_429 = arith.constant 1 : i32
      %get3A_430 = arith.index_cast %scan3A_363 : i32 to index
      %get3A_431 = arith.index_cast %get3A_429 : i32 to index
      %get3A_432 = arith.constant 32 : index
      %get3A_433 = tpu.vector_load %arg5[%get3A_430, %get3A_431, %get3A_432] {strides = array<i32>} : memref<61x2x128xi32, #tpu.memory_space<vmem>>, vector<1x1x16xi32>,
      %get3A_434 = vector.shape_cast %get3A_433 : vector<1x1x16xi32> to vector<16xi32>
      %add3A_435 = arith.constant 128 : i32
      %add3A_436 = arith.addi %mul3A_366, %add3A_435 : i32
      %add3A_437 = arith.constant 32 : i32
      %add3A_438 = arith.addi %add3A_436, %add3A_437 : i32
      %swap3A_439 = arith.index_cast %add3A_438 : i32 to index
      %swap3A_440 = tpu.vector_load %arg6[%swap3A_439] {strides = array<i32>} : memref<15616xi32, #tpu.memory_space<vmem>>, vector<16xi32>,
      %swap3A_441 = vector.shape_cast %swap3A_440 : vector<16xi32> to vector<16xi32>
      %swap3A_442 = vector.shape_cast %get3A_434 : vector<16xi32> to vector<16xi32>
      tpu.vector_store %arg6[%swap3A_439], %swap3A_442 {strides = array<i32>} : memref<15616xi32, #tpu.memory_space<vmem>>, vector<16xi32>,
      %get3A_443 = arith.constant 0 : i32
      %get3A_444 = arith.index_cast %scan3A_363 : i32 to index
      %get3A_445 = arith.index_cast %get3A_443 : i32 to index
      %get3A_446 = arith.constant 48 : index
      %get3A_447 = tpu.vector_load %arg5[%get3A_444, %get3A_445, %get3A_446] {strides = array<i32>} : memref<61x2x128xi32, #tpu.memory_space<vmem>>, vector<1x1x16xi32>,
      %get3A_448 = vector.shape_cast %get3A_447 : vector<1x1x16xi32> to vector<16xi32>
      %add3A_449 = arith.constant 48 : i32
      %add3A_450 = arith.addi %mul3A_366, %add3A_449 : i32
      %swap3A_451 = arith.index_cast %add3A_450 : i32 to index
      %swap3A_452 = tpu.vector_load %arg6[%swap3A_451] {strides = array<i32>} : memref<15616xi32, #tpu.memory_space<vmem>>, vector<16xi32>,
      %swap3A_453 = vector.shape_cast %swap3A_452 : vector<16xi32> to vector<16xi32>
      %swap3A_454 = vector.shape_cast %get3A_448 : vector<16xi32> to vector<16xi32>
      tpu.vector_store %arg6[%swap3A_451], %swap3A_454 {strides = array<i32>} : memref<15616xi32, #tpu.memory_space<vmem>>, vector<16xi32>,
      %get3A_455 = arith.constant 1 : i32
      %get3A_456 = arith.index_cast %scan3A_363 : i32 to index
      %get3A_457 = arith.index_cast %get3A_455 : i32 to index
      %get3A_458 = arith.constant 48 : index
      %get3A_459 = tpu.vector_load %arg5[%get3A_456, %get3A_457, %get3A_458] {strides = array<i32>} : memref<61x2x128xi32, #tpu.memory_space<vmem>>, vector<1x1x16xi32>,
      %get3A_460 = vector.shape_cast %get3A_459 : vector<1x1x16xi32> to vector<16xi32>
      %add3A_461 = arith.constant 128 : i32
      %add3A_462 = arith.addi %mul3A_366, %add3A_461 : i32
      %add3A_463 = arith.constant 48 : i32
      %add3A_464 = arith.addi %add3A_462, %add3A_463 : i32
      %swap3A_465 = arith.index_cast %add3A_464 : i32 to index
      %swap3A_466 = tpu.vector_load %arg6[%swap3A_465] {strides = array<i32>} : memref<15616xi32, #tpu.memory_space<vmem>>, vector<16xi32>,
      %swap3A_467 = vector.shape_cast %swap3A_466 : vector<16xi32> to vector<16xi32>
      %swap3A_468 = vector.shape_cast %get3A_460 : vector<16xi32> to vector<16xi32>
      tpu.vector_store %arg6[%swap3A_465], %swap3A_468 {strides = array<i32>} : memref<15616xi32, #tpu.memory_space<vmem>>, vector<16xi32>,
      %get3A_469 = arith.constant 0 : i32
      %get3A_470 = arith.index_cast %scan3A_363 : i32 to index
      %get3A_471 = arith.index_cast %get3A_469 : i32 to index
      %get3A_472 = arith.constant 64 : index
      %get3A_473 = tpu.vector_load %arg5[%get3A_470, %get3A_471, %get3A_472] {strides = array<i32>} : memref<61x2x128xi32, #tpu.memory_space<vmem>>, vector<1x1x16xi32>,
      %get3A_474 = vector.shape_cast %get3A_473 : vector<1x1x16xi32> to vector<16xi32>
      %add3A_475 = arith.constant 64 : i32
      %add3A_476 = arith.addi %mul3A_366, %add3A_475 : i32
      %swap3A_477 = arith.index_cast %add3A_476 : i32 to index
      %swap3A_478 = tpu.vector_load %arg6[%swap3A_477] {strides = array<i32>} : memref<15616xi32, #tpu.memory_space<vmem>>, vector<16xi32>,
      %swap3A_479 = vector.shape_cast %swap3A_478 : vector<16xi32> to vector<16xi32>
      %swap3A_480 = vector.shape_cast %get3A_474 : vector<16xi32> to vector<16xi32>
      tpu.vector_store %arg6[%swap3A_477], %swap3A_480 {strides = array<i32>} : memref<15616xi32, #tpu.memory_space<vmem>>, vector<16xi32>,
      %get3A_481 = arith.constant 1 : i32
      %get3A_482 = arith.index_cast %scan3A_363 : i32 to index
      %get3A_483 = arith.index_cast %get3A_481 : i32 to index
      %get3A_484 = arith.constant 64 : index
      %get3A_485 = tpu.vector_load %arg5[%get3A_482, %get3A_483, %get3A_484] {strides = array<i32>} : memref<61x2x128xi32, #tpu.memory_space<vmem>>, vector<1x1x16xi32>,
      %get3A_486 = vector.shape_cast %get3A_485 : vector<1x1x16xi32> to vector<16xi32>
      %add3A_487 = arith.constant 128 : i32
      %add3A_488 = arith.addi %mul3A_366, %add3A_487 : i32
      %add3A_489 = arith.constant 64 : i32
      %add3A_490 = arith.addi %add3A_488, %add3A_489 : i32
      %swap3A_491 = arith.index_cast %add3A_490 : i32 to index
      %swap3A_492 = tpu.vector_load %arg6[%swap3A_491] {strides = array<i32>} : memref<15616xi32, #tpu.memory_space<vmem>>, vector<16xi32>,
      %swap3A_493 = vector.shape_cast %swap3A_492 : vector<16xi32> to vector<16xi32>
      %swap3A_494 = vector.shape_cast %get3A_486 : vector<16xi32> to vector<16xi32>
      tpu.vector_store %arg6[%swap3A_491], %swap3A_494 {strides = array<i32>} : memref<15616xi32, #tpu.memory_space<vmem>>, vector<16xi32>,
      %get3A_495 = arith.constant 0 : i32
      %get3A_496 = arith.index_cast %scan3A_363 : i32 to index
      %get3A_497 = arith.index_cast %get3A_495 : i32 to index
      %get3A_498 = arith.constant 80 : index
      %get3A_499 = tpu.vector_load %arg5[%get3A_496, %get3A_497, %get3A_498] {strides = array<i32>} : memref<61x2x128xi32, #tpu.memory_space<vmem>>, vector<1x1x16xi32>,
      %get3A_500 = vector.shape_cast %get3A_499 : vector<1x1x16xi32> to vector<16xi32>
      %add3A_501 = arith.constant 80 : i32
      %add3A_502 = arith.addi %mul3A_366, %add3A_501 : i32
      %swap3A_503 = arith.index_cast %add3A_502 : i32 to index
      %swap3A_504 = tpu.vector_load %arg6[%swap3A_503] {strides = array<i32>} : memref<15616xi32, #tpu.memory_space<vmem>>, vector<16xi32>,
      %swap3A_505 = vector.shape_cast %swap3A_504 : vector<16xi32> to vector<16xi32>
      %swap3A_506 = vector.shape_cast %get3A_500 : vector<16xi32> to vector<16xi32>
      tpu.vector_store %arg6[%swap3A_503], %swap3A_506 {strides = array<i32>} : memref<15616xi32, #tpu.memory_space<vmem>>, vector<16xi32>,
      %get3A_507 = arith.constant 1 : i32
      %get3A_508 = arith.index_cast %scan3A_363 : i32 to index
      %get3A_509 = arith.index_cast %get3A_507 : i32 to index
      %get3A_510 = arith.constant 80 : index
      %get3A_511 = tpu.vector_load %arg5[%get3A_508, %get3A_509, %get3A_510] {strides = array<i32>} : memref<61x2x128xi32, #tpu.memory_space<vmem>>, vector<1x1x16xi32>,
      %get3A_512 = vector.shape_cast %get3A_511 : vector<1x1x16xi32> to vector<16xi32>
      %add3A_513 = arith.constant 128 : i32
      %add3A_514 = arith.addi %mul3A_366, %add3A_513 : i32
      %add3A_515 = arith.constant 80 : i32
      %add3A_516 = arith.addi %add3A_514, %add3A_515 : i32
      %swap3A_517 = arith.index_cast %add3A_516 : i32 to index
      %swap3A_518 = tpu.vector_load %arg6[%swap3A_517] {strides = array<i32>} : memref<15616xi32, #tpu.memory_space<vmem>>, vector<16xi32>,
      %swap3A_519 = vector.shape_cast %swap3A_518 : vector<16xi32> to vector<16xi32>
      %swap3A_520 = vector.shape_cast %get3A_512 : vector<16xi32> to vector<16xi32>
      tpu.vector_store %arg6[%swap3A_517], %swap3A_520 {strides = array<i32>} : memref<15616xi32, #tpu.memory_space<vmem>>, vector<16xi32>,
      %get3A_521 = arith.constant 0 : i32
      %get3A_522 = arith.index_cast %scan3A_363 : i32 to index
      %get3A_523 = arith.index_cast %get3A_521 : i32 to index
      %get3A_524 = arith.constant 96 : index
      %get3A_525 = tpu.vector_load %arg5[%get3A_522, %get3A_523, %get3A_524] {strides = array<i32>} : memref<61x2x128xi32, #tpu.memory_space<vmem>>, vector<1x1x16xi32>,
      %get3A_526 = vector.shape_cast %get3A_525 : vector<1x1x16xi32> to vector<16xi32>
      %add3A_527 = arith.constant 96 : i32
      %add3A_528 = arith.addi %mul3A_366, %add3A_527 : i32
      %swap3A_529 = arith.index_cast %add3A_528 : i32 to index
      %swap3A_530 = tpu.vector_load %arg6[%swap3A_529] {strides = array<i32>} : memref<15616xi32, #tpu.memory_space<vmem>>, vector<16xi32>,
      %swap3A_531 = vector.shape_cast %swap3A_530 : vector<16xi32> to vector<16xi32>
      %swap3A_532 = vector.shape_cast %get3A_526 : vector<16xi32> to vector<16xi32>
      tpu.vector_store %arg6[%swap3A_529], %swap3A_532 {strides = array<i32>} : memref<15616xi32, #tpu.memory_space<vmem>>, vector<16xi32>,
      %get3A_533 = arith.constant 1 : i32
      %get3A_534 = arith.index_cast %scan3A_363 : i32 to index
      %get3A_535 = arith.index_cast %get3A_533 : i32 to index
      %get3A_536 = arith.constant 96 : index
      %get3A_537 = tpu.vector_load %arg5[%get3A_534, %get3A_535, %get3A_536] {strides = array<i32>} : memref<61x2x128xi32, #tpu.memory_space<vmem>>, vector<1x1x16xi32>,
      %get3A_538 = vector.shape_cast %get3A_537 : vector<1x1x16xi32> to vector<16xi32>
      %add3A_539 = arith.constant 128 : i32
      %add3A_540 = arith.addi %mul3A_366, %add3A_539 : i32
      %add3A_541 = arith.constant 96 : i32
      %add3A_542 = arith.addi %add3A_540, %add3A_541 : i32
      %swap3A_543 = arith.index_cast %add3A_542 : i32 to index
      %swap3A_544 = tpu.vector_load %arg6[%swap3A_543] {strides = array<i32>} : memref<15616xi32, #tpu.memory_space<vmem>>, vector<16xi32>,
      %swap3A_545 = vector.shape_cast %swap3A_544 : vector<16xi32> to vector<16xi32>
      %swap3A_546 = vector.shape_cast %get3A_538 : vector<16xi32> to vector<16xi32>
      tpu.vector_store %arg6[%swap3A_543], %swap3A_546 {strides = array<i32>} : memref<15616xi32, #tpu.memory_space<vmem>>, vector<16xi32>,
      %get3A_547 = arith.constant 0 : i32
      %get3A_548 = arith.index_cast %scan3A_363 : i32 to index
      %get3A_549 = arith.index_cast %get3A_547 : i32 to index
      %get3A_550 = arith.constant 112 : index
      %get3A_551 = tpu.vector_load %arg5[%get3A_548, %get3A_549, %get3A_550] {strides = array<i32>} : memref<61x2x128xi32, #tpu.memory_space<vmem>>, vector<1x1x16xi32>,
      %get3A_552 = vector.shape_cast %get3A_551 : vector<1x1x16xi32> to vector<16xi32>
      %add3A_553 = arith.constant 112 : i32
      %add3A_554 = arith.addi %mul3A_366, %add3A_553 : i32
      %swap3A_555 = arith.index_cast %add3A_554 : i32 to index
      %swap3A_556 = tpu.vector_load %arg6[%swap3A_555] {strides = array<i32>} : memref<15616xi32, #tpu.memory_space<vmem>>, vector<16xi32>,
      %swap3A_557 = vector.shape_cast %swap3A_556 : vector<16xi32> to vector<16xi32>
      %swap3A_558 = vector.shape_cast %get3A_552 : vector<16xi32> to vector<16xi32>
      tpu.vector_store %arg6[%swap3A_555], %swap3A_558 {strides = array<i32>} : memref<15616xi32, #tpu.memory_space<vmem>>, vector<16xi32>,
      %get3A_559 = arith.constant 1 : i32
      %get3A_560 = arith.index_cast %scan3A_363 : i32 to index
      %get3A_561 = arith.index_cast %get3A_559 : i32 to index
      %get3A_562 = arith.constant 112 : index
      %get3A_563 = tpu.vector_load %arg5[%get3A_560, %get3A_561, %get3A_562] {strides = array<i32>} : memref<61x2x128xi32, #tpu.memory_space<vmem>>, vector<1x1x16xi32>,
      %get3A_564 = vector.shape_cast %get3A_563 : vector<1x1x16xi32> to vector<16xi32>
      %add3A_565 = arith.constant 128 : i32
      %add3A_566 = arith.addi %mul3A_366, %add3A_565 : i32
      %add3A_567 = arith.constant 112 : i32
      %add3A_568 = arith.addi %add3A_566, %add3A_567 : i32
      %swap3A_569 = arith.index_cast %add3A_568 : i32 to index
      %swap3A_570 = tpu.vector_load %arg6[%swap3A_569] {strides = array<i32>} : memref<15616xi32, #tpu.memory_space<vmem>>, vector<16xi32>,
      %swap3A_571 = vector.shape_cast %swap3A_570 : vector<16xi32> to vector<16xi32>
      %swap3A_572 = vector.shape_cast %get3A_564 : vector<16xi32> to vector<16xi32>
      tpu.vector_store %arg6[%swap3A_569], %swap3A_572 {strides = array<i32>} : memref<15616xi32, #tpu.memory_space<vmem>>, vector<16xi32>,
      %scan3A_573 = arith.constant 0 : i32
      scf.yield %scan3A_573 : i32
    }
    %scan3A_113 = arith.constant 61 : i32
    %add3A_114 = arith.constant 61 : i32
    %add3A_115 = arith.addi %mul3A_2, %add3A_114 : i32
    %dma_start3A_116 = arith.constant 0 : i32
    %dma_start3A_117 = arith.constant 0 : i32
    %dma_start3A_118 = tpu.memref_slice %arg2[%add3A_115, %dma_start3A_116, %dma_start3A_117] : memref<15625x2x128xi32, #tpu.memory_space<hbm>> -> memref<61x2x128xi32, #tpu.memory_space<hbm>>
    %dma_start3A_119 = arith.constant 0 : i32
    %dma_start3A_120 = arith.constant 0 : i32
    %dma_start3A_121 = tpu.memref_slice %arg2[%add3A_115, %dma_start3A_119, %dma_start3A_120] : memref<15625x2x128xi32, #tpu.memory_space<hbm>> -> memref<61x2x128xi32, #tpu.memory_space<hbm>>
    tpu.enqueue_dma source(%dma_start3A_121 : memref<61x2x128xi32, #tpu.memory_space<hbm>>) target(%arg5 : memref<61x2x128xi32, #tpu.memory_space<vmem>>) target_semaphore(%arg11 : memref<!tpu.dma_semaphore, #tpu.memory_space<semaphore_mem>>)
    %dma_start3A_122 = arith.constant 0 : i32
    %dma_start3A_123 = tpu.memref_slice %arg10[%dma_start3A_122] : memref<1000000xf32, #tpu.memory_space<vmem_shared>> -> memref<1000000xf32, #tpu.memory_space<vmem_shared>>
    tpu.enqueue_indirect_dma source(%dma_start3A_123 : memref<1000000xf32, #tpu.memory_space<vmem_shared>>) target(%arg7 : memref<15616xf32, #tpu.memory_space<vmem>>) offsets(%arg6 : memref<15616xi32, #tpu.memory_space<vmem>>) semaphore(%arg12 : memref<!tpu.dma_semaphore, #tpu.memory_space<semaphore_mem>>)
    %dma_wait3A_124 = arith.constant 0 : i32
    %dma_wait3A_125 = arith.constant 0 : i32
    %dma_wait3A_126 = arith.constant 0 : i32
    %dma_wait3A_127 = tpu.memref_slice %arg2[%dma_wait3A_124, %dma_wait3A_125, %dma_wait3A_126] : memref<15625x2x128xi32, #tpu.memory_space<hbm>> -> memref<61x2x128xi32, #tpu.memory_space<hbm>>
    %dma_wait3A_128 = arith.constant 0 : i32
    %dma_wait3A_129 = arith.constant 0 : i32
    %dma_wait3A_130 = arith.constant 0 : i32
    %dma_wait3A_131 = tpu.memref_slice %arg2[%dma_wait3A_128, %dma_wait3A_129, %dma_wait3A_130] : memref<15625x2x128xi32, #tpu.memory_space<hbm>> -> memref<61x2x128xi32, #tpu.memory_space<hbm>>
    tpu.wait_dma2 semaphore(%arg11 : memref<!tpu.dma_semaphore, #tpu.memory_space<semaphore_mem>>) src(%dma_wait3A_131 : memref<61x2x128xi32, #tpu.memory_space<hbm>>) dst(%arg5 : memref<61x2x128xi32, #tpu.memory_space<vmem>>)
    %dma_wait3A_132 = arith.constant 0 : i32
    %dma_wait3A_133 = tpu.memref_slice %arg10[%dma_wait3A_132] : memref<1000000xf32, #tpu.memory_space<vmem_shared>> -> memref<1000000xf32, #tpu.memory_space<vmem_shared>>
    tpu.wait_indirect_dma semaphore(%arg12 : memref<!tpu.dma_semaphore, #tpu.memory_space<semaphore_mem>>) src(%dma_wait3A_133 : memref<1000000xf32, #tpu.memory_space<vmem_shared>>) dst(%arg7 : memref<15616xf32, #tpu.memory_space<vmem>>)
    %scan3A_134 = arith.constant 0 : i32
    %scan3A_135 = arith.constant 0 : i32
    %scan3A_136 = arith.constant 61 : i32
    %scan3A_137 = arith.addi %scan3A_135, %scan3A_136 : i32
    %scan3A_138 = arith.constant 1 : i32
    %scan3A_139 = scf.for %scan3A_363 = %scan3A_135 to %scan3A_137 step %scan3A_138 iter_args(%scan3A_364 = %scan3A_134) -> (i32)  : i32 {
      %mul3A_365 = arith.constant 256 : i32
      %mul3A_366 = arith.muli %scan3A_363, %mul3A_365 : i32
      %get3A = arith.constant 0 : i32
      %get3A_367 = arith.index_cast %scan3A_363 : i32 to index
      %get3A_368 = arith.index_cast %get3A : i32 to index
      %get3A_369 = arith.constant 0 : index
      %get3A_370 = tpu.vector_load %arg5[%get3A_367, %get3A_368, %get3A_369] {strides = array<i32>} : memref<61x2x128xi32, #tpu.memory_space<vmem>>, vector<1x1x16xi32>,
      %get3A_371 = vector.shape_cast %get3A_370 : vector<1x1x16xi32> to vector<16xi32>
      %add3A_372 = arith.constant 0 : i32
      %add3A_373 = arith.addi %mul3A_366, %add3A_372 : i32
      %swap3A = arith.index_cast %add3A_373 : i32 to index
      %swap3A_374 = tpu.vector_load %arg6[%swap3A] {strides = array<i32>} : memref<15616xi32, #tpu.memory_space<vmem>>, vector<16xi32>,
      %swap3A_375 = vector.shape_cast %swap3A_374 : vector<16xi32> to vector<16xi32>
      %swap3A_376 = vector.shape_cast %get3A_371 : vector<16xi32> to vector<16xi32>
      tpu.vector_store %arg6[%swap3A], %swap3A_376 {strides = array<i32>} : memref<15616xi32, #tpu.memory_space<vmem>>, vector<16xi32>,
      %get3A_377 = arith.constant 1 : i32
      %get3A_378 = arith.index_cast %scan3A_363 : i32 to index
      %get3A_379 = arith.index_cast %get3A_377 : i32 to index
      %get3A_380 = arith.constant 0 : index
      %get3A_381 = tpu.vector_load %arg5[%get3A_378, %get3A_379, %get3A_380] {strides = array<i32>} : memref<61x2x128xi32, #tpu.memory_space<vmem>>, vector<1x1x16xi32>,
      %get3A_382 = vector.shape_cast %get3A_381 : vector<1x1x16xi32> to vector<16xi32>
      %add3A_383 = arith.constant 128 : i32
      %add3A_384 = arith.addi %mul3A_366, %add3A_383 : i32
      %add3A_385 = arith.constant 0 : i32
      %add3A_386 = arith.addi %add3A_384, %add3A_385 : i32
      %swap3A_387 = arith.index_cast %add3A_386 : i32 to index
      %swap3A_388 = tpu.vector_load %arg6[%swap3A_387] {strides = array<i32>} : memref<15616xi32, #tpu.memory_space<vmem>>, vector<16xi32>,
      %swap3A_389 = vector.shape_cast %swap3A_388 : vector<16xi32> to vector<16xi32>
      %swap3A_390 = vector.shape_cast %get3A_382 : vector<16xi32> to vector<16xi32>
      tpu.vector_store %arg6[%swap3A_387], %swap3A_390 {strides = array<i32>} : memref<15616xi32, #tpu.memory_space<vmem>>, vector<16xi32>,
      %get3A_391 = arith.constant 0 : i32
      %get3A_392 = arith.index_cast %scan3A_363 : i32 to index
      %get3A_393 = arith.index_cast %get3A_391 : i32 to index
      %get3A_394 = arith.constant 16 : index
      %get3A_395 = tpu.vector_load %arg5[%get3A_392, %get3A_393, %get3A_394] {strides = array<i32>} : memref<61x2x128xi32, #tpu.memory_space<vmem>>, vector<1x1x16xi32>,
      %get3A_396 = vector.shape_cast %get3A_395 : vector<1x1x16xi32> to vector<16xi32>
      %add3A_397 = arith.constant 16 : i32
      %add3A_398 = arith.addi %mul3A_366, %add3A_397 : i32
      %swap3A_399 = arith.index_cast %add3A_398 : i32 to index
      %swap3A_400 = tpu.vector_load %arg6[%swap3A_399] {strides = array<i32>} : memref<15616xi32, #tpu.memory_space<vmem>>, vector<16xi32>,
      %swap3A_401 = vector.shape_cast %swap3A_400 : vector<16xi32> to vector<16xi32>
      %swap3A_402 = vector.shape_cast %get3A_396 : vector<16xi32> to vector<16xi32>
      tpu.vector_store %arg6[%swap3A_399], %swap3A_402 {strides = array<i32>} : memref<15616xi32, #tpu.memory_space<vmem>>, vector<16xi32>,
      %get3A_403 = arith.constant 1 : i32
      %get3A_404 = arith.index_cast %scan3A_363 : i32 to index
      %get3A_405 = arith.index_cast %get3A_403 : i32 to index
      %get3A_406 = arith.constant 16 : index
      %get3A_407 = tpu.vector_load %arg5[%get3A_404, %get3A_405, %get3A_406] {strides = array<i32>} : memref<61x2x128xi32, #tpu.memory_space<vmem>>, vector<1x1x16xi32>,
      %get3A_408 = vector.shape_cast %get3A_407 : vector<1x1x16xi32> to vector<16xi32>
      %add3A_409 = arith.constant 128 : i32
      %add3A_410 = arith.addi %mul3A_366, %add3A_409 : i32
      %add3A_411 = arith.constant 16 : i32
      %add3A_412 = arith.addi %add3A_410, %add3A_411 : i32
      %swap3A_413 = arith.index_cast %add3A_412 : i32 to index
      %swap3A_414 = tpu.vector_load %arg6[%swap3A_413] {strides = array<i32>} : memref<15616xi32, #tpu.memory_space<vmem>>, vector<16xi32>,
      %swap3A_415 = vector.shape_cast %swap3A_414 : vector<16xi32> to vector<16xi32>
      %swap3A_416 = vector.shape_cast %get3A_408 : vector<16xi32> to vector<16xi32>
      tpu.vector_store %arg6[%swap3A_413], %swap3A_416 {strides = array<i32>} : memref<15616xi32, #tpu.memory_space<vmem>>, vector<16xi32>,
      %get3A_417 = arith.constant 0 : i32
      %get3A_418 = arith.index_cast %scan3A_363 : i32 to index
      %get3A_419 = arith.index_cast %get3A_417 : i32 to index
      %get3A_420 = arith.constant 32 : index
      %get3A_421 = tpu.vector_load %arg5[%get3A_418, %get3A_419, %get3A_420] {strides = array<i32>} : memref<61x2x128xi32, #tpu.memory_space<vmem>>, vector<1x1x16xi32>,
      %get3A_422 = vector.shape_cast %get3A_421 : vector<1x1x16xi32> to vector<16xi32>
      %add3A_423 = arith.constant 32 : i32
      %add3A_424 = arith.addi %mul3A_366, %add3A_423 : i32
      %swap3A_425 = arith.index_cast %add3A_424 : i32 to index
      %swap3A_426 = tpu.vector_load %arg6[%swap3A_425] {strides = array<i32>} : memref<15616xi32, #tpu.memory_space<vmem>>, vector<16xi32>,
      %swap3A_427 = vector.shape_cast %swap3A_426 : vector<16xi32> to vector<16xi32>
      %swap3A_428 = vector.shape_cast %get3A_422 : vector<16xi32> to vector<16xi32>
      tpu.vector_store %arg6[%swap3A_425], %swap3A_428 {strides = array<i32>} : memref<15616xi32, #tpu.memory_space<vmem>>, vector<16xi32>,
      %get3A_429 = arith.constant 1 : i32
      %get3A_430 = arith.index_cast %scan3A_363 : i32 to index
      %get3A_431 = arith.index_cast %get3A_429 : i32 to index
      %get3A_432 = arith.constant 32 : index
      %get3A_433 = tpu.vector_load %arg5[%get3A_430, %get3A_431, %get3A_432] {strides = array<i32>} : memref<61x2x128xi32, #tpu.memory_space<vmem>>, vector<1x1x16xi32>,
      %get3A_434 = vector.shape_cast %get3A_433 : vector<1x1x16xi32> to vector<16xi32>
      %add3A_435 = arith.constant 128 : i32
      %add3A_436 = arith.addi %mul3A_366, %add3A_435 : i32
      %add3A_437 = arith.constant 32 : i32
      %add3A_438 = arith.addi %add3A_436, %add3A_437 : i32
      %swap3A_439 = arith.index_cast %add3A_438 : i32 to index
      %swap3A_440 = tpu.vector_load %arg6[%swap3A_439] {strides = array<i32>} : memref<15616xi32, #tpu.memory_space<vmem>>, vector<16xi32>,
      %swap3A_441 = vector.shape_cast %swap3A_440 : vector<16xi32> to vector<16xi32>
      %swap3A_442 = vector.shape_cast %get3A_434 : vector<16xi32> to vector<16xi32>
      tpu.vector_store %arg6[%swap3A_439], %swap3A_442 {strides = array<i32>} : memref<15616xi32, #tpu.memory_space<vmem>>, vector<16xi32>,
      %get3A_443 = arith.constant 0 : i32
      %get3A_444 = arith.index_cast %scan3A_363 : i32 to index
      %get3A_445 = arith.index_cast %get3A_443 : i32 to index
      %get3A_446 = arith.constant 48 : index
      %get3A_447 = tpu.vector_load %arg5[%get3A_444, %get3A_445, %get3A_446] {strides = array<i32>} : memref<61x2x128xi32, #tpu.memory_space<vmem>>, vector<1x1x16xi32>,
      %get3A_448 = vector.shape_cast %get3A_447 : vector<1x1x16xi32> to vector<16xi32>
      %add3A_449 = arith.constant 48 : i32
      %add3A_450 = arith.addi %mul3A_366, %add3A_449 : i32
      %swap3A_451 = arith.index_cast %add3A_450 : i32 to index
      %swap3A_452 = tpu.vector_load %arg6[%swap3A_451] {strides = array<i32>} : memref<15616xi32, #tpu.memory_space<vmem>>, vector<16xi32>,
      %swap3A_453 = vector.shape_cast %swap3A_452 : vector<16xi32> to vector<16xi32>
      %swap3A_454 = vector.shape_cast %get3A_448 : vector<16xi32> to vector<16xi32>
      tpu.vector_store %arg6[%swap3A_451], %swap3A_454 {strides = array<i32>} : memref<15616xi32, #tpu.memory_space<vmem>>, vector<16xi32>,
      %get3A_455 = arith.constant 1 : i32
      %get3A_456 = arith.index_cast %scan3A_363 : i32 to index
      %get3A_457 = arith.index_cast %get3A_455 : i32 to index
      %get3A_458 = arith.constant 48 : index
      %get3A_459 = tpu.vector_load %arg5[%get3A_456, %get3A_457, %get3A_458] {strides = array<i32>} : memref<61x2x128xi32, #tpu.memory_space<vmem>>, vector<1x1x16xi32>,
      %get3A_460 = vector.shape_cast %get3A_459 : vector<1x1x16xi32> to vector<16xi32>
      %add3A_461 = arith.constant 128 : i32
      %add3A_462 = arith.addi %mul3A_366, %add3A_461 : i32
      %add3A_463 = arith.constant 48 : i32
      %add3A_464 = arith.addi %add3A_462, %add3A_463 : i32
      %swap3A_465 = arith.index_cast %add3A_464 : i32 to index
      %swap3A_466 = tpu.vector_load %arg6[%swap3A_465] {strides = array<i32>} : memref<15616xi32, #tpu.memory_space<vmem>>, vector<16xi32>,
      %swap3A_467 = vector.shape_cast %swap3A_466 : vector<16xi32> to vector<16xi32>
      %swap3A_468 = vector.shape_cast %get3A_460 : vector<16xi32> to vector<16xi32>
      tpu.vector_store %arg6[%swap3A_465], %swap3A_468 {strides = array<i32>} : memref<15616xi32, #tpu.memory_space<vmem>>, vector<16xi32>,
      %get3A_469 = arith.constant 0 : i32
      %get3A_470 = arith.index_cast %scan3A_363 : i32 to index
      %get3A_471 = arith.index_cast %get3A_469 : i32 to index
      %get3A_472 = arith.constant 64 : index
      %get3A_473 = tpu.vector_load %arg5[%get3A_470, %get3A_471, %get3A_472] {strides = array<i32>} : memref<61x2x128xi32, #tpu.memory_space<vmem>>, vector<1x1x16xi32>,
      %get3A_474 = vector.shape_cast %get3A_473 : vector<1x1x16xi32> to vector<16xi32>
      %add3A_475 = arith.constant 64 : i32
      %add3A_476 = arith.addi %mul3A_366, %add3A_475 : i32
      %swap3A_477 = arith.index_cast %add3A_476 : i32 to index
      %swap3A_478 = tpu.vector_load %arg6[%swap3A_477] {strides = array<i32>} : memref<15616xi32, #tpu.memory_space<vmem>>, vector<16xi32>,
      %swap3A_479 = vector.shape_cast %swap3A_478 : vector<16xi32> to vector<16xi32>
      %swap3A_480 = vector.shape_cast %get3A_474 : vector<16xi32> to vector<16xi32>
      tpu.vector_store %arg6[%swap3A_477], %swap3A_480 {strides = array<i32>} : memref<15616xi32, #tpu.memory_space<vmem>>, vector<16xi32>,
      %get3A_481 = arith.constant 1 : i32
      %get3A_482 = arith.index_cast %scan3A_363 : i32 to index
      %get3A_483 = arith.index_cast %get3A_481 : i32 to index
      %get3A_484 = arith.constant 64 : index
      %get3A_485 = tpu.vector_load %arg5[%get3A_482, %get3A_483, %get3A_484] {strides = array<i32>} : memref<61x2x128xi32, #tpu.memory_space<vmem>>, vector<1x1x16xi32>,
      %get3A_486 = vector.shape_cast %get3A_485 : vector<1x1x16xi32> to vector<16xi32>
      %add3A_487 = arith.constant 128 : i32
      %add3A_488 = arith.addi %mul3A_366, %add3A_487 : i32
      %add3A_489 = arith.constant 64 : i32
      %add3A_490 = arith.addi %add3A_488, %add3A_489 : i32
      %swap3A_491 = arith.index_cast %add3A_490 : i32 to index
      %swap3A_492 = tpu.vector_load %arg6[%swap3A_491] {strides = array<i32>} : memref<15616xi32, #tpu.memory_space<vmem>>, vector<16xi32>,
      %swap3A_493 = vector.shape_cast %swap3A_492 : vector<16xi32> to vector<16xi32>
      %swap3A_494 = vector.shape_cast %get3A_486 : vector<16xi32> to vector<16xi32>
      tpu.vector_store %arg6[%swap3A_491], %swap3A_494 {strides = array<i32>} : memref<15616xi32, #tpu.memory_space<vmem>>, vector<16xi32>,
      %get3A_495 = arith.constant 0 : i32
      %get3A_496 = arith.index_cast %scan3A_363 : i32 to index
      %get3A_497 = arith.index_cast %get3A_495 : i32 to index
      %get3A_498 = arith.constant 80 : index
      %get3A_499 = tpu.vector_load %arg5[%get3A_496, %get3A_497, %get3A_498] {strides = array<i32>} : memref<61x2x128xi32, #tpu.memory_space<vmem>>, vector<1x1x16xi32>,
      %get3A_500 = vector.shape_cast %get3A_499 : vector<1x1x16xi32> to vector<16xi32>
      %add3A_501 = arith.constant 80 : i32
      %add3A_502 = arith.addi %mul3A_366, %add3A_501 : i32
      %swap3A_503 = arith.index_cast %add3A_502 : i32 to index
      %swap3A_504 = tpu.vector_load %arg6[%swap3A_503] {strides = array<i32>} : memref<15616xi32, #tpu.memory_space<vmem>>, vector<16xi32>,
      %swap3A_505 = vector.shape_cast %swap3A_504 : vector<16xi32> to vector<16xi32>
      %swap3A_506 = vector.shape_cast %get3A_500 : vector<16xi32> to vector<16xi32>
      tpu.vector_store %arg6[%swap3A_503], %swap3A_506 {strides = array<i32>} : memref<15616xi32, #tpu.memory_space<vmem>>, vector<16xi32>,
      %get3A_507 = arith.constant 1 : i32
      %get3A_508 = arith.index_cast %scan3A_363 : i32 to index
      %get3A_509 = arith.index_cast %get3A_507 : i32 to index
      %get3A_510 = arith.constant 80 : index
      %get3A_511 = tpu.vector_load %arg5[%get3A_508, %get3A_509, %get3A_510] {strides = array<i32>} : memref<61x2x128xi32, #tpu.memory_space<vmem>>, vector<1x1x16xi32>,
      %get3A_512 = vector.shape_cast %get3A_511 : vector<1x1x16xi32> to vector<16xi32>
      %add3A_513 = arith.constant 128 : i32
      %add3A_514 = arith.addi %mul3A_366, %add3A_513 : i32
      %add3A_515 = arith.constant 80 : i32
      %add3A_516 = arith.addi %add3A_514, %add3A_515 : i32
      %swap3A_517 = arith.index_cast %add3A_516 : i32 to index
      %swap3A_518 = tpu.vector_load %arg6[%swap3A_517] {strides = array<i32>} : memref<15616xi32, #tpu.memory_space<vmem>>, vector<16xi32>,
      %swap3A_519 = vector.shape_cast %swap3A_518 : vector<16xi32> to vector<16xi32>
      %swap3A_520 = vector.shape_cast %get3A_512 : vector<16xi32> to vector<16xi32>
      tpu.vector_store %arg6[%swap3A_517], %swap3A_520 {strides = array<i32>} : memref<15616xi32, #tpu.memory_space<vmem>>, vector<16xi32>,
      %get3A_521 = arith.constant 0 : i32
      %get3A_522 = arith.index_cast %scan3A_363 : i32 to index
      %get3A_523 = arith.index_cast %get3A_521 : i32 to index
      %get3A_524 = arith.constant 96 : index
      %get3A_525 = tpu.vector_load %arg5[%get3A_522, %get3A_523, %get3A_524] {strides = array<i32>} : memref<61x2x128xi32, #tpu.memory_space<vmem>>, vector<1x1x16xi32>,
      %get3A_526 = vector.shape_cast %get3A_525 : vector<1x1x16xi32> to vector<16xi32>
      %add3A_527 = arith.constant 96 : i32
      %add3A_528 = arith.addi %mul3A_366, %add3A_527 : i32
      %swap3A_529 = arith.index_cast %add3A_528 : i32 to index
      %swap3A_530 = tpu.vector_load %arg6[%swap3A_529] {strides = array<i32>} : memref<15616xi32, #tpu.memory_space<vmem>>, vector<16xi32>,
      %swap3A_531 = vector.shape_cast %swap3A_530 : vector<16xi32> to vector<16xi32>
      %swap3A_532 = vector.shape_cast %get3A_526 : vector<16xi32> to vector<16xi32>
      tpu.vector_store %arg6[%swap3A_529], %swap3A_532 {strides = array<i32>} : memref<15616xi32, #tpu.memory_space<vmem>>, vector<16xi32>,
      %get3A_533 = arith.constant 1 : i32
      %get3A_534 = arith.index_cast %scan3A_363 : i32 to index
      %get3A_535 = arith.index_cast %get3A_533 : i32 to index
      %get3A_536 = arith.constant 96 : index
      %get3A_537 = tpu.vector_load %arg5[%get3A_534, %get3A_535, %get3A_536] {strides = array<i32>} : memref<61x2x128xi32, #tpu.memory_space<vmem>>, vector<1x1x16xi32>,
      %get3A_538 = vector.shape_cast %get3A_537 : vector<1x1x16xi32> to vector<16xi32>
      %add3A_539 = arith.constant 128 : i32
      %add3A_540 = arith.addi %mul3A_366, %add3A_539 : i32
      %add3A_541 = arith.constant 96 : i32
      %add3A_542 = arith.addi %add3A_540, %add3A_541 : i32
      %swap3A_543 = arith.index_cast %add3A_542 : i32 to index
      %swap3A_544 = tpu.vector_load %arg6[%swap3A_543] {strides = array<i32>} : memref<15616xi32, #tpu.memory_space<vmem>>, vector<16xi32>,
      %swap3A_545 = vector.shape_cast %swap3A_544 : vector<16xi32> to vector<16xi32>
      %swap3A_546 = vector.shape_cast %get3A_538 : vector<16xi32> to vector<16xi32>
      tpu.vector_store %arg6[%swap3A_543], %swap3A_546 {strides = array<i32>} : memref<15616xi32, #tpu.memory_space<vmem>>, vector<16xi32>,
      %get3A_547 = arith.constant 0 : i32
      %get3A_548 = arith.index_cast %scan3A_363 : i32 to index
      %get3A_549 = arith.index_cast %get3A_547 : i32 to index
      %get3A_550 = arith.constant 112 : index
      %get3A_551 = tpu.vector_load %arg5[%get3A_548, %get3A_549, %get3A_550] {strides = array<i32>} : memref<61x2x128xi32, #tpu.memory_space<vmem>>, vector<1x1x16xi32>,
      %get3A_552 = vector.shape_cast %get3A_551 : vector<1x1x16xi32> to vector<16xi32>
      %add3A_553 = arith.constant 112 : i32
      %add3A_554 = arith.addi %mul3A_366, %add3A_553 : i32
      %swap3A_555 = arith.index_cast %add3A_554 : i32 to index
      %swap3A_556 = tpu.vector_load %arg6[%swap3A_555] {strides = array<i32>} : memref<15616xi32, #tpu.memory_space<vmem>>, vector<16xi32>,
      %swap3A_557 = vector.shape_cast %swap3A_556 : vector<16xi32> to vector<16xi32>
      %swap3A_558 = vector.shape_cast %get3A_552 : vector<16xi32> to vector<16xi32>
      tpu.vector_store %arg6[%swap3A_555], %swap3A_558 {strides = array<i32>} : memref<15616xi32, #tpu.memory_space<vmem>>, vector<16xi32>,
      %get3A_559 = arith.constant 1 : i32
      %get3A_560 = arith.index_cast %scan3A_363 : i32 to index
      %get3A_561 = arith.index_cast %get3A_559 : i32 to index
      %get3A_562 = arith.constant 112 : index
      %get3A_563 = tpu.vector_load %arg5[%get3A_560, %get3A_561, %get3A_562] {strides = array<i32>} : memref<61x2x128xi32, #tpu.memory_space<vmem>>, vector<1x1x16xi32>,
      %get3A_564 = vector.shape_cast %get3A_563 : vector<1x1x16xi32> to vector<16xi32>
      %add3A_565 = arith.constant 128 : i32
      %add3A_566 = arith.addi %mul3A_366, %add3A_565 : i32
      %add3A_567 = arith.constant 112 : i32
      %add3A_568 = arith.addi %add3A_566, %add3A_567 : i32
      %swap3A_569 = arith.index_cast %add3A_568 : i32 to index
      %swap3A_570 = tpu.vector_load %arg6[%swap3A_569] {strides = array<i32>} : memref<15616xi32, #tpu.memory_space<vmem>>, vector<16xi32>,
      %swap3A_571 = vector.shape_cast %swap3A_570 : vector<16xi32> to vector<16xi32>
      %swap3A_572 = vector.shape_cast %get3A_564 : vector<16xi32> to vector<16xi32>
      tpu.vector_store %arg6[%swap3A_569], %swap3A_572 {strides = array<i32>} : memref<15616xi32, #tpu.memory_space<vmem>>, vector<16xi32>,
      %scan3A_573 = arith.constant 0 : i32
      scf.yield %scan3A_573 : i32
    }
    %scan3A_140 = arith.constant 61 : i32
    %add3A_141 = arith.constant 122 : i32
    %add3A_142 = arith.addi %mul3A_2, %add3A_141 : i32
    %dma_start3A_143 = arith.constant 0 : i32
    %dma_start3A_144 = arith.constant 0 : i32
    %dma_start3A_145 = tpu.memref_slice %arg2[%add3A_142, %dma_start3A_143, %dma_start3A_144] : memref<15625x2x128xi32, #tpu.memory_space<hbm>> -> memref<61x2x128xi32, #tpu.memory_space<hbm>>
    %dma_start3A_146 = arith.constant 0 : i32
    %dma_start3A_147 = arith.constant 0 : i32
    %dma_start3A_148 = tpu.memref_slice %arg2[%add3A_142, %dma_start3A_146, %dma_start3A_147] : memref<15625x2x128xi32, #tpu.memory_space<hbm>> -> memref<61x2x128xi32, #tpu.memory_space<hbm>>
    tpu.enqueue_dma source(%dma_start3A_148 : memref<61x2x128xi32, #tpu.memory_space<hbm>>) target(%arg5 : memref<61x2x128xi32, #tpu.memory_space<vmem>>) target_semaphore(%arg11 : memref<!tpu.dma_semaphore, #tpu.memory_space<semaphore_mem>>)
    %dma_start3A_149 = arith.constant 0 : i32
    %dma_start3A_150 = tpu.memref_slice %arg10[%dma_start3A_149] : memref<1000000xf32, #tpu.memory_space<vmem_shared>> -> memref<1000000xf32, #tpu.memory_space<vmem_shared>>
    tpu.enqueue_indirect_dma source(%dma_start3A_150 : memref<1000000xf32, #tpu.memory_space<vmem_shared>>) target(%arg8 : memref<15616xf32, #tpu.memory_space<vmem>>) offsets(%arg6 : memref<15616xi32, #tpu.memory_space<vmem>>) semaphore(%arg13 : memref<!tpu.dma_semaphore, #tpu.memory_space<semaphore_mem>>)
    %scan3A_151 = arith.constant 0 : i32
    %scan3A_152 = arith.constant 61 : i32
    %scan3A_153 = arith.addi %scan3A_151, %scan3A_152 : i32
    %scan3A_154 = arith.constant 1 : i32
    %scan3A_155 = scf.for %scan3A_363 = %scan3A_151 to %scan3A_153 step %scan3A_154 iter_args(%scan3A_364 = %broadcast_in_dim3A_99) -> (vector<16xf32>)  : i32 {
      %mul3A_365 = arith.constant 256 : i32
      %mul3A_366 = arith.muli %scan3A_363, %mul3A_365 : i32
      %add3A_367 = arith.constant 0 : i32
      %add3A_368 = arith.addi %mul3A_366, %add3A_367 : i32
      %get3A = arith.index_cast %add3A_368 : i32 to index
      %get3A_369 = tpu.vector_load %arg7[%get3A] {strides = array<i32>} : memref<15616xf32, #tpu.memory_space<vmem>>, vector<16xf32>,
      %get3A_370 = vector.shape_cast %get3A_369 : vector<16xf32> to vector<16xf32>
      %add3A_371 = arith.constant 128 : i32
      %add3A_372 = arith.addi %mul3A_366, %add3A_371 : i32
      %add3A_373 = arith.constant 0 : i32
      %add3A_374 = arith.addi %add3A_372, %add3A_373 : i32
      %get3A_375 = arith.index_cast %add3A_374 : i32 to index
      %get3A_376 = tpu.vector_load %arg7[%get3A_375] {strides = array<i32>} : memref<15616xf32, #tpu.memory_space<vmem>>, vector<16xf32>,
      %get3A_377 = vector.shape_cast %get3A_376 : vector<16xf32> to vector<16xf32>
      %sub3A = arith.constant 1.000000e+00 : f32
      %sub3A_378 = vector.broadcast %sub3A : f32 to vector<16xf32>
      %sub3A_379 = arith.subf %sub3A_378, %get3A_370 : vector<16xf32>
      %add3A_380 = arith.addf %sub3A_379, %get3A_377 : vector<16xf32>
      %max3A = arith.constant 0.000000e+00 : f32
      %max3A_381 = vector.broadcast %max3A : f32 to vector<16xf32>
      %max3A_382 = arith.maximumf %add3A_380, %max3A_381 : vector<16xf32>
      %add3A_383 = arith.addf %scan3A_364, %max3A_382 : vector<16xf32>
      %add3A_384 = arith.constant 16 : i32
      %add3A_385 = arith.addi %mul3A_366, %add3A_384 : i32
      %get3A_386 = arith.index_cast %add3A_385 : i32 to index
      %get3A_387 = tpu.vector_load %arg7[%get3A_386] {strides = array<i32>} : memref<15616xf32, #tpu.memory_space<vmem>>, vector<16xf32>,
      %get3A_388 = vector.shape_cast %get3A_387 : vector<16xf32> to vector<16xf32>
      %add3A_389 = arith.constant 128 : i32
      %add3A_390 = arith.addi %mul3A_366, %add3A_389 : i32
      %add3A_391 = arith.constant 16 : i32
      %add3A_392 = arith.addi %add3A_390, %add3A_391 : i32
      %get3A_393 = arith.index_cast %add3A_392 : i32 to index
      %get3A_394 = tpu.vector_load %arg7[%get3A_393] {strides = array<i32>} : memref<15616xf32, #tpu.memory_space<vmem>>, vector<16xf32>,
      %get3A_395 = vector.shape_cast %get3A_394 : vector<16xf32> to vector<16xf32>
      %sub3A_396 = arith.constant 1.000000e+00 : f32
      %sub3A_397 = vector.broadcast %sub3A_396 : f32 to vector<16xf32>
      %sub3A_398 = arith.subf %sub3A_397, %get3A_388 : vector<16xf32>
      %add3A_399 = arith.addf %sub3A_398, %get3A_395 : vector<16xf32>
      %max3A_400 = arith.constant 0.000000e+00 : f32
      %max3A_401 = vector.broadcast %max3A_400 : f32 to vector<16xf32>
      %max3A_402 = arith.maximumf %add3A_399, %max3A_401 : vector<16xf32>
      %add3A_403 = arith.addf %add3A_383, %max3A_402 : vector<16xf32>
      %add3A_404 = arith.constant 32 : i32
      %add3A_405 = arith.addi %mul3A_366, %add3A_404 : i32
      %get3A_406 = arith.index_cast %add3A_405 : i32 to index
      %get3A_407 = tpu.vector_load %arg7[%get3A_406] {strides = array<i32>} : memref<15616xf32, #tpu.memory_space<vmem>>, vector<16xf32>,
      %get3A_408 = vector.shape_cast %get3A_407 : vector<16xf32> to vector<16xf32>
      %add3A_409 = arith.constant 128 : i32
      %add3A_410 = arith.addi %mul3A_366, %add3A_409 : i32
      %add3A_411 = arith.constant 32 : i32
      %add3A_412 = arith.addi %add3A_410, %add3A_411 : i32
      %get3A_413 = arith.index_cast %add3A_412 : i32 to index
      %get3A_414 = tpu.vector_load %arg7[%get3A_413] {strides = array<i32>} : memref<15616xf32, #tpu.memory_space<vmem>>, vector<16xf32>,
      %get3A_415 = vector.shape_cast %get3A_414 : vector<16xf32> to vector<16xf32>
      %sub3A_416 = arith.constant 1.000000e+00 : f32
      %sub3A_417 = vector.broadcast %sub3A_416 : f32 to vector<16xf32>
      %sub3A_418 = arith.subf %sub3A_417, %get3A_408 : vector<16xf32>
      %add3A_419 = arith.addf %sub3A_418, %get3A_415 : vector<16xf32>
      %max3A_420 = arith.constant 0.000000e+00 : f32
      %max3A_421 = vector.broadcast %max3A_420 : f32 to vector<16xf32>
      %max3A_422 = arith.maximumf %add3A_419, %max3A_421 : vector<16xf32>
      %add3A_423 = arith.addf %add3A_403, %max3A_422 : vector<16xf32>
      %add3A_424 = arith.constant 48 : i32
      %add3A_425 = arith.addi %mul3A_366, %add3A_424 : i32
      %get3A_426 = arith.index_cast %add3A_425 : i32 to index
      %get3A_427 = tpu.vector_load %arg7[%get3A_426] {strides = array<i32>} : memref<15616xf32, #tpu.memory_space<vmem>>, vector<16xf32>,
      %get3A_428 = vector.shape_cast %get3A_427 : vector<16xf32> to vector<16xf32>
      %add3A_429 = arith.constant 128 : i32
      %add3A_430 = arith.addi %mul3A_366, %add3A_429 : i32
      %add3A_431 = arith.constant 48 : i32
      %add3A_432 = arith.addi %add3A_430, %add3A_431 : i32
      %get3A_433 = arith.index_cast %add3A_432 : i32 to index
      %get3A_434 = tpu.vector_load %arg7[%get3A_433] {strides = array<i32>} : memref<15616xf32, #tpu.memory_space<vmem>>, vector<16xf32>,
      %get3A_435 = vector.shape_cast %get3A_434 : vector<16xf32> to vector<16xf32>
      %sub3A_436 = arith.constant 1.000000e+00 : f32
      %sub3A_437 = vector.broadcast %sub3A_436 : f32 to vector<16xf32>
      %sub3A_438 = arith.subf %sub3A_437, %get3A_428 : vector<16xf32>
      %add3A_439 = arith.addf %sub3A_438, %get3A_435 : vector<16xf32>
      %max3A_440 = arith.constant 0.000000e+00 : f32
      %max3A_441 = vector.broadcast %max3A_440 : f32 to vector<16xf32>
      %max3A_442 = arith.maximumf %add3A_439, %max3A_441 : vector<16xf32>
      %add3A_443 = arith.addf %add3A_423, %max3A_442 : vector<16xf32>
      %add3A_444 = arith.constant 64 : i32
      %add3A_445 = arith.addi %mul3A_366, %add3A_444 : i32
      %get3A_446 = arith.index_cast %add3A_445 : i32 to index
      %get3A_447 = tpu.vector_load %arg7[%get3A_446] {strides = array<i32>} : memref<15616xf32, #tpu.memory_space<vmem>>, vector<16xf32>,
      %get3A_448 = vector.shape_cast %get3A_447 : vector<16xf32> to vector<16xf32>
      %add3A_449 = arith.constant 128 : i32
      %add3A_450 = arith.addi %mul3A_366, %add3A_449 : i32
      %add3A_451 = arith.constant 64 : i32
      %add3A_452 = arith.addi %add3A_450, %add3A_451 : i32
      %get3A_453 = arith.index_cast %add3A_452 : i32 to index
      %get3A_454 = tpu.vector_load %arg7[%get3A_453] {strides = array<i32>} : memref<15616xf32, #tpu.memory_space<vmem>>, vector<16xf32>,
      %get3A_455 = vector.shape_cast %get3A_454 : vector<16xf32> to vector<16xf32>
      %sub3A_456 = arith.constant 1.000000e+00 : f32
      %sub3A_457 = vector.broadcast %sub3A_456 : f32 to vector<16xf32>
      %sub3A_458 = arith.subf %sub3A_457, %get3A_448 : vector<16xf32>
      %add3A_459 = arith.addf %sub3A_458, %get3A_455 : vector<16xf32>
      %max3A_460 = arith.constant 0.000000e+00 : f32
      %max3A_461 = vector.broadcast %max3A_460 : f32 to vector<16xf32>
      %max3A_462 = arith.maximumf %add3A_459, %max3A_461 : vector<16xf32>
      %add3A_463 = arith.addf %add3A_443, %max3A_462 : vector<16xf32>
      %add3A_464 = arith.constant 80 : i32
      %add3A_465 = arith.addi %mul3A_366, %add3A_464 : i32
      %get3A_466 = arith.index_cast %add3A_465 : i32 to index
      %get3A_467 = tpu.vector_load %arg7[%get3A_466] {strides = array<i32>} : memref<15616xf32, #tpu.memory_space<vmem>>, vector<16xf32>,
      %get3A_468 = vector.shape_cast %get3A_467 : vector<16xf32> to vector<16xf32>
      %add3A_469 = arith.constant 128 : i32
      %add3A_470 = arith.addi %mul3A_366, %add3A_469 : i32
      %add3A_471 = arith.constant 80 : i32
      %add3A_472 = arith.addi %add3A_470, %add3A_471 : i32
      %get3A_473 = arith.index_cast %add3A_472 : i32 to index
      %get3A_474 = tpu.vector_load %arg7[%get3A_473] {strides = array<i32>} : memref<15616xf32, #tpu.memory_space<vmem>>, vector<16xf32>,
      %get3A_475 = vector.shape_cast %get3A_474 : vector<16xf32> to vector<16xf32>
      %sub3A_476 = arith.constant 1.000000e+00 : f32
      %sub3A_477 = vector.broadcast %sub3A_476 : f32 to vector<16xf32>
      %sub3A_478 = arith.subf %sub3A_477, %get3A_468 : vector<16xf32>
      %add3A_479 = arith.addf %sub3A_478, %get3A_475 : vector<16xf32>
      %max3A_480 = arith.constant 0.000000e+00 : f32
      %max3A_481 = vector.broadcast %max3A_480 : f32 to vector<16xf32>
      %max3A_482 = arith.maximumf %add3A_479, %max3A_481 : vector<16xf32>
      %add3A_483 = arith.addf %add3A_463, %max3A_482 : vector<16xf32>
      %add3A_484 = arith.constant 96 : i32
      %add3A_485 = arith.addi %mul3A_366, %add3A_484 : i32
      %get3A_486 = arith.index_cast %add3A_485 : i32 to index
      %get3A_487 = tpu.vector_load %arg7[%get3A_486] {strides = array<i32>} : memref<15616xf32, #tpu.memory_space<vmem>>, vector<16xf32>,
      %get3A_488 = vector.shape_cast %get3A_487 : vector<16xf32> to vector<16xf32>
      %add3A_489 = arith.constant 128 : i32
      %add3A_490 = arith.addi %mul3A_366, %add3A_489 : i32
      %add3A_491 = arith.constant 96 : i32
      %add3A_492 = arith.addi %add3A_490, %add3A_491 : i32
      %get3A_493 = arith.index_cast %add3A_492 : i32 to index
      %get3A_494 = tpu.vector_load %arg7[%get3A_493] {strides = array<i32>} : memref<15616xf32, #tpu.memory_space<vmem>>, vector<16xf32>,
      %get3A_495 = vector.shape_cast %get3A_494 : vector<16xf32> to vector<16xf32>
      %sub3A_496 = arith.constant 1.000000e+00 : f32
      %sub3A_497 = vector.broadcast %sub3A_496 : f32 to vector<16xf32>
      %sub3A_498 = arith.subf %sub3A_497, %get3A_488 : vector<16xf32>
      %add3A_499 = arith.addf %sub3A_498, %get3A_495 : vector<16xf32>
      %max3A_500 = arith.constant 0.000000e+00 : f32
      %max3A_501 = vector.broadcast %max3A_500 : f32 to vector<16xf32>
      %max3A_502 = arith.maximumf %add3A_499, %max3A_501 : vector<16xf32>
      %add3A_503 = arith.addf %add3A_483, %max3A_502 : vector<16xf32>
      %add3A_504 = arith.constant 112 : i32
      %add3A_505 = arith.addi %mul3A_366, %add3A_504 : i32
      %get3A_506 = arith.index_cast %add3A_505 : i32 to index
      %get3A_507 = tpu.vector_load %arg7[%get3A_506] {strides = array<i32>} : memref<15616xf32, #tpu.memory_space<vmem>>, vector<16xf32>,
      %get3A_508 = vector.shape_cast %get3A_507 : vector<16xf32> to vector<16xf32>
      %add3A_509 = arith.constant 128 : i32
      %add3A_510 = arith.addi %mul3A_366, %add3A_509 : i32
      %add3A_511 = arith.constant 112 : i32
      %add3A_512 = arith.addi %add3A_510, %add3A_511 : i32
      %get3A_513 = arith.index_cast %add3A_512 : i32 to index
      %get3A_514 = tpu.vector_load %arg7[%get3A_513] {strides = array<i32>} : memref<15616xf32, #tpu.memory_space<vmem>>, vector<16xf32>,
      %get3A_515 = vector.shape_cast %get3A_514 : vector<16xf32> to vector<16xf32>
      %sub3A_516 = arith.constant 1.000000e+00 : f32
      %sub3A_517 = vector.broadcast %sub3A_516 : f32 to vector<16xf32>
      %sub3A_518 = arith.subf %sub3A_517, %get3A_508 : vector<16xf32>
      %add3A_519 = arith.addf %sub3A_518, %get3A_515 : vector<16xf32>
      %max3A_520 = arith.constant 0.000000e+00 : f32
      %max3A_521 = vector.broadcast %max3A_520 : f32 to vector<16xf32>
      %max3A_522 = arith.maximumf %add3A_519, %max3A_521 : vector<16xf32>
      %add3A_523 = arith.addf %add3A_503, %max3A_522 : vector<16xf32>
      scf.yield %add3A_523 : vector<16xf32>
    }
    %scan3A_156 = arith.constant 61 : i32
    %dma_wait3A_157 = arith.constant 0 : i32
    %dma_wait3A_158 = arith.constant 0 : i32
    %dma_wait3A_159 = arith.constant 0 : i32
    %dma_wait3A_160 = tpu.memref_slice %arg2[%dma_wait3A_157, %dma_wait3A_158, %dma_wait3A_159] : memref<15625x2x128xi32, #tpu.memory_space<hbm>> -> memref<61x2x128xi32, #tpu.memory_space<hbm>>
    %dma_wait3A_161 = arith.constant 0 : i32
    %dma_wait3A_162 = arith.constant 0 : i32
    %dma_wait3A_163 = arith.constant 0 : i32
    %dma_wait3A_164 = tpu.memref_slice %arg2[%dma_wait3A_161, %dma_wait3A_162, %dma_wait3A_163] : memref<15625x2x128xi32, #tpu.memory_space<hbm>> -> memref<61x2x128xi32, #tpu.memory_space<hbm>>
    tpu.wait_dma2 semaphore(%arg11 : memref<!tpu.dma_semaphore, #tpu.memory_space<semaphore_mem>>) src(%dma_wait3A_164 : memref<61x2x128xi32, #tpu.memory_space<hbm>>) dst(%arg5 : memref<61x2x128xi32, #tpu.memory_space<vmem>>)
    %dma_wait3A_165 = arith.constant 0 : i32
    %dma_wait3A_166 = tpu.memref_slice %arg10[%dma_wait3A_165] : memref<1000000xf32, #tpu.memory_space<vmem_shared>> -> memref<1000000xf32, #tpu.memory_space<vmem_shared>>
    tpu.wait_indirect_dma semaphore(%arg13 : memref<!tpu.dma_semaphore, #tpu.memory_space<semaphore_mem>>) src(%dma_wait3A_166 : memref<1000000xf32, #tpu.memory_space<vmem_shared>>) dst(%arg8 : memref<15616xf32, #tpu.memory_space<vmem>>)
    %scan3A_167 = arith.constant 0 : i32
    %scan3A_168 = arith.constant 0 : i32
    %scan3A_169 = arith.constant 61 : i32
    %scan3A_170 = arith.addi %scan3A_168, %scan3A_169 : i32
    %scan3A_171 = arith.constant 1 : i32
    %scan3A_172 = scf.for %scan3A_363 = %scan3A_168 to %scan3A_170 step %scan3A_171 iter_args(%scan3A_364 = %scan3A_167) -> (i32)  : i32 {
      %mul3A_365 = arith.constant 256 : i32
      %mul3A_366 = arith.muli %scan3A_363, %mul3A_365 : i32
      %get3A = arith.constant 0 : i32
      %get3A_367 = arith.index_cast %scan3A_363 : i32 to index
      %get3A_368 = arith.index_cast %get3A : i32 to index
      %get3A_369 = arith.constant 0 : index
      %get3A_370 = tpu.vector_load %arg5[%get3A_367, %get3A_368, %get3A_369] {strides = array<i32>} : memref<61x2x128xi32, #tpu.memory_space<vmem>>, vector<1x1x16xi32>,
      %get3A_371 = vector.shape_cast %get3A_370 : vector<1x1x16xi32> to vector<16xi32>
      %add3A_372 = arith.constant 0 : i32
      %add3A_373 = arith.addi %mul3A_366, %add3A_372 : i32
      %swap3A = arith.index_cast %add3A_373 : i32 to index
      %swap3A_374 = tpu.vector_load %arg6[%swap3A] {strides = array<i32>} : memref<15616xi32, #tpu.memory_space<vmem>>, vector<16xi32>,
      %swap3A_375 = vector.shape_cast %swap3A_374 : vector<16xi32> to vector<16xi32>
      %swap3A_376 = vector.shape_cast %get3A_371 : vector<16xi32> to vector<16xi32>
      tpu.vector_store %arg6[%swap3A], %swap3A_376 {strides = array<i32>} : memref<15616xi32, #tpu.memory_space<vmem>>, vector<16xi32>,
      %get3A_377 = arith.constant 1 : i32
      %get3A_378 = arith.index_cast %scan3A_363 : i32 to index
      %get3A_379 = arith.index_cast %get3A_377 : i32 to index
      %get3A_380 = arith.constant 0 : index
      %get3A_381 = tpu.vector_load %arg5[%get3A_378, %get3A_379, %get3A_380] {strides = array<i32>} : memref<61x2x128xi32, #tpu.memory_space<vmem>>, vector<1x1x16xi32>,
      %get3A_382 = vector.shape_cast %get3A_381 : vector<1x1x16xi32> to vector<16xi32>
      %add3A_383 = arith.constant 128 : i32
      %add3A_384 = arith.addi %mul3A_366, %add3A_383 : i32
      %add3A_385 = arith.constant 0 : i32
      %add3A_386 = arith.addi %add3A_384, %add3A_385 : i32
      %swap3A_387 = arith.index_cast %add3A_386 : i32 to index
      %swap3A_388 = tpu.vector_load %arg6[%swap3A_387] {strides = array<i32>} : memref<15616xi32, #tpu.memory_space<vmem>>, vector<16xi32>,
      %swap3A_389 = vector.shape_cast %swap3A_388 : vector<16xi32> to vector<16xi32>
      %swap3A_390 = vector.shape_cast %get3A_382 : vector<16xi32> to vector<16xi32>
      tpu.vector_store %arg6[%swap3A_387], %swap3A_390 {strides = array<i32>} : memref<15616xi32, #tpu.memory_space<vmem>>, vector<16xi32>,
      %get3A_391 = arith.constant 0 : i32
      %get3A_392 = arith.index_cast %scan3A_363 : i32 to index
      %get3A_393 = arith.index_cast %get3A_391 : i32 to index
      %get3A_394 = arith.constant 16 : index
      %get3A_395 = tpu.vector_load %arg5[%get3A_392, %get3A_393, %get3A_394] {strides = array<i32>} : memref<61x2x128xi32, #tpu.memory_space<vmem>>, vector<1x1x16xi32>,
      %get3A_396 = vector.shape_cast %get3A_395 : vector<1x1x16xi32> to vector<16xi32>
      %add3A_397 = arith.constant 16 : i32
      %add3A_398 = arith.addi %mul3A_366, %add3A_397 : i32
      %swap3A_399 = arith.index_cast %add3A_398 : i32 to index
      %swap3A_400 = tpu.vector_load %arg6[%swap3A_399] {strides = array<i32>} : memref<15616xi32, #tpu.memory_space<vmem>>, vector<16xi32>,
      %swap3A_401 = vector.shape_cast %swap3A_400 : vector<16xi32> to vector<16xi32>
      %swap3A_402 = vector.shape_cast %get3A_396 : vector<16xi32> to vector<16xi32>
      tpu.vector_store %arg6[%swap3A_399], %swap3A_402 {strides = array<i32>} : memref<15616xi32, #tpu.memory_space<vmem>>, vector<16xi32>,
      %get3A_403 = arith.constant 1 : i32
      %get3A_404 = arith.index_cast %scan3A_363 : i32 to index
      %get3A_405 = arith.index_cast %get3A_403 : i32 to index
      %get3A_406 = arith.constant 16 : index
      %get3A_407 = tpu.vector_load %arg5[%get3A_404, %get3A_405, %get3A_406] {strides = array<i32>} : memref<61x2x128xi32, #tpu.memory_space<vmem>>, vector<1x1x16xi32>,
      %get3A_408 = vector.shape_cast %get3A_407 : vector<1x1x16xi32> to vector<16xi32>
      %add3A_409 = arith.constant 128 : i32
      %add3A_410 = arith.addi %mul3A_366, %add3A_409 : i32
      %add3A_411 = arith.constant 16 : i32
      %add3A_412 = arith.addi %add3A_410, %add3A_411 : i32
      %swap3A_413 = arith.index_cast %add3A_412 : i32 to index
      %swap3A_414 = tpu.vector_load %arg6[%swap3A_413] {strides = array<i32>} : memref<15616xi32, #tpu.memory_space<vmem>>, vector<16xi32>,
      %swap3A_415 = vector.shape_cast %swap3A_414 : vector<16xi32> to vector<16xi32>
      %swap3A_416 = vector.shape_cast %get3A_408 : vector<16xi32> to vector<16xi32>
      tpu.vector_store %arg6[%swap3A_413], %swap3A_416 {strides = array<i32>} : memref<15616xi32, #tpu.memory_space<vmem>>, vector<16xi32>,
      %get3A_417 = arith.constant 0 : i32
      %get3A_418 = arith.index_cast %scan3A_363 : i32 to index
      %get3A_419 = arith.index_cast %get3A_417 : i32 to index
      %get3A_420 = arith.constant 32 : index
      %get3A_421 = tpu.vector_load %arg5[%get3A_418, %get3A_419, %get3A_420] {strides = array<i32>} : memref<61x2x128xi32, #tpu.memory_space<vmem>>, vector<1x1x16xi32>,
      %get3A_422 = vector.shape_cast %get3A_421 : vector<1x1x16xi32> to vector<16xi32>
      %add3A_423 = arith.constant 32 : i32
      %add3A_424 = arith.addi %mul3A_366, %add3A_423 : i32
      %swap3A_425 = arith.index_cast %add3A_424 : i32 to index
      %swap3A_426 = tpu.vector_load %arg6[%swap3A_425] {strides = array<i32>} : memref<15616xi32, #tpu.memory_space<vmem>>, vector<16xi32>,
      %swap3A_427 = vector.shape_cast %swap3A_426 : vector<16xi32> to vector<16xi32>
      %swap3A_428 = vector.shape_cast %get3A_422 : vector<16xi32> to vector<16xi32>
      tpu.vector_store %arg6[%swap3A_425], %swap3A_428 {strides = array<i32>} : memref<15616xi32, #tpu.memory_space<vmem>>, vector<16xi32>,
      %get3A_429 = arith.constant 1 : i32
      %get3A_430 = arith.index_cast %scan3A_363 : i32 to index
      %get3A_431 = arith.index_cast %get3A_429 : i32 to index
      %get3A_432 = arith.constant 32 : index
      %get3A_433 = tpu.vector_load %arg5[%get3A_430, %get3A_431, %get3A_432] {strides = array<i32>} : memref<61x2x128xi32, #tpu.memory_space<vmem>>, vector<1x1x16xi32>,
      %get3A_434 = vector.shape_cast %get3A_433 : vector<1x1x16xi32> to vector<16xi32>
      %add3A_435 = arith.constant 128 : i32
      %add3A_436 = arith.addi %mul3A_366, %add3A_435 : i32
      %add3A_437 = arith.constant 32 : i32
      %add3A_438 = arith.addi %add3A_436, %add3A_437 : i32
      %swap3A_439 = arith.index_cast %add3A_438 : i32 to index
      %swap3A_440 = tpu.vector_load %arg6[%swap3A_439] {strides = array<i32>} : memref<15616xi32, #tpu.memory_space<vmem>>, vector<16xi32>,
      %swap3A_441 = vector.shape_cast %swap3A_440 : vector<16xi32> to vector<16xi32>
      %swap3A_442 = vector.shape_cast %get3A_434 : vector<16xi32> to vector<16xi32>
      tpu.vector_store %arg6[%swap3A_439], %swap3A_442 {strides = array<i32>} : memref<15616xi32, #tpu.memory_space<vmem>>, vector<16xi32>,
      %get3A_443 = arith.constant 0 : i32
      %get3A_444 = arith.index_cast %scan3A_363 : i32 to index
      %get3A_445 = arith.index_cast %get3A_443 : i32 to index
      %get3A_446 = arith.constant 48 : index
      %get3A_447 = tpu.vector_load %arg5[%get3A_444, %get3A_445, %get3A_446] {strides = array<i32>} : memref<61x2x128xi32, #tpu.memory_space<vmem>>, vector<1x1x16xi32>,
      %get3A_448 = vector.shape_cast %get3A_447 : vector<1x1x16xi32> to vector<16xi32>
      %add3A_449 = arith.constant 48 : i32
      %add3A_450 = arith.addi %mul3A_366, %add3A_449 : i32
      %swap3A_451 = arith.index_cast %add3A_450 : i32 to index
      %swap3A_452 = tpu.vector_load %arg6[%swap3A_451] {strides = array<i32>} : memref<15616xi32, #tpu.memory_space<vmem>>, vector<16xi32>,
      %swap3A_453 = vector.shape_cast %swap3A_452 : vector<16xi32> to vector<16xi32>
      %swap3A_454 = vector.shape_cast %get3A_448 : vector<16xi32> to vector<16xi32>
      tpu.vector_store %arg6[%swap3A_451], %swap3A_454 {strides = array<i32>} : memref<15616xi32, #tpu.memory_space<vmem>>, vector<16xi32>,
      %get3A_455 = arith.constant 1 : i32
      %get3A_456 = arith.index_cast %scan3A_363 : i32 to index
      %get3A_457 = arith.index_cast %get3A_455 : i32 to index
      %get3A_458 = arith.constant 48 : index
      %get3A_459 = tpu.vector_load %arg5[%get3A_456, %get3A_457, %get3A_458] {strides = array<i32>} : memref<61x2x128xi32, #tpu.memory_space<vmem>>, vector<1x1x16xi32>,
      %get3A_460 = vector.shape_cast %get3A_459 : vector<1x1x16xi32> to vector<16xi32>
      %add3A_461 = arith.constant 128 : i32
      %add3A_462 = arith.addi %mul3A_366, %add3A_461 : i32
      %add3A_463 = arith.constant 48 : i32
      %add3A_464 = arith.addi %add3A_462, %add3A_463 : i32
      %swap3A_465 = arith.index_cast %add3A_464 : i32 to index
      %swap3A_466 = tpu.vector_load %arg6[%swap3A_465] {strides = array<i32>} : memref<15616xi32, #tpu.memory_space<vmem>>, vector<16xi32>,
      %swap3A_467 = vector.shape_cast %swap3A_466 : vector<16xi32> to vector<16xi32>
      %swap3A_468 = vector.shape_cast %get3A_460 : vector<16xi32> to vector<16xi32>
      tpu.vector_store %arg6[%swap3A_465], %swap3A_468 {strides = array<i32>} : memref<15616xi32, #tpu.memory_space<vmem>>, vector<16xi32>,
      %get3A_469 = arith.constant 0 : i32
      %get3A_470 = arith.index_cast %scan3A_363 : i32 to index
      %get3A_471 = arith.index_cast %get3A_469 : i32 to index
      %get3A_472 = arith.constant 64 : index
      %get3A_473 = tpu.vector_load %arg5[%get3A_470, %get3A_471, %get3A_472] {strides = array<i32>} : memref<61x2x128xi32, #tpu.memory_space<vmem>>, vector<1x1x16xi32>,
      %get3A_474 = vector.shape_cast %get3A_473 : vector<1x1x16xi32> to vector<16xi32>
      %add3A_475 = arith.constant 64 : i32
      %add3A_476 = arith.addi %mul3A_366, %add3A_475 : i32
      %swap3A_477 = arith.index_cast %add3A_476 : i32 to index
      %swap3A_478 = tpu.vector_load %arg6[%swap3A_477] {strides = array<i32>} : memref<15616xi32, #tpu.memory_space<vmem>>, vector<16xi32>,
      %swap3A_479 = vector.shape_cast %swap3A_478 : vector<16xi32> to vector<16xi32>
      %swap3A_480 = vector.shape_cast %get3A_474 : vector<16xi32> to vector<16xi32>
      tpu.vector_store %arg6[%swap3A_477], %swap3A_480 {strides = array<i32>} : memref<15616xi32, #tpu.memory_space<vmem>>, vector<16xi32>,
      %get3A_481 = arith.constant 1 : i32
      %get3A_482 = arith.index_cast %scan3A_363 : i32 to index
      %get3A_483 = arith.index_cast %get3A_481 : i32 to index
      %get3A_484 = arith.constant 64 : index
      %get3A_485 = tpu.vector_load %arg5[%get3A_482, %get3A_483, %get3A_484] {strides = array<i32>} : memref<61x2x128xi32, #tpu.memory_space<vmem>>, vector<1x1x16xi32>,
      %get3A_486 = vector.shape_cast %get3A_485 : vector<1x1x16xi32> to vector<16xi32>
      %add3A_487 = arith.constant 128 : i32
      %add3A_488 = arith.addi %mul3A_366, %add3A_487 : i32
      %add3A_489 = arith.constant 64 : i32
      %add3A_490 = arith.addi %add3A_488, %add3A_489 : i32
      %swap3A_491 = arith.index_cast %add3A_490 : i32 to index
      %swap3A_492 = tpu.vector_load %arg6[%swap3A_491] {strides = array<i32>} : memref<15616xi32, #tpu.memory_space<vmem>>, vector<16xi32>,
      %swap3A_493 = vector.shape_cast %swap3A_492 : vector<16xi32> to vector<16xi32>
      %swap3A_494 = vector.shape_cast %get3A_486 : vector<16xi32> to vector<16xi32>
      tpu.vector_store %arg6[%swap3A_491], %swap3A_494 {strides = array<i32>} : memref<15616xi32, #tpu.memory_space<vmem>>, vector<16xi32>,
      %get3A_495 = arith.constant 0 : i32
      %get3A_496 = arith.index_cast %scan3A_363 : i32 to index
      %get3A_497 = arith.index_cast %get3A_495 : i32 to index
      %get3A_498 = arith.constant 80 : index
      %get3A_499 = tpu.vector_load %arg5[%get3A_496, %get3A_497, %get3A_498] {strides = array<i32>} : memref<61x2x128xi32, #tpu.memory_space<vmem>>, vector<1x1x16xi32>,
      %get3A_500 = vector.shape_cast %get3A_499 : vector<1x1x16xi32> to vector<16xi32>
      %add3A_501 = arith.constant 80 : i32
      %add3A_502 = arith.addi %mul3A_366, %add3A_501 : i32
      %swap3A_503 = arith.index_cast %add3A_502 : i32 to index
      %swap3A_504 = tpu.vector_load %arg6[%swap3A_503] {strides = array<i32>} : memref<15616xi32, #tpu.memory_space<vmem>>, vector<16xi32>,
      %swap3A_505 = vector.shape_cast %swap3A_504 : vector<16xi32> to vector<16xi32>
      %swap3A_506 = vector.shape_cast %get3A_500 : vector<16xi32> to vector<16xi32>
      tpu.vector_store %arg6[%swap3A_503], %swap3A_506 {strides = array<i32>} : memref<15616xi32, #tpu.memory_space<vmem>>, vector<16xi32>,
      %get3A_507 = arith.constant 1 : i32
      %get3A_508 = arith.index_cast %scan3A_363 : i32 to index
      %get3A_509 = arith.index_cast %get3A_507 : i32 to index
      %get3A_510 = arith.constant 80 : index
      %get3A_511 = tpu.vector_load %arg5[%get3A_508, %get3A_509, %get3A_510] {strides = array<i32>} : memref<61x2x128xi32, #tpu.memory_space<vmem>>, vector<1x1x16xi32>,
      %get3A_512 = vector.shape_cast %get3A_511 : vector<1x1x16xi32> to vector<16xi32>
      %add3A_513 = arith.constant 128 : i32
      %add3A_514 = arith.addi %mul3A_366, %add3A_513 : i32
      %add3A_515 = arith.constant 80 : i32
      %add3A_516 = arith.addi %add3A_514, %add3A_515 : i32
      %swap3A_517 = arith.index_cast %add3A_516 : i32 to index
      %swap3A_518 = tpu.vector_load %arg6[%swap3A_517] {strides = array<i32>} : memref<15616xi32, #tpu.memory_space<vmem>>, vector<16xi32>,
      %swap3A_519 = vector.shape_cast %swap3A_518 : vector<16xi32> to vector<16xi32>
      %swap3A_520 = vector.shape_cast %get3A_512 : vector<16xi32> to vector<16xi32>
      tpu.vector_store %arg6[%swap3A_517], %swap3A_520 {strides = array<i32>} : memref<15616xi32, #tpu.memory_space<vmem>>, vector<16xi32>,
      %get3A_521 = arith.constant 0 : i32
      %get3A_522 = arith.index_cast %scan3A_363 : i32 to index
      %get3A_523 = arith.index_cast %get3A_521 : i32 to index
      %get3A_524 = arith.constant 96 : index
      %get3A_525 = tpu.vector_load %arg5[%get3A_522, %get3A_523, %get3A_524] {strides = array<i32>} : memref<61x2x128xi32, #tpu.memory_space<vmem>>, vector<1x1x16xi32>,
      %get3A_526 = vector.shape_cast %get3A_525 : vector<1x1x16xi32> to vector<16xi32>
      %add3A_527 = arith.constant 96 : i32
      %add3A_528 = arith.addi %mul3A_366, %add3A_527 : i32
      %swap3A_529 = arith.index_cast %add3A_528 : i32 to index
      %swap3A_530 = tpu.vector_load %arg6[%swap3A_529] {strides = array<i32>} : memref<15616xi32, #tpu.memory_space<vmem>>, vector<16xi32>,
      %swap3A_531 = vector.shape_cast %swap3A_530 : vector<16xi32> to vector<16xi32>
      %swap3A_532 = vector.shape_cast %get3A_526 : vector<16xi32> to vector<16xi32>
      tpu.vector_store %arg6[%swap3A_529], %swap3A_532 {strides = array<i32>} : memref<15616xi32, #tpu.memory_space<vmem>>, vector<16xi32>,
      %get3A_533 = arith.constant 1 : i32
      %get3A_534 = arith.index_cast %scan3A_363 : i32 to index
      %get3A_535 = arith.index_cast %get3A_533 : i32 to index
      %get3A_536 = arith.constant 96 : index
      %get3A_537 = tpu.vector_load %arg5[%get3A_534, %get3A_535, %get3A_536] {strides = array<i32>} : memref<61x2x128xi32, #tpu.memory_space<vmem>>, vector<1x1x16xi32>,
      %get3A_538 = vector.shape_cast %get3A_537 : vector<1x1x16xi32> to vector<16xi32>
      %add3A_539 = arith.constant 128 : i32
      %add3A_540 = arith.addi %mul3A_366, %add3A_539 : i32
      %add3A_541 = arith.constant 96 : i32
      %add3A_542 = arith.addi %add3A_540, %add3A_541 : i32
      %swap3A_543 = arith.index_cast %add3A_542 : i32 to index
      %swap3A_544 = tpu.vector_load %arg6[%swap3A_543] {strides = array<i32>} : memref<15616xi32, #tpu.memory_space<vmem>>, vector<16xi32>,
      %swap3A_545 = vector.shape_cast %swap3A_544 : vector<16xi32> to vector<16xi32>
      %swap3A_546 = vector.shape_cast %get3A_538 : vector<16xi32> to vector<16xi32>
      tpu.vector_store %arg6[%swap3A_543], %swap3A_546 {strides = array<i32>} : memref<15616xi32, #tpu.memory_space<vmem>>, vector<16xi32>,
      %get3A_547 = arith.constant 0 : i32
      %get3A_548 = arith.index_cast %scan3A_363 : i32 to index
      %get3A_549 = arith.index_cast %get3A_547 : i32 to index
      %get3A_550 = arith.constant 112 : index
      %get3A_551 = tpu.vector_load %arg5[%get3A_548, %get3A_549, %get3A_550] {strides = array<i32>} : memref<61x2x128xi32, #tpu.memory_space<vmem>>, vector<1x1x16xi32>,
      %get3A_552 = vector.shape_cast %get3A_551 : vector<1x1x16xi32> to vector<16xi32>
      %add3A_553 = arith.constant 112 : i32
      %add3A_554 = arith.addi %mul3A_366, %add3A_553 : i32
      %swap3A_555 = arith.index_cast %add3A_554 : i32 to index
      %swap3A_556 = tpu.vector_load %arg6[%swap3A_555] {strides = array<i32>} : memref<15616xi32, #tpu.memory_space<vmem>>, vector<16xi32>,
      %swap3A_557 = vector.shape_cast %swap3A_556 : vector<16xi32> to vector<16xi32>
      %swap3A_558 = vector.shape_cast %get3A_552 : vector<16xi32> to vector<16xi32>
      tpu.vector_store %arg6[%swap3A_555], %swap3A_558 {strides = array<i32>} : memref<15616xi32, #tpu.memory_space<vmem>>, vector<16xi32>,
      %get3A_559 = arith.constant 1 : i32
      %get3A_560 = arith.index_cast %scan3A_363 : i32 to index
      %get3A_561 = arith.index_cast %get3A_559 : i32 to index
      %get3A_562 = arith.constant 112 : index
      %get3A_563 = tpu.vector_load %arg5[%get3A_560, %get3A_561, %get3A_562] {strides = array<i32>} : memref<61x2x128xi32, #tpu.memory_space<vmem>>, vector<1x1x16xi32>,
      %get3A_564 = vector.shape_cast %get3A_563 : vector<1x1x16xi32> to vector<16xi32>
      %add3A_565 = arith.constant 128 : i32
      %add3A_566 = arith.addi %mul3A_366, %add3A_565 : i32
      %add3A_567 = arith.constant 112 : i32
      %add3A_568 = arith.addi %add3A_566, %add3A_567 : i32
      %swap3A_569 = arith.index_cast %add3A_568 : i32 to index
      %swap3A_570 = tpu.vector_load %arg6[%swap3A_569] {strides = array<i32>} : memref<15616xi32, #tpu.memory_space<vmem>>, vector<16xi32>,
      %swap3A_571 = vector.shape_cast %swap3A_570 : vector<16xi32> to vector<16xi32>
      %swap3A_572 = vector.shape_cast %get3A_564 : vector<16xi32> to vector<16xi32>
      tpu.vector_store %arg6[%swap3A_569], %swap3A_572 {strides = array<i32>} : memref<15616xi32, #tpu.memory_space<vmem>>, vector<16xi32>,
      %scan3A_573 = arith.constant 0 : i32
      scf.yield %scan3A_573 : i32
    }
    %scan3A_173 = arith.constant 61 : i32
    %add3A_174 = arith.constant 183 : i32
    %add3A_175 = arith.addi %mul3A_2, %add3A_174 : i32
    %dma_start3A_176 = arith.constant 0 : i32
    %dma_start3A_177 = arith.constant 0 : i32
    %dma_start3A_178 = tpu.memref_slice %arg2[%add3A_175, %dma_start3A_176, %dma_start3A_177] : memref<15625x2x128xi32, #tpu.memory_space<hbm>> -> memref<61x2x128xi32, #tpu.memory_space<hbm>>
    %dma_start3A_179 = arith.constant 0 : i32
    %dma_start3A_180 = arith.constant 0 : i32
    %dma_start3A_181 = tpu.memref_slice %arg2[%add3A_175, %dma_start3A_179, %dma_start3A_180] : memref<15625x2x128xi32, #tpu.memory_space<hbm>> -> memref<61x2x128xi32, #tpu.memory_space<hbm>>
    tpu.enqueue_dma source(%dma_start3A_181 : memref<61x2x128xi32, #tpu.memory_space<hbm>>) target(%arg5 : memref<61x2x128xi32, #tpu.memory_space<vmem>>) target_semaphore(%arg11 : memref<!tpu.dma_semaphore, #tpu.memory_space<semaphore_mem>>)
    %dma_start3A_182 = arith.constant 0 : i32
    %dma_start3A_183 = tpu.memref_slice %arg10[%dma_start3A_182] : memref<1000000xf32, #tpu.memory_space<vmem_shared>> -> memref<1000000xf32, #tpu.memory_space<vmem_shared>>
    tpu.enqueue_indirect_dma source(%dma_start3A_183 : memref<1000000xf32, #tpu.memory_space<vmem_shared>>) target(%arg7 : memref<15616xf32, #tpu.memory_space<vmem>>) offsets(%arg6 : memref<15616xi32, #tpu.memory_space<vmem>>) semaphore(%arg12 : memref<!tpu.dma_semaphore, #tpu.memory_space<semaphore_mem>>)
    %scan3A_184 = arith.constant 0 : i32
    %scan3A_185 = arith.constant 61 : i32
    %scan3A_186 = arith.addi %scan3A_184, %scan3A_185 : i32
    %scan3A_187 = arith.constant 1 : i32
    %scan3A_188 = scf.for %scan3A_363 = %scan3A_184 to %scan3A_186 step %scan3A_187 iter_args(%scan3A_364 = %scan3A_155) -> (vector<16xf32>)  : i32 {
      %mul3A_365 = arith.constant 256 : i32
      %mul3A_366 = arith.muli %scan3A_363, %mul3A_365 : i32
      %add3A_367 = arith.constant 0 : i32
      %add3A_368 = arith.addi %mul3A_366, %add3A_367 : i32
      %get3A = arith.index_cast %add3A_368 : i32 to index
      %get3A_369 = tpu.vector_load %arg8[%get3A] {strides = array<i32>} : memref<15616xf32, #tpu.memory_space<vmem>>, vector<16xf32>,
      %get3A_370 = vector.shape_cast %get3A_369 : vector<16xf32> to vector<16xf32>
      %add3A_371 = arith.constant 128 : i32
      %add3A_372 = arith.addi %mul3A_366, %add3A_371 : i32
      %add3A_373 = arith.constant 0 : i32
      %add3A_374 = arith.addi %add3A_372, %add3A_373 : i32
      %get3A_375 = arith.index_cast %add3A_374 : i32 to index
      %get3A_376 = tpu.vector_load %arg8[%get3A_375] {strides = array<i32>} : memref<15616xf32, #tpu.memory_space<vmem>>, vector<16xf32>,
      %get3A_377 = vector.shape_cast %get3A_376 : vector<16xf32> to vector<16xf32>
      %sub3A = arith.constant 1.000000e+00 : f32
      %sub3A_378 = vector.broadcast %sub3A : f32 to vector<16xf32>
      %sub3A_379 = arith.subf %sub3A_378, %get3A_370 : vector<16xf32>
      %add3A_380 = arith.addf %sub3A_379, %get3A_377 : vector<16xf32>
      %max3A = arith.constant 0.000000e+00 : f32
      %max3A_381 = vector.broadcast %max3A : f32 to vector<16xf32>
      %max3A_382 = arith.maximumf %add3A_380, %max3A_381 : vector<16xf32>
      %add3A_383 = arith.addf %scan3A_364, %max3A_382 : vector<16xf32>
      %add3A_384 = arith.constant 16 : i32
      %add3A_385 = arith.addi %mul3A_366, %add3A_384 : i32
      %get3A_386 = arith.index_cast %add3A_385 : i32 to index
      %get3A_387 = tpu.vector_load %arg8[%get3A_386] {strides = array<i32>} : memref<15616xf32, #tpu.memory_space<vmem>>, vector<16xf32>,
      %get3A_388 = vector.shape_cast %get3A_387 : vector<16xf32> to vector<16xf32>
      %add3A_389 = arith.constant 128 : i32
      %add3A_390 = arith.addi %mul3A_366, %add3A_389 : i32
      %add3A_391 = arith.constant 16 : i32
      %add3A_392 = arith.addi %add3A_390, %add3A_391 : i32
      %get3A_393 = arith.index_cast %add3A_392 : i32 to index
      %get3A_394 = tpu.vector_load %arg8[%get3A_393] {strides = array<i32>} : memref<15616xf32, #tpu.memory_space<vmem>>, vector<16xf32>,
      %get3A_395 = vector.shape_cast %get3A_394 : vector<16xf32> to vector<16xf32>
      %sub3A_396 = arith.constant 1.000000e+00 : f32
      %sub3A_397 = vector.broadcast %sub3A_396 : f32 to vector<16xf32>
      %sub3A_398 = arith.subf %sub3A_397, %get3A_388 : vector<16xf32>
      %add3A_399 = arith.addf %sub3A_398, %get3A_395 : vector<16xf32>
      %max3A_400 = arith.constant 0.000000e+00 : f32
      %max3A_401 = vector.broadcast %max3A_400 : f32 to vector<16xf32>
      %max3A_402 = arith.maximumf %add3A_399, %max3A_401 : vector<16xf32>
      %add3A_403 = arith.addf %add3A_383, %max3A_402 : vector<16xf32>
      %add3A_404 = arith.constant 32 : i32
      %add3A_405 = arith.addi %mul3A_366, %add3A_404 : i32
      %get3A_406 = arith.index_cast %add3A_405 : i32 to index
      %get3A_407 = tpu.vector_load %arg8[%get3A_406] {strides = array<i32>} : memref<15616xf32, #tpu.memory_space<vmem>>, vector<16xf32>,
      %get3A_408 = vector.shape_cast %get3A_407 : vector<16xf32> to vector<16xf32>
      %add3A_409 = arith.constant 128 : i32
      %add3A_410 = arith.addi %mul3A_366, %add3A_409 : i32
      %add3A_411 = arith.constant 32 : i32
      %add3A_412 = arith.addi %add3A_410, %add3A_411 : i32
      %get3A_413 = arith.index_cast %add3A_412 : i32 to index
      %get3A_414 = tpu.vector_load %arg8[%get3A_413] {strides = array<i32>} : memref<15616xf32, #tpu.memory_space<vmem>>, vector<16xf32>,
      %get3A_415 = vector.shape_cast %get3A_414 : vector<16xf32> to vector<16xf32>
      %sub3A_416 = arith.constant 1.000000e+00 : f32
      %sub3A_417 = vector.broadcast %sub3A_416 : f32 to vector<16xf32>
      %sub3A_418 = arith.subf %sub3A_417, %get3A_408 : vector<16xf32>
      %add3A_419 = arith.addf %sub3A_418, %get3A_415 : vector<16xf32>
      %max3A_420 = arith.constant 0.000000e+00 : f32
      %max3A_421 = vector.broadcast %max3A_420 : f32 to vector<16xf32>
      %max3A_422 = arith.maximumf %add3A_419, %max3A_421 : vector<16xf32>
      %add3A_423 = arith.addf %add3A_403, %max3A_422 : vector<16xf32>
      %add3A_424 = arith.constant 48 : i32
      %add3A_425 = arith.addi %mul3A_366, %add3A_424 : i32
      %get3A_426 = arith.index_cast %add3A_425 : i32 to index
      %get3A_427 = tpu.vector_load %arg8[%get3A_426] {strides = array<i32>} : memref<15616xf32, #tpu.memory_space<vmem>>, vector<16xf32>,
      %get3A_428 = vector.shape_cast %get3A_427 : vector<16xf32> to vector<16xf32>
      %add3A_429 = arith.constant 128 : i32
      %add3A_430 = arith.addi %mul3A_366, %add3A_429 : i32
      %add3A_431 = arith.constant 48 : i32
      %add3A_432 = arith.addi %add3A_430, %add3A_431 : i32
      %get3A_433 = arith.index_cast %add3A_432 : i32 to index
      %get3A_434 = tpu.vector_load %arg8[%get3A_433] {strides = array<i32>} : memref<15616xf32, #tpu.memory_space<vmem>>, vector<16xf32>,
      %get3A_435 = vector.shape_cast %get3A_434 : vector<16xf32> to vector<16xf32>
      %sub3A_436 = arith.constant 1.000000e+00 : f32
      %sub3A_437 = vector.broadcast %sub3A_436 : f32 to vector<16xf32>
      %sub3A_438 = arith.subf %sub3A_437, %get3A_428 : vector<16xf32>
      %add3A_439 = arith.addf %sub3A_438, %get3A_435 : vector<16xf32>
      %max3A_440 = arith.constant 0.000000e+00 : f32
      %max3A_441 = vector.broadcast %max3A_440 : f32 to vector<16xf32>
      %max3A_442 = arith.maximumf %add3A_439, %max3A_441 : vector<16xf32>
      %add3A_443 = arith.addf %add3A_423, %max3A_442 : vector<16xf32>
      %add3A_444 = arith.constant 64 : i32
      %add3A_445 = arith.addi %mul3A_366, %add3A_444 : i32
      %get3A_446 = arith.index_cast %add3A_445 : i32 to index
      %get3A_447 = tpu.vector_load %arg8[%get3A_446] {strides = array<i32>} : memref<15616xf32, #tpu.memory_space<vmem>>, vector<16xf32>,
      %get3A_448 = vector.shape_cast %get3A_447 : vector<16xf32> to vector<16xf32>
      %add3A_449 = arith.constant 128 : i32
      %add3A_450 = arith.addi %mul3A_366, %add3A_449 : i32
      %add3A_451 = arith.constant 64 : i32
      %add3A_452 = arith.addi %add3A_450, %add3A_451 : i32
      %get3A_453 = arith.index_cast %add3A_452 : i32 to index
      %get3A_454 = tpu.vector_load %arg8[%get3A_453] {strides = array<i32>} : memref<15616xf32, #tpu.memory_space<vmem>>, vector<16xf32>,
      %get3A_455 = vector.shape_cast %get3A_454 : vector<16xf32> to vector<16xf32>
      %sub3A_456 = arith.constant 1.000000e+00 : f32
      %sub3A_457 = vector.broadcast %sub3A_456 : f32 to vector<16xf32>
      %sub3A_458 = arith.subf %sub3A_457, %get3A_448 : vector<16xf32>
      %add3A_459 = arith.addf %sub3A_458, %get3A_455 : vector<16xf32>
      %max3A_460 = arith.constant 0.000000e+00 : f32
      %max3A_461 = vector.broadcast %max3A_460 : f32 to vector<16xf32>
      %max3A_462 = arith.maximumf %add3A_459, %max3A_461 : vector<16xf32>
      %add3A_463 = arith.addf %add3A_443, %max3A_462 : vector<16xf32>
      %add3A_464 = arith.constant 80 : i32
      %add3A_465 = arith.addi %mul3A_366, %add3A_464 : i32
      %get3A_466 = arith.index_cast %add3A_465 : i32 to index
      %get3A_467 = tpu.vector_load %arg8[%get3A_466] {strides = array<i32>} : memref<15616xf32, #tpu.memory_space<vmem>>, vector<16xf32>,
      %get3A_468 = vector.shape_cast %get3A_467 : vector<16xf32> to vector<16xf32>
      %add3A_469 = arith.constant 128 : i32
      %add3A_470 = arith.addi %mul3A_366, %add3A_469 : i32
      %add3A_471 = arith.constant 80 : i32
      %add3A_472 = arith.addi %add3A_470, %add3A_471 : i32
      %get3A_473 = arith.index_cast %add3A_472 : i32 to index
      %get3A_474 = tpu.vector_load %arg8[%get3A_473] {strides = array<i32>} : memref<15616xf32, #tpu.memory_space<vmem>>, vector<16xf32>,
      %get3A_475 = vector.shape_cast %get3A_474 : vector<16xf32> to vector<16xf32>
      %sub3A_476 = arith.constant 1.000000e+00 : f32
      %sub3A_477 = vector.broadcast %sub3A_476 : f32 to vector<16xf32>
      %sub3A_478 = arith.subf %sub3A_477, %get3A_468 : vector<16xf32>
      %add3A_479 = arith.addf %sub3A_478, %get3A_475 : vector<16xf32>
      %max3A_480 = arith.constant 0.000000e+00 : f32
      %max3A_481 = vector.broadcast %max3A_480 : f32 to vector<16xf32>
      %max3A_482 = arith.maximumf %add3A_479, %max3A_481 : vector<16xf32>
      %add3A_483 = arith.addf %add3A_463, %max3A_482 : vector<16xf32>
      %add3A_484 = arith.constant 96 : i32
      %add3A_485 = arith.addi %mul3A_366, %add3A_484 : i32
      %get3A_486 = arith.index_cast %add3A_485 : i32 to index
      %get3A_487 = tpu.vector_load %arg8[%get3A_486] {strides = array<i32>} : memref<15616xf32, #tpu.memory_space<vmem>>, vector<16xf32>,
      %get3A_488 = vector.shape_cast %get3A_487 : vector<16xf32> to vector<16xf32>
      %add3A_489 = arith.constant 128 : i32
      %add3A_490 = arith.addi %mul3A_366, %add3A_489 : i32
      %add3A_491 = arith.constant 96 : i32
      %add3A_492 = arith.addi %add3A_490, %add3A_491 : i32
      %get3A_493 = arith.index_cast %add3A_492 : i32 to index
      %get3A_494 = tpu.vector_load %arg8[%get3A_493] {strides = array<i32>} : memref<15616xf32, #tpu.memory_space<vmem>>, vector<16xf32>,
      %get3A_495 = vector.shape_cast %get3A_494 : vector<16xf32> to vector<16xf32>
      %sub3A_496 = arith.constant 1.000000e+00 : f32
      %sub3A_497 = vector.broadcast %sub3A_496 : f32 to vector<16xf32>
      %sub3A_498 = arith.subf %sub3A_497, %get3A_488 : vector<16xf32>
      %add3A_499 = arith.addf %sub3A_498, %get3A_495 : vector<16xf32>
      %max3A_500 = arith.constant 0.000000e+00 : f32
      %max3A_501 = vector.broadcast %max3A_500 : f32 to vector<16xf32>
      %max3A_502 = arith.maximumf %add3A_499, %max3A_501 : vector<16xf32>
      %add3A_503 = arith.addf %add3A_483, %max3A_502 : vector<16xf32>
      %add3A_504 = arith.constant 112 : i32
      %add3A_505 = arith.addi %mul3A_366, %add3A_504 : i32
      %get3A_506 = arith.index_cast %add3A_505 : i32 to index
      %get3A_507 = tpu.vector_load %arg8[%get3A_506] {strides = array<i32>} : memref<15616xf32, #tpu.memory_space<vmem>>, vector<16xf32>,
      %get3A_508 = vector.shape_cast %get3A_507 : vector<16xf32> to vector<16xf32>
      %add3A_509 = arith.constant 128 : i32
      %add3A_510 = arith.addi %mul3A_366, %add3A_509 : i32
      %add3A_511 = arith.constant 112 : i32
      %add3A_512 = arith.addi %add3A_510, %add3A_511 : i32
      %get3A_513 = arith.index_cast %add3A_512 : i32 to index
      %get3A_514 = tpu.vector_load %arg8[%get3A_513] {strides = array<i32>} : memref<15616xf32, #tpu.memory_space<vmem>>, vector<16xf32>,
      %get3A_515 = vector.shape_cast %get3A_514 : vector<16xf32> to vector<16xf32>
      %sub3A_516 = arith.constant 1.000000e+00 : f32
      %sub3A_517 = vector.broadcast %sub3A_516 : f32 to vector<16xf32>
      %sub3A_518 = arith.subf %sub3A_517, %get3A_508 : vector<16xf32>
      %add3A_519 = arith.addf %sub3A_518, %get3A_515 : vector<16xf32>
      %max3A_520 = arith.constant 0.000000e+00 : f32
      %max3A_521 = vector.broadcast %max3A_520 : f32 to vector<16xf32>
      %max3A_522 = arith.maximumf %add3A_519, %max3A_521 : vector<16xf32>
      %add3A_523 = arith.addf %add3A_503, %max3A_522 : vector<16xf32>
      scf.yield %add3A_523 : vector<16xf32>
    }
    %scan3A_189 = arith.constant 61 : i32
    %dma_wait3A_190 = arith.constant 0 : i32
    %dma_wait3A_191 = arith.constant 0 : i32
    %dma_wait3A_192 = arith.constant 0 : i32
    %dma_wait3A_193 = tpu.memref_slice %arg2[%dma_wait3A_190, %dma_wait3A_191, %dma_wait3A_192] : memref<15625x2x128xi32, #tpu.memory_space<hbm>> -> memref<61x2x128xi32, #tpu.memory_space<hbm>>
    %dma_wait3A_194 = arith.constant 0 : i32
    %dma_wait3A_195 = arith.constant 0 : i32
    %dma_wait3A_196 = arith.constant 0 : i32
    %dma_wait3A_197 = tpu.memref_slice %arg2[%dma_wait3A_194, %dma_wait3A_195, %dma_wait3A_196] : memref<15625x2x128xi32, #tpu.memory_space<hbm>> -> memref<61x2x128xi32, #tpu.memory_space<hbm>>
    tpu.wait_dma2 semaphore(%arg11 : memref<!tpu.dma_semaphore, #tpu.memory_space<semaphore_mem>>) src(%dma_wait3A_197 : memref<61x2x128xi32, #tpu.memory_space<hbm>>) dst(%arg5 : memref<61x2x128xi32, #tpu.memory_space<vmem>>)
    %dma_wait3A_198 = arith.constant 0 : i32
    %dma_wait3A_199 = tpu.memref_slice %arg10[%dma_wait3A_198] : memref<1000000xf32, #tpu.memory_space<vmem_shared>> -> memref<1000000xf32, #tpu.memory_space<vmem_shared>>
    tpu.wait_indirect_dma semaphore(%arg12 : memref<!tpu.dma_semaphore, #tpu.memory_space<semaphore_mem>>) src(%dma_wait3A_199 : memref<1000000xf32, #tpu.memory_space<vmem_shared>>) dst(%arg7 : memref<15616xf32, #tpu.memory_space<vmem>>)
    %scan3A_200 = arith.constant 0 : i32
    %scan3A_201 = arith.constant 0 : i32
    %scan3A_202 = arith.constant 61 : i32
    %scan3A_203 = arith.addi %scan3A_201, %scan3A_202 : i32
    %scan3A_204 = arith.constant 1 : i32
    %scan3A_205 = scf.for %scan3A_363 = %scan3A_201 to %scan3A_203 step %scan3A_204 iter_args(%scan3A_364 = %scan3A_200) -> (i32)  : i32 {
      %mul3A_365 = arith.constant 256 : i32
      %mul3A_366 = arith.muli %scan3A_363, %mul3A_365 : i32
      %get3A = arith.constant 0 : i32
      %get3A_367 = arith.index_cast %scan3A_363 : i32 to index
      %get3A_368 = arith.index_cast %get3A : i32 to index
      %get3A_369 = arith.constant 0 : index
      %get3A_370 = tpu.vector_load %arg5[%get3A_367, %get3A_368, %get3A_369] {strides = array<i32>} : memref<61x2x128xi32, #tpu.memory_space<vmem>>, vector<1x1x16xi32>,
      %get3A_371 = vector.shape_cast %get3A_370 : vector<1x1x16xi32> to vector<16xi32>
      %add3A_372 = arith.constant 0 : i32
      %add3A_373 = arith.addi %mul3A_366, %add3A_372 : i32
      %swap3A = arith.index_cast %add3A_373 : i32 to index
      %swap3A_374 = tpu.vector_load %arg6[%swap3A] {strides = array<i32>} : memref<15616xi32, #tpu.memory_space<vmem>>, vector<16xi32>,
      %swap3A_375 = vector.shape_cast %swap3A_374 : vector<16xi32> to vector<16xi32>
      %swap3A_376 = vector.shape_cast %get3A_371 : vector<16xi32> to vector<16xi32>
      tpu.vector_store %arg6[%swap3A], %swap3A_376 {strides = array<i32>} : memref<15616xi32, #tpu.memory_space<vmem>>, vector<16xi32>,
      %get3A_377 = arith.constant 1 : i32
      %get3A_378 = arith.index_cast %scan3A_363 : i32 to index
      %get3A_379 = arith.index_cast %get3A_377 : i32 to index
      %get3A_380 = arith.constant 0 : index
      %get3A_381 = tpu.vector_load %arg5[%get3A_378, %get3A_379, %get3A_380] {strides = array<i32>} : memref<61x2x128xi32, #tpu.memory_space<vmem>>, vector<1x1x16xi32>,
      %get3A_382 = vector.shape_cast %get3A_381 : vector<1x1x16xi32> to vector<16xi32>
      %add3A_383 = arith.constant 128 : i32
      %add3A_384 = arith.addi %mul3A_366, %add3A_383 : i32
      %add3A_385 = arith.constant 0 : i32
      %add3A_386 = arith.addi %add3A_384, %add3A_385 : i32
      %swap3A_387 = arith.index_cast %add3A_386 : i32 to index
      %swap3A_388 = tpu.vector_load %arg6[%swap3A_387] {strides = array<i32>} : memref<15616xi32, #tpu.memory_space<vmem>>, vector<16xi32>,
      %swap3A_389 = vector.shape_cast %swap3A_388 : vector<16xi32> to vector<16xi32>
      %swap3A_390 = vector.shape_cast %get3A_382 : vector<16xi32> to vector<16xi32>
      tpu.vector_store %arg6[%swap3A_387], %swap3A_390 {strides = array<i32>} : memref<15616xi32, #tpu.memory_space<vmem>>, vector<16xi32>,
      %get3A_391 = arith.constant 0 : i32
      %get3A_392 = arith.index_cast %scan3A_363 : i32 to index
      %get3A_393 = arith.index_cast %get3A_391 : i32 to index
      %get3A_394 = arith.constant 16 : index
      %get3A_395 = tpu.vector_load %arg5[%get3A_392, %get3A_393, %get3A_394] {strides = array<i32>} : memref<61x2x128xi32, #tpu.memory_space<vmem>>, vector<1x1x16xi32>,
      %get3A_396 = vector.shape_cast %get3A_395 : vector<1x1x16xi32> to vector<16xi32>
      %add3A_397 = arith.constant 16 : i32
      %add3A_398 = arith.addi %mul3A_366, %add3A_397 : i32
      %swap3A_399 = arith.index_cast %add3A_398 : i32 to index
      %swap3A_400 = tpu.vector_load %arg6[%swap3A_399] {strides = array<i32>} : memref<15616xi32, #tpu.memory_space<vmem>>, vector<16xi32>,
      %swap3A_401 = vector.shape_cast %swap3A_400 : vector<16xi32> to vector<16xi32>
      %swap3A_402 = vector.shape_cast %get3A_396 : vector<16xi32> to vector<16xi32>
      tpu.vector_store %arg6[%swap3A_399], %swap3A_402 {strides = array<i32>} : memref<15616xi32, #tpu.memory_space<vmem>>, vector<16xi32>,
      %get3A_403 = arith.constant 1 : i32
      %get3A_404 = arith.index_cast %scan3A_363 : i32 to index
      %get3A_405 = arith.index_cast %get3A_403 : i32 to index
      %get3A_406 = arith.constant 16 : index
      %get3A_407 = tpu.vector_load %arg5[%get3A_404, %get3A_405, %get3A_406] {strides = array<i32>} : memref<61x2x128xi32, #tpu.memory_space<vmem>>, vector<1x1x16xi32>,
      %get3A_408 = vector.shape_cast %get3A_407 : vector<1x1x16xi32> to vector<16xi32>
      %add3A_409 = arith.constant 128 : i32
      %add3A_410 = arith.addi %mul3A_366, %add3A_409 : i32
      %add3A_411 = arith.constant 16 : i32
      %add3A_412 = arith.addi %add3A_410, %add3A_411 : i32
      %swap3A_413 = arith.index_cast %add3A_412 : i32 to index
      %swap3A_414 = tpu.vector_load %arg6[%swap3A_413] {strides = array<i32>} : memref<15616xi32, #tpu.memory_space<vmem>>, vector<16xi32>,
      %swap3A_415 = vector.shape_cast %swap3A_414 : vector<16xi32> to vector<16xi32>
      %swap3A_416 = vector.shape_cast %get3A_408 : vector<16xi32> to vector<16xi32>
      tpu.vector_store %arg6[%swap3A_413], %swap3A_416 {strides = array<i32>} : memref<15616xi32, #tpu.memory_space<vmem>>, vector<16xi32>,
      %get3A_417 = arith.constant 0 : i32
      %get3A_418 = arith.index_cast %scan3A_363 : i32 to index
      %get3A_419 = arith.index_cast %get3A_417 : i32 to index
      %get3A_420 = arith.constant 32 : index
      %get3A_421 = tpu.vector_load %arg5[%get3A_418, %get3A_419, %get3A_420] {strides = array<i32>} : memref<61x2x128xi32, #tpu.memory_space<vmem>>, vector<1x1x16xi32>,
      %get3A_422 = vector.shape_cast %get3A_421 : vector<1x1x16xi32> to vector<16xi32>
      %add3A_423 = arith.constant 32 : i32
      %add3A_424 = arith.addi %mul3A_366, %add3A_423 : i32
      %swap3A_425 = arith.index_cast %add3A_424 : i32 to index
      %swap3A_426 = tpu.vector_load %arg6[%swap3A_425] {strides = array<i32>} : memref<15616xi32, #tpu.memory_space<vmem>>, vector<16xi32>,
      %swap3A_427 = vector.shape_cast %swap3A_426 : vector<16xi32> to vector<16xi32>
      %swap3A_428 = vector.shape_cast %get3A_422 : vector<16xi32> to vector<16xi32>
      tpu.vector_store %arg6[%swap3A_425], %swap3A_428 {strides = array<i32>} : memref<15616xi32, #tpu.memory_space<vmem>>, vector<16xi32>,
      %get3A_429 = arith.constant 1 : i32
      %get3A_430 = arith.index_cast %scan3A_363 : i32 to index
      %get3A_431 = arith.index_cast %get3A_429 : i32 to index
      %get3A_432 = arith.constant 32 : index
      %get3A_433 = tpu.vector_load %arg5[%get3A_430, %get3A_431, %get3A_432] {strides = array<i32>} : memref<61x2x128xi32, #tpu.memory_space<vmem>>, vector<1x1x16xi32>,
      %get3A_434 = vector.shape_cast %get3A_433 : vector<1x1x16xi32> to vector<16xi32>
      %add3A_435 = arith.constant 128 : i32
      %add3A_436 = arith.addi %mul3A_366, %add3A_435 : i32
      %add3A_437 = arith.constant 32 : i32
      %add3A_438 = arith.addi %add3A_436, %add3A_437 : i32
      %swap3A_439 = arith.index_cast %add3A_438 : i32 to index
      %swap3A_440 = tpu.vector_load %arg6[%swap3A_439] {strides = array<i32>} : memref<15616xi32, #tpu.memory_space<vmem>>, vector<16xi32>,
      %swap3A_441 = vector.shape_cast %swap3A_440 : vector<16xi32> to vector<16xi32>
      %swap3A_442 = vector.shape_cast %get3A_434 : vector<16xi32> to vector<16xi32>
      tpu.vector_store %arg6[%swap3A_439], %swap3A_442 {strides = array<i32>} : memref<15616xi32, #tpu.memory_space<vmem>>, vector<16xi32>,
      %get3A_443 = arith.constant 0 : i32
      %get3A_444 = arith.index_cast %scan3A_363 : i32 to index
      %get3A_445 = arith.index_cast %get3A_443 : i32 to index
      %get3A_446 = arith.constant 48 : index
      %get3A_447 = tpu.vector_load %arg5[%get3A_444, %get3A_445, %get3A_446] {strides = array<i32>} : memref<61x2x128xi32, #tpu.memory_space<vmem>>, vector<1x1x16xi32>,
      %get3A_448 = vector.shape_cast %get3A_447 : vector<1x1x16xi32> to vector<16xi32>
      %add3A_449 = arith.constant 48 : i32
      %add3A_450 = arith.addi %mul3A_366, %add3A_449 : i32
      %swap3A_451 = arith.index_cast %add3A_450 : i32 to index
      %swap3A_452 = tpu.vector_load %arg6[%swap3A_451] {strides = array<i32>} : memref<15616xi32, #tpu.memory_space<vmem>>, vector<16xi32>,
      %swap3A_453 = vector.shape_cast %swap3A_452 : vector<16xi32> to vector<16xi32>
      %swap3A_454 = vector.shape_cast %get3A_448 : vector<16xi32> to vector<16xi32>
      tpu.vector_store %arg6[%swap3A_451], %swap3A_454 {strides = array<i32>} : memref<15616xi32, #tpu.memory_space<vmem>>, vector<16xi32>,
      %get3A_455 = arith.constant 1 : i32
      %get3A_456 = arith.index_cast %scan3A_363 : i32 to index
      %get3A_457 = arith.index_cast %get3A_455 : i32 to index
      %get3A_458 = arith.constant 48 : index
      %get3A_459 = tpu.vector_load %arg5[%get3A_456, %get3A_457, %get3A_458] {strides = array<i32>} : memref<61x2x128xi32, #tpu.memory_space<vmem>>, vector<1x1x16xi32>,
      %get3A_460 = vector.shape_cast %get3A_459 : vector<1x1x16xi32> to vector<16xi32>
      %add3A_461 = arith.constant 128 : i32
      %add3A_462 = arith.addi %mul3A_366, %add3A_461 : i32
      %add3A_463 = arith.constant 48 : i32
      %add3A_464 = arith.addi %add3A_462, %add3A_463 : i32
      %swap3A_465 = arith.index_cast %add3A_464 : i32 to index
      %swap3A_466 = tpu.vector_load %arg6[%swap3A_465] {strides = array<i32>} : memref<15616xi32, #tpu.memory_space<vmem>>, vector<16xi32>,
      %swap3A_467 = vector.shape_cast %swap3A_466 : vector<16xi32> to vector<16xi32>
      %swap3A_468 = vector.shape_cast %get3A_460 : vector<16xi32> to vector<16xi32>
      tpu.vector_store %arg6[%swap3A_465], %swap3A_468 {strides = array<i32>} : memref<15616xi32, #tpu.memory_space<vmem>>, vector<16xi32>,
      %get3A_469 = arith.constant 0 : i32
      %get3A_470 = arith.index_cast %scan3A_363 : i32 to index
      %get3A_471 = arith.index_cast %get3A_469 : i32 to index
      %get3A_472 = arith.constant 64 : index
      %get3A_473 = tpu.vector_load %arg5[%get3A_470, %get3A_471, %get3A_472] {strides = array<i32>} : memref<61x2x128xi32, #tpu.memory_space<vmem>>, vector<1x1x16xi32>,
      %get3A_474 = vector.shape_cast %get3A_473 : vector<1x1x16xi32> to vector<16xi32>
      %add3A_475 = arith.constant 64 : i32
      %add3A_476 = arith.addi %mul3A_366, %add3A_475 : i32
      %swap3A_477 = arith.index_cast %add3A_476 : i32 to index
      %swap3A_478 = tpu.vector_load %arg6[%swap3A_477] {strides = array<i32>} : memref<15616xi32, #tpu.memory_space<vmem>>, vector<16xi32>,
      %swap3A_479 = vector.shape_cast %swap3A_478 : vector<16xi32> to vector<16xi32>
      %swap3A_480 = vector.shape_cast %get3A_474 : vector<16xi32> to vector<16xi32>
      tpu.vector_store %arg6[%swap3A_477], %swap3A_480 {strides = array<i32>} : memref<15616xi32, #tpu.memory_space<vmem>>, vector<16xi32>,
      %get3A_481 = arith.constant 1 : i32
      %get3A_482 = arith.index_cast %scan3A_363 : i32 to index
      %get3A_483 = arith.index_cast %get3A_481 : i32 to index
      %get3A_484 = arith.constant 64 : index
      %get3A_485 = tpu.vector_load %arg5[%get3A_482, %get3A_483, %get3A_484] {strides = array<i32>} : memref<61x2x128xi32, #tpu.memory_space<vmem>>, vector<1x1x16xi32>,
      %get3A_486 = vector.shape_cast %get3A_485 : vector<1x1x16xi32> to vector<16xi32>
      %add3A_487 = arith.constant 128 : i32
      %add3A_488 = arith.addi %mul3A_366, %add3A_487 : i32
      %add3A_489 = arith.constant 64 : i32
      %add3A_490 = arith.addi %add3A_488, %add3A_489 : i32
      %swap3A_491 = arith.index_cast %add3A_490 : i32 to index
      %swap3A_492 = tpu.vector_load %arg6[%swap3A_491] {strides = array<i32>} : memref<15616xi32, #tpu.memory_space<vmem>>, vector<16xi32>,
      %swap3A_493 = vector.shape_cast %swap3A_492 : vector<16xi32> to vector<16xi32>
      %swap3A_494 = vector.shape_cast %get3A_486 : vector<16xi32> to vector<16xi32>
      tpu.vector_store %arg6[%swap3A_491], %swap3A_494 {strides = array<i32>} : memref<15616xi32, #tpu.memory_space<vmem>>, vector<16xi32>,
      %get3A_495 = arith.constant 0 : i32
      %get3A_496 = arith.index_cast %scan3A_363 : i32 to index
      %get3A_497 = arith.index_cast %get3A_495 : i32 to index
      %get3A_498 = arith.constant 80 : index
      %get3A_499 = tpu.vector_load %arg5[%get3A_496, %get3A_497, %get3A_498] {strides = array<i32>} : memref<61x2x128xi32, #tpu.memory_space<vmem>>, vector<1x1x16xi32>,
      %get3A_500 = vector.shape_cast %get3A_499 : vector<1x1x16xi32> to vector<16xi32>
      %add3A_501 = arith.constant 80 : i32
      %add3A_502 = arith.addi %mul3A_366, %add3A_501 : i32
      %swap3A_503 = arith.index_cast %add3A_502 : i32 to index
      %swap3A_504 = tpu.vector_load %arg6[%swap3A_503] {strides = array<i32>} : memref<15616xi32, #tpu.memory_space<vmem>>, vector<16xi32>,
      %swap3A_505 = vector.shape_cast %swap3A_504 : vector<16xi32> to vector<16xi32>
      %swap3A_506 = vector.shape_cast %get3A_500 : vector<16xi32> to vector<16xi32>
      tpu.vector_store %arg6[%swap3A_503], %swap3A_506 {strides = array<i32>} : memref<15616xi32, #tpu.memory_space<vmem>>, vector<16xi32>,
      %get3A_507 = arith.constant 1 : i32
      %get3A_508 = arith.index_cast %scan3A_363 : i32 to index
      %get3A_509 = arith.index_cast %get3A_507 : i32 to index
      %get3A_510 = arith.constant 80 : index
      %get3A_511 = tpu.vector_load %arg5[%get3A_508, %get3A_509, %get3A_510] {strides = array<i32>} : memref<61x2x128xi32, #tpu.memory_space<vmem>>, vector<1x1x16xi32>,
      %get3A_512 = vector.shape_cast %get3A_511 : vector<1x1x16xi32> to vector<16xi32>
      %add3A_513 = arith.constant 128 : i32
      %add3A_514 = arith.addi %mul3A_366, %add3A_513 : i32
      %add3A_515 = arith.constant 80 : i32
      %add3A_516 = arith.addi %add3A_514, %add3A_515 : i32
      %swap3A_517 = arith.index_cast %add3A_516 : i32 to index
      %swap3A_518 = tpu.vector_load %arg6[%swap3A_517] {strides = array<i32>} : memref<15616xi32, #tpu.memory_space<vmem>>, vector<16xi32>,
      %swap3A_519 = vector.shape_cast %swap3A_518 : vector<16xi32> to vector<16xi32>
      %swap3A_520 = vector.shape_cast %get3A_512 : vector<16xi32> to vector<16xi32>
      tpu.vector_store %arg6[%swap3A_517], %swap3A_520 {strides = array<i32>} : memref<15616xi32, #tpu.memory_space<vmem>>, vector<16xi32>,
      %get3A_521 = arith.constant 0 : i32
      %get3A_522 = arith.index_cast %scan3A_363 : i32 to index
      %get3A_523 = arith.index_cast %get3A_521 : i32 to index
      %get3A_524 = arith.constant 96 : index
      %get3A_525 = tpu.vector_load %arg5[%get3A_522, %get3A_523, %get3A_524] {strides = array<i32>} : memref<61x2x128xi32, #tpu.memory_space<vmem>>, vector<1x1x16xi32>,
      %get3A_526 = vector.shape_cast %get3A_525 : vector<1x1x16xi32> to vector<16xi32>
      %add3A_527 = arith.constant 96 : i32
      %add3A_528 = arith.addi %mul3A_366, %add3A_527 : i32
      %swap3A_529 = arith.index_cast %add3A_528 : i32 to index
      %swap3A_530 = tpu.vector_load %arg6[%swap3A_529] {strides = array<i32>} : memref<15616xi32, #tpu.memory_space<vmem>>, vector<16xi32>,
      %swap3A_531 = vector.shape_cast %swap3A_530 : vector<16xi32> to vector<16xi32>
      %swap3A_532 = vector.shape_cast %get3A_526 : vector<16xi32> to vector<16xi32>
      tpu.vector_store %arg6[%swap3A_529], %swap3A_532 {strides = array<i32>} : memref<15616xi32, #tpu.memory_space<vmem>>, vector<16xi32>,
      %get3A_533 = arith.constant 1 : i32
      %get3A_534 = arith.index_cast %scan3A_363 : i32 to index
      %get3A_535 = arith.index_cast %get3A_533 : i32 to index
      %get3A_536 = arith.constant 96 : index
      %get3A_537 = tpu.vector_load %arg5[%get3A_534, %get3A_535, %get3A_536] {strides = array<i32>} : memref<61x2x128xi32, #tpu.memory_space<vmem>>, vector<1x1x16xi32>,
      %get3A_538 = vector.shape_cast %get3A_537 : vector<1x1x16xi32> to vector<16xi32>
      %add3A_539 = arith.constant 128 : i32
      %add3A_540 = arith.addi %mul3A_366, %add3A_539 : i32
      %add3A_541 = arith.constant 96 : i32
      %add3A_542 = arith.addi %add3A_540, %add3A_541 : i32
      %swap3A_543 = arith.index_cast %add3A_542 : i32 to index
      %swap3A_544 = tpu.vector_load %arg6[%swap3A_543] {strides = array<i32>} : memref<15616xi32, #tpu.memory_space<vmem>>, vector<16xi32>,
      %swap3A_545 = vector.shape_cast %swap3A_544 : vector<16xi32> to vector<16xi32>
      %swap3A_546 = vector.shape_cast %get3A_538 : vector<16xi32> to vector<16xi32>
      tpu.vector_store %arg6[%swap3A_543], %swap3A_546 {strides = array<i32>} : memref<15616xi32, #tpu.memory_space<vmem>>, vector<16xi32>,
      %get3A_547 = arith.constant 0 : i32
      %get3A_548 = arith.index_cast %scan3A_363 : i32 to index
      %get3A_549 = arith.index_cast %get3A_547 : i32 to index
      %get3A_550 = arith.constant 112 : index
      %get3A_551 = tpu.vector_load %arg5[%get3A_548, %get3A_549, %get3A_550] {strides = array<i32>} : memref<61x2x128xi32, #tpu.memory_space<vmem>>, vector<1x1x16xi32>,
      %get3A_552 = vector.shape_cast %get3A_551 : vector<1x1x16xi32> to vector<16xi32>
      %add3A_553 = arith.constant 112 : i32
      %add3A_554 = arith.addi %mul3A_366, %add3A_553 : i32
      %swap3A_555 = arith.index_cast %add3A_554 : i32 to index
      %swap3A_556 = tpu.vector_load %arg6[%swap3A_555] {strides = array<i32>} : memref<15616xi32, #tpu.memory_space<vmem>>, vector<16xi32>,
      %swap3A_557 = vector.shape_cast %swap3A_556 : vector<16xi32> to vector<16xi32>
      %swap3A_558 = vector.shape_cast %get3A_552 : vector<16xi32> to vector<16xi32>
      tpu.vector_store %arg6[%swap3A_555], %swap3A_558 {strides = array<i32>} : memref<15616xi32, #tpu.memory_space<vmem>>, vector<16xi32>,
      %get3A_559 = arith.constant 1 : i32
      %get3A_560 = arith.index_cast %scan3A_363 : i32 to index
      %get3A_561 = arith.index_cast %get3A_559 : i32 to index
      %get3A_562 = arith.constant 112 : index
      %get3A_563 = tpu.vector_load %arg5[%get3A_560, %get3A_561, %get3A_562] {strides = array<i32>} : memref<61x2x128xi32, #tpu.memory_space<vmem>>, vector<1x1x16xi32>,
      %get3A_564 = vector.shape_cast %get3A_563 : vector<1x1x16xi32> to vector<16xi32>
      %add3A_565 = arith.constant 128 : i32
      %add3A_566 = arith.addi %mul3A_366, %add3A_565 : i32
      %add3A_567 = arith.constant 112 : i32
      %add3A_568 = arith.addi %add3A_566, %add3A_567 : i32
      %swap3A_569 = arith.index_cast %add3A_568 : i32 to index
      %swap3A_570 = tpu.vector_load %arg6[%swap3A_569] {strides = array<i32>} : memref<15616xi32, #tpu.memory_space<vmem>>, vector<16xi32>,
      %swap3A_571 = vector.shape_cast %swap3A_570 : vector<16xi32> to vector<16xi32>
      %swap3A_572 = vector.shape_cast %get3A_564 : vector<16xi32> to vector<16xi32>
      tpu.vector_store %arg6[%swap3A_569], %swap3A_572 {strides = array<i32>} : memref<15616xi32, #tpu.memory_space<vmem>>, vector<16xi32>,
      %scan3A_573 = arith.constant 0 : i32
      scf.yield %scan3A_573 : i32
    }
    %scan3A_206 = arith.constant 61 : i32
    %add3A_207 = arith.constant 244 : i32
    %add3A_208 = arith.addi %mul3A_2, %add3A_207 : i32
    %dma_start3A_209 = arith.constant 0 : i32
    %dma_start3A_210 = arith.constant 0 : i32
    %dma_start3A_211 = tpu.memref_slice %arg2[%add3A_208, %dma_start3A_209, %dma_start3A_210] : memref<15625x2x128xi32, #tpu.memory_space<hbm>> -> memref<61x2x128xi32, #tpu.memory_space<hbm>>
    %dma_start3A_212 = arith.constant 0 : i32
    %dma_start3A_213 = arith.constant 0 : i32
    %dma_start3A_214 = tpu.memref_slice %arg2[%add3A_208, %dma_start3A_212, %dma_start3A_213] : memref<15625x2x128xi32, #tpu.memory_space<hbm>> -> memref<61x2x128xi32, #tpu.memory_space<hbm>>
    tpu.enqueue_dma source(%dma_start3A_214 : memref<61x2x128xi32, #tpu.memory_space<hbm>>) target(%arg5 : memref<61x2x128xi32, #tpu.memory_space<vmem>>) target_semaphore(%arg11 : memref<!tpu.dma_semaphore, #tpu.memory_space<semaphore_mem>>)
    %dma_start3A_215 = arith.constant 0 : i32
    %dma_start3A_216 = tpu.memref_slice %arg10[%dma_start3A_215] : memref<1000000xf32, #tpu.memory_space<vmem_shared>> -> memref<1000000xf32, #tpu.memory_space<vmem_shared>>
    tpu.enqueue_indirect_dma source(%dma_start3A_216 : memref<1000000xf32, #tpu.memory_space<vmem_shared>>) target(%arg8 : memref<15616xf32, #tpu.memory_space<vmem>>) offsets(%arg6 : memref<15616xi32, #tpu.memory_space<vmem>>) semaphore(%arg13 : memref<!tpu.dma_semaphore, #tpu.memory_space<semaphore_mem>>)
    %scan3A_217 = arith.constant 0 : i32
    %scan3A_218 = arith.constant 61 : i32
    %scan3A_219 = arith.addi %scan3A_217, %scan3A_218 : i32
    %scan3A_220 = arith.constant 1 : i32
    %scan3A_221 = scf.for %scan3A_363 = %scan3A_217 to %scan3A_219 step %scan3A_220 iter_args(%scan3A_364 = %scan3A_188) -> (vector<16xf32>)  : i32 {
      %mul3A_365 = arith.constant 256 : i32
      %mul3A_366 = arith.muli %scan3A_363, %mul3A_365 : i32
      %add3A_367 = arith.constant 0 : i32
      %add3A_368 = arith.addi %mul3A_366, %add3A_367 : i32
      %get3A = arith.index_cast %add3A_368 : i32 to index
      %get3A_369 = tpu.vector_load %arg7[%get3A] {strides = array<i32>} : memref<15616xf32, #tpu.memory_space<vmem>>, vector<16xf32>,
      %get3A_370 = vector.shape_cast %get3A_369 : vector<16xf32> to vector<16xf32>
      %add3A_371 = arith.constant 128 : i32
      %add3A_372 = arith.addi %mul3A_366, %add3A_371 : i32
      %add3A_373 = arith.constant 0 : i32
      %add3A_374 = arith.addi %add3A_372, %add3A_373 : i32
      %get3A_375 = arith.index_cast %add3A_374 : i32 to index
      %get3A_376 = tpu.vector_load %arg7[%get3A_375] {strides = array<i32>} : memref<15616xf32, #tpu.memory_space<vmem>>, vector<16xf32>,
      %get3A_377 = vector.shape_cast %get3A_376 : vector<16xf32> to vector<16xf32>
      %sub3A = arith.constant 1.000000e+00 : f32
      %sub3A_378 = vector.broadcast %sub3A : f32 to vector<16xf32>
      %sub3A_379 = arith.subf %sub3A_378, %get3A_370 : vector<16xf32>
      %add3A_380 = arith.addf %sub3A_379, %get3A_377 : vector<16xf32>
      %max3A = arith.constant 0.000000e+00 : f32
      %max3A_381 = vector.broadcast %max3A : f32 to vector<16xf32>
      %max3A_382 = arith.maximumf %add3A_380, %max3A_381 : vector<16xf32>
      %add3A_383 = arith.addf %scan3A_364, %max3A_382 : vector<16xf32>
      %add3A_384 = arith.constant 16 : i32
      %add3A_385 = arith.addi %mul3A_366, %add3A_384 : i32
      %get3A_386 = arith.index_cast %add3A_385 : i32 to index
      %get3A_387 = tpu.vector_load %arg7[%get3A_386] {strides = array<i32>} : memref<15616xf32, #tpu.memory_space<vmem>>, vector<16xf32>,
      %get3A_388 = vector.shape_cast %get3A_387 : vector<16xf32> to vector<16xf32>
      %add3A_389 = arith.constant 128 : i32
      %add3A_390 = arith.addi %mul3A_366, %add3A_389 : i32
      %add3A_391 = arith.constant 16 : i32
      %add3A_392 = arith.addi %add3A_390, %add3A_391 : i32
      %get3A_393 = arith.index_cast %add3A_392 : i32 to index
      %get3A_394 = tpu.vector_load %arg7[%get3A_393] {strides = array<i32>} : memref<15616xf32, #tpu.memory_space<vmem>>, vector<16xf32>,
      %get3A_395 = vector.shape_cast %get3A_394 : vector<16xf32> to vector<16xf32>
      %sub3A_396 = arith.constant 1.000000e+00 : f32
      %sub3A_397 = vector.broadcast %sub3A_396 : f32 to vector<16xf32>
      %sub3A_398 = arith.subf %sub3A_397, %get3A_388 : vector<16xf32>
      %add3A_399 = arith.addf %sub3A_398, %get3A_395 : vector<16xf32>
      %max3A_400 = arith.constant 0.000000e+00 : f32
      %max3A_401 = vector.broadcast %max3A_400 : f32 to vector<16xf32>
      %max3A_402 = arith.maximumf %add3A_399, %max3A_401 : vector<16xf32>
      %add3A_403 = arith.addf %add3A_383, %max3A_402 : vector<16xf32>
      %add3A_404 = arith.constant 32 : i32
      %add3A_405 = arith.addi %mul3A_366, %add3A_404 : i32
      %get3A_406 = arith.index_cast %add3A_405 : i32 to index
      %get3A_407 = tpu.vector_load %arg7[%get3A_406] {strides = array<i32>} : memref<15616xf32, #tpu.memory_space<vmem>>, vector<16xf32>,
      %get3A_408 = vector.shape_cast %get3A_407 : vector<16xf32> to vector<16xf32>
      %add3A_409 = arith.constant 128 : i32
      %add3A_410 = arith.addi %mul3A_366, %add3A_409 : i32
      %add3A_411 = arith.constant 32 : i32
      %add3A_412 = arith.addi %add3A_410, %add3A_411 : i32
      %get3A_413 = arith.index_cast %add3A_412 : i32 to index
      %get3A_414 = tpu.vector_load %arg7[%get3A_413] {strides = array<i32>} : memref<15616xf32, #tpu.memory_space<vmem>>, vector<16xf32>,
      %get3A_415 = vector.shape_cast %get3A_414 : vector<16xf32> to vector<16xf32>
      %sub3A_416 = arith.constant 1.000000e+00 : f32
      %sub3A_417 = vector.broadcast %sub3A_416 : f32 to vector<16xf32>
      %sub3A_418 = arith.subf %sub3A_417, %get3A_408 : vector<16xf32>
      %add3A_419 = arith.addf %sub3A_418, %get3A_415 : vector<16xf32>
      %max3A_420 = arith.constant 0.000000e+00 : f32
      %max3A_421 = vector.broadcast %max3A_420 : f32 to vector<16xf32>
      %max3A_422 = arith.maximumf %add3A_419, %max3A_421 : vector<16xf32>
      %add3A_423 = arith.addf %add3A_403, %max3A_422 : vector<16xf32>
      %add3A_424 = arith.constant 48 : i32
      %add3A_425 = arith.addi %mul3A_366, %add3A_424 : i32
      %get3A_426 = arith.index_cast %add3A_425 : i32 to index
      %get3A_427 = tpu.vector_load %arg7[%get3A_426] {strides = array<i32>} : memref<15616xf32, #tpu.memory_space<vmem>>, vector<16xf32>,
      %get3A_428 = vector.shape_cast %get3A_427 : vector<16xf32> to vector<16xf32>
      %add3A_429 = arith.constant 128 : i32
      %add3A_430 = arith.addi %mul3A_366, %add3A_429 : i32
      %add3A_431 = arith.constant 48 : i32
      %add3A_432 = arith.addi %add3A_430, %add3A_431 : i32
      %get3A_433 = arith.index_cast %add3A_432 : i32 to index
      %get3A_434 = tpu.vector_load %arg7[%get3A_433] {strides = array<i32>} : memref<15616xf32, #tpu.memory_space<vmem>>, vector<16xf32>,
      %get3A_435 = vector.shape_cast %get3A_434 : vector<16xf32> to vector<16xf32>
      %sub3A_436 = arith.constant 1.000000e+00 : f32
      %sub3A_437 = vector.broadcast %sub3A_436 : f32 to vector<16xf32>
      %sub3A_438 = arith.subf %sub3A_437, %get3A_428 : vector<16xf32>
      %add3A_439 = arith.addf %sub3A_438, %get3A_435 : vector<16xf32>
      %max3A_440 = arith.constant 0.000000e+00 : f32
      %max3A_441 = vector.broadcast %max3A_440 : f32 to vector<16xf32>
      %max3A_442 = arith.maximumf %add3A_439, %max3A_441 : vector<16xf32>
      %add3A_443 = arith.addf %add3A_423, %max3A_442 : vector<16xf32>
      %add3A_444 = arith.constant 64 : i32
      %add3A_445 = arith.addi %mul3A_366, %add3A_444 : i32
      %get3A_446 = arith.index_cast %add3A_445 : i32 to index
      %get3A_447 = tpu.vector_load %arg7[%get3A_446] {strides = array<i32>} : memref<15616xf32, #tpu.memory_space<vmem>>, vector<16xf32>,
      %get3A_448 = vector.shape_cast %get3A_447 : vector<16xf32> to vector<16xf32>
      %add3A_449 = arith.constant 128 : i32
      %add3A_450 = arith.addi %mul3A_366, %add3A_449 : i32
      %add3A_451 = arith.constant 64 : i32
      %add3A_452 = arith.addi %add3A_450, %add3A_451 : i32
      %get3A_453 = arith.index_cast %add3A_452 : i32 to index
      %get3A_454 = tpu.vector_load %arg7[%get3A_453] {strides = array<i32>} : memref<15616xf32, #tpu.memory_space<vmem>>, vector<16xf32>,
      %get3A_455 = vector.shape_cast %get3A_454 : vector<16xf32> to vector<16xf32>
      %sub3A_456 = arith.constant 1.000000e+00 : f32
      %sub3A_457 = vector.broadcast %sub3A_456 : f32 to vector<16xf32>
      %sub3A_458 = arith.subf %sub3A_457, %get3A_448 : vector<16xf32>
      %add3A_459 = arith.addf %sub3A_458, %get3A_455 : vector<16xf32>
      %max3A_460 = arith.constant 0.000000e+00 : f32
      %max3A_461 = vector.broadcast %max3A_460 : f32 to vector<16xf32>
      %max3A_462 = arith.maximumf %add3A_459, %max3A_461 : vector<16xf32>
      %add3A_463 = arith.addf %add3A_443, %max3A_462 : vector<16xf32>
      %add3A_464 = arith.constant 80 : i32
      %add3A_465 = arith.addi %mul3A_366, %add3A_464 : i32
      %get3A_466 = arith.index_cast %add3A_465 : i32 to index
      %get3A_467 = tpu.vector_load %arg7[%get3A_466] {strides = array<i32>} : memref<15616xf32, #tpu.memory_space<vmem>>, vector<16xf32>,
      %get3A_468 = vector.shape_cast %get3A_467 : vector<16xf32> to vector<16xf32>
      %add3A_469 = arith.constant 128 : i32
      %add3A_470 = arith.addi %mul3A_366, %add3A_469 : i32
      %add3A_471 = arith.constant 80 : i32
      %add3A_472 = arith.addi %add3A_470, %add3A_471 : i32
      %get3A_473 = arith.index_cast %add3A_472 : i32 to index
      %get3A_474 = tpu.vector_load %arg7[%get3A_473] {strides = array<i32>} : memref<15616xf32, #tpu.memory_space<vmem>>, vector<16xf32>,
      %get3A_475 = vector.shape_cast %get3A_474 : vector<16xf32> to vector<16xf32>
      %sub3A_476 = arith.constant 1.000000e+00 : f32
      %sub3A_477 = vector.broadcast %sub3A_476 : f32 to vector<16xf32>
      %sub3A_478 = arith.subf %sub3A_477, %get3A_468 : vector<16xf32>
      %add3A_479 = arith.addf %sub3A_478, %get3A_475 : vector<16xf32>
      %max3A_480 = arith.constant 0.000000e+00 : f32
      %max3A_481 = vector.broadcast %max3A_480 : f32 to vector<16xf32>
      %max3A_482 = arith.maximumf %add3A_479, %max3A_481 : vector<16xf32>
      %add3A_483 = arith.addf %add3A_463, %max3A_482 : vector<16xf32>
      %add3A_484 = arith.constant 96 : i32
      %add3A_485 = arith.addi %mul3A_366, %add3A_484 : i32
      %get3A_486 = arith.index_cast %add3A_485 : i32 to index
      %get3A_487 = tpu.vector_load %arg7[%get3A_486] {strides = array<i32>} : memref<15616xf32, #tpu.memory_space<vmem>>, vector<16xf32>,
      %get3A_488 = vector.shape_cast %get3A_487 : vector<16xf32> to vector<16xf32>
      %add3A_489 = arith.constant 128 : i32
      %add3A_490 = arith.addi %mul3A_366, %add3A_489 : i32
      %add3A_491 = arith.constant 96 : i32
      %add3A_492 = arith.addi %add3A_490, %add3A_491 : i32
      %get3A_493 = arith.index_cast %add3A_492 : i32 to index
      %get3A_494 = tpu.vector_load %arg7[%get3A_493] {strides = array<i32>} : memref<15616xf32, #tpu.memory_space<vmem>>, vector<16xf32>,
      %get3A_495 = vector.shape_cast %get3A_494 : vector<16xf32> to vector<16xf32>
      %sub3A_496 = arith.constant 1.000000e+00 : f32
      %sub3A_497 = vector.broadcast %sub3A_496 : f32 to vector<16xf32>
      %sub3A_498 = arith.subf %sub3A_497, %get3A_488 : vector<16xf32>
      %add3A_499 = arith.addf %sub3A_498, %get3A_495 : vector<16xf32>
      %max3A_500 = arith.constant 0.000000e+00 : f32
      %max3A_501 = vector.broadcast %max3A_500 : f32 to vector<16xf32>
      %max3A_502 = arith.maximumf %add3A_499, %max3A_501 : vector<16xf32>
      %add3A_503 = arith.addf %add3A_483, %max3A_502 : vector<16xf32>
      %add3A_504 = arith.constant 112 : i32
      %add3A_505 = arith.addi %mul3A_366, %add3A_504 : i32
      %get3A_506 = arith.index_cast %add3A_505 : i32 to index
      %get3A_507 = tpu.vector_load %arg7[%get3A_506] {strides = array<i32>} : memref<15616xf32, #tpu.memory_space<vmem>>, vector<16xf32>,
      %get3A_508 = vector.shape_cast %get3A_507 : vector<16xf32> to vector<16xf32>
      %add3A_509 = arith.constant 128 : i32
      %add3A_510 = arith.addi %mul3A_366, %add3A_509 : i32
      %add3A_511 = arith.constant 112 : i32
      %add3A_512 = arith.addi %add3A_510, %add3A_511 : i32
      %get3A_513 = arith.index_cast %add3A_512 : i32 to index
      %get3A_514 = tpu.vector_load %arg7[%get3A_513] {strides = array<i32>} : memref<15616xf32, #tpu.memory_space<vmem>>, vector<16xf32>,
      %get3A_515 = vector.shape_cast %get3A_514 : vector<16xf32> to vector<16xf32>
      %sub3A_516 = arith.constant 1.000000e+00 : f32
      %sub3A_517 = vector.broadcast %sub3A_516 : f32 to vector<16xf32>
      %sub3A_518 = arith.subf %sub3A_517, %get3A_508 : vector<16xf32>
      %add3A_519 = arith.addf %sub3A_518, %get3A_515 : vector<16xf32>
      %max3A_520 = arith.constant 0.000000e+00 : f32
      %max3A_521 = vector.broadcast %max3A_520 : f32 to vector<16xf32>
      %max3A_522 = arith.maximumf %add3A_519, %max3A_521 : vector<16xf32>
      %add3A_523 = arith.addf %add3A_503, %max3A_522 : vector<16xf32>
      scf.yield %add3A_523 : vector<16xf32>
    }
    %scan3A_222 = arith.constant 61 : i32
    %dma_wait3A_223 = arith.constant 0 : i32
    %dma_wait3A_224 = arith.constant 0 : i32
    %dma_wait3A_225 = arith.constant 0 : i32
    %dma_wait3A_226 = tpu.memref_slice %arg2[%dma_wait3A_223, %dma_wait3A_224, %dma_wait3A_225] : memref<15625x2x128xi32, #tpu.memory_space<hbm>> -> memref<61x2x128xi32, #tpu.memory_space<hbm>>
    %dma_wait3A_227 = arith.constant 0 : i32
    %dma_wait3A_228 = arith.constant 0 : i32
    %dma_wait3A_229 = arith.constant 0 : i32
    %dma_wait3A_230 = tpu.memref_slice %arg2[%dma_wait3A_227, %dma_wait3A_228, %dma_wait3A_229] : memref<15625x2x128xi32, #tpu.memory_space<hbm>> -> memref<61x2x128xi32, #tpu.memory_space<hbm>>
    tpu.wait_dma2 semaphore(%arg11 : memref<!tpu.dma_semaphore, #tpu.memory_space<semaphore_mem>>) src(%dma_wait3A_230 : memref<61x2x128xi32, #tpu.memory_space<hbm>>) dst(%arg5 : memref<61x2x128xi32, #tpu.memory_space<vmem>>)
    %dma_wait3A_231 = arith.constant 0 : i32
    %dma_wait3A_232 = tpu.memref_slice %arg10[%dma_wait3A_231] : memref<1000000xf32, #tpu.memory_space<vmem_shared>> -> memref<1000000xf32, #tpu.memory_space<vmem_shared>>
    tpu.wait_indirect_dma semaphore(%arg13 : memref<!tpu.dma_semaphore, #tpu.memory_space<semaphore_mem>>) src(%dma_wait3A_232 : memref<1000000xf32, #tpu.memory_space<vmem_shared>>) dst(%arg8 : memref<15616xf32, #tpu.memory_space<vmem>>)
    %scan3A_233 = arith.constant 0 : i32
    %scan3A_234 = arith.constant 0 : i32
    %scan3A_235 = arith.constant 61 : i32
    %scan3A_236 = arith.addi %scan3A_234, %scan3A_235 : i32
    %scan3A_237 = arith.constant 1 : i32
    %scan3A_238 = scf.for %scan3A_363 = %scan3A_234 to %scan3A_236 step %scan3A_237 iter_args(%scan3A_364 = %scan3A_233) -> (i32)  : i32 {
      %mul3A_365 = arith.constant 256 : i32
      %mul3A_366 = arith.muli %scan3A_363, %mul3A_365 : i32
      %get3A = arith.constant 0 : i32
      %get3A_367 = arith.index_cast %scan3A_363 : i32 to index
      %get3A_368 = arith.index_cast %get3A : i32 to index
      %get3A_369 = arith.constant 0 : index
      %get3A_370 = tpu.vector_load %arg5[%get3A_367, %get3A_368, %get3A_369] {strides = array<i32>} : memref<61x2x128xi32, #tpu.memory_space<vmem>>, vector<1x1x16xi32>,
      %get3A_371 = vector.shape_cast %get3A_370 : vector<1x1x16xi32> to vector<16xi32>
      %add3A_372 = arith.constant 0 : i32
      %add3A_373 = arith.addi %mul3A_366, %add3A_372 : i32
      %swap3A = arith.index_cast %add3A_373 : i32 to index
      %swap3A_374 = tpu.vector_load %arg6[%swap3A] {strides = array<i32>} : memref<15616xi32, #tpu.memory_space<vmem>>, vector<16xi32>,
      %swap3A_375 = vector.shape_cast %swap3A_374 : vector<16xi32> to vector<16xi32>
      %swap3A_376 = vector.shape_cast %get3A_371 : vector<16xi32> to vector<16xi32>
      tpu.vector_store %arg6[%swap3A], %swap3A_376 {strides = array<i32>} : memref<15616xi32, #tpu.memory_space<vmem>>, vector<16xi32>,
      %get3A_377 = arith.constant 1 : i32
      %get3A_378 = arith.index_cast %scan3A_363 : i32 to index
      %get3A_379 = arith.index_cast %get3A_377 : i32 to index
      %get3A_380 = arith.constant 0 : index
      %get3A_381 = tpu.vector_load %arg5[%get3A_378, %get3A_379, %get3A_380] {strides = array<i32>} : memref<61x2x128xi32, #tpu.memory_space<vmem>>, vector<1x1x16xi32>,
      %get3A_382 = vector.shape_cast %get3A_381 : vector<1x1x16xi32> to vector<16xi32>
      %add3A_383 = arith.constant 128 : i32
      %add3A_384 = arith.addi %mul3A_366, %add3A_383 : i32
      %add3A_385 = arith.constant 0 : i32
      %add3A_386 = arith.addi %add3A_384, %add3A_385 : i32
      %swap3A_387 = arith.index_cast %add3A_386 : i32 to index
      %swap3A_388 = tpu.vector_load %arg6[%swap3A_387] {strides = array<i32>} : memref<15616xi32, #tpu.memory_space<vmem>>, vector<16xi32>,
      %swap3A_389 = vector.shape_cast %swap3A_388 : vector<16xi32> to vector<16xi32>
      %swap3A_390 = vector.shape_cast %get3A_382 : vector<16xi32> to vector<16xi32>
      tpu.vector_store %arg6[%swap3A_387], %swap3A_390 {strides = array<i32>} : memref<15616xi32, #tpu.memory_space<vmem>>, vector<16xi32>,
      %get3A_391 = arith.constant 0 : i32
      %get3A_392 = arith.index_cast %scan3A_363 : i32 to index
      %get3A_393 = arith.index_cast %get3A_391 : i32 to index
      %get3A_394 = arith.constant 16 : index
      %get3A_395 = tpu.vector_load %arg5[%get3A_392, %get3A_393, %get3A_394] {strides = array<i32>} : memref<61x2x128xi32, #tpu.memory_space<vmem>>, vector<1x1x16xi32>,
      %get3A_396 = vector.shape_cast %get3A_395 : vector<1x1x16xi32> to vector<16xi32>
      %add3A_397 = arith.constant 16 : i32
      %add3A_398 = arith.addi %mul3A_366, %add3A_397 : i32
      %swap3A_399 = arith.index_cast %add3A_398 : i32 to index
      %swap3A_400 = tpu.vector_load %arg6[%swap3A_399] {strides = array<i32>} : memref<15616xi32, #tpu.memory_space<vmem>>, vector<16xi32>,
      %swap3A_401 = vector.shape_cast %swap3A_400 : vector<16xi32> to vector<16xi32>
      %swap3A_402 = vector.shape_cast %get3A_396 : vector<16xi32> to vector<16xi32>
      tpu.vector_store %arg6[%swap3A_399], %swap3A_402 {strides = array<i32>} : memref<15616xi32, #tpu.memory_space<vmem>>, vector<16xi32>,
      %get3A_403 = arith.constant 1 : i32
      %get3A_404 = arith.index_cast %scan3A_363 : i32 to index
      %get3A_405 = arith.index_cast %get3A_403 : i32 to index
      %get3A_406 = arith.constant 16 : index
      %get3A_407 = tpu.vector_load %arg5[%get3A_404, %get3A_405, %get3A_406] {strides = array<i32>} : memref<61x2x128xi32, #tpu.memory_space<vmem>>, vector<1x1x16xi32>,
      %get3A_408 = vector.shape_cast %get3A_407 : vector<1x1x16xi32> to vector<16xi32>
      %add3A_409 = arith.constant 128 : i32
      %add3A_410 = arith.addi %mul3A_366, %add3A_409 : i32
      %add3A_411 = arith.constant 16 : i32
      %add3A_412 = arith.addi %add3A_410, %add3A_411 : i32
      %swap3A_413 = arith.index_cast %add3A_412 : i32 to index
      %swap3A_414 = tpu.vector_load %arg6[%swap3A_413] {strides = array<i32>} : memref<15616xi32, #tpu.memory_space<vmem>>, vector<16xi32>,
      %swap3A_415 = vector.shape_cast %swap3A_414 : vector<16xi32> to vector<16xi32>
      %swap3A_416 = vector.shape_cast %get3A_408 : vector<16xi32> to vector<16xi32>
      tpu.vector_store %arg6[%swap3A_413], %swap3A_416 {strides = array<i32>} : memref<15616xi32, #tpu.memory_space<vmem>>, vector<16xi32>,
      %get3A_417 = arith.constant 0 : i32
      %get3A_418 = arith.index_cast %scan3A_363 : i32 to index
      %get3A_419 = arith.index_cast %get3A_417 : i32 to index
      %get3A_420 = arith.constant 32 : index
      %get3A_421 = tpu.vector_load %arg5[%get3A_418, %get3A_419, %get3A_420] {strides = array<i32>} : memref<61x2x128xi32, #tpu.memory_space<vmem>>, vector<1x1x16xi32>,
      %get3A_422 = vector.shape_cast %get3A_421 : vector<1x1x16xi32> to vector<16xi32>
      %add3A_423 = arith.constant 32 : i32
      %add3A_424 = arith.addi %mul3A_366, %add3A_423 : i32
      %swap3A_425 = arith.index_cast %add3A_424 : i32 to index
      %swap3A_426 = tpu.vector_load %arg6[%swap3A_425] {strides = array<i32>} : memref<15616xi32, #tpu.memory_space<vmem>>, vector<16xi32>,
      %swap3A_427 = vector.shape_cast %swap3A_426 : vector<16xi32> to vector<16xi32>
      %swap3A_428 = vector.shape_cast %get3A_422 : vector<16xi32> to vector<16xi32>
      tpu.vector_store %arg6[%swap3A_425], %swap3A_428 {strides = array<i32>} : memref<15616xi32, #tpu.memory_space<vmem>>, vector<16xi32>,
      %get3A_429 = arith.constant 1 : i32
      %get3A_430 = arith.index_cast %scan3A_363 : i32 to index
      %get3A_431 = arith.index_cast %get3A_429 : i32 to index
      %get3A_432 = arith.constant 32 : index
      %get3A_433 = tpu.vector_load %arg5[%get3A_430, %get3A_431, %get3A_432] {strides = array<i32>} : memref<61x2x128xi32, #tpu.memory_space<vmem>>, vector<1x1x16xi32>,
      %get3A_434 = vector.shape_cast %get3A_433 : vector<1x1x16xi32> to vector<16xi32>
      %add3A_435 = arith.constant 128 : i32
      %add3A_436 = arith.addi %mul3A_366, %add3A_435 : i32
      %add3A_437 = arith.constant 32 : i32
      %add3A_438 = arith.addi %add3A_436, %add3A_437 : i32
      %swap3A_439 = arith.index_cast %add3A_438 : i32 to index
      %swap3A_440 = tpu.vector_load %arg6[%swap3A_439] {strides = array<i32>} : memref<15616xi32, #tpu.memory_space<vmem>>, vector<16xi32>,
      %swap3A_441 = vector.shape_cast %swap3A_440 : vector<16xi32> to vector<16xi32>
      %swap3A_442 = vector.shape_cast %get3A_434 : vector<16xi32> to vector<16xi32>
      tpu.vector_store %arg6[%swap3A_439], %swap3A_442 {strides = array<i32>} : memref<15616xi32, #tpu.memory_space<vmem>>, vector<16xi32>,
      %get3A_443 = arith.constant 0 : i32
      %get3A_444 = arith.index_cast %scan3A_363 : i32 to index
      %get3A_445 = arith.index_cast %get3A_443 : i32 to index
      %get3A_446 = arith.constant 48 : index
      %get3A_447 = tpu.vector_load %arg5[%get3A_444, %get3A_445, %get3A_446] {strides = array<i32>} : memref<61x2x128xi32, #tpu.memory_space<vmem>>, vector<1x1x16xi32>,
      %get3A_448 = vector.shape_cast %get3A_447 : vector<1x1x16xi32> to vector<16xi32>
      %add3A_449 = arith.constant 48 : i32
      %add3A_450 = arith.addi %mul3A_366, %add3A_449 : i32
      %swap3A_451 = arith.index_cast %add3A_450 : i32 to index
      %swap3A_452 = tpu.vector_load %arg6[%swap3A_451] {strides = array<i32>} : memref<15616xi32, #tpu.memory_space<vmem>>, vector<16xi32>,
      %swap3A_453 = vector.shape_cast %swap3A_452 : vector<16xi32> to vector<16xi32>
      %swap3A_454 = vector.shape_cast %get3A_448 : vector<16xi32> to vector<16xi32>
      tpu.vector_store %arg6[%swap3A_451], %swap3A_454 {strides = array<i32>} : memref<15616xi32, #tpu.memory_space<vmem>>, vector<16xi32>,
      %get3A_455 = arith.constant 1 : i32
      %get3A_456 = arith.index_cast %scan3A_363 : i32 to index
      %get3A_457 = arith.index_cast %get3A_455 : i32 to index
      %get3A_458 = arith.constant 48 : index
      %get3A_459 = tpu.vector_load %arg5[%get3A_456, %get3A_457, %get3A_458] {strides = array<i32>} : memref<61x2x128xi32, #tpu.memory_space<vmem>>, vector<1x1x16xi32>,
      %get3A_460 = vector.shape_cast %get3A_459 : vector<1x1x16xi32> to vector<16xi32>
      %add3A_461 = arith.constant 128 : i32
      %add3A_462 = arith.addi %mul3A_366, %add3A_461 : i32
      %add3A_463 = arith.constant 48 : i32
      %add3A_464 = arith.addi %add3A_462, %add3A_463 : i32
      %swap3A_465 = arith.index_cast %add3A_464 : i32 to index
      %swap3A_466 = tpu.vector_load %arg6[%swap3A_465] {strides = array<i32>} : memref<15616xi32, #tpu.memory_space<vmem>>, vector<16xi32>,
      %swap3A_467 = vector.shape_cast %swap3A_466 : vector<16xi32> to vector<16xi32>
      %swap3A_468 = vector.shape_cast %get3A_460 : vector<16xi32> to vector<16xi32>
      tpu.vector_store %arg6[%swap3A_465], %swap3A_468 {strides = array<i32>} : memref<15616xi32, #tpu.memory_space<vmem>>, vector<16xi32>,
      %get3A_469 = arith.constant 0 : i32
      %get3A_470 = arith.index_cast %scan3A_363 : i32 to index
      %get3A_471 = arith.index_cast %get3A_469 : i32 to index
      %get3A_472 = arith.constant 64 : index
      %get3A_473 = tpu.vector_load %arg5[%get3A_470, %get3A_471, %get3A_472] {strides = array<i32>} : memref<61x2x128xi32, #tpu.memory_space<vmem>>, vector<1x1x16xi32>,
      %get3A_474 = vector.shape_cast %get3A_473 : vector<1x1x16xi32> to vector<16xi32>
      %add3A_475 = arith.constant 64 : i32
      %add3A_476 = arith.addi %mul3A_366, %add3A_475 : i32
      %swap3A_477 = arith.index_cast %add3A_476 : i32 to index
      %swap3A_478 = tpu.vector_load %arg6[%swap3A_477] {strides = array<i32>} : memref<15616xi32, #tpu.memory_space<vmem>>, vector<16xi32>,
      %swap3A_479 = vector.shape_cast %swap3A_478 : vector<16xi32> to vector<16xi32>
      %swap3A_480 = vector.shape_cast %get3A_474 : vector<16xi32> to vector<16xi32>
      tpu.vector_store %arg6[%swap3A_477], %swap3A_480 {strides = array<i32>} : memref<15616xi32, #tpu.memory_space<vmem>>, vector<16xi32>,
      %get3A_481 = arith.constant 1 : i32
      %get3A_482 = arith.index_cast %scan3A_363 : i32 to index
      %get3A_483 = arith.index_cast %get3A_481 : i32 to index
      %get3A_484 = arith.constant 64 : index
      %get3A_485 = tpu.vector_load %arg5[%get3A_482, %get3A_483, %get3A_484] {strides = array<i32>} : memref<61x2x128xi32, #tpu.memory_space<vmem>>, vector<1x1x16xi32>,
      %get3A_486 = vector.shape_cast %get3A_485 : vector<1x1x16xi32> to vector<16xi32>
      %add3A_487 = arith.constant 128 : i32
      %add3A_488 = arith.addi %mul3A_366, %add3A_487 : i32
      %add3A_489 = arith.constant 64 : i32
      %add3A_490 = arith.addi %add3A_488, %add3A_489 : i32
      %swap3A_491 = arith.index_cast %add3A_490 : i32 to index
      %swap3A_492 = tpu.vector_load %arg6[%swap3A_491] {strides = array<i32>} : memref<15616xi32, #tpu.memory_space<vmem>>, vector<16xi32>,
      %swap3A_493 = vector.shape_cast %swap3A_492 : vector<16xi32> to vector<16xi32>
      %swap3A_494 = vector.shape_cast %get3A_486 : vector<16xi32> to vector<16xi32>
      tpu.vector_store %arg6[%swap3A_491], %swap3A_494 {strides = array<i32>} : memref<15616xi32, #tpu.memory_space<vmem>>, vector<16xi32>,
      %get3A_495 = arith.constant 0 : i32
      %get3A_496 = arith.index_cast %scan3A_363 : i32 to index
      %get3A_497 = arith.index_cast %get3A_495 : i32 to index
      %get3A_498 = arith.constant 80 : index
      %get3A_499 = tpu.vector_load %arg5[%get3A_496, %get3A_497, %get3A_498] {strides = array<i32>} : memref<61x2x128xi32, #tpu.memory_space<vmem>>, vector<1x1x16xi32>,
      %get3A_500 = vector.shape_cast %get3A_499 : vector<1x1x16xi32> to vector<16xi32>
      %add3A_501 = arith.constant 80 : i32
      %add3A_502 = arith.addi %mul3A_366, %add3A_501 : i32
      %swap3A_503 = arith.index_cast %add3A_502 : i32 to index
      %swap3A_504 = tpu.vector_load %arg6[%swap3A_503] {strides = array<i32>} : memref<15616xi32, #tpu.memory_space<vmem>>, vector<16xi32>,
      %swap3A_505 = vector.shape_cast %swap3A_504 : vector<16xi32> to vector<16xi32>
      %swap3A_506 = vector.shape_cast %get3A_500 : vector<16xi32> to vector<16xi32>
      tpu.vector_store %arg6[%swap3A_503], %swap3A_506 {strides = array<i32>} : memref<15616xi32, #tpu.memory_space<vmem>>, vector<16xi32>,
      %get3A_507 = arith.constant 1 : i32
      %get3A_508 = arith.index_cast %scan3A_363 : i32 to index
      %get3A_509 = arith.index_cast %get3A_507 : i32 to index
      %get3A_510 = arith.constant 80 : index
      %get3A_511 = tpu.vector_load %arg5[%get3A_508, %get3A_509, %get3A_510] {strides = array<i32>} : memref<61x2x128xi32, #tpu.memory_space<vmem>>, vector<1x1x16xi32>,
      %get3A_512 = vector.shape_cast %get3A_511 : vector<1x1x16xi32> to vector<16xi32>
      %add3A_513 = arith.constant 128 : i32
      %add3A_514 = arith.addi %mul3A_366, %add3A_513 : i32
      %add3A_515 = arith.constant 80 : i32
      %add3A_516 = arith.addi %add3A_514, %add3A_515 : i32
      %swap3A_517 = arith.index_cast %add3A_516 : i32 to index
      %swap3A_518 = tpu.vector_load %arg6[%swap3A_517] {strides = array<i32>} : memref<15616xi32, #tpu.memory_space<vmem>>, vector<16xi32>,
      %swap3A_519 = vector.shape_cast %swap3A_518 : vector<16xi32> to vector<16xi32>
      %swap3A_520 = vector.shape_cast %get3A_512 : vector<16xi32> to vector<16xi32>
      tpu.vector_store %arg6[%swap3A_517], %swap3A_520 {strides = array<i32>} : memref<15616xi32, #tpu.memory_space<vmem>>, vector<16xi32>,
      %get3A_521 = arith.constant 0 : i32
      %get3A_522 = arith.index_cast %scan3A_363 : i32 to index
      %get3A_523 = arith.index_cast %get3A_521 : i32 to index
      %get3A_524 = arith.constant 96 : index
      %get3A_525 = tpu.vector_load %arg5[%get3A_522, %get3A_523, %get3A_524] {strides = array<i32>} : memref<61x2x128xi32, #tpu.memory_space<vmem>>, vector<1x1x16xi32>,
      %get3A_526 = vector.shape_cast %get3A_525 : vector<1x1x16xi32> to vector<16xi32>
      %add3A_527 = arith.constant 96 : i32
      %add3A_528 = arith.addi %mul3A_366, %add3A_527 : i32
      %swap3A_529 = arith.index_cast %add3A_528 : i32 to index
      %swap3A_530 = tpu.vector_load %arg6[%swap3A_529] {strides = array<i32>} : memref<15616xi32, #tpu.memory_space<vmem>>, vector<16xi32>,
      %swap3A_531 = vector.shape_cast %swap3A_530 : vector<16xi32> to vector<16xi32>
      %swap3A_532 = vector.shape_cast %get3A_526 : vector<16xi32> to vector<16xi32>
      tpu.vector_store %arg6[%swap3A_529], %swap3A_532 {strides = array<i32>} : memref<15616xi32, #tpu.memory_space<vmem>>, vector<16xi32>,
      %get3A_533 = arith.constant 1 : i32
      %get3A_534 = arith.index_cast %scan3A_363 : i32 to index
      %get3A_535 = arith.index_cast %get3A_533 : i32 to index
      %get3A_536 = arith.constant 96 : index
      %get3A_537 = tpu.vector_load %arg5[%get3A_534, %get3A_535, %get3A_536] {strides = array<i32>} : memref<61x2x128xi32, #tpu.memory_space<vmem>>, vector<1x1x16xi32>,
      %get3A_538 = vector.shape_cast %get3A_537 : vector<1x1x16xi32> to vector<16xi32>
      %add3A_539 = arith.constant 128 : i32
      %add3A_540 = arith.addi %mul3A_366, %add3A_539 : i32
      %add3A_541 = arith.constant 96 : i32
      %add3A_542 = arith.addi %add3A_540, %add3A_541 : i32
      %swap3A_543 = arith.index_cast %add3A_542 : i32 to index
      %swap3A_544 = tpu.vector_load %arg6[%swap3A_543] {strides = array<i32>} : memref<15616xi32, #tpu.memory_space<vmem>>, vector<16xi32>,
      %swap3A_545 = vector.shape_cast %swap3A_544 : vector<16xi32> to vector<16xi32>
      %swap3A_546 = vector.shape_cast %get3A_538 : vector<16xi32> to vector<16xi32>
      tpu.vector_store %arg6[%swap3A_543], %swap3A_546 {strides = array<i32>} : memref<15616xi32, #tpu.memory_space<vmem>>, vector<16xi32>,
      %get3A_547 = arith.constant 0 : i32
      %get3A_548 = arith.index_cast %scan3A_363 : i32 to index
      %get3A_549 = arith.index_cast %get3A_547 : i32 to index
      %get3A_550 = arith.constant 112 : index
      %get3A_551 = tpu.vector_load %arg5[%get3A_548, %get3A_549, %get3A_550] {strides = array<i32>} : memref<61x2x128xi32, #tpu.memory_space<vmem>>, vector<1x1x16xi32>,
      %get3A_552 = vector.shape_cast %get3A_551 : vector<1x1x16xi32> to vector<16xi32>
      %add3A_553 = arith.constant 112 : i32
      %add3A_554 = arith.addi %mul3A_366, %add3A_553 : i32
      %swap3A_555 = arith.index_cast %add3A_554 : i32 to index
      %swap3A_556 = tpu.vector_load %arg6[%swap3A_555] {strides = array<i32>} : memref<15616xi32, #tpu.memory_space<vmem>>, vector<16xi32>,
      %swap3A_557 = vector.shape_cast %swap3A_556 : vector<16xi32> to vector<16xi32>
      %swap3A_558 = vector.shape_cast %get3A_552 : vector<16xi32> to vector<16xi32>
      tpu.vector_store %arg6[%swap3A_555], %swap3A_558 {strides = array<i32>} : memref<15616xi32, #tpu.memory_space<vmem>>, vector<16xi32>,
      %get3A_559 = arith.constant 1 : i32
      %get3A_560 = arith.index_cast %scan3A_363 : i32 to index
      %get3A_561 = arith.index_cast %get3A_559 : i32 to index
      %get3A_562 = arith.constant 112 : index
      %get3A_563 = tpu.vector_load %arg5[%get3A_560, %get3A_561, %get3A_562] {strides = array<i32>} : memref<61x2x128xi32, #tpu.memory_space<vmem>>, vector<1x1x16xi32>,
      %get3A_564 = vector.shape_cast %get3A_563 : vector<1x1x16xi32> to vector<16xi32>
      %add3A_565 = arith.constant 128 : i32
      %add3A_566 = arith.addi %mul3A_366, %add3A_565 : i32
      %add3A_567 = arith.constant 112 : i32
      %add3A_568 = arith.addi %add3A_566, %add3A_567 : i32
      %swap3A_569 = arith.index_cast %add3A_568 : i32 to index
      %swap3A_570 = tpu.vector_load %arg6[%swap3A_569] {strides = array<i32>} : memref<15616xi32, #tpu.memory_space<vmem>>, vector<16xi32>,
      %swap3A_571 = vector.shape_cast %swap3A_570 : vector<16xi32> to vector<16xi32>
      %swap3A_572 = vector.shape_cast %get3A_564 : vector<16xi32> to vector<16xi32>
      tpu.vector_store %arg6[%swap3A_569], %swap3A_572 {strides = array<i32>} : memref<15616xi32, #tpu.memory_space<vmem>>, vector<16xi32>,
      %scan3A_573 = arith.constant 0 : i32
      scf.yield %scan3A_573 : i32
    }
    %scan3A_239 = arith.constant 61 : i32
    %add3A_240 = arith.constant 305 : i32
    %add3A_241 = arith.addi %mul3A_2, %add3A_240 : i32
    %dma_start3A_242 = arith.constant 0 : i32
    %dma_start3A_243 = arith.constant 0 : i32
    %dma_start3A_244 = tpu.memref_slice %arg2[%add3A_241, %dma_start3A_242, %dma_start3A_243] : memref<15625x2x128xi32, #tpu.memory_space<hbm>> -> memref<61x2x128xi32, #tpu.memory_space<hbm>>
    %dma_start3A_245 = arith.constant 0 : i32
    %dma_start3A_246 = arith.constant 0 : i32
    %dma_start3A_247 = tpu.memref_slice %arg2[%add3A_241, %dma_start3A_245, %dma_start3A_246] : memref<15625x2x128xi32, #tpu.memory_space<hbm>> -> memref<61x2x128xi32, #tpu.memory_space<hbm>>
    tpu.enqueue_dma source(%dma_start3A_247 : memref<61x2x128xi32, #tpu.memory_space<hbm>>) target(%arg5 : memref<61x2x128xi32, #tpu.memory_space<vmem>>) target_semaphore(%arg11 : memref<!tpu.dma_semaphore, #tpu.memory_space<semaphore_mem>>)
    %dma_start3A_248 = arith.constant 0 : i32
    %dma_start3A_249 = tpu.memref_slice %arg10[%dma_start3A_248] : memref<1000000xf32, #tpu.memory_space<vmem_shared>> -> memref<1000000xf32, #tpu.memory_space<vmem_shared>>
    tpu.enqueue_indirect_dma source(%dma_start3A_249 : memref<1000000xf32, #tpu.memory_space<vmem_shared>>) target(%arg7 : memref<15616xf32, #tpu.memory_space<vmem>>) offsets(%arg6 : memref<15616xi32, #tpu.memory_space<vmem>>) semaphore(%arg12 : memref<!tpu.dma_semaphore, #tpu.memory_space<semaphore_mem>>)
    %scan3A_250 = arith.constant 0 : i32
    %scan3A_251 = arith.constant 61 : i32
    %scan3A_252 = arith.addi %scan3A_250, %scan3A_251 : i32
    %scan3A_253 = arith.constant 1 : i32
    %scan3A_254 = scf.for %scan3A_363 = %scan3A_250 to %scan3A_252 step %scan3A_253 iter_args(%scan3A_364 = %scan3A_221) -> (vector<16xf32>)  : i32 {
      %mul3A_365 = arith.constant 256 : i32
      %mul3A_366 = arith.muli %scan3A_363, %mul3A_365 : i32
      %add3A_367 = arith.constant 0 : i32
      %add3A_368 = arith.addi %mul3A_366, %add3A_367 : i32
      %get3A = arith.index_cast %add3A_368 : i32 to index
      %get3A_369 = tpu.vector_load %arg8[%get3A] {strides = array<i32>} : memref<15616xf32, #tpu.memory_space<vmem>>, vector<16xf32>,
      %get3A_370 = vector.shape_cast %get3A_369 : vector<16xf32> to vector<16xf32>
      %add3A_371 = arith.constant 128 : i32
      %add3A_372 = arith.addi %mul3A_366, %add3A_371 : i32
      %add3A_373 = arith.constant 0 : i32
      %add3A_374 = arith.addi %add3A_372, %add3A_373 : i32
      %get3A_375 = arith.index_cast %add3A_374 : i32 to index
      %get3A_376 = tpu.vector_load %arg8[%get3A_375] {strides = array<i32>} : memref<15616xf32, #tpu.memory_space<vmem>>, vector<16xf32>,
      %get3A_377 = vector.shape_cast %get3A_376 : vector<16xf32> to vector<16xf32>
      %sub3A = arith.constant 1.000000e+00 : f32
      %sub3A_378 = vector.broadcast %sub3A : f32 to vector<16xf32>
      %sub3A_379 = arith.subf %sub3A_378, %get3A_370 : vector<16xf32>
      %add3A_380 = arith.addf %sub3A_379, %get3A_377 : vector<16xf32>
      %max3A = arith.constant 0.000000e+00 : f32
      %max3A_381 = vector.broadcast %max3A : f32 to vector<16xf32>
      %max3A_382 = arith.maximumf %add3A_380, %max3A_381 : vector<16xf32>
      %add3A_383 = arith.addf %scan3A_364, %max3A_382 : vector<16xf32>
      %add3A_384 = arith.constant 16 : i32
      %add3A_385 = arith.addi %mul3A_366, %add3A_384 : i32
      %get3A_386 = arith.index_cast %add3A_385 : i32 to index
      %get3A_387 = tpu.vector_load %arg8[%get3A_386] {strides = array<i32>} : memref<15616xf32, #tpu.memory_space<vmem>>, vector<16xf32>,
      %get3A_388 = vector.shape_cast %get3A_387 : vector<16xf32> to vector<16xf32>
      %add3A_389 = arith.constant 128 : i32
      %add3A_390 = arith.addi %mul3A_366, %add3A_389 : i32
      %add3A_391 = arith.constant 16 : i32
      %add3A_392 = arith.addi %add3A_390, %add3A_391 : i32
      %get3A_393 = arith.index_cast %add3A_392 : i32 to index
      %get3A_394 = tpu.vector_load %arg8[%get3A_393] {strides = array<i32>} : memref<15616xf32, #tpu.memory_space<vmem>>, vector<16xf32>,
      %get3A_395 = vector.shape_cast %get3A_394 : vector<16xf32> to vector<16xf32>
      %sub3A_396 = arith.constant 1.000000e+00 : f32
      %sub3A_397 = vector.broadcast %sub3A_396 : f32 to vector<16xf32>
      %sub3A_398 = arith.subf %sub3A_397, %get3A_388 : vector<16xf32>
      %add3A_399 = arith.addf %sub3A_398, %get3A_395 : vector<16xf32>
      %max3A_400 = arith.constant 0.000000e+00 : f32
      %max3A_401 = vector.broadcast %max3A_400 : f32 to vector<16xf32>
      %max3A_402 = arith.maximumf %add3A_399, %max3A_401 : vector<16xf32>
      %add3A_403 = arith.addf %add3A_383, %max3A_402 : vector<16xf32>
      %add3A_404 = arith.constant 32 : i32
      %add3A_405 = arith.addi %mul3A_366, %add3A_404 : i32
      %get3A_406 = arith.index_cast %add3A_405 : i32 to index
      %get3A_407 = tpu.vector_load %arg8[%get3A_406] {strides = array<i32>} : memref<15616xf32, #tpu.memory_space<vmem>>, vector<16xf32>,
      %get3A_408 = vector.shape_cast %get3A_407 : vector<16xf32> to vector<16xf32>
      %add3A_409 = arith.constant 128 : i32
      %add3A_410 = arith.addi %mul3A_366, %add3A_409 : i32
      %add3A_411 = arith.constant 32 : i32
      %add3A_412 = arith.addi %add3A_410, %add3A_411 : i32
      %get3A_413 = arith.index_cast %add3A_412 : i32 to index
      %get3A_414 = tpu.vector_load %arg8[%get3A_413] {strides = array<i32>} : memref<15616xf32, #tpu.memory_space<vmem>>, vector<16xf32>,
      %get3A_415 = vector.shape_cast %get3A_414 : vector<16xf32> to vector<16xf32>
      %sub3A_416 = arith.constant 1.000000e+00 : f32
      %sub3A_417 = vector.broadcast %sub3A_416 : f32 to vector<16xf32>
      %sub3A_418 = arith.subf %sub3A_417, %get3A_408 : vector<16xf32>
      %add3A_419 = arith.addf %sub3A_418, %get3A_415 : vector<16xf32>
      %max3A_420 = arith.constant 0.000000e+00 : f32
      %max3A_421 = vector.broadcast %max3A_420 : f32 to vector<16xf32>
      %max3A_422 = arith.maximumf %add3A_419, %max3A_421 : vector<16xf32>
      %add3A_423 = arith.addf %add3A_403, %max3A_422 : vector<16xf32>
      %add3A_424 = arith.constant 48 : i32
      %add3A_425 = arith.addi %mul3A_366, %add3A_424 : i32
      %get3A_426 = arith.index_cast %add3A_425 : i32 to index
      %get3A_427 = tpu.vector_load %arg8[%get3A_426] {strides = array<i32>} : memref<15616xf32, #tpu.memory_space<vmem>>, vector<16xf32>,
      %get3A_428 = vector.shape_cast %get3A_427 : vector<16xf32> to vector<16xf32>
      %add3A_429 = arith.constant 128 : i32
      %add3A_430 = arith.addi %mul3A_366, %add3A_429 : i32
      %add3A_431 = arith.constant 48 : i32
      %add3A_432 = arith.addi %add3A_430, %add3A_431 : i32
      %get3A_433 = arith.index_cast %add3A_432 : i32 to index
      %get3A_434 = tpu.vector_load %arg8[%get3A_433] {strides = array<i32>} : memref<15616xf32, #tpu.memory_space<vmem>>, vector<16xf32>,
      %get3A_435 = vector.shape_cast %get3A_434 : vector<16xf32> to vector<16xf32>
      %sub3A_436 = arith.constant 1.000000e+00 : f32
      %sub3A_437 = vector.broadcast %sub3A_436 : f32 to vector<16xf32>
      %sub3A_438 = arith.subf %sub3A_437, %get3A_428 : vector<16xf32>
      %add3A_439 = arith.addf %sub3A_438, %get3A_435 : vector<16xf32>
      %max3A_440 = arith.constant 0.000000e+00 : f32
      %max3A_441 = vector.broadcast %max3A_440 : f32 to vector<16xf32>
      %max3A_442 = arith.maximumf %add3A_439, %max3A_441 : vector<16xf32>
      %add3A_443 = arith.addf %add3A_423, %max3A_442 : vector<16xf32>
      %add3A_444 = arith.constant 64 : i32
      %add3A_445 = arith.addi %mul3A_366, %add3A_444 : i32
      %get3A_446 = arith.index_cast %add3A_445 : i32 to index
      %get3A_447 = tpu.vector_load %arg8[%get3A_446] {strides = array<i32>} : memref<15616xf32, #tpu.memory_space<vmem>>, vector<16xf32>,
      %get3A_448 = vector.shape_cast %get3A_447 : vector<16xf32> to vector<16xf32>
      %add3A_449 = arith.constant 128 : i32
      %add3A_450 = arith.addi %mul3A_366, %add3A_449 : i32
      %add3A_451 = arith.constant 64 : i32
      %add3A_452 = arith.addi %add3A_450, %add3A_451 : i32
      %get3A_453 = arith.index_cast %add3A_452 : i32 to index
      %get3A_454 = tpu.vector_load %arg8[%get3A_453] {strides = array<i32>} : memref<15616xf32, #tpu.memory_space<vmem>>, vector<16xf32>,
      %get3A_455 = vector.shape_cast %get3A_454 : vector<16xf32> to vector<16xf32>
      %sub3A_456 = arith.constant 1.000000e+00 : f32
      %sub3A_457 = vector.broadcast %sub3A_456 : f32 to vector<16xf32>
      %sub3A_458 = arith.subf %sub3A_457, %get3A_448 : vector<16xf32>
      %add3A_459 = arith.addf %sub3A_458, %get3A_455 : vector<16xf32>
      %max3A_460 = arith.constant 0.000000e+00 : f32
      %max3A_461 = vector.broadcast %max3A_460 : f32 to vector<16xf32>
      %max3A_462 = arith.maximumf %add3A_459, %max3A_461 : vector<16xf32>
      %add3A_463 = arith.addf %add3A_443, %max3A_462 : vector<16xf32>
      %add3A_464 = arith.constant 80 : i32
      %add3A_465 = arith.addi %mul3A_366, %add3A_464 : i32
      %get3A_466 = arith.index_cast %add3A_465 : i32 to index
      %get3A_467 = tpu.vector_load %arg8[%get3A_466] {strides = array<i32>} : memref<15616xf32, #tpu.memory_space<vmem>>, vector<16xf32>,
      %get3A_468 = vector.shape_cast %get3A_467 : vector<16xf32> to vector<16xf32>
      %add3A_469 = arith.constant 128 : i32
      %add3A_470 = arith.addi %mul3A_366, %add3A_469 : i32
      %add3A_471 = arith.constant 80 : i32
      %add3A_472 = arith.addi %add3A_470, %add3A_471 : i32
      %get3A_473 = arith.index_cast %add3A_472 : i32 to index
      %get3A_474 = tpu.vector_load %arg8[%get3A_473] {strides = array<i32>} : memref<15616xf32, #tpu.memory_space<vmem>>, vector<16xf32>,
      %get3A_475 = vector.shape_cast %get3A_474 : vector<16xf32> to vector<16xf32>
      %sub3A_476 = arith.constant 1.000000e+00 : f32
      %sub3A_477 = vector.broadcast %sub3A_476 : f32 to vector<16xf32>
      %sub3A_478 = arith.subf %sub3A_477, %get3A_468 : vector<16xf32>
      %add3A_479 = arith.addf %sub3A_478, %get3A_475 : vector<16xf32>
      %max3A_480 = arith.constant 0.000000e+00 : f32
      %max3A_481 = vector.broadcast %max3A_480 : f32 to vector<16xf32>
      %max3A_482 = arith.maximumf %add3A_479, %max3A_481 : vector<16xf32>
      %add3A_483 = arith.addf %add3A_463, %max3A_482 : vector<16xf32>
      %add3A_484 = arith.constant 96 : i32
      %add3A_485 = arith.addi %mul3A_366, %add3A_484 : i32
      %get3A_486 = arith.index_cast %add3A_485 : i32 to index
      %get3A_487 = tpu.vector_load %arg8[%get3A_486] {strides = array<i32>} : memref<15616xf32, #tpu.memory_space<vmem>>, vector<16xf32>,
      %get3A_488 = vector.shape_cast %get3A_487 : vector<16xf32> to vector<16xf32>
      %add3A_489 = arith.constant 128 : i32
      %add3A_490 = arith.addi %mul3A_366, %add3A_489 : i32
      %add3A_491 = arith.constant 96 : i32
      %add3A_492 = arith.addi %add3A_490, %add3A_491 : i32
      %get3A_493 = arith.index_cast %add3A_492 : i32 to index
      %get3A_494 = tpu.vector_load %arg8[%get3A_493] {strides = array<i32>} : memref<15616xf32, #tpu.memory_space<vmem>>, vector<16xf32>,
      %get3A_495 = vector.shape_cast %get3A_494 : vector<16xf32> to vector<16xf32>
      %sub3A_496 = arith.constant 1.000000e+00 : f32
      %sub3A_497 = vector.broadcast %sub3A_496 : f32 to vector<16xf32>
      %sub3A_498 = arith.subf %sub3A_497, %get3A_488 : vector<16xf32>
      %add3A_499 = arith.addf %sub3A_498, %get3A_495 : vector<16xf32>
      %max3A_500 = arith.constant 0.000000e+00 : f32
      %max3A_501 = vector.broadcast %max3A_500 : f32 to vector<16xf32>
      %max3A_502 = arith.maximumf %add3A_499, %max3A_501 : vector<16xf32>
      %add3A_503 = arith.addf %add3A_483, %max3A_502 : vector<16xf32>
      %add3A_504 = arith.constant 112 : i32
      %add3A_505 = arith.addi %mul3A_366, %add3A_504 : i32
      %get3A_506 = arith.index_cast %add3A_505 : i32 to index
      %get3A_507 = tpu.vector_load %arg8[%get3A_506] {strides = array<i32>} : memref<15616xf32, #tpu.memory_space<vmem>>, vector<16xf32>,
      %get3A_508 = vector.shape_cast %get3A_507 : vector<16xf32> to vector<16xf32>
      %add3A_509 = arith.constant 128 : i32
      %add3A_510 = arith.addi %mul3A_366, %add3A_509 : i32
      %add3A_511 = arith.constant 112 : i32
      %add3A_512 = arith.addi %add3A_510, %add3A_511 : i32
      %get3A_513 = arith.index_cast %add3A_512 : i32 to index
      %get3A_514 = tpu.vector_load %arg8[%get3A_513] {strides = array<i32>} : memref<15616xf32, #tpu.memory_space<vmem>>, vector<16xf32>,
      %get3A_515 = vector.shape_cast %get3A_514 : vector<16xf32> to vector<16xf32>
      %sub3A_516 = arith.constant 1.000000e+00 : f32
      %sub3A_517 = vector.broadcast %sub3A_516 : f32 to vector<16xf32>
      %sub3A_518 = arith.subf %sub3A_517, %get3A_508 : vector<16xf32>
      %add3A_519 = arith.addf %sub3A_518, %get3A_515 : vector<16xf32>
      %max3A_520 = arith.constant 0.000000e+00 : f32
      %max3A_521 = vector.broadcast %max3A_520 : f32 to vector<16xf32>
      %max3A_522 = arith.maximumf %add3A_519, %max3A_521 : vector<16xf32>
      %add3A_523 = arith.addf %add3A_503, %max3A_522 : vector<16xf32>
      scf.yield %add3A_523 : vector<16xf32>
    }
    %scan3A_255 = arith.constant 61 : i32
    %dma_wait3A_256 = arith.constant 0 : i32
    %dma_wait3A_257 = arith.constant 0 : i32
    %dma_wait3A_258 = arith.constant 0 : i32
    %dma_wait3A_259 = tpu.memref_slice %arg2[%dma_wait3A_256, %dma_wait3A_257, %dma_wait3A_258] : memref<15625x2x128xi32, #tpu.memory_space<hbm>> -> memref<61x2x128xi32, #tpu.memory_space<hbm>>
    %dma_wait3A_260 = arith.constant 0 : i32
    %dma_wait3A_261 = arith.constant 0 : i32
    %dma_wait3A_262 = arith.constant 0 : i32
    %dma_wait3A_263 = tpu.memref_slice %arg2[%dma_wait3A_260, %dma_wait3A_261, %dma_wait3A_262] : memref<15625x2x128xi32, #tpu.memory_space<hbm>> -> memref<61x2x128xi32, #tpu.memory_space<hbm>>
    tpu.wait_dma2 semaphore(%arg11 : memref<!tpu.dma_semaphore, #tpu.memory_space<semaphore_mem>>) src(%dma_wait3A_263 : memref<61x2x128xi32, #tpu.memory_space<hbm>>) dst(%arg5 : memref<61x2x128xi32, #tpu.memory_space<vmem>>)
    %dma_wait3A_264 = arith.constant 0 : i32
    %dma_wait3A_265 = tpu.memref_slice %arg10[%dma_wait3A_264] : memref<1000000xf32, #tpu.memory_space<vmem_shared>> -> memref<1000000xf32, #tpu.memory_space<vmem_shared>>
    tpu.wait_indirect_dma semaphore(%arg12 : memref<!tpu.dma_semaphore, #tpu.memory_space<semaphore_mem>>) src(%dma_wait3A_265 : memref<1000000xf32, #tpu.memory_space<vmem_shared>>) dst(%arg7 : memref<15616xf32, #tpu.memory_space<vmem>>)
    %scan3A_266 = arith.constant 0 : i32
    %scan3A_267 = arith.constant 0 : i32
    %scan3A_268 = arith.constant 61 : i32
    %scan3A_269 = arith.addi %scan3A_267, %scan3A_268 : i32
    %scan3A_270 = arith.constant 1 : i32
    %scan3A_271 = scf.for %scan3A_363 = %scan3A_267 to %scan3A_269 step %scan3A_270 iter_args(%scan3A_364 = %scan3A_266) -> (i32)  : i32 {
      %mul3A_365 = arith.constant 256 : i32
      %mul3A_366 = arith.muli %scan3A_363, %mul3A_365 : i32
      %get3A = arith.constant 0 : i32
      %get3A_367 = arith.index_cast %scan3A_363 : i32 to index
      %get3A_368 = arith.index_cast %get3A : i32 to index
      %get3A_369 = arith.constant 0 : index
      %get3A_370 = tpu.vector_load %arg5[%get3A_367, %get3A_368, %get3A_369] {strides = array<i32>} : memref<61x2x128xi32, #tpu.memory_space<vmem>>, vector<1x1x16xi32>,
      %get3A_371 = vector.shape_cast %get3A_370 : vector<1x1x16xi32> to vector<16xi32>
      %add3A_372 = arith.constant 0 : i32
      %add3A_373 = arith.addi %mul3A_366, %add3A_372 : i32
      %swap3A = arith.index_cast %add3A_373 : i32 to index
      %swap3A_374 = tpu.vector_load %arg6[%swap3A] {strides = array<i32>} : memref<15616xi32, #tpu.memory_space<vmem>>, vector<16xi32>,
      %swap3A_375 = vector.shape_cast %swap3A_374 : vector<16xi32> to vector<16xi32>
      %swap3A_376 = vector.shape_cast %get3A_371 : vector<16xi32> to vector<16xi32>
      tpu.vector_store %arg6[%swap3A], %swap3A_376 {strides = array<i32>} : memref<15616xi32, #tpu.memory_space<vmem>>, vector<16xi32>,
      %get3A_377 = arith.constant 1 : i32
      %get3A_378 = arith.index_cast %scan3A_363 : i32 to index
      %get3A_379 = arith.index_cast %get3A_377 : i32 to index
      %get3A_380 = arith.constant 0 : index
      %get3A_381 = tpu.vector_load %arg5[%get3A_378, %get3A_379, %get3A_380] {strides = array<i32>} : memref<61x2x128xi32, #tpu.memory_space<vmem>>, vector<1x1x16xi32>,
      %get3A_382 = vector.shape_cast %get3A_381 : vector<1x1x16xi32> to vector<16xi32>
      %add3A_383 = arith.constant 128 : i32
      %add3A_384 = arith.addi %mul3A_366, %add3A_383 : i32
      %add3A_385 = arith.constant 0 : i32
      %add3A_386 = arith.addi %add3A_384, %add3A_385 : i32
      %swap3A_387 = arith.index_cast %add3A_386 : i32 to index
      %swap3A_388 = tpu.vector_load %arg6[%swap3A_387] {strides = array<i32>} : memref<15616xi32, #tpu.memory_space<vmem>>, vector<16xi32>,
      %swap3A_389 = vector.shape_cast %swap3A_388 : vector<16xi32> to vector<16xi32>
      %swap3A_390 = vector.shape_cast %get3A_382 : vector<16xi32> to vector<16xi32>
      tpu.vector_store %arg6[%swap3A_387], %swap3A_390 {strides = array<i32>} : memref<15616xi32, #tpu.memory_space<vmem>>, vector<16xi32>,
      %get3A_391 = arith.constant 0 : i32
      %get3A_392 = arith.index_cast %scan3A_363 : i32 to index
      %get3A_393 = arith.index_cast %get3A_391 : i32 to index
      %get3A_394 = arith.constant 16 : index
      %get3A_395 = tpu.vector_load %arg5[%get3A_392, %get3A_393, %get3A_394] {strides = array<i32>} : memref<61x2x128xi32, #tpu.memory_space<vmem>>, vector<1x1x16xi32>,
      %get3A_396 = vector.shape_cast %get3A_395 : vector<1x1x16xi32> to vector<16xi32>
      %add3A_397 = arith.constant 16 : i32
      %add3A_398 = arith.addi %mul3A_366, %add3A_397 : i32
      %swap3A_399 = arith.index_cast %add3A_398 : i32 to index
      %swap3A_400 = tpu.vector_load %arg6[%swap3A_399] {strides = array<i32>} : memref<15616xi32, #tpu.memory_space<vmem>>, vector<16xi32>,
      %swap3A_401 = vector.shape_cast %swap3A_400 : vector<16xi32> to vector<16xi32>
      %swap3A_402 = vector.shape_cast %get3A_396 : vector<16xi32> to vector<16xi32>
      tpu.vector_store %arg6[%swap3A_399], %swap3A_402 {strides = array<i32>} : memref<15616xi32, #tpu.memory_space<vmem>>, vector<16xi32>,
      %get3A_403 = arith.constant 1 : i32
      %get3A_404 = arith.index_cast %scan3A_363 : i32 to index
      %get3A_405 = arith.index_cast %get3A_403 : i32 to index
      %get3A_406 = arith.constant 16 : index
      %get3A_407 = tpu.vector_load %arg5[%get3A_404, %get3A_405, %get3A_406] {strides = array<i32>} : memref<61x2x128xi32, #tpu.memory_space<vmem>>, vector<1x1x16xi32>,
      %get3A_408 = vector.shape_cast %get3A_407 : vector<1x1x16xi32> to vector<16xi32>
      %add3A_409 = arith.constant 128 : i32
      %add3A_410 = arith.addi %mul3A_366, %add3A_409 : i32
      %add3A_411 = arith.constant 16 : i32
      %add3A_412 = arith.addi %add3A_410, %add3A_411 : i32
      %swap3A_413 = arith.index_cast %add3A_412 : i32 to index
      %swap3A_414 = tpu.vector_load %arg6[%swap3A_413] {strides = array<i32>} : memref<15616xi32, #tpu.memory_space<vmem>>, vector<16xi32>,
      %swap3A_415 = vector.shape_cast %swap3A_414 : vector<16xi32> to vector<16xi32>
      %swap3A_416 = vector.shape_cast %get3A_408 : vector<16xi32> to vector<16xi32>
      tpu.vector_store %arg6[%swap3A_413], %swap3A_416 {strides = array<i32>} : memref<15616xi32, #tpu.memory_space<vmem>>, vector<16xi32>,
      %get3A_417 = arith.constant 0 : i32
      %get3A_418 = arith.index_cast %scan3A_363 : i32 to index
      %get3A_419 = arith.index_cast %get3A_417 : i32 to index
      %get3A_420 = arith.constant 32 : index
      %get3A_421 = tpu.vector_load %arg5[%get3A_418, %get3A_419, %get3A_420] {strides = array<i32>} : memref<61x2x128xi32, #tpu.memory_space<vmem>>, vector<1x1x16xi32>,
      %get3A_422 = vector.shape_cast %get3A_421 : vector<1x1x16xi32> to vector<16xi32>
      %add3A_423 = arith.constant 32 : i32
      %add3A_424 = arith.addi %mul3A_366, %add3A_423 : i32
      %swap3A_425 = arith.index_cast %add3A_424 : i32 to index
      %swap3A_426 = tpu.vector_load %arg6[%swap3A_425] {strides = array<i32>} : memref<15616xi32, #tpu.memory_space<vmem>>, vector<16xi32>,
      %swap3A_427 = vector.shape_cast %swap3A_426 : vector<16xi32> to vector<16xi32>
      %swap3A_428 = vector.shape_cast %get3A_422 : vector<16xi32> to vector<16xi32>
      tpu.vector_store %arg6[%swap3A_425], %swap3A_428 {strides = array<i32>} : memref<15616xi32, #tpu.memory_space<vmem>>, vector<16xi32>,
      %get3A_429 = arith.constant 1 : i32
      %get3A_430 = arith.index_cast %scan3A_363 : i32 to index
      %get3A_431 = arith.index_cast %get3A_429 : i32 to index
      %get3A_432 = arith.constant 32 : index
      %get3A_433 = tpu.vector_load %arg5[%get3A_430, %get3A_431, %get3A_432] {strides = array<i32>} : memref<61x2x128xi32, #tpu.memory_space<vmem>>, vector<1x1x16xi32>,
      %get3A_434 = vector.shape_cast %get3A_433 : vector<1x1x16xi32> to vector<16xi32>
      %add3A_435 = arith.constant 128 : i32
      %add3A_436 = arith.addi %mul3A_366, %add3A_435 : i32
      %add3A_437 = arith.constant 32 : i32
      %add3A_438 = arith.addi %add3A_436, %add3A_437 : i32
      %swap3A_439 = arith.index_cast %add3A_438 : i32 to index
      %swap3A_440 = tpu.vector_load %arg6[%swap3A_439] {strides = array<i32>} : memref<15616xi32, #tpu.memory_space<vmem>>, vector<16xi32>,
      %swap3A_441 = vector.shape_cast %swap3A_440 : vector<16xi32> to vector<16xi32>
      %swap3A_442 = vector.shape_cast %get3A_434 : vector<16xi32> to vector<16xi32>
      tpu.vector_store %arg6[%swap3A_439], %swap3A_442 {strides = array<i32>} : memref<15616xi32, #tpu.memory_space<vmem>>, vector<16xi32>,
      %get3A_443 = arith.constant 0 : i32
      %get3A_444 = arith.index_cast %scan3A_363 : i32 to index
      %get3A_445 = arith.index_cast %get3A_443 : i32 to index
      %get3A_446 = arith.constant 48 : index
      %get3A_447 = tpu.vector_load %arg5[%get3A_444, %get3A_445, %get3A_446] {strides = array<i32>} : memref<61x2x128xi32, #tpu.memory_space<vmem>>, vector<1x1x16xi32>,
      %get3A_448 = vector.shape_cast %get3A_447 : vector<1x1x16xi32> to vector<16xi32>
      %add3A_449 = arith.constant 48 : i32
      %add3A_450 = arith.addi %mul3A_366, %add3A_449 : i32
      %swap3A_451 = arith.index_cast %add3A_450 : i32 to index
      %swap3A_452 = tpu.vector_load %arg6[%swap3A_451] {strides = array<i32>} : memref<15616xi32, #tpu.memory_space<vmem>>, vector<16xi32>,
      %swap3A_453 = vector.shape_cast %swap3A_452 : vector<16xi32> to vector<16xi32>
      %swap3A_454 = vector.shape_cast %get3A_448 : vector<16xi32> to vector<16xi32>
      tpu.vector_store %arg6[%swap3A_451], %swap3A_454 {strides = array<i32>} : memref<15616xi32, #tpu.memory_space<vmem>>, vector<16xi32>,
      %get3A_455 = arith.constant 1 : i32
      %get3A_456 = arith.index_cast %scan3A_363 : i32 to index
      %get3A_457 = arith.index_cast %get3A_455 : i32 to index
      %get3A_458 = arith.constant 48 : index
      %get3A_459 = tpu.vector_load %arg5[%get3A_456, %get3A_457, %get3A_458] {strides = array<i32>} : memref<61x2x128xi32, #tpu.memory_space<vmem>>, vector<1x1x16xi32>,
      %get3A_460 = vector.shape_cast %get3A_459 : vector<1x1x16xi32> to vector<16xi32>
      %add3A_461 = arith.constant 128 : i32
      %add3A_462 = arith.addi %mul3A_366, %add3A_461 : i32
      %add3A_463 = arith.constant 48 : i32
      %add3A_464 = arith.addi %add3A_462, %add3A_463 : i32
      %swap3A_465 = arith.index_cast %add3A_464 : i32 to index
      %swap3A_466 = tpu.vector_load %arg6[%swap3A_465] {strides = array<i32>} : memref<15616xi32, #tpu.memory_space<vmem>>, vector<16xi32>,
      %swap3A_467 = vector.shape_cast %swap3A_466 : vector<16xi32> to vector<16xi32>
      %swap3A_468 = vector.shape_cast %get3A_460 : vector<16xi32> to vector<16xi32>
      tpu.vector_store %arg6[%swap3A_465], %swap3A_468 {strides = array<i32>} : memref<15616xi32, #tpu.memory_space<vmem>>, vector<16xi32>,
      %get3A_469 = arith.constant 0 : i32
      %get3A_470 = arith.index_cast %scan3A_363 : i32 to index
      %get3A_471 = arith.index_cast %get3A_469 : i32 to index
      %get3A_472 = arith.constant 64 : index
      %get3A_473 = tpu.vector_load %arg5[%get3A_470, %get3A_471, %get3A_472] {strides = array<i32>} : memref<61x2x128xi32, #tpu.memory_space<vmem>>, vector<1x1x16xi32>,
      %get3A_474 = vector.shape_cast %get3A_473 : vector<1x1x16xi32> to vector<16xi32>
      %add3A_475 = arith.constant 64 : i32
      %add3A_476 = arith.addi %mul3A_366, %add3A_475 : i32
      %swap3A_477 = arith.index_cast %add3A_476 : i32 to index
      %swap3A_478 = tpu.vector_load %arg6[%swap3A_477] {strides = array<i32>} : memref<15616xi32, #tpu.memory_space<vmem>>, vector<16xi32>,
      %swap3A_479 = vector.shape_cast %swap3A_478 : vector<16xi32> to vector<16xi32>
      %swap3A_480 = vector.shape_cast %get3A_474 : vector<16xi32> to vector<16xi32>
      tpu.vector_store %arg6[%swap3A_477], %swap3A_480 {strides = array<i32>} : memref<15616xi32, #tpu.memory_space<vmem>>, vector<16xi32>,
      %get3A_481 = arith.constant 1 : i32
      %get3A_482 = arith.index_cast %scan3A_363 : i32 to index
      %get3A_483 = arith.index_cast %get3A_481 : i32 to index
      %get3A_484 = arith.constant 64 : index
      %get3A_485 = tpu.vector_load %arg5[%get3A_482, %get3A_483, %get3A_484] {strides = array<i32>} : memref<61x2x128xi32, #tpu.memory_space<vmem>>, vector<1x1x16xi32>,
      %get3A_486 = vector.shape_cast %get3A_485 : vector<1x1x16xi32> to vector<16xi32>
      %add3A_487 = arith.constant 128 : i32
      %add3A_488 = arith.addi %mul3A_366, %add3A_487 : i32
      %add3A_489 = arith.constant 64 : i32
      %add3A_490 = arith.addi %add3A_488, %add3A_489 : i32
      %swap3A_491 = arith.index_cast %add3A_490 : i32 to index
      %swap3A_492 = tpu.vector_load %arg6[%swap3A_491] {strides = array<i32>} : memref<15616xi32, #tpu.memory_space<vmem>>, vector<16xi32>,
      %swap3A_493 = vector.shape_cast %swap3A_492 : vector<16xi32> to vector<16xi32>
      %swap3A_494 = vector.shape_cast %get3A_486 : vector<16xi32> to vector<16xi32>
      tpu.vector_store %arg6[%swap3A_491], %swap3A_494 {strides = array<i32>} : memref<15616xi32, #tpu.memory_space<vmem>>, vector<16xi32>,
      %get3A_495 = arith.constant 0 : i32
      %get3A_496 = arith.index_cast %scan3A_363 : i32 to index
      %get3A_497 = arith.index_cast %get3A_495 : i32 to index
      %get3A_498 = arith.constant 80 : index
      %get3A_499 = tpu.vector_load %arg5[%get3A_496, %get3A_497, %get3A_498] {strides = array<i32>} : memref<61x2x128xi32, #tpu.memory_space<vmem>>, vector<1x1x16xi32>,
      %get3A_500 = vector.shape_cast %get3A_499 : vector<1x1x16xi32> to vector<16xi32>
      %add3A_501 = arith.constant 80 : i32
      %add3A_502 = arith.addi %mul3A_366, %add3A_501 : i32
      %swap3A_503 = arith.index_cast %add3A_502 : i32 to index
      %swap3A_504 = tpu.vector_load %arg6[%swap3A_503] {strides = array<i32>} : memref<15616xi32, #tpu.memory_space<vmem>>, vector<16xi32>,
      %swap3A_505 = vector.shape_cast %swap3A_504 : vector<16xi32> to vector<16xi32>
      %swap3A_506 = vector.shape_cast %get3A_500 : vector<16xi32> to vector<16xi32>
      tpu.vector_store %arg6[%swap3A_503], %swap3A_506 {strides = array<i32>} : memref<15616xi32, #tpu.memory_space<vmem>>, vector<16xi32>,
      %get3A_507 = arith.constant 1 : i32
      %get3A_508 = arith.index_cast %scan3A_363 : i32 to index
      %get3A_509 = arith.index_cast %get3A_507 : i32 to index
      %get3A_510 = arith.constant 80 : index
      %get3A_511 = tpu.vector_load %arg5[%get3A_508, %get3A_509, %get3A_510] {strides = array<i32>} : memref<61x2x128xi32, #tpu.memory_space<vmem>>, vector<1x1x16xi32>,
      %get3A_512 = vector.shape_cast %get3A_511 : vector<1x1x16xi32> to vector<16xi32>
      %add3A_513 = arith.constant 128 : i32
      %add3A_514 = arith.addi %mul3A_366, %add3A_513 : i32
      %add3A_515 = arith.constant 80 : i32
      %add3A_516 = arith.addi %add3A_514, %add3A_515 : i32
      %swap3A_517 = arith.index_cast %add3A_516 : i32 to index
      %swap3A_518 = tpu.vector_load %arg6[%swap3A_517] {strides = array<i32>} : memref<15616xi32, #tpu.memory_space<vmem>>, vector<16xi32>,
      %swap3A_519 = vector.shape_cast %swap3A_518 : vector<16xi32> to vector<16xi32>
      %swap3A_520 = vector.shape_cast %get3A_512 : vector<16xi32> to vector<16xi32>
      tpu.vector_store %arg6[%swap3A_517], %swap3A_520 {strides = array<i32>} : memref<15616xi32, #tpu.memory_space<vmem>>, vector<16xi32>,
      %get3A_521 = arith.constant 0 : i32
      %get3A_522 = arith.index_cast %scan3A_363 : i32 to index
      %get3A_523 = arith.index_cast %get3A_521 : i32 to index
      %get3A_524 = arith.constant 96 : index
      %get3A_525 = tpu.vector_load %arg5[%get3A_522, %get3A_523, %get3A_524] {strides = array<i32>} : memref<61x2x128xi32, #tpu.memory_space<vmem>>, vector<1x1x16xi32>,
      %get3A_526 = vector.shape_cast %get3A_525 : vector<1x1x16xi32> to vector<16xi32>
      %add3A_527 = arith.constant 96 : i32
      %add3A_528 = arith.addi %mul3A_366, %add3A_527 : i32
      %swap3A_529 = arith.index_cast %add3A_528 : i32 to index
      %swap3A_530 = tpu.vector_load %arg6[%swap3A_529] {strides = array<i32>} : memref<15616xi32, #tpu.memory_space<vmem>>, vector<16xi32>,
      %swap3A_531 = vector.shape_cast %swap3A_530 : vector<16xi32> to vector<16xi32>
      %swap3A_532 = vector.shape_cast %get3A_526 : vector<16xi32> to vector<16xi32>
      tpu.vector_store %arg6[%swap3A_529], %swap3A_532 {strides = array<i32>} : memref<15616xi32, #tpu.memory_space<vmem>>, vector<16xi32>,
      %get3A_533 = arith.constant 1 : i32
      %get3A_534 = arith.index_cast %scan3A_363 : i32 to index
      %get3A_535 = arith.index_cast %get3A_533 : i32 to index
      %get3A_536 = arith.constant 96 : index
      %get3A_537 = tpu.vector_load %arg5[%get3A_534, %get3A_535, %get3A_536] {strides = array<i32>} : memref<61x2x128xi32, #tpu.memory_space<vmem>>, vector<1x1x16xi32>,
      %get3A_538 = vector.shape_cast %get3A_537 : vector<1x1x16xi32> to vector<16xi32>
      %add3A_539 = arith.constant 128 : i32
      %add3A_540 = arith.addi %mul3A_366, %add3A_539 : i32
      %add3A_541 = arith.constant 96 : i32
      %add3A_542 = arith.addi %add3A_540, %add3A_541 : i32
      %swap3A_543 = arith.index_cast %add3A_542 : i32 to index
      %swap3A_544 = tpu.vector_load %arg6[%swap3A_543] {strides = array<i32>} : memref<15616xi32, #tpu.memory_space<vmem>>, vector<16xi32>,
      %swap3A_545 = vector.shape_cast %swap3A_544 : vector<16xi32> to vector<16xi32>
      %swap3A_546 = vector.shape_cast %get3A_538 : vector<16xi32> to vector<16xi32>
      tpu.vector_store %arg6[%swap3A_543], %swap3A_546 {strides = array<i32>} : memref<15616xi32, #tpu.memory_space<vmem>>, vector<16xi32>,
      %get3A_547 = arith.constant 0 : i32
      %get3A_548 = arith.index_cast %scan3A_363 : i32 to index
      %get3A_549 = arith.index_cast %get3A_547 : i32 to index
      %get3A_550 = arith.constant 112 : index
      %get3A_551 = tpu.vector_load %arg5[%get3A_548, %get3A_549, %get3A_550] {strides = array<i32>} : memref<61x2x128xi32, #tpu.memory_space<vmem>>, vector<1x1x16xi32>,
      %get3A_552 = vector.shape_cast %get3A_551 : vector<1x1x16xi32> to vector<16xi32>
      %add3A_553 = arith.constant 112 : i32
      %add3A_554 = arith.addi %mul3A_366, %add3A_553 : i32
      %swap3A_555 = arith.index_cast %add3A_554 : i32 to index
      %swap3A_556 = tpu.vector_load %arg6[%swap3A_555] {strides = array<i32>} : memref<15616xi32, #tpu.memory_space<vmem>>, vector<16xi32>,
      %swap3A_557 = vector.shape_cast %swap3A_556 : vector<16xi32> to vector<16xi32>
      %swap3A_558 = vector.shape_cast %get3A_552 : vector<16xi32> to vector<16xi32>
      tpu.vector_store %arg6[%swap3A_555], %swap3A_558 {strides = array<i32>} : memref<15616xi32, #tpu.memory_space<vmem>>, vector<16xi32>,
      %get3A_559 = arith.constant 1 : i32
      %get3A_560 = arith.index_cast %scan3A_363 : i32 to index
      %get3A_561 = arith.index_cast %get3A_559 : i32 to index
      %get3A_562 = arith.constant 112 : index
      %get3A_563 = tpu.vector_load %arg5[%get3A_560, %get3A_561, %get3A_562] {strides = array<i32>} : memref<61x2x128xi32, #tpu.memory_space<vmem>>, vector<1x1x16xi32>,
      %get3A_564 = vector.shape_cast %get3A_563 : vector<1x1x16xi32> to vector<16xi32>
      %add3A_565 = arith.constant 128 : i32
      %add3A_566 = arith.addi %mul3A_366, %add3A_565 : i32
      %add3A_567 = arith.constant 112 : i32
      %add3A_568 = arith.addi %add3A_566, %add3A_567 : i32
      %swap3A_569 = arith.index_cast %add3A_568 : i32 to index
      %swap3A_570 = tpu.vector_load %arg6[%swap3A_569] {strides = array<i32>} : memref<15616xi32, #tpu.memory_space<vmem>>, vector<16xi32>,
      %swap3A_571 = vector.shape_cast %swap3A_570 : vector<16xi32> to vector<16xi32>
      %swap3A_572 = vector.shape_cast %get3A_564 : vector<16xi32> to vector<16xi32>
      tpu.vector_store %arg6[%swap3A_569], %swap3A_572 {strides = array<i32>} : memref<15616xi32, #tpu.memory_space<vmem>>, vector<16xi32>,
      %scan3A_573 = arith.constant 0 : i32
      scf.yield %scan3A_573 : i32
    }
    %scan3A_272 = arith.constant 61 : i32
    %add3A_273 = arith.constant 366 : i32
    %add3A_274 = arith.addi %mul3A_2, %add3A_273 : i32
    %dma_start3A_275 = arith.constant 0 : i32
    %dma_start3A_276 = arith.constant 0 : i32
    %dma_start3A_277 = tpu.memref_slice %arg2[%add3A_274, %dma_start3A_275, %dma_start3A_276] : memref<15625x2x128xi32, #tpu.memory_space<hbm>> -> memref<61x2x128xi32, #tpu.memory_space<hbm>>
    %dma_start3A_278 = arith.constant 0 : i32
    %dma_start3A_279 = arith.constant 0 : i32
    %dma_start3A_280 = tpu.memref_slice %arg2[%add3A_274, %dma_start3A_278, %dma_start3A_279] : memref<15625x2x128xi32, #tpu.memory_space<hbm>> -> memref<61x2x128xi32, #tpu.memory_space<hbm>>
    tpu.enqueue_dma source(%dma_start3A_280 : memref<61x2x128xi32, #tpu.memory_space<hbm>>) target(%arg5 : memref<61x2x128xi32, #tpu.memory_space<vmem>>) target_semaphore(%arg11 : memref<!tpu.dma_semaphore, #tpu.memory_space<semaphore_mem>>)
    %dma_start3A_281 = arith.constant 0 : i32
    %dma_start3A_282 = tpu.memref_slice %arg10[%dma_start3A_281] : memref<1000000xf32, #tpu.memory_space<vmem_shared>> -> memref<1000000xf32, #tpu.memory_space<vmem_shared>>
    tpu.enqueue_indirect_dma source(%dma_start3A_282 : memref<1000000xf32, #tpu.memory_space<vmem_shared>>) target(%arg8 : memref<15616xf32, #tpu.memory_space<vmem>>) offsets(%arg6 : memref<15616xi32, #tpu.memory_space<vmem>>) semaphore(%arg13 : memref<!tpu.dma_semaphore, #tpu.memory_space<semaphore_mem>>)
    %scan3A_283 = arith.constant 0 : i32
    %scan3A_284 = arith.constant 61 : i32
    %scan3A_285 = arith.addi %scan3A_283, %scan3A_284 : i32
    %scan3A_286 = arith.constant 1 : i32
    %scan3A_287 = scf.for %scan3A_363 = %scan3A_283 to %scan3A_285 step %scan3A_286 iter_args(%scan3A_364 = %scan3A_254) -> (vector<16xf32>)  : i32 {
      %mul3A_365 = arith.constant 256 : i32
      %mul3A_366 = arith.muli %scan3A_363, %mul3A_365 : i32
      %add3A_367 = arith.constant 0 : i32
      %add3A_368 = arith.addi %mul3A_366, %add3A_367 : i32
      %get3A = arith.index_cast %add3A_368 : i32 to index
      %get3A_369 = tpu.vector_load %arg7[%get3A] {strides = array<i32>} : memref<15616xf32, #tpu.memory_space<vmem>>, vector<16xf32>,
      %get3A_370 = vector.shape_cast %get3A_369 : vector<16xf32> to vector<16xf32>
      %add3A_371 = arith.constant 128 : i32
      %add3A_372 = arith.addi %mul3A_366, %add3A_371 : i32
      %add3A_373 = arith.constant 0 : i32
      %add3A_374 = arith.addi %add3A_372, %add3A_373 : i32
      %get3A_375 = arith.index_cast %add3A_374 : i32 to index
      %get3A_376 = tpu.vector_load %arg7[%get3A_375] {strides = array<i32>} : memref<15616xf32, #tpu.memory_space<vmem>>, vector<16xf32>,
      %get3A_377 = vector.shape_cast %get3A_376 : vector<16xf32> to vector<16xf32>
      %sub3A = arith.constant 1.000000e+00 : f32
      %sub3A_378 = vector.broadcast %sub3A : f32 to vector<16xf32>
      %sub3A_379 = arith.subf %sub3A_378, %get3A_370 : vector<16xf32>
      %add3A_380 = arith.addf %sub3A_379, %get3A_377 : vector<16xf32>
      %max3A = arith.constant 0.000000e+00 : f32
      %max3A_381 = vector.broadcast %max3A : f32 to vector<16xf32>
      %max3A_382 = arith.maximumf %add3A_380, %max3A_381 : vector<16xf32>
      %add3A_383 = arith.addf %scan3A_364, %max3A_382 : vector<16xf32>
      %add3A_384 = arith.constant 16 : i32
      %add3A_385 = arith.addi %mul3A_366, %add3A_384 : i32
      %get3A_386 = arith.index_cast %add3A_385 : i32 to index
      %get3A_387 = tpu.vector_load %arg7[%get3A_386] {strides = array<i32>} : memref<15616xf32, #tpu.memory_space<vmem>>, vector<16xf32>,
      %get3A_388 = vector.shape_cast %get3A_387 : vector<16xf32> to vector<16xf32>
      %add3A_389 = arith.constant 128 : i32
      %add3A_390 = arith.addi %mul3A_366, %add3A_389 : i32
      %add3A_391 = arith.constant 16 : i32
      %add3A_392 = arith.addi %add3A_390, %add3A_391 : i32
      %get3A_393 = arith.index_cast %add3A_392 : i32 to index
      %get3A_394 = tpu.vector_load %arg7[%get3A_393] {strides = array<i32>} : memref<15616xf32, #tpu.memory_space<vmem>>, vector<16xf32>,
      %get3A_395 = vector.shape_cast %get3A_394 : vector<16xf32> to vector<16xf32>
      %sub3A_396 = arith.constant 1.000000e+00 : f32
      %sub3A_397 = vector.broadcast %sub3A_396 : f32 to vector<16xf32>
      %sub3A_398 = arith.subf %sub3A_397, %get3A_388 : vector<16xf32>
      %add3A_399 = arith.addf %sub3A_398, %get3A_395 : vector<16xf32>
      %max3A_400 = arith.constant 0.000000e+00 : f32
      %max3A_401 = vector.broadcast %max3A_400 : f32 to vector<16xf32>
      %max3A_402 = arith.maximumf %add3A_399, %max3A_401 : vector<16xf32>
      %add3A_403 = arith.addf %add3A_383, %max3A_402 : vector<16xf32>
      %add3A_404 = arith.constant 32 : i32
      %add3A_405 = arith.addi %mul3A_366, %add3A_404 : i32
      %get3A_406 = arith.index_cast %add3A_405 : i32 to index
      %get3A_407 = tpu.vector_load %arg7[%get3A_406] {strides = array<i32>} : memref<15616xf32, #tpu.memory_space<vmem>>, vector<16xf32>,
      %get3A_408 = vector.shape_cast %get3A_407 : vector<16xf32> to vector<16xf32>
      %add3A_409 = arith.constant 128 : i32
      %add3A_410 = arith.addi %mul3A_366, %add3A_409 : i32
      %add3A_411 = arith.constant 32 : i32
      %add3A_412 = arith.addi %add3A_410, %add3A_411 : i32
      %get3A_413 = arith.index_cast %add3A_412 : i32 to index
      %get3A_414 = tpu.vector_load %arg7[%get3A_413] {strides = array<i32>} : memref<15616xf32, #tpu.memory_space<vmem>>, vector<16xf32>,
      %get3A_415 = vector.shape_cast %get3A_414 : vector<16xf32> to vector<16xf32>
      %sub3A_416 = arith.constant 1.000000e+00 : f32
      %sub3A_417 = vector.broadcast %sub3A_416 : f32 to vector<16xf32>
      %sub3A_418 = arith.subf %sub3A_417, %get3A_408 : vector<16xf32>
      %add3A_419 = arith.addf %sub3A_418, %get3A_415 : vector<16xf32>
      %max3A_420 = arith.constant 0.000000e+00 : f32
      %max3A_421 = vector.broadcast %max3A_420 : f32 to vector<16xf32>
      %max3A_422 = arith.maximumf %add3A_419, %max3A_421 : vector<16xf32>
      %add3A_423 = arith.addf %add3A_403, %max3A_422 : vector<16xf32>
      %add3A_424 = arith.constant 48 : i32
      %add3A_425 = arith.addi %mul3A_366, %add3A_424 : i32
      %get3A_426 = arith.index_cast %add3A_425 : i32 to index
      %get3A_427 = tpu.vector_load %arg7[%get3A_426] {strides = array<i32>} : memref<15616xf32, #tpu.memory_space<vmem>>, vector<16xf32>,
      %get3A_428 = vector.shape_cast %get3A_427 : vector<16xf32> to vector<16xf32>
      %add3A_429 = arith.constant 128 : i32
      %add3A_430 = arith.addi %mul3A_366, %add3A_429 : i32
      %add3A_431 = arith.constant 48 : i32
      %add3A_432 = arith.addi %add3A_430, %add3A_431 : i32
      %get3A_433 = arith.index_cast %add3A_432 : i32 to index
      %get3A_434 = tpu.vector_load %arg7[%get3A_433] {strides = array<i32>} : memref<15616xf32, #tpu.memory_space<vmem>>, vector<16xf32>,
      %get3A_435 = vector.shape_cast %get3A_434 : vector<16xf32> to vector<16xf32>
      %sub3A_436 = arith.constant 1.000000e+00 : f32
      %sub3A_437 = vector.broadcast %sub3A_436 : f32 to vector<16xf32>
      %sub3A_438 = arith.subf %sub3A_437, %get3A_428 : vector<16xf32>
      %add3A_439 = arith.addf %sub3A_438, %get3A_435 : vector<16xf32>
      %max3A_440 = arith.constant 0.000000e+00 : f32
      %max3A_441 = vector.broadcast %max3A_440 : f32 to vector<16xf32>
      %max3A_442 = arith.maximumf %add3A_439, %max3A_441 : vector<16xf32>
      %add3A_443 = arith.addf %add3A_423, %max3A_442 : vector<16xf32>
      %add3A_444 = arith.constant 64 : i32
      %add3A_445 = arith.addi %mul3A_366, %add3A_444 : i32
      %get3A_446 = arith.index_cast %add3A_445 : i32 to index
      %get3A_447 = tpu.vector_load %arg7[%get3A_446] {strides = array<i32>} : memref<15616xf32, #tpu.memory_space<vmem>>, vector<16xf32>,
      %get3A_448 = vector.shape_cast %get3A_447 : vector<16xf32> to vector<16xf32>
      %add3A_449 = arith.constant 128 : i32
      %add3A_450 = arith.addi %mul3A_366, %add3A_449 : i32
      %add3A_451 = arith.constant 64 : i32
      %add3A_452 = arith.addi %add3A_450, %add3A_451 : i32
      %get3A_453 = arith.index_cast %add3A_452 : i32 to index
      %get3A_454 = tpu.vector_load %arg7[%get3A_453] {strides = array<i32>} : memref<15616xf32, #tpu.memory_space<vmem>>, vector<16xf32>,
      %get3A_455 = vector.shape_cast %get3A_454 : vector<16xf32> to vector<16xf32>
      %sub3A_456 = arith.constant 1.000000e+00 : f32
      %sub3A_457 = vector.broadcast %sub3A_456 : f32 to vector<16xf32>
      %sub3A_458 = arith.subf %sub3A_457, %get3A_448 : vector<16xf32>
      %add3A_459 = arith.addf %sub3A_458, %get3A_455 : vector<16xf32>
      %max3A_460 = arith.constant 0.000000e+00 : f32
      %max3A_461 = vector.broadcast %max3A_460 : f32 to vector<16xf32>
      %max3A_462 = arith.maximumf %add3A_459, %max3A_461 : vector<16xf32>
      %add3A_463 = arith.addf %add3A_443, %max3A_462 : vector<16xf32>
      %add3A_464 = arith.constant 80 : i32
      %add3A_465 = arith.addi %mul3A_366, %add3A_464 : i32
      %get3A_466 = arith.index_cast %add3A_465 : i32 to index
      %get3A_467 = tpu.vector_load %arg7[%get3A_466] {strides = array<i32>} : memref<15616xf32, #tpu.memory_space<vmem>>, vector<16xf32>,
      %get3A_468 = vector.shape_cast %get3A_467 : vector<16xf32> to vector<16xf32>
      %add3A_469 = arith.constant 128 : i32
      %add3A_470 = arith.addi %mul3A_366, %add3A_469 : i32
      %add3A_471 = arith.constant 80 : i32
      %add3A_472 = arith.addi %add3A_470, %add3A_471 : i32
      %get3A_473 = arith.index_cast %add3A_472 : i32 to index
      %get3A_474 = tpu.vector_load %arg7[%get3A_473] {strides = array<i32>} : memref<15616xf32, #tpu.memory_space<vmem>>, vector<16xf32>,
      %get3A_475 = vector.shape_cast %get3A_474 : vector<16xf32> to vector<16xf32>
      %sub3A_476 = arith.constant 1.000000e+00 : f32
      %sub3A_477 = vector.broadcast %sub3A_476 : f32 to vector<16xf32>
      %sub3A_478 = arith.subf %sub3A_477, %get3A_468 : vector<16xf32>
      %add3A_479 = arith.addf %sub3A_478, %get3A_475 : vector<16xf32>
      %max3A_480 = arith.constant 0.000000e+00 : f32
      %max3A_481 = vector.broadcast %max3A_480 : f32 to vector<16xf32>
      %max3A_482 = arith.maximumf %add3A_479, %max3A_481 : vector<16xf32>
      %add3A_483 = arith.addf %add3A_463, %max3A_482 : vector<16xf32>
      %add3A_484 = arith.constant 96 : i32
      %add3A_485 = arith.addi %mul3A_366, %add3A_484 : i32
      %get3A_486 = arith.index_cast %add3A_485 : i32 to index
      %get3A_487 = tpu.vector_load %arg7[%get3A_486] {strides = array<i32>} : memref<15616xf32, #tpu.memory_space<vmem>>, vector<16xf32>,
      %get3A_488 = vector.shape_cast %get3A_487 : vector<16xf32> to vector<16xf32>
      %add3A_489 = arith.constant 128 : i32
      %add3A_490 = arith.addi %mul3A_366, %add3A_489 : i32
      %add3A_491 = arith.constant 96 : i32
      %add3A_492 = arith.addi %add3A_490, %add3A_491 : i32
      %get3A_493 = arith.index_cast %add3A_492 : i32 to index
      %get3A_494 = tpu.vector_load %arg7[%get3A_493] {strides = array<i32>} : memref<15616xf32, #tpu.memory_space<vmem>>, vector<16xf32>,
      %get3A_495 = vector.shape_cast %get3A_494 : vector<16xf32> to vector<16xf32>
      %sub3A_496 = arith.constant 1.000000e+00 : f32
      %sub3A_497 = vector.broadcast %sub3A_496 : f32 to vector<16xf32>
      %sub3A_498 = arith.subf %sub3A_497, %get3A_488 : vector<16xf32>
      %add3A_499 = arith.addf %sub3A_498, %get3A_495 : vector<16xf32>
      %max3A_500 = arith.constant 0.000000e+00 : f32
      %max3A_501 = vector.broadcast %max3A_500 : f32 to vector<16xf32>
      %max3A_502 = arith.maximumf %add3A_499, %max3A_501 : vector<16xf32>
      %add3A_503 = arith.addf %add3A_483, %max3A_502 : vector<16xf32>
      %add3A_504 = arith.constant 112 : i32
      %add3A_505 = arith.addi %mul3A_366, %add3A_504 : i32
      %get3A_506 = arith.index_cast %add3A_505 : i32 to index
      %get3A_507 = tpu.vector_load %arg7[%get3A_506] {strides = array<i32>} : memref<15616xf32, #tpu.memory_space<vmem>>, vector<16xf32>,
      %get3A_508 = vector.shape_cast %get3A_507 : vector<16xf32> to vector<16xf32>
      %add3A_509 = arith.constant 128 : i32
      %add3A_510 = arith.addi %mul3A_366, %add3A_509 : i32
      %add3A_511 = arith.constant 112 : i32
      %add3A_512 = arith.addi %add3A_510, %add3A_511 : i32
      %get3A_513 = arith.index_cast %add3A_512 : i32 to index
      %get3A_514 = tpu.vector_load %arg7[%get3A_513] {strides = array<i32>} : memref<15616xf32, #tpu.memory_space<vmem>>, vector<16xf32>,
      %get3A_515 = vector.shape_cast %get3A_514 : vector<16xf32> to vector<16xf32>
      %sub3A_516 = arith.constant 1.000000e+00 : f32
      %sub3A_517 = vector.broadcast %sub3A_516 : f32 to vector<16xf32>
      %sub3A_518 = arith.subf %sub3A_517, %get3A_508 : vector<16xf32>
      %add3A_519 = arith.addf %sub3A_518, %get3A_515 : vector<16xf32>
      %max3A_520 = arith.constant 0.000000e+00 : f32
      %max3A_521 = vector.broadcast %max3A_520 : f32 to vector<16xf32>
      %max3A_522 = arith.maximumf %add3A_519, %max3A_521 : vector<16xf32>
      %add3A_523 = arith.addf %add3A_503, %max3A_522 : vector<16xf32>
      scf.yield %add3A_523 : vector<16xf32>
    }
    %scan3A_288 = arith.constant 61 : i32
    %dma_wait3A_289 = arith.constant 0 : i32
    %dma_wait3A_290 = arith.constant 0 : i32
    %dma_wait3A_291 = arith.constant 0 : i32
    %dma_wait3A_292 = tpu.memref_slice %arg2[%dma_wait3A_289, %dma_wait3A_290, %dma_wait3A_291] : memref<15625x2x128xi32, #tpu.memory_space<hbm>> -> memref<61x2x128xi32, #tpu.memory_space<hbm>>
    %dma_wait3A_293 = arith.constant 0 : i32
    %dma_wait3A_294 = arith.constant 0 : i32
    %dma_wait3A_295 = arith.constant 0 : i32
    %dma_wait3A_296 = tpu.memref_slice %arg2[%dma_wait3A_293, %dma_wait3A_294, %dma_wait3A_295] : memref<15625x2x128xi32, #tpu.memory_space<hbm>> -> memref<61x2x128xi32, #tpu.memory_space<hbm>>
    tpu.wait_dma2 semaphore(%arg11 : memref<!tpu.dma_semaphore, #tpu.memory_space<semaphore_mem>>) src(%dma_wait3A_296 : memref<61x2x128xi32, #tpu.memory_space<hbm>>) dst(%arg5 : memref<61x2x128xi32, #tpu.memory_space<vmem>>)
    %dma_wait3A_297 = arith.constant 0 : i32
    %dma_wait3A_298 = tpu.memref_slice %arg10[%dma_wait3A_297] : memref<1000000xf32, #tpu.memory_space<vmem_shared>> -> memref<1000000xf32, #tpu.memory_space<vmem_shared>>
    tpu.wait_indirect_dma semaphore(%arg13 : memref<!tpu.dma_semaphore, #tpu.memory_space<semaphore_mem>>) src(%dma_wait3A_298 : memref<1000000xf32, #tpu.memory_space<vmem_shared>>) dst(%arg8 : memref<15616xf32, #tpu.memory_space<vmem>>)
    %scan3A_299 = arith.constant 0 : i32
    %scan3A_300 = arith.constant 0 : i32
    %scan3A_301 = arith.constant 61 : i32
    %scan3A_302 = arith.addi %scan3A_300, %scan3A_301 : i32
    %scan3A_303 = arith.constant 1 : i32
    %scan3A_304 = scf.for %scan3A_363 = %scan3A_300 to %scan3A_302 step %scan3A_303 iter_args(%scan3A_364 = %scan3A_299) -> (i32)  : i32 {
      %mul3A_365 = arith.constant 256 : i32
      %mul3A_366 = arith.muli %scan3A_363, %mul3A_365 : i32
      %get3A = arith.constant 0 : i32
      %get3A_367 = arith.index_cast %scan3A_363 : i32 to index
      %get3A_368 = arith.index_cast %get3A : i32 to index
      %get3A_369 = arith.constant 0 : index
      %get3A_370 = tpu.vector_load %arg5[%get3A_367, %get3A_368, %get3A_369] {strides = array<i32>} : memref<61x2x128xi32, #tpu.memory_space<vmem>>, vector<1x1x16xi32>,
      %get3A_371 = vector.shape_cast %get3A_370 : vector<1x1x16xi32> to vector<16xi32>
      %add3A_372 = arith.constant 0 : i32
      %add3A_373 = arith.addi %mul3A_366, %add3A_372 : i32
      %swap3A = arith.index_cast %add3A_373 : i32 to index
      %swap3A_374 = tpu.vector_load %arg6[%swap3A] {strides = array<i32>} : memref<15616xi32, #tpu.memory_space<vmem>>, vector<16xi32>,
      %swap3A_375 = vector.shape_cast %swap3A_374 : vector<16xi32> to vector<16xi32>
      %swap3A_376 = vector.shape_cast %get3A_371 : vector<16xi32> to vector<16xi32>
      tpu.vector_store %arg6[%swap3A], %swap3A_376 {strides = array<i32>} : memref<15616xi32, #tpu.memory_space<vmem>>, vector<16xi32>,
      %get3A_377 = arith.constant 1 : i32
      %get3A_378 = arith.index_cast %scan3A_363 : i32 to index
      %get3A_379 = arith.index_cast %get3A_377 : i32 to index
      %get3A_380 = arith.constant 0 : index
      %get3A_381 = tpu.vector_load %arg5[%get3A_378, %get3A_379, %get3A_380] {strides = array<i32>} : memref<61x2x128xi32, #tpu.memory_space<vmem>>, vector<1x1x16xi32>,
      %get3A_382 = vector.shape_cast %get3A_381 : vector<1x1x16xi32> to vector<16xi32>
      %add3A_383 = arith.constant 128 : i32
      %add3A_384 = arith.addi %mul3A_366, %add3A_383 : i32
      %add3A_385 = arith.constant 0 : i32
      %add3A_386 = arith.addi %add3A_384, %add3A_385 : i32
      %swap3A_387 = arith.index_cast %add3A_386 : i32 to index
      %swap3A_388 = tpu.vector_load %arg6[%swap3A_387] {strides = array<i32>} : memref<15616xi32, #tpu.memory_space<vmem>>, vector<16xi32>,
      %swap3A_389 = vector.shape_cast %swap3A_388 : vector<16xi32> to vector<16xi32>
      %swap3A_390 = vector.shape_cast %get3A_382 : vector<16xi32> to vector<16xi32>
      tpu.vector_store %arg6[%swap3A_387], %swap3A_390 {strides = array<i32>} : memref<15616xi32, #tpu.memory_space<vmem>>, vector<16xi32>,
      %get3A_391 = arith.constant 0 : i32
      %get3A_392 = arith.index_cast %scan3A_363 : i32 to index
      %get3A_393 = arith.index_cast %get3A_391 : i32 to index
      %get3A_394 = arith.constant 16 : index
      %get3A_395 = tpu.vector_load %arg5[%get3A_392, %get3A_393, %get3A_394] {strides = array<i32>} : memref<61x2x128xi32, #tpu.memory_space<vmem>>, vector<1x1x16xi32>,
      %get3A_396 = vector.shape_cast %get3A_395 : vector<1x1x16xi32> to vector<16xi32>
      %add3A_397 = arith.constant 16 : i32
      %add3A_398 = arith.addi %mul3A_366, %add3A_397 : i32
      %swap3A_399 = arith.index_cast %add3A_398 : i32 to index
      %swap3A_400 = tpu.vector_load %arg6[%swap3A_399] {strides = array<i32>} : memref<15616xi32, #tpu.memory_space<vmem>>, vector<16xi32>,
      %swap3A_401 = vector.shape_cast %swap3A_400 : vector<16xi32> to vector<16xi32>
      %swap3A_402 = vector.shape_cast %get3A_396 : vector<16xi32> to vector<16xi32>
      tpu.vector_store %arg6[%swap3A_399], %swap3A_402 {strides = array<i32>} : memref<15616xi32, #tpu.memory_space<vmem>>, vector<16xi32>,
      %get3A_403 = arith.constant 1 : i32
      %get3A_404 = arith.index_cast %scan3A_363 : i32 to index
      %get3A_405 = arith.index_cast %get3A_403 : i32 to index
      %get3A_406 = arith.constant 16 : index
      %get3A_407 = tpu.vector_load %arg5[%get3A_404, %get3A_405, %get3A_406] {strides = array<i32>} : memref<61x2x128xi32, #tpu.memory_space<vmem>>, vector<1x1x16xi32>,
      %get3A_408 = vector.shape_cast %get3A_407 : vector<1x1x16xi32> to vector<16xi32>
      %add3A_409 = arith.constant 128 : i32
      %add3A_410 = arith.addi %mul3A_366, %add3A_409 : i32
      %add3A_411 = arith.constant 16 : i32
      %add3A_412 = arith.addi %add3A_410, %add3A_411 : i32
      %swap3A_413 = arith.index_cast %add3A_412 : i32 to index
      %swap3A_414 = tpu.vector_load %arg6[%swap3A_413] {strides = array<i32>} : memref<15616xi32, #tpu.memory_space<vmem>>, vector<16xi32>,
      %swap3A_415 = vector.shape_cast %swap3A_414 : vector<16xi32> to vector<16xi32>
      %swap3A_416 = vector.shape_cast %get3A_408 : vector<16xi32> to vector<16xi32>
      tpu.vector_store %arg6[%swap3A_413], %swap3A_416 {strides = array<i32>} : memref<15616xi32, #tpu.memory_space<vmem>>, vector<16xi32>,
      %get3A_417 = arith.constant 0 : i32
      %get3A_418 = arith.index_cast %scan3A_363 : i32 to index
      %get3A_419 = arith.index_cast %get3A_417 : i32 to index
      %get3A_420 = arith.constant 32 : index
      %get3A_421 = tpu.vector_load %arg5[%get3A_418, %get3A_419, %get3A_420] {strides = array<i32>} : memref<61x2x128xi32, #tpu.memory_space<vmem>>, vector<1x1x16xi32>,
      %get3A_422 = vector.shape_cast %get3A_421 : vector<1x1x16xi32> to vector<16xi32>
      %add3A_423 = arith.constant 32 : i32
      %add3A_424 = arith.addi %mul3A_366, %add3A_423 : i32
      %swap3A_425 = arith.index_cast %add3A_424 : i32 to index
      %swap3A_426 = tpu.vector_load %arg6[%swap3A_425] {strides = array<i32>} : memref<15616xi32, #tpu.memory_space<vmem>>, vector<16xi32>,
      %swap3A_427 = vector.shape_cast %swap3A_426 : vector<16xi32> to vector<16xi32>
      %swap3A_428 = vector.shape_cast %get3A_422 : vector<16xi32> to vector<16xi32>
      tpu.vector_store %arg6[%swap3A_425], %swap3A_428 {strides = array<i32>} : memref<15616xi32, #tpu.memory_space<vmem>>, vector<16xi32>,
      %get3A_429 = arith.constant 1 : i32
      %get3A_430 = arith.index_cast %scan3A_363 : i32 to index
      %get3A_431 = arith.index_cast %get3A_429 : i32 to index
      %get3A_432 = arith.constant 32 : index
      %get3A_433 = tpu.vector_load %arg5[%get3A_430, %get3A_431, %get3A_432] {strides = array<i32>} : memref<61x2x128xi32, #tpu.memory_space<vmem>>, vector<1x1x16xi32>,
      %get3A_434 = vector.shape_cast %get3A_433 : vector<1x1x16xi32> to vector<16xi32>
      %add3A_435 = arith.constant 128 : i32
      %add3A_436 = arith.addi %mul3A_366, %add3A_435 : i32
      %add3A_437 = arith.constant 32 : i32
      %add3A_438 = arith.addi %add3A_436, %add3A_437 : i32
      %swap3A_439 = arith.index_cast %add3A_438 : i32 to index
      %swap3A_440 = tpu.vector_load %arg6[%swap3A_439] {strides = array<i32>} : memref<15616xi32, #tpu.memory_space<vmem>>, vector<16xi32>,
      %swap3A_441 = vector.shape_cast %swap3A_440 : vector<16xi32> to vector<16xi32>
      %swap3A_442 = vector.shape_cast %get3A_434 : vector<16xi32> to vector<16xi32>
      tpu.vector_store %arg6[%swap3A_439], %swap3A_442 {strides = array<i32>} : memref<15616xi32, #tpu.memory_space<vmem>>, vector<16xi32>,
      %get3A_443 = arith.constant 0 : i32
      %get3A_444 = arith.index_cast %scan3A_363 : i32 to index
      %get3A_445 = arith.index_cast %get3A_443 : i32 to index
      %get3A_446 = arith.constant 48 : index
      %get3A_447 = tpu.vector_load %arg5[%get3A_444, %get3A_445, %get3A_446] {strides = array<i32>} : memref<61x2x128xi32, #tpu.memory_space<vmem>>, vector<1x1x16xi32>,
      %get3A_448 = vector.shape_cast %get3A_447 : vector<1x1x16xi32> to vector<16xi32>
      %add3A_449 = arith.constant 48 : i32
      %add3A_450 = arith.addi %mul3A_366, %add3A_449 : i32
      %swap3A_451 = arith.index_cast %add3A_450 : i32 to index
      %swap3A_452 = tpu.vector_load %arg6[%swap3A_451] {strides = array<i32>} : memref<15616xi32, #tpu.memory_space<vmem>>, vector<16xi32>,
      %swap3A_453 = vector.shape_cast %swap3A_452 : vector<16xi32> to vector<16xi32>
      %swap3A_454 = vector.shape_cast %get3A_448 : vector<16xi32> to vector<16xi32>
      tpu.vector_store %arg6[%swap3A_451], %swap3A_454 {strides = array<i32>} : memref<15616xi32, #tpu.memory_space<vmem>>, vector<16xi32>,
      %get3A_455 = arith.constant 1 : i32
      %get3A_456 = arith.index_cast %scan3A_363 : i32 to index
      %get3A_457 = arith.index_cast %get3A_455 : i32 to index
      %get3A_458 = arith.constant 48 : index
      %get3A_459 = tpu.vector_load %arg5[%get3A_456, %get3A_457, %get3A_458] {strides = array<i32>} : memref<61x2x128xi32, #tpu.memory_space<vmem>>, vector<1x1x16xi32>,
      %get3A_460 = vector.shape_cast %get3A_459 : vector<1x1x16xi32> to vector<16xi32>
      %add3A_461 = arith.constant 128 : i32
      %add3A_462 = arith.addi %mul3A_366, %add3A_461 : i32
      %add3A_463 = arith.constant 48 : i32
      %add3A_464 = arith.addi %add3A_462, %add3A_463 : i32
      %swap3A_465 = arith.index_cast %add3A_464 : i32 to index
      %swap3A_466 = tpu.vector_load %arg6[%swap3A_465] {strides = array<i32>} : memref<15616xi32, #tpu.memory_space<vmem>>, vector<16xi32>,
      %swap3A_467 = vector.shape_cast %swap3A_466 : vector<16xi32> to vector<16xi32>
      %swap3A_468 = vector.shape_cast %get3A_460 : vector<16xi32> to vector<16xi32>
      tpu.vector_store %arg6[%swap3A_465], %swap3A_468 {strides = array<i32>} : memref<15616xi32, #tpu.memory_space<vmem>>, vector<16xi32>,
      %get3A_469 = arith.constant 0 : i32
      %get3A_470 = arith.index_cast %scan3A_363 : i32 to index
      %get3A_471 = arith.index_cast %get3A_469 : i32 to index
      %get3A_472 = arith.constant 64 : index
      %get3A_473 = tpu.vector_load %arg5[%get3A_470, %get3A_471, %get3A_472] {strides = array<i32>} : memref<61x2x128xi32, #tpu.memory_space<vmem>>, vector<1x1x16xi32>,
      %get3A_474 = vector.shape_cast %get3A_473 : vector<1x1x16xi32> to vector<16xi32>
      %add3A_475 = arith.constant 64 : i32
      %add3A_476 = arith.addi %mul3A_366, %add3A_475 : i32
      %swap3A_477 = arith.index_cast %add3A_476 : i32 to index
      %swap3A_478 = tpu.vector_load %arg6[%swap3A_477] {strides = array<i32>} : memref<15616xi32, #tpu.memory_space<vmem>>, vector<16xi32>,
      %swap3A_479 = vector.shape_cast %swap3A_478 : vector<16xi32> to vector<16xi32>
      %swap3A_480 = vector.shape_cast %get3A_474 : vector<16xi32> to vector<16xi32>
      tpu.vector_store %arg6[%swap3A_477], %swap3A_480 {strides = array<i32>} : memref<15616xi32, #tpu.memory_space<vmem>>, vector<16xi32>,
      %get3A_481 = arith.constant 1 : i32
      %get3A_482 = arith.index_cast %scan3A_363 : i32 to index
      %get3A_483 = arith.index_cast %get3A_481 : i32 to index
      %get3A_484 = arith.constant 64 : index
      %get3A_485 = tpu.vector_load %arg5[%get3A_482, %get3A_483, %get3A_484] {strides = array<i32>} : memref<61x2x128xi32, #tpu.memory_space<vmem>>, vector<1x1x16xi32>,
      %get3A_486 = vector.shape_cast %get3A_485 : vector<1x1x16xi32> to vector<16xi32>
      %add3A_487 = arith.constant 128 : i32
      %add3A_488 = arith.addi %mul3A_366, %add3A_487 : i32
      %add3A_489 = arith.constant 64 : i32
      %add3A_490 = arith.addi %add3A_488, %add3A_489 : i32
      %swap3A_491 = arith.index_cast %add3A_490 : i32 to index
      %swap3A_492 = tpu.vector_load %arg6[%swap3A_491] {strides = array<i32>} : memref<15616xi32, #tpu.memory_space<vmem>>, vector<16xi32>,
      %swap3A_493 = vector.shape_cast %swap3A_492 : vector<16xi32> to vector<16xi32>
      %swap3A_494 = vector.shape_cast %get3A_486 : vector<16xi32> to vector<16xi32>
      tpu.vector_store %arg6[%swap3A_491], %swap3A_494 {strides = array<i32>} : memref<15616xi32, #tpu.memory_space<vmem>>, vector<16xi32>,
      %get3A_495 = arith.constant 0 : i32
      %get3A_496 = arith.index_cast %scan3A_363 : i32 to index
      %get3A_497 = arith.index_cast %get3A_495 : i32 to index
      %get3A_498 = arith.constant 80 : index
      %get3A_499 = tpu.vector_load %arg5[%get3A_496, %get3A_497, %get3A_498] {strides = array<i32>} : memref<61x2x128xi32, #tpu.memory_space<vmem>>, vector<1x1x16xi32>,
      %get3A_500 = vector.shape_cast %get3A_499 : vector<1x1x16xi32> to vector<16xi32>
      %add3A_501 = arith.constant 80 : i32
      %add3A_502 = arith.addi %mul3A_366, %add3A_501 : i32
      %swap3A_503 = arith.index_cast %add3A_502 : i32 to index
      %swap3A_504 = tpu.vector_load %arg6[%swap3A_503] {strides = array<i32>} : memref<15616xi32, #tpu.memory_space<vmem>>, vector<16xi32>,
      %swap3A_505 = vector.shape_cast %swap3A_504 : vector<16xi32> to vector<16xi32>
      %swap3A_506 = vector.shape_cast %get3A_500 : vector<16xi32> to vector<16xi32>
      tpu.vector_store %arg6[%swap3A_503], %swap3A_506 {strides = array<i32>} : memref<15616xi32, #tpu.memory_space<vmem>>, vector<16xi32>,
      %get3A_507 = arith.constant 1 : i32
      %get3A_508 = arith.index_cast %scan3A_363 : i32 to index
      %get3A_509 = arith.index_cast %get3A_507 : i32 to index
      %get3A_510 = arith.constant 80 : index
      %get3A_511 = tpu.vector_load %arg5[%get3A_508, %get3A_509, %get3A_510] {strides = array<i32>} : memref<61x2x128xi32, #tpu.memory_space<vmem>>, vector<1x1x16xi32>,
      %get3A_512 = vector.shape_cast %get3A_511 : vector<1x1x16xi32> to vector<16xi32>
      %add3A_513 = arith.constant 128 : i32
      %add3A_514 = arith.addi %mul3A_366, %add3A_513 : i32
      %add3A_515 = arith.constant 80 : i32
      %add3A_516 = arith.addi %add3A_514, %add3A_515 : i32
      %swap3A_517 = arith.index_cast %add3A_516 : i32 to index
      %swap3A_518 = tpu.vector_load %arg6[%swap3A_517] {strides = array<i32>} : memref<15616xi32, #tpu.memory_space<vmem>>, vector<16xi32>,
      %swap3A_519 = vector.shape_cast %swap3A_518 : vector<16xi32> to vector<16xi32>
      %swap3A_520 = vector.shape_cast %get3A_512 : vector<16xi32> to vector<16xi32>
      tpu.vector_store %arg6[%swap3A_517], %swap3A_520 {strides = array<i32>} : memref<15616xi32, #tpu.memory_space<vmem>>, vector<16xi32>,
      %get3A_521 = arith.constant 0 : i32
      %get3A_522 = arith.index_cast %scan3A_363 : i32 to index
      %get3A_523 = arith.index_cast %get3A_521 : i32 to index
      %get3A_524 = arith.constant 96 : index
      %get3A_525 = tpu.vector_load %arg5[%get3A_522, %get3A_523, %get3A_524] {strides = array<i32>} : memref<61x2x128xi32, #tpu.memory_space<vmem>>, vector<1x1x16xi32>,
      %get3A_526 = vector.shape_cast %get3A_525 : vector<1x1x16xi32> to vector<16xi32>
      %add3A_527 = arith.constant 96 : i32
      %add3A_528 = arith.addi %mul3A_366, %add3A_527 : i32
      %swap3A_529 = arith.index_cast %add3A_528 : i32 to index
      %swap3A_530 = tpu.vector_load %arg6[%swap3A_529] {strides = array<i32>} : memref<15616xi32, #tpu.memory_space<vmem>>, vector<16xi32>,
      %swap3A_531 = vector.shape_cast %swap3A_530 : vector<16xi32> to vector<16xi32>
      %swap3A_532 = vector.shape_cast %get3A_526 : vector<16xi32> to vector<16xi32>
      tpu.vector_store %arg6[%swap3A_529], %swap3A_532 {strides = array<i32>} : memref<15616xi32, #tpu.memory_space<vmem>>, vector<16xi32>,
      %get3A_533 = arith.constant 1 : i32
      %get3A_534 = arith.index_cast %scan3A_363 : i32 to index
      %get3A_535 = arith.index_cast %get3A_533 : i32 to index
      %get3A_536 = arith.constant 96 : index
      %get3A_537 = tpu.vector_load %arg5[%get3A_534, %get3A_535, %get3A_536] {strides = array<i32>} : memref<61x2x128xi32, #tpu.memory_space<vmem>>, vector<1x1x16xi32>,
      %get3A_538 = vector.shape_cast %get3A_537 : vector<1x1x16xi32> to vector<16xi32>
      %add3A_539 = arith.constant 128 : i32
      %add3A_540 = arith.addi %mul3A_366, %add3A_539 : i32
      %add3A_541 = arith.constant 96 : i32
      %add3A_542 = arith.addi %add3A_540, %add3A_541 : i32
      %swap3A_543 = arith.index_cast %add3A_542 : i32 to index
      %swap3A_544 = tpu.vector_load %arg6[%swap3A_543] {strides = array<i32>} : memref<15616xi32, #tpu.memory_space<vmem>>, vector<16xi32>,
      %swap3A_545 = vector.shape_cast %swap3A_544 : vector<16xi32> to vector<16xi32>
      %swap3A_546 = vector.shape_cast %get3A_538 : vector<16xi32> to vector<16xi32>
      tpu.vector_store %arg6[%swap3A_543], %swap3A_546 {strides = array<i32>} : memref<15616xi32, #tpu.memory_space<vmem>>, vector<16xi32>,
      %get3A_547 = arith.constant 0 : i32
      %get3A_548 = arith.index_cast %scan3A_363 : i32 to index
      %get3A_549 = arith.index_cast %get3A_547 : i32 to index
      %get3A_550 = arith.constant 112 : index
      %get3A_551 = tpu.vector_load %arg5[%get3A_548, %get3A_549, %get3A_550] {strides = array<i32>} : memref<61x2x128xi32, #tpu.memory_space<vmem>>, vector<1x1x16xi32>,
      %get3A_552 = vector.shape_cast %get3A_551 : vector<1x1x16xi32> to vector<16xi32>
      %add3A_553 = arith.constant 112 : i32
      %add3A_554 = arith.addi %mul3A_366, %add3A_553 : i32
      %swap3A_555 = arith.index_cast %add3A_554 : i32 to index
      %swap3A_556 = tpu.vector_load %arg6[%swap3A_555] {strides = array<i32>} : memref<15616xi32, #tpu.memory_space<vmem>>, vector<16xi32>,
      %swap3A_557 = vector.shape_cast %swap3A_556 : vector<16xi32> to vector<16xi32>
      %swap3A_558 = vector.shape_cast %get3A_552 : vector<16xi32> to vector<16xi32>
      tpu.vector_store %arg6[%swap3A_555], %swap3A_558 {strides = array<i32>} : memref<15616xi32, #tpu.memory_space<vmem>>, vector<16xi32>,
      %get3A_559 = arith.constant 1 : i32
      %get3A_560 = arith.index_cast %scan3A_363 : i32 to index
      %get3A_561 = arith.index_cast %get3A_559 : i32 to index
      %get3A_562 = arith.constant 112 : index
      %get3A_563 = tpu.vector_load %arg5[%get3A_560, %get3A_561, %get3A_562] {strides = array<i32>} : memref<61x2x128xi32, #tpu.memory_space<vmem>>, vector<1x1x16xi32>,
      %get3A_564 = vector.shape_cast %get3A_563 : vector<1x1x16xi32> to vector<16xi32>
      %add3A_565 = arith.constant 128 : i32
      %add3A_566 = arith.addi %mul3A_366, %add3A_565 : i32
      %add3A_567 = arith.constant 112 : i32
      %add3A_568 = arith.addi %add3A_566, %add3A_567 : i32
      %swap3A_569 = arith.index_cast %add3A_568 : i32 to index
      %swap3A_570 = tpu.vector_load %arg6[%swap3A_569] {strides = array<i32>} : memref<15616xi32, #tpu.memory_space<vmem>>, vector<16xi32>,
      %swap3A_571 = vector.shape_cast %swap3A_570 : vector<16xi32> to vector<16xi32>
      %swap3A_572 = vector.shape_cast %get3A_564 : vector<16xi32> to vector<16xi32>
      tpu.vector_store %arg6[%swap3A_569], %swap3A_572 {strides = array<i32>} : memref<15616xi32, #tpu.memory_space<vmem>>, vector<16xi32>,
      %scan3A_573 = arith.constant 0 : i32
      scf.yield %scan3A_573 : i32
    }
    %scan3A_305 = arith.constant 61 : i32
    %add3A_306 = arith.constant 427 : i32
    %add3A_307 = arith.addi %mul3A_2, %add3A_306 : i32
    %dma_start3A_308 = arith.constant 0 : i32
    %dma_start3A_309 = arith.constant 0 : i32
    %dma_start3A_310 = tpu.memref_slice %arg2[%add3A_307, %dma_start3A_308, %dma_start3A_309] : memref<15625x2x128xi32, #tpu.memory_space<hbm>> -> memref<61x2x128xi32, #tpu.memory_space<hbm>>
    %dma_start3A_311 = arith.constant 0 : i32
    %dma_start3A_312 = arith.constant 0 : i32
    %dma_start3A_313 = tpu.memref_slice %arg2[%add3A_307, %dma_start3A_311, %dma_start3A_312] : memref<15625x2x128xi32, #tpu.memory_space<hbm>> -> memref<61x2x128xi32, #tpu.memory_space<hbm>>
    tpu.enqueue_dma source(%dma_start3A_313 : memref<61x2x128xi32, #tpu.memory_space<hbm>>) target(%arg5 : memref<61x2x128xi32, #tpu.memory_space<vmem>>) target_semaphore(%arg11 : memref<!tpu.dma_semaphore, #tpu.memory_space<semaphore_mem>>)
    %dma_start3A_314 = arith.constant 0 : i32
    %dma_start3A_315 = tpu.memref_slice %arg10[%dma_start3A_314] : memref<1000000xf32, #tpu.memory_space<vmem_shared>> -> memref<1000000xf32, #tpu.memory_space<vmem_shared>>
    tpu.enqueue_indirect_dma source(%dma_start3A_315 : memref<1000000xf32, #tpu.memory_space<vmem_shared>>) target(%arg7 : memref<15616xf32, #tpu.memory_space<vmem>>) offsets(%arg6 : memref<15616xi32, #tpu.memory_space<vmem>>) semaphore(%arg12 : memref<!tpu.dma_semaphore, #tpu.memory_space<semaphore_mem>>)
    %scan3A_316 = arith.constant 0 : i32
    %scan3A_317 = arith.constant 61 : i32
    %scan3A_318 = arith.addi %scan3A_316, %scan3A_317 : i32
    %scan3A_319 = arith.constant 1 : i32
    %scan3A_320 = scf.for %scan3A_363 = %scan3A_316 to %scan3A_318 step %scan3A_319 iter_args(%scan3A_364 = %scan3A_287) -> (vector<16xf32>)  : i32 {
      %mul3A_365 = arith.constant 256 : i32
      %mul3A_366 = arith.muli %scan3A_363, %mul3A_365 : i32
      %add3A_367 = arith.constant 0 : i32
      %add3A_368 = arith.addi %mul3A_366, %add3A_367 : i32
      %get3A = arith.index_cast %add3A_368 : i32 to index
      %get3A_369 = tpu.vector_load %arg8[%get3A] {strides = array<i32>} : memref<15616xf32, #tpu.memory_space<vmem>>, vector<16xf32>,
      %get3A_370 = vector.shape_cast %get3A_369 : vector<16xf32> to vector<16xf32>
      %add3A_371 = arith.constant 128 : i32
      %add3A_372 = arith.addi %mul3A_366, %add3A_371 : i32
      %add3A_373 = arith.constant 0 : i32
      %add3A_374 = arith.addi %add3A_372, %add3A_373 : i32
      %get3A_375 = arith.index_cast %add3A_374 : i32 to index
      %get3A_376 = tpu.vector_load %arg8[%get3A_375] {strides = array<i32>} : memref<15616xf32, #tpu.memory_space<vmem>>, vector<16xf32>,
      %get3A_377 = vector.shape_cast %get3A_376 : vector<16xf32> to vector<16xf32>
      %sub3A = arith.constant 1.000000e+00 : f32
      %sub3A_378 = vector.broadcast %sub3A : f32 to vector<16xf32>
      %sub3A_379 = arith.subf %sub3A_378, %get3A_370 : vector<16xf32>
      %add3A_380 = arith.addf %sub3A_379, %get3A_377 : vector<16xf32>
      %max3A = arith.constant 0.000000e+00 : f32
      %max3A_381 = vector.broadcast %max3A : f32 to vector<16xf32>
      %max3A_382 = arith.maximumf %add3A_380, %max3A_381 : vector<16xf32>
      %add3A_383 = arith.addf %scan3A_364, %max3A_382 : vector<16xf32>
      %add3A_384 = arith.constant 16 : i32
      %add3A_385 = arith.addi %mul3A_366, %add3A_384 : i32
      %get3A_386 = arith.index_cast %add3A_385 : i32 to index
      %get3A_387 = tpu.vector_load %arg8[%get3A_386] {strides = array<i32>} : memref<15616xf32, #tpu.memory_space<vmem>>, vector<16xf32>,
      %get3A_388 = vector.shape_cast %get3A_387 : vector<16xf32> to vector<16xf32>
      %add3A_389 = arith.constant 128 : i32
      %add3A_390 = arith.addi %mul3A_366, %add3A_389 : i32
      %add3A_391 = arith.constant 16 : i32
      %add3A_392 = arith.addi %add3A_390, %add3A_391 : i32
      %get3A_393 = arith.index_cast %add3A_392 : i32 to index
      %get3A_394 = tpu.vector_load %arg8[%get3A_393] {strides = array<i32>} : memref<15616xf32, #tpu.memory_space<vmem>>, vector<16xf32>,
      %get3A_395 = vector.shape_cast %get3A_394 : vector<16xf32> to vector<16xf32>
      %sub3A_396 = arith.constant 1.000000e+00 : f32
      %sub3A_397 = vector.broadcast %sub3A_396 : f32 to vector<16xf32>
      %sub3A_398 = arith.subf %sub3A_397, %get3A_388 : vector<16xf32>
      %add3A_399 = arith.addf %sub3A_398, %get3A_395 : vector<16xf32>
      %max3A_400 = arith.constant 0.000000e+00 : f32
      %max3A_401 = vector.broadcast %max3A_400 : f32 to vector<16xf32>
      %max3A_402 = arith.maximumf %add3A_399, %max3A_401 : vector<16xf32>
      %add3A_403 = arith.addf %add3A_383, %max3A_402 : vector<16xf32>
      %add3A_404 = arith.constant 32 : i32
      %add3A_405 = arith.addi %mul3A_366, %add3A_404 : i32
      %get3A_406 = arith.index_cast %add3A_405 : i32 to index
      %get3A_407 = tpu.vector_load %arg8[%get3A_406] {strides = array<i32>} : memref<15616xf32, #tpu.memory_space<vmem>>, vector<16xf32>,
      %get3A_408 = vector.shape_cast %get3A_407 : vector<16xf32> to vector<16xf32>
      %add3A_409 = arith.constant 128 : i32
      %add3A_410 = arith.addi %mul3A_366, %add3A_409 : i32
      %add3A_411 = arith.constant 32 : i32
      %add3A_412 = arith.addi %add3A_410, %add3A_411 : i32
      %get3A_413 = arith.index_cast %add3A_412 : i32 to index
      %get3A_414 = tpu.vector_load %arg8[%get3A_413] {strides = array<i32>} : memref<15616xf32, #tpu.memory_space<vmem>>, vector<16xf32>,
      %get3A_415 = vector.shape_cast %get3A_414 : vector<16xf32> to vector<16xf32>
      %sub3A_416 = arith.constant 1.000000e+00 : f32
      %sub3A_417 = vector.broadcast %sub3A_416 : f32 to vector<16xf32>
      %sub3A_418 = arith.subf %sub3A_417, %get3A_408 : vector<16xf32>
      %add3A_419 = arith.addf %sub3A_418, %get3A_415 : vector<16xf32>
      %max3A_420 = arith.constant 0.000000e+00 : f32
      %max3A_421 = vector.broadcast %max3A_420 : f32 to vector<16xf32>
      %max3A_422 = arith.maximumf %add3A_419, %max3A_421 : vector<16xf32>
      %add3A_423 = arith.addf %add3A_403, %max3A_422 : vector<16xf32>
      %add3A_424 = arith.constant 48 : i32
      %add3A_425 = arith.addi %mul3A_366, %add3A_424 : i32
      %get3A_426 = arith.index_cast %add3A_425 : i32 to index
      %get3A_427 = tpu.vector_load %arg8[%get3A_426] {strides = array<i32>} : memref<15616xf32, #tpu.memory_space<vmem>>, vector<16xf32>,
      %get3A_428 = vector.shape_cast %get3A_427 : vector<16xf32> to vector<16xf32>
      %add3A_429 = arith.constant 128 : i32
      %add3A_430 = arith.addi %mul3A_366, %add3A_429 : i32
      %add3A_431 = arith.constant 48 : i32
      %add3A_432 = arith.addi %add3A_430, %add3A_431 : i32
      %get3A_433 = arith.index_cast %add3A_432 : i32 to index
      %get3A_434 = tpu.vector_load %arg8[%get3A_433] {strides = array<i32>} : memref<15616xf32, #tpu.memory_space<vmem>>, vector<16xf32>,
      %get3A_435 = vector.shape_cast %get3A_434 : vector<16xf32> to vector<16xf32>
      %sub3A_436 = arith.constant 1.000000e+00 : f32
      %sub3A_437 = vector.broadcast %sub3A_436 : f32 to vector<16xf32>
      %sub3A_438 = arith.subf %sub3A_437, %get3A_428 : vector<16xf32>
      %add3A_439 = arith.addf %sub3A_438, %get3A_435 : vector<16xf32>
      %max3A_440 = arith.constant 0.000000e+00 : f32
      %max3A_441 = vector.broadcast %max3A_440 : f32 to vector<16xf32>
      %max3A_442 = arith.maximumf %add3A_439, %max3A_441 : vector<16xf32>
      %add3A_443 = arith.addf %add3A_423, %max3A_442 : vector<16xf32>
      %add3A_444 = arith.constant 64 : i32
      %add3A_445 = arith.addi %mul3A_366, %add3A_444 : i32
      %get3A_446 = arith.index_cast %add3A_445 : i32 to index
      %get3A_447 = tpu.vector_load %arg8[%get3A_446] {strides = array<i32>} : memref<15616xf32, #tpu.memory_space<vmem>>, vector<16xf32>,
      %get3A_448 = vector.shape_cast %get3A_447 : vector<16xf32> to vector<16xf32>
      %add3A_449 = arith.constant 128 : i32
      %add3A_450 = arith.addi %mul3A_366, %add3A_449 : i32
      %add3A_451 = arith.constant 64 : i32
      %add3A_452 = arith.addi %add3A_450, %add3A_451 : i32
      %get3A_453 = arith.index_cast %add3A_452 : i32 to index
      %get3A_454 = tpu.vector_load %arg8[%get3A_453] {strides = array<i32>} : memref<15616xf32, #tpu.memory_space<vmem>>, vector<16xf32>,
      %get3A_455 = vector.shape_cast %get3A_454 : vector<16xf32> to vector<16xf32>
      %sub3A_456 = arith.constant 1.000000e+00 : f32
      %sub3A_457 = vector.broadcast %sub3A_456 : f32 to vector<16xf32>
      %sub3A_458 = arith.subf %sub3A_457, %get3A_448 : vector<16xf32>
      %add3A_459 = arith.addf %sub3A_458, %get3A_455 : vector<16xf32>
      %max3A_460 = arith.constant 0.000000e+00 : f32
      %max3A_461 = vector.broadcast %max3A_460 : f32 to vector<16xf32>
      %max3A_462 = arith.maximumf %add3A_459, %max3A_461 : vector<16xf32>
      %add3A_463 = arith.addf %add3A_443, %max3A_462 : vector<16xf32>
      %add3A_464 = arith.constant 80 : i32
      %add3A_465 = arith.addi %mul3A_366, %add3A_464 : i32
      %get3A_466 = arith.index_cast %add3A_465 : i32 to index
      %get3A_467 = tpu.vector_load %arg8[%get3A_466] {strides = array<i32>} : memref<15616xf32, #tpu.memory_space<vmem>>, vector<16xf32>,
      %get3A_468 = vector.shape_cast %get3A_467 : vector<16xf32> to vector<16xf32>
      %add3A_469 = arith.constant 128 : i32
      %add3A_470 = arith.addi %mul3A_366, %add3A_469 : i32
      %add3A_471 = arith.constant 80 : i32
      %add3A_472 = arith.addi %add3A_470, %add3A_471 : i32
      %get3A_473 = arith.index_cast %add3A_472 : i32 to index
      %get3A_474 = tpu.vector_load %arg8[%get3A_473] {strides = array<i32>} : memref<15616xf32, #tpu.memory_space<vmem>>, vector<16xf32>,
      %get3A_475 = vector.shape_cast %get3A_474 : vector<16xf32> to vector<16xf32>
      %sub3A_476 = arith.constant 1.000000e+00 : f32
      %sub3A_477 = vector.broadcast %sub3A_476 : f32 to vector<16xf32>
      %sub3A_478 = arith.subf %sub3A_477, %get3A_468 : vector<16xf32>
      %add3A_479 = arith.addf %sub3A_478, %get3A_475 : vector<16xf32>
      %max3A_480 = arith.constant 0.000000e+00 : f32
      %max3A_481 = vector.broadcast %max3A_480 : f32 to vector<16xf32>
      %max3A_482 = arith.maximumf %add3A_479, %max3A_481 : vector<16xf32>
      %add3A_483 = arith.addf %add3A_463, %max3A_482 : vector<16xf32>
      %add3A_484 = arith.constant 96 : i32
      %add3A_485 = arith.addi %mul3A_366, %add3A_484 : i32
      %get3A_486 = arith.index_cast %add3A_485 : i32 to index
      %get3A_487 = tpu.vector_load %arg8[%get3A_486] {strides = array<i32>} : memref<15616xf32, #tpu.memory_space<vmem>>, vector<16xf32>,
      %get3A_488 = vector.shape_cast %get3A_487 : vector<16xf32> to vector<16xf32>
      %add3A_489 = arith.constant 128 : i32
      %add3A_490 = arith.addi %mul3A_366, %add3A_489 : i32
      %add3A_491 = arith.constant 96 : i32
      %add3A_492 = arith.addi %add3A_490, %add3A_491 : i32
      %get3A_493 = arith.index_cast %add3A_492 : i32 to index
      %get3A_494 = tpu.vector_load %arg8[%get3A_493] {strides = array<i32>} : memref<15616xf32, #tpu.memory_space<vmem>>, vector<16xf32>,
      %get3A_495 = vector.shape_cast %get3A_494 : vector<16xf32> to vector<16xf32>
      %sub3A_496 = arith.constant 1.000000e+00 : f32
      %sub3A_497 = vector.broadcast %sub3A_496 : f32 to vector<16xf32>
      %sub3A_498 = arith.subf %sub3A_497, %get3A_488 : vector<16xf32>
      %add3A_499 = arith.addf %sub3A_498, %get3A_495 : vector<16xf32>
      %max3A_500 = arith.constant 0.000000e+00 : f32
      %max3A_501 = vector.broadcast %max3A_500 : f32 to vector<16xf32>
      %max3A_502 = arith.maximumf %add3A_499, %max3A_501 : vector<16xf32>
      %add3A_503 = arith.addf %add3A_483, %max3A_502 : vector<16xf32>
      %add3A_504 = arith.constant 112 : i32
      %add3A_505 = arith.addi %mul3A_366, %add3A_504 : i32
      %get3A_506 = arith.index_cast %add3A_505 : i32 to index
      %get3A_507 = tpu.vector_load %arg8[%get3A_506] {strides = array<i32>} : memref<15616xf32, #tpu.memory_space<vmem>>, vector<16xf32>,
      %get3A_508 = vector.shape_cast %get3A_507 : vector<16xf32> to vector<16xf32>
      %add3A_509 = arith.constant 128 : i32
      %add3A_510 = arith.addi %mul3A_366, %add3A_509 : i32
      %add3A_511 = arith.constant 112 : i32
      %add3A_512 = arith.addi %add3A_510, %add3A_511 : i32
      %get3A_513 = arith.index_cast %add3A_512 : i32 to index
      %get3A_514 = tpu.vector_load %arg8[%get3A_513] {strides = array<i32>} : memref<15616xf32, #tpu.memory_space<vmem>>, vector<16xf32>,
      %get3A_515 = vector.shape_cast %get3A_514 : vector<16xf32> to vector<16xf32>
      %sub3A_516 = arith.constant 1.000000e+00 : f32
      %sub3A_517 = vector.broadcast %sub3A_516 : f32 to vector<16xf32>
      %sub3A_518 = arith.subf %sub3A_517, %get3A_508 : vector<16xf32>
      %add3A_519 = arith.addf %sub3A_518, %get3A_515 : vector<16xf32>
      %max3A_520 = arith.constant 0.000000e+00 : f32
      %max3A_521 = vector.broadcast %max3A_520 : f32 to vector<16xf32>
      %max3A_522 = arith.maximumf %add3A_519, %max3A_521 : vector<16xf32>
      %add3A_523 = arith.addf %add3A_503, %max3A_522 : vector<16xf32>
      scf.yield %add3A_523 : vector<16xf32>
    }
    %scan3A_321 = arith.constant 61 : i32
    %dma_wait3A_322 = arith.constant 0 : i32
    %dma_wait3A_323 = arith.constant 0 : i32
    %dma_wait3A_324 = arith.constant 0 : i32
    %dma_wait3A_325 = tpu.memref_slice %arg2[%dma_wait3A_322, %dma_wait3A_323, %dma_wait3A_324] : memref<15625x2x128xi32, #tpu.memory_space<hbm>> -> memref<61x2x128xi32, #tpu.memory_space<hbm>>
    %dma_wait3A_326 = arith.constant 0 : i32
    %dma_wait3A_327 = arith.constant 0 : i32
    %dma_wait3A_328 = arith.constant 0 : i32
    %dma_wait3A_329 = tpu.memref_slice %arg2[%dma_wait3A_326, %dma_wait3A_327, %dma_wait3A_328] : memref<15625x2x128xi32, #tpu.memory_space<hbm>> -> memref<61x2x128xi32, #tpu.memory_space<hbm>>
    tpu.wait_dma2 semaphore(%arg11 : memref<!tpu.dma_semaphore, #tpu.memory_space<semaphore_mem>>) src(%dma_wait3A_329 : memref<61x2x128xi32, #tpu.memory_space<hbm>>) dst(%arg5 : memref<61x2x128xi32, #tpu.memory_space<vmem>>)
    %dma_wait3A_330 = arith.constant 0 : i32
    %dma_wait3A_331 = tpu.memref_slice %arg10[%dma_wait3A_330] : memref<1000000xf32, #tpu.memory_space<vmem_shared>> -> memref<1000000xf32, #tpu.memory_space<vmem_shared>>
    tpu.wait_indirect_dma semaphore(%arg12 : memref<!tpu.dma_semaphore, #tpu.memory_space<semaphore_mem>>) src(%dma_wait3A_331 : memref<1000000xf32, #tpu.memory_space<vmem_shared>>) dst(%arg7 : memref<15616xf32, #tpu.memory_space<vmem>>)
    %scan3A_332 = arith.constant 0 : i32
    %scan3A_333 = arith.constant 0 : i32
    %scan3A_334 = arith.constant 61 : i32
    %scan3A_335 = arith.addi %scan3A_333, %scan3A_334 : i32
    %scan3A_336 = arith.constant 1 : i32
    %scan3A_337 = scf.for %scan3A_363 = %scan3A_333 to %scan3A_335 step %scan3A_336 iter_args(%scan3A_364 = %scan3A_332) -> (i32)  : i32 {
      %mul3A_365 = arith.constant 256 : i32
      %mul3A_366 = arith.muli %scan3A_363, %mul3A_365 : i32
      %get3A = arith.constant 0 : i32
      %get3A_367 = arith.index_cast %scan3A_363 : i32 to index
      %get3A_368 = arith.index_cast %get3A : i32 to index
      %get3A_369 = arith.constant 0 : index
      %get3A_370 = tpu.vector_load %arg5[%get3A_367, %get3A_368, %get3A_369] {strides = array<i32>} : memref<61x2x128xi32, #tpu.memory_space<vmem>>, vector<1x1x16xi32>,
      %get3A_371 = vector.shape_cast %get3A_370 : vector<1x1x16xi32> to vector<16xi32>
      %add3A_372 = arith.constant 0 : i32
      %add3A_373 = arith.addi %mul3A_366, %add3A_372 : i32
      %swap3A = arith.index_cast %add3A_373 : i32 to index
      %swap3A_374 = tpu.vector_load %arg6[%swap3A] {strides = array<i32>} : memref<15616xi32, #tpu.memory_space<vmem>>, vector<16xi32>,
      %swap3A_375 = vector.shape_cast %swap3A_374 : vector<16xi32> to vector<16xi32>
      %swap3A_376 = vector.shape_cast %get3A_371 : vector<16xi32> to vector<16xi32>
      tpu.vector_store %arg6[%swap3A], %swap3A_376 {strides = array<i32>} : memref<15616xi32, #tpu.memory_space<vmem>>, vector<16xi32>,
      %get3A_377 = arith.constant 1 : i32
      %get3A_378 = arith.index_cast %scan3A_363 : i32 to index
      %get3A_379 = arith.index_cast %get3A_377 : i32 to index
      %get3A_380 = arith.constant 0 : index
      %get3A_381 = tpu.vector_load %arg5[%get3A_378, %get3A_379, %get3A_380] {strides = array<i32>} : memref<61x2x128xi32, #tpu.memory_space<vmem>>, vector<1x1x16xi32>,
      %get3A_382 = vector.shape_cast %get3A_381 : vector<1x1x16xi32> to vector<16xi32>
      %add3A_383 = arith.constant 128 : i32
      %add3A_384 = arith.addi %mul3A_366, %add3A_383 : i32
      %add3A_385 = arith.constant 0 : i32
      %add3A_386 = arith.addi %add3A_384, %add3A_385 : i32
      %swap3A_387 = arith.index_cast %add3A_386 : i32 to index
      %swap3A_388 = tpu.vector_load %arg6[%swap3A_387] {strides = array<i32>} : memref<15616xi32, #tpu.memory_space<vmem>>, vector<16xi32>,
      %swap3A_389 = vector.shape_cast %swap3A_388 : vector<16xi32> to vector<16xi32>
      %swap3A_390 = vector.shape_cast %get3A_382 : vector<16xi32> to vector<16xi32>
      tpu.vector_store %arg6[%swap3A_387], %swap3A_390 {strides = array<i32>} : memref<15616xi32, #tpu.memory_space<vmem>>, vector<16xi32>,
      %get3A_391 = arith.constant 0 : i32
      %get3A_392 = arith.index_cast %scan3A_363 : i32 to index
      %get3A_393 = arith.index_cast %get3A_391 : i32 to index
      %get3A_394 = arith.constant 16 : index
      %get3A_395 = tpu.vector_load %arg5[%get3A_392, %get3A_393, %get3A_394] {strides = array<i32>} : memref<61x2x128xi32, #tpu.memory_space<vmem>>, vector<1x1x16xi32>,
      %get3A_396 = vector.shape_cast %get3A_395 : vector<1x1x16xi32> to vector<16xi32>
      %add3A_397 = arith.constant 16 : i32
      %add3A_398 = arith.addi %mul3A_366, %add3A_397 : i32
      %swap3A_399 = arith.index_cast %add3A_398 : i32 to index
      %swap3A_400 = tpu.vector_load %arg6[%swap3A_399] {strides = array<i32>} : memref<15616xi32, #tpu.memory_space<vmem>>, vector<16xi32>,
      %swap3A_401 = vector.shape_cast %swap3A_400 : vector<16xi32> to vector<16xi32>
      %swap3A_402 = vector.shape_cast %get3A_396 : vector<16xi32> to vector<16xi32>
      tpu.vector_store %arg6[%swap3A_399], %swap3A_402 {strides = array<i32>} : memref<15616xi32, #tpu.memory_space<vmem>>, vector<16xi32>,
      %get3A_403 = arith.constant 1 : i32
      %get3A_404 = arith.index_cast %scan3A_363 : i32 to index
      %get3A_405 = arith.index_cast %get3A_403 : i32 to index
      %get3A_406 = arith.constant 16 : index
      %get3A_407 = tpu.vector_load %arg5[%get3A_404, %get3A_405, %get3A_406] {strides = array<i32>} : memref<61x2x128xi32, #tpu.memory_space<vmem>>, vector<1x1x16xi32>,
      %get3A_408 = vector.shape_cast %get3A_407 : vector<1x1x16xi32> to vector<16xi32>
      %add3A_409 = arith.constant 128 : i32
      %add3A_410 = arith.addi %mul3A_366, %add3A_409 : i32
      %add3A_411 = arith.constant 16 : i32
      %add3A_412 = arith.addi %add3A_410, %add3A_411 : i32
      %swap3A_413 = arith.index_cast %add3A_412 : i32 to index
      %swap3A_414 = tpu.vector_load %arg6[%swap3A_413] {strides = array<i32>} : memref<15616xi32, #tpu.memory_space<vmem>>, vector<16xi32>,
      %swap3A_415 = vector.shape_cast %swap3A_414 : vector<16xi32> to vector<16xi32>
      %swap3A_416 = vector.shape_cast %get3A_408 : vector<16xi32> to vector<16xi32>
      tpu.vector_store %arg6[%swap3A_413], %swap3A_416 {strides = array<i32>} : memref<15616xi32, #tpu.memory_space<vmem>>, vector<16xi32>,
      %get3A_417 = arith.constant 0 : i32
      %get3A_418 = arith.index_cast %scan3A_363 : i32 to index
      %get3A_419 = arith.index_cast %get3A_417 : i32 to index
      %get3A_420 = arith.constant 32 : index
      %get3A_421 = tpu.vector_load %arg5[%get3A_418, %get3A_419, %get3A_420] {strides = array<i32>} : memref<61x2x128xi32, #tpu.memory_space<vmem>>, vector<1x1x16xi32>,
      %get3A_422 = vector.shape_cast %get3A_421 : vector<1x1x16xi32> to vector<16xi32>
      %add3A_423 = arith.constant 32 : i32
      %add3A_424 = arith.addi %mul3A_366, %add3A_423 : i32
      %swap3A_425 = arith.index_cast %add3A_424 : i32 to index
      %swap3A_426 = tpu.vector_load %arg6[%swap3A_425] {strides = array<i32>} : memref<15616xi32, #tpu.memory_space<vmem>>, vector<16xi32>,
      %swap3A_427 = vector.shape_cast %swap3A_426 : vector<16xi32> to vector<16xi32>
      %swap3A_428 = vector.shape_cast %get3A_422 : vector<16xi32> to vector<16xi32>
      tpu.vector_store %arg6[%swap3A_425], %swap3A_428 {strides = array<i32>} : memref<15616xi32, #tpu.memory_space<vmem>>, vector<16xi32>,
      %get3A_429 = arith.constant 1 : i32
      %get3A_430 = arith.index_cast %scan3A_363 : i32 to index
      %get3A_431 = arith.index_cast %get3A_429 : i32 to index
      %get3A_432 = arith.constant 32 : index
      %get3A_433 = tpu.vector_load %arg5[%get3A_430, %get3A_431, %get3A_432] {strides = array<i32>} : memref<61x2x128xi32, #tpu.memory_space<vmem>>, vector<1x1x16xi32>,
      %get3A_434 = vector.shape_cast %get3A_433 : vector<1x1x16xi32> to vector<16xi32>
      %add3A_435 = arith.constant 128 : i32
      %add3A_436 = arith.addi %mul3A_366, %add3A_435 : i32
      %add3A_437 = arith.constant 32 : i32
      %add3A_438 = arith.addi %add3A_436, %add3A_437 : i32
      %swap3A_439 = arith.index_cast %add3A_438 : i32 to index
      %swap3A_440 = tpu.vector_load %arg6[%swap3A_439] {strides = array<i32>} : memref<15616xi32, #tpu.memory_space<vmem>>, vector<16xi32>,
      %swap3A_441 = vector.shape_cast %swap3A_440 : vector<16xi32> to vector<16xi32>
      %swap3A_442 = vector.shape_cast %get3A_434 : vector<16xi32> to vector<16xi32>
      tpu.vector_store %arg6[%swap3A_439], %swap3A_442 {strides = array<i32>} : memref<15616xi32, #tpu.memory_space<vmem>>, vector<16xi32>,
      %get3A_443 = arith.constant 0 : i32
      %get3A_444 = arith.index_cast %scan3A_363 : i32 to index
      %get3A_445 = arith.index_cast %get3A_443 : i32 to index
      %get3A_446 = arith.constant 48 : index
      %get3A_447 = tpu.vector_load %arg5[%get3A_444, %get3A_445, %get3A_446] {strides = array<i32>} : memref<61x2x128xi32, #tpu.memory_space<vmem>>, vector<1x1x16xi32>,
      %get3A_448 = vector.shape_cast %get3A_447 : vector<1x1x16xi32> to vector<16xi32>
      %add3A_449 = arith.constant 48 : i32
      %add3A_450 = arith.addi %mul3A_366, %add3A_449 : i32
      %swap3A_451 = arith.index_cast %add3A_450 : i32 to index
      %swap3A_452 = tpu.vector_load %arg6[%swap3A_451] {strides = array<i32>} : memref<15616xi32, #tpu.memory_space<vmem>>, vector<16xi32>,
      %swap3A_453 = vector.shape_cast %swap3A_452 : vector<16xi32> to vector<16xi32>
      %swap3A_454 = vector.shape_cast %get3A_448 : vector<16xi32> to vector<16xi32>
      tpu.vector_store %arg6[%swap3A_451], %swap3A_454 {strides = array<i32>} : memref<15616xi32, #tpu.memory_space<vmem>>, vector<16xi32>,
      %get3A_455 = arith.constant 1 : i32
      %get3A_456 = arith.index_cast %scan3A_363 : i32 to index
      %get3A_457 = arith.index_cast %get3A_455 : i32 to index
      %get3A_458 = arith.constant 48 : index
      %get3A_459 = tpu.vector_load %arg5[%get3A_456, %get3A_457, %get3A_458] {strides = array<i32>} : memref<61x2x128xi32, #tpu.memory_space<vmem>>, vector<1x1x16xi32>,
      %get3A_460 = vector.shape_cast %get3A_459 : vector<1x1x16xi32> to vector<16xi32>
      %add3A_461 = arith.constant 128 : i32
      %add3A_462 = arith.addi %mul3A_366, %add3A_461 : i32
      %add3A_463 = arith.constant 48 : i32
      %add3A_464 = arith.addi %add3A_462, %add3A_463 : i32
      %swap3A_465 = arith.index_cast %add3A_464 : i32 to index
      %swap3A_466 = tpu.vector_load %arg6[%swap3A_465] {strides = array<i32>} : memref<15616xi32, #tpu.memory_space<vmem>>, vector<16xi32>,
      %swap3A_467 = vector.shape_cast %swap3A_466 : vector<16xi32> to vector<16xi32>
      %swap3A_468 = vector.shape_cast %get3A_460 : vector<16xi32> to vector<16xi32>
      tpu.vector_store %arg6[%swap3A_465], %swap3A_468 {strides = array<i32>} : memref<15616xi32, #tpu.memory_space<vmem>>, vector<16xi32>,
      %get3A_469 = arith.constant 0 : i32
      %get3A_470 = arith.index_cast %scan3A_363 : i32 to index
      %get3A_471 = arith.index_cast %get3A_469 : i32 to index
      %get3A_472 = arith.constant 64 : index
      %get3A_473 = tpu.vector_load %arg5[%get3A_470, %get3A_471, %get3A_472] {strides = array<i32>} : memref<61x2x128xi32, #tpu.memory_space<vmem>>, vector<1x1x16xi32>,
      %get3A_474 = vector.shape_cast %get3A_473 : vector<1x1x16xi32> to vector<16xi32>
      %add3A_475 = arith.constant 64 : i32
      %add3A_476 = arith.addi %mul3A_366, %add3A_475 : i32
      %swap3A_477 = arith.index_cast %add3A_476 : i32 to index
      %swap3A_478 = tpu.vector_load %arg6[%swap3A_477] {strides = array<i32>} : memref<15616xi32, #tpu.memory_space<vmem>>, vector<16xi32>,
      %swap3A_479 = vector.shape_cast %swap3A_478 : vector<16xi32> to vector<16xi32>
      %swap3A_480 = vector.shape_cast %get3A_474 : vector<16xi32> to vector<16xi32>
      tpu.vector_store %arg6[%swap3A_477], %swap3A_480 {strides = array<i32>} : memref<15616xi32, #tpu.memory_space<vmem>>, vector<16xi32>,
      %get3A_481 = arith.constant 1 : i32
      %get3A_482 = arith.index_cast %scan3A_363 : i32 to index
      %get3A_483 = arith.index_cast %get3A_481 : i32 to index
      %get3A_484 = arith.constant 64 : index
      %get3A_485 = tpu.vector_load %arg5[%get3A_482, %get3A_483, %get3A_484] {strides = array<i32>} : memref<61x2x128xi32, #tpu.memory_space<vmem>>, vector<1x1x16xi32>,
      %get3A_486 = vector.shape_cast %get3A_485 : vector<1x1x16xi32> to vector<16xi32>
      %add3A_487 = arith.constant 128 : i32
      %add3A_488 = arith.addi %mul3A_366, %add3A_487 : i32
      %add3A_489 = arith.constant 64 : i32
      %add3A_490 = arith.addi %add3A_488, %add3A_489 : i32
      %swap3A_491 = arith.index_cast %add3A_490 : i32 to index
      %swap3A_492 = tpu.vector_load %arg6[%swap3A_491] {strides = array<i32>} : memref<15616xi32, #tpu.memory_space<vmem>>, vector<16xi32>,
      %swap3A_493 = vector.shape_cast %swap3A_492 : vector<16xi32> to vector<16xi32>
      %swap3A_494 = vector.shape_cast %get3A_486 : vector<16xi32> to vector<16xi32>
      tpu.vector_store %arg6[%swap3A_491], %swap3A_494 {strides = array<i32>} : memref<15616xi32, #tpu.memory_space<vmem>>, vector<16xi32>,
      %get3A_495 = arith.constant 0 : i32
      %get3A_496 = arith.index_cast %scan3A_363 : i32 to index
      %get3A_497 = arith.index_cast %get3A_495 : i32 to index
      %get3A_498 = arith.constant 80 : index
      %get3A_499 = tpu.vector_load %arg5[%get3A_496, %get3A_497, %get3A_498] {strides = array<i32>} : memref<61x2x128xi32, #tpu.memory_space<vmem>>, vector<1x1x16xi32>,
      %get3A_500 = vector.shape_cast %get3A_499 : vector<1x1x16xi32> to vector<16xi32>
      %add3A_501 = arith.constant 80 : i32
      %add3A_502 = arith.addi %mul3A_366, %add3A_501 : i32
      %swap3A_503 = arith.index_cast %add3A_502 : i32 to index
      %swap3A_504 = tpu.vector_load %arg6[%swap3A_503] {strides = array<i32>} : memref<15616xi32, #tpu.memory_space<vmem>>, vector<16xi32>,
      %swap3A_505 = vector.shape_cast %swap3A_504 : vector<16xi32> to vector<16xi32>
      %swap3A_506 = vector.shape_cast %get3A_500 : vector<16xi32> to vector<16xi32>
      tpu.vector_store %arg6[%swap3A_503], %swap3A_506 {strides = array<i32>} : memref<15616xi32, #tpu.memory_space<vmem>>, vector<16xi32>,
      %get3A_507 = arith.constant 1 : i32
      %get3A_508 = arith.index_cast %scan3A_363 : i32 to index
      %get3A_509 = arith.index_cast %get3A_507 : i32 to index
      %get3A_510 = arith.constant 80 : index
      %get3A_511 = tpu.vector_load %arg5[%get3A_508, %get3A_509, %get3A_510] {strides = array<i32>} : memref<61x2x128xi32, #tpu.memory_space<vmem>>, vector<1x1x16xi32>,
      %get3A_512 = vector.shape_cast %get3A_511 : vector<1x1x16xi32> to vector<16xi32>
      %add3A_513 = arith.constant 128 : i32
      %add3A_514 = arith.addi %mul3A_366, %add3A_513 : i32
      %add3A_515 = arith.constant 80 : i32
      %add3A_516 = arith.addi %add3A_514, %add3A_515 : i32
      %swap3A_517 = arith.index_cast %add3A_516 : i32 to index
      %swap3A_518 = tpu.vector_load %arg6[%swap3A_517] {strides = array<i32>} : memref<15616xi32, #tpu.memory_space<vmem>>, vector<16xi32>,
      %swap3A_519 = vector.shape_cast %swap3A_518 : vector<16xi32> to vector<16xi32>
      %swap3A_520 = vector.shape_cast %get3A_512 : vector<16xi32> to vector<16xi32>
      tpu.vector_store %arg6[%swap3A_517], %swap3A_520 {strides = array<i32>} : memref<15616xi32, #tpu.memory_space<vmem>>, vector<16xi32>,
      %get3A_521 = arith.constant 0 : i32
      %get3A_522 = arith.index_cast %scan3A_363 : i32 to index
      %get3A_523 = arith.index_cast %get3A_521 : i32 to index
      %get3A_524 = arith.constant 96 : index
      %get3A_525 = tpu.vector_load %arg5[%get3A_522, %get3A_523, %get3A_524] {strides = array<i32>} : memref<61x2x128xi32, #tpu.memory_space<vmem>>, vector<1x1x16xi32>,
      %get3A_526 = vector.shape_cast %get3A_525 : vector<1x1x16xi32> to vector<16xi32>
      %add3A_527 = arith.constant 96 : i32
      %add3A_528 = arith.addi %mul3A_366, %add3A_527 : i32
      %swap3A_529 = arith.index_cast %add3A_528 : i32 to index
      %swap3A_530 = tpu.vector_load %arg6[%swap3A_529] {strides = array<i32>} : memref<15616xi32, #tpu.memory_space<vmem>>, vector<16xi32>,
      %swap3A_531 = vector.shape_cast %swap3A_530 : vector<16xi32> to vector<16xi32>
      %swap3A_532 = vector.shape_cast %get3A_526 : vector<16xi32> to vector<16xi32>
      tpu.vector_store %arg6[%swap3A_529], %swap3A_532 {strides = array<i32>} : memref<15616xi32, #tpu.memory_space<vmem>>, vector<16xi32>,
      %get3A_533 = arith.constant 1 : i32
      %get3A_534 = arith.index_cast %scan3A_363 : i32 to index
      %get3A_535 = arith.index_cast %get3A_533 : i32 to index
      %get3A_536 = arith.constant 96 : index
      %get3A_537 = tpu.vector_load %arg5[%get3A_534, %get3A_535, %get3A_536] {strides = array<i32>} : memref<61x2x128xi32, #tpu.memory_space<vmem>>, vector<1x1x16xi32>,
      %get3A_538 = vector.shape_cast %get3A_537 : vector<1x1x16xi32> to vector<16xi32>
      %add3A_539 = arith.constant 128 : i32
      %add3A_540 = arith.addi %mul3A_366, %add3A_539 : i32
      %add3A_541 = arith.constant 96 : i32
      %add3A_542 = arith.addi %add3A_540, %add3A_541 : i32
      %swap3A_543 = arith.index_cast %add3A_542 : i32 to index
      %swap3A_544 = tpu.vector_load %arg6[%swap3A_543] {strides = array<i32>} : memref<15616xi32, #tpu.memory_space<vmem>>, vector<16xi32>,
      %swap3A_545 = vector.shape_cast %swap3A_544 : vector<16xi32> to vector<16xi32>
      %swap3A_546 = vector.shape_cast %get3A_538 : vector<16xi32> to vector<16xi32>
      tpu.vector_store %arg6[%swap3A_543], %swap3A_546 {strides = array<i32>} : memref<15616xi32, #tpu.memory_space<vmem>>, vector<16xi32>,
      %get3A_547 = arith.constant 0 : i32
      %get3A_548 = arith.index_cast %scan3A_363 : i32 to index
      %get3A_549 = arith.index_cast %get3A_547 : i32 to index
      %get3A_550 = arith.constant 112 : index
      %get3A_551 = tpu.vector_load %arg5[%get3A_548, %get3A_549, %get3A_550] {strides = array<i32>} : memref<61x2x128xi32, #tpu.memory_space<vmem>>, vector<1x1x16xi32>,
      %get3A_552 = vector.shape_cast %get3A_551 : vector<1x1x16xi32> to vector<16xi32>
      %add3A_553 = arith.constant 112 : i32
      %add3A_554 = arith.addi %mul3A_366, %add3A_553 : i32
      %swap3A_555 = arith.index_cast %add3A_554 : i32 to index
      %swap3A_556 = tpu.vector_load %arg6[%swap3A_555] {strides = array<i32>} : memref<15616xi32, #tpu.memory_space<vmem>>, vector<16xi32>,
      %swap3A_557 = vector.shape_cast %swap3A_556 : vector<16xi32> to vector<16xi32>
      %swap3A_558 = vector.shape_cast %get3A_552 : vector<16xi32> to vector<16xi32>
      tpu.vector_store %arg6[%swap3A_555], %swap3A_558 {strides = array<i32>} : memref<15616xi32, #tpu.memory_space<vmem>>, vector<16xi32>,
      %get3A_559 = arith.constant 1 : i32
      %get3A_560 = arith.index_cast %scan3A_363 : i32 to index
      %get3A_561 = arith.index_cast %get3A_559 : i32 to index
      %get3A_562 = arith.constant 112 : index
      %get3A_563 = tpu.vector_load %arg5[%get3A_560, %get3A_561, %get3A_562] {strides = array<i32>} : memref<61x2x128xi32, #tpu.memory_space<vmem>>, vector<1x1x16xi32>,
      %get3A_564 = vector.shape_cast %get3A_563 : vector<1x1x16xi32> to vector<16xi32>
      %add3A_565 = arith.constant 128 : i32
      %add3A_566 = arith.addi %mul3A_366, %add3A_565 : i32
      %add3A_567 = arith.constant 112 : i32
      %add3A_568 = arith.addi %add3A_566, %add3A_567 : i32
      %swap3A_569 = arith.index_cast %add3A_568 : i32 to index
      %swap3A_570 = tpu.vector_load %arg6[%swap3A_569] {strides = array<i32>} : memref<15616xi32, #tpu.memory_space<vmem>>, vector<16xi32>,
      %swap3A_571 = vector.shape_cast %swap3A_570 : vector<16xi32> to vector<16xi32>
      %swap3A_572 = vector.shape_cast %get3A_564 : vector<16xi32> to vector<16xi32>
      tpu.vector_store %arg6[%swap3A_569], %swap3A_572 {strides = array<i32>} : memref<15616xi32, #tpu.memory_space<vmem>>, vector<16xi32>,
      %scan3A_573 = arith.constant 0 : i32
      scf.yield %scan3A_573 : i32
    }
    %scan3A_338 = arith.constant 61 : i32
    %dma_start3A_339 = arith.constant 0 : i32
    %dma_start3A_340 = tpu.memref_slice %arg10[%dma_start3A_339] : memref<1000000xf32, #tpu.memory_space<vmem_shared>> -> memref<1000000xf32, #tpu.memory_space<vmem_shared>>
    tpu.enqueue_indirect_dma source(%dma_start3A_340 : memref<1000000xf32, #tpu.memory_space<vmem_shared>>) target(%arg8 : memref<15616xf32, #tpu.memory_space<vmem>>) offsets(%arg6 : memref<15616xi32, #tpu.memory_space<vmem>>) semaphore(%arg13 : memref<!tpu.dma_semaphore, #tpu.memory_space<semaphore_mem>>)
    %scan3A_341 = arith.constant 0 : i32
    %scan3A_342 = arith.constant 61 : i32
    %scan3A_343 = arith.addi %scan3A_341, %scan3A_342 : i32
    %scan3A_344 = arith.constant 1 : i32
    %scan3A_345 = scf.for %scan3A_363 = %scan3A_341 to %scan3A_343 step %scan3A_344 iter_args(%scan3A_364 = %scan3A_320) -> (vector<16xf32>)  : i32 {
      %mul3A_365 = arith.constant 256 : i32
      %mul3A_366 = arith.muli %scan3A_363, %mul3A_365 : i32
      %add3A_367 = arith.constant 0 : i32
      %add3A_368 = arith.addi %mul3A_366, %add3A_367 : i32
      %get3A = arith.index_cast %add3A_368 : i32 to index
      %get3A_369 = tpu.vector_load %arg7[%get3A] {strides = array<i32>} : memref<15616xf32, #tpu.memory_space<vmem>>, vector<16xf32>,
      %get3A_370 = vector.shape_cast %get3A_369 : vector<16xf32> to vector<16xf32>
      %add3A_371 = arith.constant 128 : i32
      %add3A_372 = arith.addi %mul3A_366, %add3A_371 : i32
      %add3A_373 = arith.constant 0 : i32
      %add3A_374 = arith.addi %add3A_372, %add3A_373 : i32
      %get3A_375 = arith.index_cast %add3A_374 : i32 to index
      %get3A_376 = tpu.vector_load %arg7[%get3A_375] {strides = array<i32>} : memref<15616xf32, #tpu.memory_space<vmem>>, vector<16xf32>,
      %get3A_377 = vector.shape_cast %get3A_376 : vector<16xf32> to vector<16xf32>
      %sub3A = arith.constant 1.000000e+00 : f32
      %sub3A_378 = vector.broadcast %sub3A : f32 to vector<16xf32>
      %sub3A_379 = arith.subf %sub3A_378, %get3A_370 : vector<16xf32>
      %add3A_380 = arith.addf %sub3A_379, %get3A_377 : vector<16xf32>
      %max3A = arith.constant 0.000000e+00 : f32
      %max3A_381 = vector.broadcast %max3A : f32 to vector<16xf32>
      %max3A_382 = arith.maximumf %add3A_380, %max3A_381 : vector<16xf32>
      %add3A_383 = arith.addf %scan3A_364, %max3A_382 : vector<16xf32>
      %add3A_384 = arith.constant 16 : i32
      %add3A_385 = arith.addi %mul3A_366, %add3A_384 : i32
      %get3A_386 = arith.index_cast %add3A_385 : i32 to index
      %get3A_387 = tpu.vector_load %arg7[%get3A_386] {strides = array<i32>} : memref<15616xf32, #tpu.memory_space<vmem>>, vector<16xf32>,
      %get3A_388 = vector.shape_cast %get3A_387 : vector<16xf32> to vector<16xf32>
      %add3A_389 = arith.constant 128 : i32
      %add3A_390 = arith.addi %mul3A_366, %add3A_389 : i32
      %add3A_391 = arith.constant 16 : i32
      %add3A_392 = arith.addi %add3A_390, %add3A_391 : i32
      %get3A_393 = arith.index_cast %add3A_392 : i32 to index
      %get3A_394 = tpu.vector_load %arg7[%get3A_393] {strides = array<i32>} : memref<15616xf32, #tpu.memory_space<vmem>>, vector<16xf32>,
      %get3A_395 = vector.shape_cast %get3A_394 : vector<16xf32> to vector<16xf32>
      %sub3A_396 = arith.constant 1.000000e+00 : f32
      %sub3A_397 = vector.broadcast %sub3A_396 : f32 to vector<16xf32>
      %sub3A_398 = arith.subf %sub3A_397, %get3A_388 : vector<16xf32>
      %add3A_399 = arith.addf %sub3A_398, %get3A_395 : vector<16xf32>
      %max3A_400 = arith.constant 0.000000e+00 : f32
      %max3A_401 = vector.broadcast %max3A_400 : f32 to vector<16xf32>
      %max3A_402 = arith.maximumf %add3A_399, %max3A_401 : vector<16xf32>
      %add3A_403 = arith.addf %add3A_383, %max3A_402 : vector<16xf32>
      %add3A_404 = arith.constant 32 : i32
      %add3A_405 = arith.addi %mul3A_366, %add3A_404 : i32
      %get3A_406 = arith.index_cast %add3A_405 : i32 to index
      %get3A_407 = tpu.vector_load %arg7[%get3A_406] {strides = array<i32>} : memref<15616xf32, #tpu.memory_space<vmem>>, vector<16xf32>,
      %get3A_408 = vector.shape_cast %get3A_407 : vector<16xf32> to vector<16xf32>
      %add3A_409 = arith.constant 128 : i32
      %add3A_410 = arith.addi %mul3A_366, %add3A_409 : i32
      %add3A_411 = arith.constant 32 : i32
      %add3A_412 = arith.addi %add3A_410, %add3A_411 : i32
      %get3A_413 = arith.index_cast %add3A_412 : i32 to index
      %get3A_414 = tpu.vector_load %arg7[%get3A_413] {strides = array<i32>} : memref<15616xf32, #tpu.memory_space<vmem>>, vector<16xf32>,
      %get3A_415 = vector.shape_cast %get3A_414 : vector<16xf32> to vector<16xf32>
      %sub3A_416 = arith.constant 1.000000e+00 : f32
      %sub3A_417 = vector.broadcast %sub3A_416 : f32 to vector<16xf32>
      %sub3A_418 = arith.subf %sub3A_417, %get3A_408 : vector<16xf32>
      %add3A_419 = arith.addf %sub3A_418, %get3A_415 : vector<16xf32>
      %max3A_420 = arith.constant 0.000000e+00 : f32
      %max3A_421 = vector.broadcast %max3A_420 : f32 to vector<16xf32>
      %max3A_422 = arith.maximumf %add3A_419, %max3A_421 : vector<16xf32>
      %add3A_423 = arith.addf %add3A_403, %max3A_422 : vector<16xf32>
      %add3A_424 = arith.constant 48 : i32
      %add3A_425 = arith.addi %mul3A_366, %add3A_424 : i32
      %get3A_426 = arith.index_cast %add3A_425 : i32 to index
      %get3A_427 = tpu.vector_load %arg7[%get3A_426] {strides = array<i32>} : memref<15616xf32, #tpu.memory_space<vmem>>, vector<16xf32>,
      %get3A_428 = vector.shape_cast %get3A_427 : vector<16xf32> to vector<16xf32>
      %add3A_429 = arith.constant 128 : i32
      %add3A_430 = arith.addi %mul3A_366, %add3A_429 : i32
      %add3A_431 = arith.constant 48 : i32
      %add3A_432 = arith.addi %add3A_430, %add3A_431 : i32
      %get3A_433 = arith.index_cast %add3A_432 : i32 to index
      %get3A_434 = tpu.vector_load %arg7[%get3A_433] {strides = array<i32>} : memref<15616xf32, #tpu.memory_space<vmem>>, vector<16xf32>,
      %get3A_435 = vector.shape_cast %get3A_434 : vector<16xf32> to vector<16xf32>
      %sub3A_436 = arith.constant 1.000000e+00 : f32
      %sub3A_437 = vector.broadcast %sub3A_436 : f32 to vector<16xf32>
      %sub3A_438 = arith.subf %sub3A_437, %get3A_428 : vector<16xf32>
      %add3A_439 = arith.addf %sub3A_438, %get3A_435 : vector<16xf32>
      %max3A_440 = arith.constant 0.000000e+00 : f32
      %max3A_441 = vector.broadcast %max3A_440 : f32 to vector<16xf32>
      %max3A_442 = arith.maximumf %add3A_439, %max3A_441 : vector<16xf32>
      %add3A_443 = arith.addf %add3A_423, %max3A_442 : vector<16xf32>
      %add3A_444 = arith.constant 64 : i32
      %add3A_445 = arith.addi %mul3A_366, %add3A_444 : i32
      %get3A_446 = arith.index_cast %add3A_445 : i32 to index
      %get3A_447 = tpu.vector_load %arg7[%get3A_446] {strides = array<i32>} : memref<15616xf32, #tpu.memory_space<vmem>>, vector<16xf32>,
      %get3A_448 = vector.shape_cast %get3A_447 : vector<16xf32> to vector<16xf32>
      %add3A_449 = arith.constant 128 : i32
      %add3A_450 = arith.addi %mul3A_366, %add3A_449 : i32
      %add3A_451 = arith.constant 64 : i32
      %add3A_452 = arith.addi %add3A_450, %add3A_451 : i32
      %get3A_453 = arith.index_cast %add3A_452 : i32 to index
      %get3A_454 = tpu.vector_load %arg7[%get3A_453] {strides = array<i32>} : memref<15616xf32, #tpu.memory_space<vmem>>, vector<16xf32>,
      %get3A_455 = vector.shape_cast %get3A_454 : vector<16xf32> to vector<16xf32>
      %sub3A_456 = arith.constant 1.000000e+00 : f32
      %sub3A_457 = vector.broadcast %sub3A_456 : f32 to vector<16xf32>
      %sub3A_458 = arith.subf %sub3A_457, %get3A_448 : vector<16xf32>
      %add3A_459 = arith.addf %sub3A_458, %get3A_455 : vector<16xf32>
      %max3A_460 = arith.constant 0.000000e+00 : f32
      %max3A_461 = vector.broadcast %max3A_460 : f32 to vector<16xf32>
      %max3A_462 = arith.maximumf %add3A_459, %max3A_461 : vector<16xf32>
      %add3A_463 = arith.addf %add3A_443, %max3A_462 : vector<16xf32>
      %add3A_464 = arith.constant 80 : i32
      %add3A_465 = arith.addi %mul3A_366, %add3A_464 : i32
      %get3A_466 = arith.index_cast %add3A_465 : i32 to index
      %get3A_467 = tpu.vector_load %arg7[%get3A_466] {strides = array<i32>} : memref<15616xf32, #tpu.memory_space<vmem>>, vector<16xf32>,
      %get3A_468 = vector.shape_cast %get3A_467 : vector<16xf32> to vector<16xf32>
      %add3A_469 = arith.constant 128 : i32
      %add3A_470 = arith.addi %mul3A_366, %add3A_469 : i32
      %add3A_471 = arith.constant 80 : i32
      %add3A_472 = arith.addi %add3A_470, %add3A_471 : i32
      %get3A_473 = arith.index_cast %add3A_472 : i32 to index
      %get3A_474 = tpu.vector_load %arg7[%get3A_473] {strides = array<i32>} : memref<15616xf32, #tpu.memory_space<vmem>>, vector<16xf32>,
      %get3A_475 = vector.shape_cast %get3A_474 : vector<16xf32> to vector<16xf32>
      %sub3A_476 = arith.constant 1.000000e+00 : f32
      %sub3A_477 = vector.broadcast %sub3A_476 : f32 to vector<16xf32>
      %sub3A_478 = arith.subf %sub3A_477, %get3A_468 : vector<16xf32>
      %add3A_479 = arith.addf %sub3A_478, %get3A_475 : vector<16xf32>
      %max3A_480 = arith.constant 0.000000e+00 : f32
      %max3A_481 = vector.broadcast %max3A_480 : f32 to vector<16xf32>
      %max3A_482 = arith.maximumf %add3A_479, %max3A_481 : vector<16xf32>
      %add3A_483 = arith.addf %add3A_463, %max3A_482 : vector<16xf32>
      %add3A_484 = arith.constant 96 : i32
      %add3A_485 = arith.addi %mul3A_366, %add3A_484 : i32
      %get3A_486 = arith.index_cast %add3A_485 : i32 to index
      %get3A_487 = tpu.vector_load %arg7[%get3A_486] {strides = array<i32>} : memref<15616xf32, #tpu.memory_space<vmem>>, vector<16xf32>,
      %get3A_488 = vector.shape_cast %get3A_487 : vector<16xf32> to vector<16xf32>
      %add3A_489 = arith.constant 128 : i32
      %add3A_490 = arith.addi %mul3A_366, %add3A_489 : i32
      %add3A_491 = arith.constant 96 : i32
      %add3A_492 = arith.addi %add3A_490, %add3A_491 : i32
      %get3A_493 = arith.index_cast %add3A_492 : i32 to index
      %get3A_494 = tpu.vector_load %arg7[%get3A_493] {strides = array<i32>} : memref<15616xf32, #tpu.memory_space<vmem>>, vector<16xf32>,
      %get3A_495 = vector.shape_cast %get3A_494 : vector<16xf32> to vector<16xf32>
      %sub3A_496 = arith.constant 1.000000e+00 : f32
      %sub3A_497 = vector.broadcast %sub3A_496 : f32 to vector<16xf32>
      %sub3A_498 = arith.subf %sub3A_497, %get3A_488 : vector<16xf32>
      %add3A_499 = arith.addf %sub3A_498, %get3A_495 : vector<16xf32>
      %max3A_500 = arith.constant 0.000000e+00 : f32
      %max3A_501 = vector.broadcast %max3A_500 : f32 to vector<16xf32>
      %max3A_502 = arith.maximumf %add3A_499, %max3A_501 : vector<16xf32>
      %add3A_503 = arith.addf %add3A_483, %max3A_502 : vector<16xf32>
      %add3A_504 = arith.constant 112 : i32
      %add3A_505 = arith.addi %mul3A_366, %add3A_504 : i32
      %get3A_506 = arith.index_cast %add3A_505 : i32 to index
      %get3A_507 = tpu.vector_load %arg7[%get3A_506] {strides = array<i32>} : memref<15616xf32, #tpu.memory_space<vmem>>, vector<16xf32>,
      %get3A_508 = vector.shape_cast %get3A_507 : vector<16xf32> to vector<16xf32>
      %add3A_509 = arith.constant 128 : i32
      %add3A_510 = arith.addi %mul3A_366, %add3A_509 : i32
      %add3A_511 = arith.constant 112 : i32
      %add3A_512 = arith.addi %add3A_510, %add3A_511 : i32
      %get3A_513 = arith.index_cast %add3A_512 : i32 to index
      %get3A_514 = tpu.vector_load %arg7[%get3A_513] {strides = array<i32>} : memref<15616xf32, #tpu.memory_space<vmem>>, vector<16xf32>,
      %get3A_515 = vector.shape_cast %get3A_514 : vector<16xf32> to vector<16xf32>
      %sub3A_516 = arith.constant 1.000000e+00 : f32
      %sub3A_517 = vector.broadcast %sub3A_516 : f32 to vector<16xf32>
      %sub3A_518 = arith.subf %sub3A_517, %get3A_508 : vector<16xf32>
      %add3A_519 = arith.addf %sub3A_518, %get3A_515 : vector<16xf32>
      %max3A_520 = arith.constant 0.000000e+00 : f32
      %max3A_521 = vector.broadcast %max3A_520 : f32 to vector<16xf32>
      %max3A_522 = arith.maximumf %add3A_519, %max3A_521 : vector<16xf32>
      %add3A_523 = arith.addf %add3A_503, %max3A_522 : vector<16xf32>
      scf.yield %add3A_523 : vector<16xf32>
    }
    %scan3A_346 = arith.constant 61 : i32
    %dma_wait3A_347 = arith.constant 0 : i32
    %dma_wait3A_348 = tpu.memref_slice %arg10[%dma_wait3A_347] : memref<1000000xf32, #tpu.memory_space<vmem_shared>> -> memref<1000000xf32, #tpu.memory_space<vmem_shared>>
    tpu.wait_indirect_dma semaphore(%arg13 : memref<!tpu.dma_semaphore, #tpu.memory_space<semaphore_mem>>) src(%dma_wait3A_348 : memref<1000000xf32, #tpu.memory_space<vmem_shared>>) dst(%arg8 : memref<15616xf32, #tpu.memory_space<vmem>>)
    %scan3A_349 = arith.constant 0 : i32
    %scan3A_350 = arith.constant 61 : i32
    %scan3A_351 = arith.addi %scan3A_349, %scan3A_350 : i32
    %scan3A_352 = arith.constant 1 : i32
    %scan3A_353 = scf.for %scan3A_363 = %scan3A_349 to %scan3A_351 step %scan3A_352 iter_args(%scan3A_364 = %scan3A_345) -> (vector<16xf32>)  : i32 {
      %mul3A_365 = arith.constant 256 : i32
      %mul3A_366 = arith.muli %scan3A_363, %mul3A_365 : i32
      %add3A_367 = arith.constant 0 : i32
      %add3A_368 = arith.addi %mul3A_366, %add3A_367 : i32
      %get3A = arith.index_cast %add3A_368 : i32 to index
      %get3A_369 = tpu.vector_load %arg8[%get3A] {strides = array<i32>} : memref<15616xf32, #tpu.memory_space<vmem>>, vector<16xf32>,
      %get3A_370 = vector.shape_cast %get3A_369 : vector<16xf32> to vector<16xf32>
      %add3A_371 = arith.constant 128 : i32
      %add3A_372 = arith.addi %mul3A_366, %add3A_371 : i32
      %add3A_373 = arith.constant 0 : i32
      %add3A_374 = arith.addi %add3A_372, %add3A_373 : i32
      %get3A_375 = arith.index_cast %add3A_374 : i32 to index
      %get3A_376 = tpu.vector_load %arg8[%get3A_375] {strides = array<i32>} : memref<15616xf32, #tpu.memory_space<vmem>>, vector<16xf32>,
      %get3A_377 = vector.shape_cast %get3A_376 : vector<16xf32> to vector<16xf32>
      %sub3A = arith.constant 1.000000e+00 : f32
      %sub3A_378 = vector.broadcast %sub3A : f32 to vector<16xf32>
      %sub3A_379 = arith.subf %sub3A_378, %get3A_370 : vector<16xf32>
      %add3A_380 = arith.addf %sub3A_379, %get3A_377 : vector<16xf32>
      %max3A = arith.constant 0.000000e+00 : f32
      %max3A_381 = vector.broadcast %max3A : f32 to vector<16xf32>
      %max3A_382 = arith.maximumf %add3A_380, %max3A_381 : vector<16xf32>
      %add3A_383 = arith.addf %scan3A_364, %max3A_382 : vector<16xf32>
      %add3A_384 = arith.constant 16 : i32
      %add3A_385 = arith.addi %mul3A_366, %add3A_384 : i32
      %get3A_386 = arith.index_cast %add3A_385 : i32 to index
      %get3A_387 = tpu.vector_load %arg8[%get3A_386] {strides = array<i32>} : memref<15616xf32, #tpu.memory_space<vmem>>, vector<16xf32>,
      %get3A_388 = vector.shape_cast %get3A_387 : vector<16xf32> to vector<16xf32>
      %add3A_389 = arith.constant 128 : i32
      %add3A_390 = arith.addi %mul3A_366, %add3A_389 : i32
      %add3A_391 = arith.constant 16 : i32
      %add3A_392 = arith.addi %add3A_390, %add3A_391 : i32
      %get3A_393 = arith.index_cast %add3A_392 : i32 to index
      %get3A_394 = tpu.vector_load %arg8[%get3A_393] {strides = array<i32>} : memref<15616xf32, #tpu.memory_space<vmem>>, vector<16xf32>,
      %get3A_395 = vector.shape_cast %get3A_394 : vector<16xf32> to vector<16xf32>
      %sub3A_396 = arith.constant 1.000000e+00 : f32
      %sub3A_397 = vector.broadcast %sub3A_396 : f32 to vector<16xf32>
      %sub3A_398 = arith.subf %sub3A_397, %get3A_388 : vector<16xf32>
      %add3A_399 = arith.addf %sub3A_398, %get3A_395 : vector<16xf32>
      %max3A_400 = arith.constant 0.000000e+00 : f32
      %max3A_401 = vector.broadcast %max3A_400 : f32 to vector<16xf32>
      %max3A_402 = arith.maximumf %add3A_399, %max3A_401 : vector<16xf32>
      %add3A_403 = arith.addf %add3A_383, %max3A_402 : vector<16xf32>
      %add3A_404 = arith.constant 32 : i32
      %add3A_405 = arith.addi %mul3A_366, %add3A_404 : i32
      %get3A_406 = arith.index_cast %add3A_405 : i32 to index
      %get3A_407 = tpu.vector_load %arg8[%get3A_406] {strides = array<i32>} : memref<15616xf32, #tpu.memory_space<vmem>>, vector<16xf32>,
      %get3A_408 = vector.shape_cast %get3A_407 : vector<16xf32> to vector<16xf32>
      %add3A_409 = arith.constant 128 : i32
      %add3A_410 = arith.addi %mul3A_366, %add3A_409 : i32
      %add3A_411 = arith.constant 32 : i32
      %add3A_412 = arith.addi %add3A_410, %add3A_411 : i32
      %get3A_413 = arith.index_cast %add3A_412 : i32 to index
      %get3A_414 = tpu.vector_load %arg8[%get3A_413] {strides = array<i32>} : memref<15616xf32, #tpu.memory_space<vmem>>, vector<16xf32>,
      %get3A_415 = vector.shape_cast %get3A_414 : vector<16xf32> to vector<16xf32>
      %sub3A_416 = arith.constant 1.000000e+00 : f32
      %sub3A_417 = vector.broadcast %sub3A_416 : f32 to vector<16xf32>
      %sub3A_418 = arith.subf %sub3A_417, %get3A_408 : vector<16xf32>
      %add3A_419 = arith.addf %sub3A_418, %get3A_415 : vector<16xf32>
      %max3A_420 = arith.constant 0.000000e+00 : f32
      %max3A_421 = vector.broadcast %max3A_420 : f32 to vector<16xf32>
      %max3A_422 = arith.maximumf %add3A_419, %max3A_421 : vector<16xf32>
      %add3A_423 = arith.addf %add3A_403, %max3A_422 : vector<16xf32>
      %add3A_424 = arith.constant 48 : i32
      %add3A_425 = arith.addi %mul3A_366, %add3A_424 : i32
      %get3A_426 = arith.index_cast %add3A_425 : i32 to index
      %get3A_427 = tpu.vector_load %arg8[%get3A_426] {strides = array<i32>} : memref<15616xf32, #tpu.memory_space<vmem>>, vector<16xf32>,
      %get3A_428 = vector.shape_cast %get3A_427 : vector<16xf32> to vector<16xf32>
      %add3A_429 = arith.constant 128 : i32
      %add3A_430 = arith.addi %mul3A_366, %add3A_429 : i32
      %add3A_431 = arith.constant 48 : i32
      %add3A_432 = arith.addi %add3A_430, %add3A_431 : i32
      %get3A_433 = arith.index_cast %add3A_432 : i32 to index
      %get3A_434 = tpu.vector_load %arg8[%get3A_433] {strides = array<i32>} : memref<15616xf32, #tpu.memory_space<vmem>>, vector<16xf32>,
      %get3A_435 = vector.shape_cast %get3A_434 : vector<16xf32> to vector<16xf32>
      %sub3A_436 = arith.constant 1.000000e+00 : f32
      %sub3A_437 = vector.broadcast %sub3A_436 : f32 to vector<16xf32>
      %sub3A_438 = arith.subf %sub3A_437, %get3A_428 : vector<16xf32>
      %add3A_439 = arith.addf %sub3A_438, %get3A_435 : vector<16xf32>
      %max3A_440 = arith.constant 0.000000e+00 : f32
      %max3A_441 = vector.broadcast %max3A_440 : f32 to vector<16xf32>
      %max3A_442 = arith.maximumf %add3A_439, %max3A_441 : vector<16xf32>
      %add3A_443 = arith.addf %add3A_423, %max3A_442 : vector<16xf32>
      %add3A_444 = arith.constant 64 : i32
      %add3A_445 = arith.addi %mul3A_366, %add3A_444 : i32
      %get3A_446 = arith.index_cast %add3A_445 : i32 to index
      %get3A_447 = tpu.vector_load %arg8[%get3A_446] {strides = array<i32>} : memref<15616xf32, #tpu.memory_space<vmem>>, vector<16xf32>,
      %get3A_448 = vector.shape_cast %get3A_447 : vector<16xf32> to vector<16xf32>
      %add3A_449 = arith.constant 128 : i32
      %add3A_450 = arith.addi %mul3A_366, %add3A_449 : i32
      %add3A_451 = arith.constant 64 : i32
      %add3A_452 = arith.addi %add3A_450, %add3A_451 : i32
      %get3A_453 = arith.index_cast %add3A_452 : i32 to index
      %get3A_454 = tpu.vector_load %arg8[%get3A_453] {strides = array<i32>} : memref<15616xf32, #tpu.memory_space<vmem>>, vector<16xf32>,
      %get3A_455 = vector.shape_cast %get3A_454 : vector<16xf32> to vector<16xf32>
      %sub3A_456 = arith.constant 1.000000e+00 : f32
      %sub3A_457 = vector.broadcast %sub3A_456 : f32 to vector<16xf32>
      %sub3A_458 = arith.subf %sub3A_457, %get3A_448 : vector<16xf32>
      %add3A_459 = arith.addf %sub3A_458, %get3A_455 : vector<16xf32>
      %max3A_460 = arith.constant 0.000000e+00 : f32
      %max3A_461 = vector.broadcast %max3A_460 : f32 to vector<16xf32>
      %max3A_462 = arith.maximumf %add3A_459, %max3A_461 : vector<16xf32>
      %add3A_463 = arith.addf %add3A_443, %max3A_462 : vector<16xf32>
      %add3A_464 = arith.constant 80 : i32
      %add3A_465 = arith.addi %mul3A_366, %add3A_464 : i32
      %get3A_466 = arith.index_cast %add3A_465 : i32 to index
      %get3A_467 = tpu.vector_load %arg8[%get3A_466] {strides = array<i32>} : memref<15616xf32, #tpu.memory_space<vmem>>, vector<16xf32>,
      %get3A_468 = vector.shape_cast %get3A_467 : vector<16xf32> to vector<16xf32>
      %add3A_469 = arith.constant 128 : i32
      %add3A_470 = arith.addi %mul3A_366, %add3A_469 : i32
      %add3A_471 = arith.constant 80 : i32
      %add3A_472 = arith.addi %add3A_470, %add3A_471 : i32
      %get3A_473 = arith.index_cast %add3A_472 : i32 to index
      %get3A_474 = tpu.vector_load %arg8[%get3A_473] {strides = array<i32>} : memref<15616xf32, #tpu.memory_space<vmem>>, vector<16xf32>,
      %get3A_475 = vector.shape_cast %get3A_474 : vector<16xf32> to vector<16xf32>
      %sub3A_476 = arith.constant 1.000000e+00 : f32
      %sub3A_477 = vector.broadcast %sub3A_476 : f32 to vector<16xf32>
      %sub3A_478 = arith.subf %sub3A_477, %get3A_468 : vector<16xf32>
      %add3A_479 = arith.addf %sub3A_478, %get3A_475 : vector<16xf32>
      %max3A_480 = arith.constant 0.000000e+00 : f32
      %max3A_481 = vector.broadcast %max3A_480 : f32 to vector<16xf32>
      %max3A_482 = arith.maximumf %add3A_479, %max3A_481 : vector<16xf32>
      %add3A_483 = arith.addf %add3A_463, %max3A_482 : vector<16xf32>
      %add3A_484 = arith.constant 96 : i32
      %add3A_485 = arith.addi %mul3A_366, %add3A_484 : i32
      %get3A_486 = arith.index_cast %add3A_485 : i32 to index
      %get3A_487 = tpu.vector_load %arg8[%get3A_486] {strides = array<i32>} : memref<15616xf32, #tpu.memory_space<vmem>>, vector<16xf32>,
      %get3A_488 = vector.shape_cast %get3A_487 : vector<16xf32> to vector<16xf32>
      %add3A_489 = arith.constant 128 : i32
      %add3A_490 = arith.addi %mul3A_366, %add3A_489 : i32
      %add3A_491 = arith.constant 96 : i32
      %add3A_492 = arith.addi %add3A_490, %add3A_491 : i32
      %get3A_493 = arith.index_cast %add3A_492 : i32 to index
      %get3A_494 = tpu.vector_load %arg8[%get3A_493] {strides = array<i32>} : memref<15616xf32, #tpu.memory_space<vmem>>, vector<16xf32>,
      %get3A_495 = vector.shape_cast %get3A_494 : vector<16xf32> to vector<16xf32>
      %sub3A_496 = arith.constant 1.000000e+00 : f32
      %sub3A_497 = vector.broadcast %sub3A_496 : f32 to vector<16xf32>
      %sub3A_498 = arith.subf %sub3A_497, %get3A_488 : vector<16xf32>
      %add3A_499 = arith.addf %sub3A_498, %get3A_495 : vector<16xf32>
      %max3A_500 = arith.constant 0.000000e+00 : f32
      %max3A_501 = vector.broadcast %max3A_500 : f32 to vector<16xf32>
      %max3A_502 = arith.maximumf %add3A_499, %max3A_501 : vector<16xf32>
      %add3A_503 = arith.addf %add3A_483, %max3A_502 : vector<16xf32>
      %add3A_504 = arith.constant 112 : i32
      %add3A_505 = arith.addi %mul3A_366, %add3A_504 : i32
      %get3A_506 = arith.index_cast %add3A_505 : i32 to index
      %get3A_507 = tpu.vector_load %arg8[%get3A_506] {strides = array<i32>} : memref<15616xf32, #tpu.memory_space<vmem>>, vector<16xf32>,
      %get3A_508 = vector.shape_cast %get3A_507 : vector<16xf32> to vector<16xf32>
      %add3A_509 = arith.constant 128 : i32
      %add3A_510 = arith.addi %mul3A_366, %add3A_509 : i32
      %add3A_511 = arith.constant 112 : i32
      %add3A_512 = arith.addi %add3A_510, %add3A_511 : i32
      %get3A_513 = arith.index_cast %add3A_512 : i32 to index
      %get3A_514 = tpu.vector_load %arg8[%get3A_513] {strides = array<i32>} : memref<15616xf32, #tpu.memory_space<vmem>>, vector<16xf32>,
      %get3A_515 = vector.shape_cast %get3A_514 : vector<16xf32> to vector<16xf32>
      %sub3A_516 = arith.constant 1.000000e+00 : f32
      %sub3A_517 = vector.broadcast %sub3A_516 : f32 to vector<16xf32>
      %sub3A_518 = arith.subf %sub3A_517, %get3A_508 : vector<16xf32>
      %add3A_519 = arith.addf %sub3A_518, %get3A_515 : vector<16xf32>
      %max3A_520 = arith.constant 0.000000e+00 : f32
      %max3A_521 = vector.broadcast %max3A_520 : f32 to vector<16xf32>
      %max3A_522 = arith.maximumf %add3A_519, %max3A_521 : vector<16xf32>
      %add3A_523 = arith.addf %add3A_503, %max3A_522 : vector<16xf32>
      scf.yield %add3A_523 : vector<16xf32>
    }
    %scan3A_354 = arith.constant 61 : i32
    %lt3A = arith.constant 9 : i32
    %lt3A_355 = arith.cmpi slt, %add3A, %lt3A : i32
    %convert_element_type3A_356 = arith.extui %lt3A_355 : i1 to i32
    %cond3A_357 = arith.constant 0 : i32
    %cond3A_358 = arith.cmpi ne, %convert_element_type3A_356, %cond3A_357 : i32
    scf.if %cond3A_358 {
      %add3A_363 = arith.constant 15616 : i32
      %add3A_364 = arith.addi %add3A_363, %add3A : i32
      %dma_start3A_365 = arith.constant 0 : i32
      %dma_start3A_366 = arith.constant 0 : i32
      %dma_start3A_367 = arith.constant 0 : i32
      %dma_start3A_368 = tpu.memref_slice %arg5[%dma_start3A_365, %dma_start3A_366, %dma_start3A_367] : memref<61x2x128xi32, #tpu.memory_space<vmem>> -> memref<1x2x128xi32, #tpu.memory_space<vmem>>
      %dma_start3A_369 = arith.constant 0 : i32
      %dma_start3A_370 = arith.constant 0 : i32
      %dma_start3A_371 = tpu.memref_slice %arg2[%add3A_364, %dma_start3A_369, %dma_start3A_370] : memref<15625x2x128xi32, #tpu.memory_space<hbm>> -> memref<1x2x128xi32, #tpu.memory_space<hbm>>
      %dma_start3A_372 = arith.constant 0 : i32
      %dma_start3A_373 = arith.constant 0 : i32
      %dma_start3A_374 = arith.constant 0 : i32
      %dma_start3A_375 = tpu.memref_slice %arg5[%dma_start3A_372, %dma_start3A_373, %dma_start3A_374] : memref<61x2x128xi32, #tpu.memory_space<vmem>> -> memref<1x2x128xi32, #tpu.memory_space<vmem>>
      %dma_start3A_376 = arith.constant 0 : i32
      %dma_start3A_377 = arith.constant 0 : i32
      %dma_start3A_378 = tpu.memref_slice %arg2[%add3A_364, %dma_start3A_376, %dma_start3A_377] : memref<15625x2x128xi32, #tpu.memory_space<hbm>> -> memref<1x2x128xi32, #tpu.memory_space<hbm>>
      tpu.enqueue_dma source(%dma_start3A_378 : memref<1x2x128xi32, #tpu.memory_space<hbm>>) target(%dma_start3A_375 : memref<1x2x128xi32, #tpu.memory_space<vmem>>) target_semaphore(%arg11 : memref<!tpu.dma_semaphore, #tpu.memory_space<semaphore_mem>>)
      %dma_wait3A_379 = arith.constant 0 : i32
      %dma_wait3A_380 = arith.constant 0 : i32
      %dma_wait3A_381 = arith.constant 0 : i32
      %dma_wait3A_382 = tpu.memref_slice %arg5[%dma_wait3A_379, %dma_wait3A_380, %dma_wait3A_381] : memref<61x2x128xi32, #tpu.memory_space<vmem>> -> memref<1x2x128xi32, #tpu.memory_space<vmem>>
      %dma_wait3A_383 = arith.constant 0 : i32
      %dma_wait3A_384 = arith.constant 0 : i32
      %dma_wait3A_385 = arith.constant 0 : i32
      %dma_wait3A_386 = tpu.memref_slice %arg2[%dma_wait3A_383, %dma_wait3A_384, %dma_wait3A_385] : memref<15625x2x128xi32, #tpu.memory_space<hbm>> -> memref<1x2x128xi32, #tpu.memory_space<hbm>>
      %dma_wait3A_387 = arith.constant 0 : i32
      %dma_wait3A_388 = arith.constant 0 : i32
      %dma_wait3A_389 = arith.constant 0 : i32
      %dma_wait3A_390 = tpu.memref_slice %arg5[%dma_wait3A_387, %dma_wait3A_388, %dma_wait3A_389] : memref<61x2x128xi32, #tpu.memory_space<vmem>> -> memref<1x2x128xi32, #tpu.memory_space<vmem>>
      %dma_wait3A_391 = arith.constant 0 : i32
      %dma_wait3A_392 = arith.constant 0 : i32
      %dma_wait3A_393 = arith.constant 0 : i32
      %dma_wait3A_394 = tpu.memref_slice %arg2[%dma_wait3A_391, %dma_wait3A_392, %dma_wait3A_393] : memref<15625x2x128xi32, #tpu.memory_space<hbm>> -> memref<1x2x128xi32, #tpu.memory_space<hbm>>
      tpu.wait_dma2 semaphore(%arg11 : memref<!tpu.dma_semaphore, #tpu.memory_space<semaphore_mem>>) src(%dma_wait3A_394 : memref<1x2x128xi32, #tpu.memory_space<hbm>>) dst(%dma_wait3A_390 : memref<1x2x128xi32, #tpu.memory_space<vmem>>)
      %dma_start3A_395 = arith.constant 0 : i32
      %dma_start3A_396 = arith.constant 0 : i32
      %dma_start3A_397 = arith.constant 0 : i32
      %dma_start3A_398 = tpu.memref_slice %arg7[%dma_start3A_397] : memref<15616xf32, #tpu.memory_space<vmem>> -> memref<128xf32, #tpu.memory_space<vmem>>
      %dma_start3A_399 = arith.constant 0 : i32
      %dma_start3A_400 = tpu.memref_slice %arg5[%dma_start3A_395, %dma_start3A_396, %dma_start3A_399] : memref<61x2x128xi32, #tpu.memory_space<vmem>> -> memref<1x1x128xi32, #tpu.memory_space<vmem>>
      %dma_start3A_401 = tpu.memref_squeeze %dma_start3A_400 : memref<1x1x128xi32, #tpu.memory_space<vmem>> -> memref<128xi32, #tpu.memory_space<vmem>>
      %dma_start3A_402 = arith.constant 0 : i32
      %dma_start3A_403 = tpu.memref_slice %arg10[%dma_start3A_402] : memref<1000000xf32, #tpu.memory_space<vmem_shared>> -> memref<1000000xf32, #tpu.memory_space<vmem_shared>>
      tpu.enqueue_indirect_dma source(%dma_start3A_403 : memref<1000000xf32, #tpu.memory_space<vmem_shared>>) target(%dma_start3A_398 : memref<128xf32, #tpu.memory_space<vmem>>) offsets(%dma_start3A_401 : memref<128xi32, #tpu.memory_space<vmem>>) semaphore(%arg12 : memref<!tpu.dma_semaphore, #tpu.memory_space<semaphore_mem>>)
      %dma_start3A_404 = arith.constant 0 : i32
      %dma_start3A_405 = arith.constant 1 : i32
      %dma_start3A_406 = arith.constant 128 : i32
      %dma_start3A_407 = tpu.memref_slice %arg7[%dma_start3A_406] : memref<15616xf32, #tpu.memory_space<vmem>> -> memref<128xf32, #tpu.memory_space<vmem>>
      %dma_start3A_408 = arith.constant 0 : i32
      %dma_start3A_409 = tpu.memref_slice %arg5[%dma_start3A_404, %dma_start3A_405, %dma_start3A_408] : memref<61x2x128xi32, #tpu.memory_space<vmem>> -> memref<1x1x128xi32, #tpu.memory_space<vmem>>
      %dma_start3A_410 = tpu.memref_squeeze %dma_start3A_409 : memref<1x1x128xi32, #tpu.memory_space<vmem>> -> memref<128xi32, #tpu.memory_space<vmem>>
      %dma_start3A_411 = arith.constant 0 : i32
      %dma_start3A_412 = tpu.memref_slice %arg10[%dma_start3A_411] : memref<1000000xf32, #tpu.memory_space<vmem_shared>> -> memref<1000000xf32, #tpu.memory_space<vmem_shared>>
      tpu.enqueue_indirect_dma source(%dma_start3A_412 : memref<1000000xf32, #tpu.memory_space<vmem_shared>>) target(%dma_start3A_407 : memref<128xf32, #tpu.memory_space<vmem>>) offsets(%dma_start3A_410 : memref<128xi32, #tpu.memory_space<vmem>>) semaphore(%arg12 : memref<!tpu.dma_semaphore, #tpu.memory_space<semaphore_mem>>)
      %dma_wait3A_413 = arith.constant 0 : i32
      %dma_wait3A_414 = arith.constant 0 : i32
      %dma_wait3A_415 = arith.constant 0 : i32
      %dma_wait3A_416 = tpu.memref_slice %arg7[%dma_wait3A_415] : memref<15616xf32, #tpu.memory_space<vmem>> -> memref<128xf32, #tpu.memory_space<vmem>>
      %dma_wait3A_417 = arith.constant 0 : i32
      %dma_wait3A_418 = tpu.memref_slice %arg5[%dma_wait3A_413, %dma_wait3A_414, %dma_wait3A_417] : memref<61x2x128xi32, #tpu.memory_space<vmem>> -> memref<1x1x128xi32, #tpu.memory_space<vmem>>
      %dma_wait3A_419 = tpu.memref_squeeze %dma_wait3A_418 : memref<1x1x128xi32, #tpu.memory_space<vmem>> -> memref<128xi32, #tpu.memory_space<vmem>>
      %dma_wait3A_420 = arith.constant 0 : i32
      %dma_wait3A_421 = tpu.memref_slice %arg10[%dma_wait3A_420] : memref<1000000xf32, #tpu.memory_space<vmem_shared>> -> memref<1000000xf32, #tpu.memory_space<vmem_shared>>
      tpu.wait_indirect_dma semaphore(%arg12 : memref<!tpu.dma_semaphore, #tpu.memory_space<semaphore_mem>>) src(%dma_wait3A_421 : memref<1000000xf32, #tpu.memory_space<vmem_shared>>) dst(%dma_wait3A_416 : memref<128xf32, #tpu.memory_space<vmem>>)
      %dma_wait3A_422 = arith.constant 0 : i32
      %dma_wait3A_423 = arith.constant 1 : i32
      %dma_wait3A_424 = arith.constant 128 : i32
      %dma_wait3A_425 = tpu.memref_slice %arg7[%dma_wait3A_424] : memref<15616xf32, #tpu.memory_space<vmem>> -> memref<128xf32, #tpu.memory_space<vmem>>
      %dma_wait3A_426 = arith.constant 0 : i32
      %dma_wait3A_427 = tpu.memref_slice %arg5[%dma_wait3A_422, %dma_wait3A_423, %dma_wait3A_426] : memref<61x2x128xi32, #tpu.memory_space<vmem>> -> memref<1x1x128xi32, #tpu.memory_space<vmem>>
      %dma_wait3A_428 = tpu.memref_squeeze %dma_wait3A_427 : memref<1x1x128xi32, #tpu.memory_space<vmem>> -> memref<128xi32, #tpu.memory_space<vmem>>
      %dma_wait3A_429 = arith.constant 0 : i32
      %dma_wait3A_430 = tpu.memref_slice %arg10[%dma_wait3A_429] : memref<1000000xf32, #tpu.memory_space<vmem_shared>> -> memref<1000000xf32, #tpu.memory_space<vmem_shared>>
      tpu.wait_indirect_dma semaphore(%arg12 : memref<!tpu.dma_semaphore, #tpu.memory_space<semaphore_mem>>) src(%dma_wait3A_430 : memref<1000000xf32, #tpu.memory_space<vmem_shared>>) dst(%dma_wait3A_425 : memref<128xf32, #tpu.memory_space<vmem>>)
      %get3A = arith.constant 0 : index
      %get3A_431 = tpu.vector_load %arg7[%get3A] {strides = array<i32>} : memref<15616xf32, #tpu.memory_space<vmem>>, vector<16xf32>,
      %get3A_432 = vector.shape_cast %get3A_431 : vector<16xf32> to vector<16xf32>
      %get3A_433 = arith.constant 128 : index
      %get3A_434 = tpu.vector_load %arg7[%get3A_433] {strides = array<i32>} : memref<15616xf32, #tpu.memory_space<vmem>>, vector<16xf32>,
      %get3A_435 = vector.shape_cast %get3A_434 : vector<16xf32> to vector<16xf32>
      %sub3A = arith.constant 1.000000e+00 : f32
      %sub3A_436 = vector.broadcast %sub3A : f32 to vector<16xf32>
      %sub3A_437 = arith.subf %sub3A_436, %get3A_432 : vector<16xf32>
      %add3A_438 = arith.addf %sub3A_437, %get3A_435 : vector<16xf32>
      %max3A = arith.constant 0.000000e+00 : f32
      %max3A_439 = vector.broadcast %max3A : f32 to vector<16xf32>
      %max3A_440 = arith.maximumf %add3A_438, %max3A_439 : vector<16xf32>
      %add3A_441 = arith.addf %scan3A_353, %max3A_440 : vector<16xf32>
      %get3A_442 = arith.constant 16 : index
      %get3A_443 = tpu.vector_load %arg7[%get3A_442] {strides = array<i32>} : memref<15616xf32, #tpu.memory_space<vmem>>, vector<16xf32>,
      %get3A_444 = vector.shape_cast %get3A_443 : vector<16xf32> to vector<16xf32>
      %get3A_445 = arith.constant 144 : index
      %get3A_446 = tpu.vector_load %arg7[%get3A_445] {strides = array<i32>} : memref<15616xf32, #tpu.memory_space<vmem>>, vector<16xf32>,
      %get3A_447 = vector.shape_cast %get3A_446 : vector<16xf32> to vector<16xf32>
      %sub3A_448 = arith.constant 1.000000e+00 : f32
      %sub3A_449 = vector.broadcast %sub3A_448 : f32 to vector<16xf32>
      %sub3A_450 = arith.subf %sub3A_449, %get3A_444 : vector<16xf32>
      %add3A_451 = arith.addf %sub3A_450, %get3A_447 : vector<16xf32>
      %max3A_452 = arith.constant 0.000000e+00 : f32
      %max3A_453 = vector.broadcast %max3A_452 : f32 to vector<16xf32>
      %max3A_454 = arith.maximumf %add3A_451, %max3A_453 : vector<16xf32>
      %add3A_455 = arith.addf %add3A_441, %max3A_454 : vector<16xf32>
      %get3A_456 = arith.constant 32 : index
      %get3A_457 = tpu.vector_load %arg7[%get3A_456] {strides = array<i32>} : memref<15616xf32, #tpu.memory_space<vmem>>, vector<16xf32>,
      %get3A_458 = vector.shape_cast %get3A_457 : vector<16xf32> to vector<16xf32>
      %get3A_459 = arith.constant 160 : index
      %get3A_460 = tpu.vector_load %arg7[%get3A_459] {strides = array<i32>} : memref<15616xf32, #tpu.memory_space<vmem>>, vector<16xf32>,
      %get3A_461 = vector.shape_cast %get3A_460 : vector<16xf32> to vector<16xf32>
      %sub3A_462 = arith.constant 1.000000e+00 : f32
      %sub3A_463 = vector.broadcast %sub3A_462 : f32 to vector<16xf32>
      %sub3A_464 = arith.subf %sub3A_463, %get3A_458 : vector<16xf32>
      %add3A_465 = arith.addf %sub3A_464, %get3A_461 : vector<16xf32>
      %max3A_466 = arith.constant 0.000000e+00 : f32
      %max3A_467 = vector.broadcast %max3A_466 : f32 to vector<16xf32>
      %max3A_468 = arith.maximumf %add3A_465, %max3A_467 : vector<16xf32>
      %add3A_469 = arith.addf %add3A_455, %max3A_468 : vector<16xf32>
      %get3A_470 = arith.constant 48 : index
      %get3A_471 = tpu.vector_load %arg7[%get3A_470] {strides = array<i32>} : memref<15616xf32, #tpu.memory_space<vmem>>, vector<16xf32>,
      %get3A_472 = vector.shape_cast %get3A_471 : vector<16xf32> to vector<16xf32>
      %get3A_473 = arith.constant 176 : index
      %get3A_474 = tpu.vector_load %arg7[%get3A_473] {strides = array<i32>} : memref<15616xf32, #tpu.memory_space<vmem>>, vector<16xf32>,
      %get3A_475 = vector.shape_cast %get3A_474 : vector<16xf32> to vector<16xf32>
      %sub3A_476 = arith.constant 1.000000e+00 : f32
      %sub3A_477 = vector.broadcast %sub3A_476 : f32 to vector<16xf32>
      %sub3A_478 = arith.subf %sub3A_477, %get3A_472 : vector<16xf32>
      %add3A_479 = arith.addf %sub3A_478, %get3A_475 : vector<16xf32>
      %max3A_480 = arith.constant 0.000000e+00 : f32
      %max3A_481 = vector.broadcast %max3A_480 : f32 to vector<16xf32>
      %max3A_482 = arith.maximumf %add3A_479, %max3A_481 : vector<16xf32>
      %add3A_483 = arith.addf %add3A_469, %max3A_482 : vector<16xf32>
      %get3A_484 = arith.constant 64 : index
      %get3A_485 = tpu.vector_load %arg7[%get3A_484] {strides = array<i32>} : memref<15616xf32, #tpu.memory_space<vmem>>, vector<16xf32>,
      %get3A_486 = vector.shape_cast %get3A_485 : vector<16xf32> to vector<16xf32>
      %get3A_487 = arith.constant 192 : index
      %get3A_488 = tpu.vector_load %arg7[%get3A_487] {strides = array<i32>} : memref<15616xf32, #tpu.memory_space<vmem>>, vector<16xf32>,
      %get3A_489 = vector.shape_cast %get3A_488 : vector<16xf32> to vector<16xf32>
      %sub3A_490 = arith.constant 1.000000e+00 : f32
      %sub3A_491 = vector.broadcast %sub3A_490 : f32 to vector<16xf32>
      %sub3A_492 = arith.subf %sub3A_491, %get3A_486 : vector<16xf32>
      %add3A_493 = arith.addf %sub3A_492, %get3A_489 : vector<16xf32>
      %max3A_494 = arith.constant 0.000000e+00 : f32
      %max3A_495 = vector.broadcast %max3A_494 : f32 to vector<16xf32>
      %max3A_496 = arith.maximumf %add3A_493, %max3A_495 : vector<16xf32>
      %add3A_497 = arith.addf %add3A_483, %max3A_496 : vector<16xf32>
      %get3A_498 = arith.constant 80 : index
      %get3A_499 = tpu.vector_load %arg7[%get3A_498] {strides = array<i32>} : memref<15616xf32, #tpu.memory_space<vmem>>, vector<16xf32>,
      %get3A_500 = vector.shape_cast %get3A_499 : vector<16xf32> to vector<16xf32>
      %get3A_501 = arith.constant 208 : index
      %get3A_502 = tpu.vector_load %arg7[%get3A_501] {strides = array<i32>} : memref<15616xf32, #tpu.memory_space<vmem>>, vector<16xf32>,
      %get3A_503 = vector.shape_cast %get3A_502 : vector<16xf32> to vector<16xf32>
      %sub3A_504 = arith.constant 1.000000e+00 : f32
      %sub3A_505 = vector.broadcast %sub3A_504 : f32 to vector<16xf32>
      %sub3A_506 = arith.subf %sub3A_505, %get3A_500 : vector<16xf32>
      %add3A_507 = arith.addf %sub3A_506, %get3A_503 : vector<16xf32>
      %max3A_508 = arith.constant 0.000000e+00 : f32
      %max3A_509 = vector.broadcast %max3A_508 : f32 to vector<16xf32>
      %max3A_510 = arith.maximumf %add3A_507, %max3A_509 : vector<16xf32>
      %add3A_511 = arith.addf %add3A_497, %max3A_510 : vector<16xf32>
      %get3A_512 = arith.constant 96 : index
      %get3A_513 = tpu.vector_load %arg7[%get3A_512] {strides = array<i32>} : memref<15616xf32, #tpu.memory_space<vmem>>, vector<16xf32>,
      %get3A_514 = vector.shape_cast %get3A_513 : vector<16xf32> to vector<16xf32>
      %get3A_515 = arith.constant 224 : index
      %get3A_516 = tpu.vector_load %arg7[%get3A_515] {strides = array<i32>} : memref<15616xf32, #tpu.memory_space<vmem>>, vector<16xf32>,
      %get3A_517 = vector.shape_cast %get3A_516 : vector<16xf32> to vector<16xf32>
      %sub3A_518 = arith.constant 1.000000e+00 : f32
      %sub3A_519 = vector.broadcast %sub3A_518 : f32 to vector<16xf32>
      %sub3A_520 = arith.subf %sub3A_519, %get3A_514 : vector<16xf32>
      %add3A_521 = arith.addf %sub3A_520, %get3A_517 : vector<16xf32>
      %max3A_522 = arith.constant 0.000000e+00 : f32
      %max3A_523 = vector.broadcast %max3A_522 : f32 to vector<16xf32>
      %max3A_524 = arith.maximumf %add3A_521, %max3A_523 : vector<16xf32>
      %add3A_525 = arith.addf %add3A_511, %max3A_524 : vector<16xf32>
      %get3A_526 = arith.constant 112 : index
      %get3A_527 = tpu.vector_load %arg7[%get3A_526] {strides = array<i32>} : memref<15616xf32, #tpu.memory_space<vmem>>, vector<16xf32>,
      %get3A_528 = vector.shape_cast %get3A_527 : vector<16xf32> to vector<16xf32>
      %get3A_529 = arith.constant 240 : index
      %get3A_530 = tpu.vector_load %arg7[%get3A_529] {strides = array<i32>} : memref<15616xf32, #tpu.memory_space<vmem>>, vector<16xf32>,
      %get3A_531 = vector.shape_cast %get3A_530 : vector<16xf32> to vector<16xf32>
      %sub3A_532 = arith.constant 1.000000e+00 : f32
      %sub3A_533 = vector.broadcast %sub3A_532 : f32 to vector<16xf32>
      %sub3A_534 = arith.subf %sub3A_533, %get3A_528 : vector<16xf32>
      %add3A_535 = arith.addf %sub3A_534, %get3A_531 : vector<16xf32>
      %max3A_536 = arith.constant 0.000000e+00 : f32
      %max3A_537 = vector.broadcast %max3A_536 : f32 to vector<16xf32>
      %max3A_538 = arith.maximumf %add3A_535, %max3A_537 : vector<16xf32>
      %add3A_539 = arith.addf %add3A_525, %max3A_538 : vector<16xf32>
      %mul3A_540 = arith.constant 5.000000e-07 : f32
      %mul3A_541 = vector.broadcast %mul3A_540 : f32 to vector<16xf32>
      %mul3A_542 = arith.mulf %add3A_539, %mul3A_541 : vector<16xf32>
      %swap3A = arith.constant 0 : index
      %swap3A_543 = tpu.vector_load %arg9[%swap3A] {strides = array<i32>} : memref<16xf32, #tpu.memory_space<vmem>>, vector<16xf32>,
      %swap3A_544 = vector.shape_cast %swap3A_543 : vector<16xf32> to vector<16xf32>
      %swap3A_545 = vector.shape_cast %mul3A_542 : vector<16xf32> to vector<16xf32>
      tpu.vector_store %arg9[%swap3A], %swap3A_545 {strides = array<i32>} : memref<16xf32, #tpu.memory_space<vmem>>, vector<16xf32>,
    } else {
    }
    %ge3A = arith.constant 9 : i32
    %ge3A_359 = arith.cmpi sge, %add3A, %ge3A : i32
    %convert_element_type3A_360 = arith.extui %ge3A_359 : i1 to i32
    %cond3A_361 = arith.constant 0 : i32
    %cond3A_362 = arith.cmpi ne, %convert_element_type3A_360, %cond3A_361 : i32
    scf.if %cond3A_362 {
      %mul3A_363 = arith.constant 5.000000e-07 : f32
      %mul3A_364 = vector.broadcast %mul3A_363 : f32 to vector<16xf32>
      %mul3A_365 = arith.mulf %scan3A_353, %mul3A_364 : vector<16xf32>
      %swap3A = arith.constant 0 : index
      %swap3A_366 = tpu.vector_load %arg9[%swap3A] {strides = array<i32>} : memref<16xf32, #tpu.memory_space<vmem>>, vector<16xf32>,
      %swap3A_367 = vector.shape_cast %swap3A_366 : vector<16xf32> to vector<16xf32>
      %swap3A_368 = vector.shape_cast %mul3A_365 : vector<16xf32> to vector<16xf32>
      tpu.vector_store %arg9[%swap3A], %swap3A_368 {strides = array<i32>} : memref<16xf32, #tpu.memory_space<vmem>>, vector<16xf32>,
    } else {
    }
    "tpu.region"() ({
      %run_scoped3A = tpu.sem_alloc : memref<!tpu.dma_semaphore, #tpu.memory_space<semaphore_mem>>
      %dma_start3A_363 = arith.constant 0 : i32
      %dma_start3A_364 = tpu.memref_slice %arg4[%add3A, %dma_start3A_363] : memref<32x16xf32, #tpu.memory_space<hbm>> -> memref<1x16xf32, #tpu.memory_space<hbm>>
      %dma_start3A_365 = tpu.memref_squeeze %dma_start3A_364 : memref<1x16xf32, #tpu.memory_space<hbm>> -> memref<16xf32, #tpu.memory_space<hbm>>
      %dma_start3A_366 = arith.constant 0 : i32
      %dma_start3A_367 = tpu.memref_slice %arg4[%add3A, %dma_start3A_366] : memref<32x16xf32, #tpu.memory_space<hbm>> -> memref<1x16xf32, #tpu.memory_space<hbm>>
      %dma_start3A_368 = tpu.memref_squeeze %dma_start3A_367 : memref<1x16xf32, #tpu.memory_space<hbm>> -> memref<16xf32, #tpu.memory_space<hbm>>
      tpu.enqueue_dma source(%arg9 : memref<16xf32, #tpu.memory_space<vmem>>) target(%dma_start3A_368 : memref<16xf32, #tpu.memory_space<hbm>>) target_semaphore(%run_scoped3A : memref<!tpu.dma_semaphore, #tpu.memory_space<semaphore_mem>>)
      %dma_wait3A_369 = arith.constant 0 : i32
      %dma_wait3A_370 = tpu.memref_slice %arg4[%add3A, %dma_wait3A_369] : memref<32x16xf32, #tpu.memory_space<hbm>> -> memref<1x16xf32, #tpu.memory_space<hbm>>
      %dma_wait3A_371 = tpu.memref_squeeze %dma_wait3A_370 : memref<1x16xf32, #tpu.memory_space<hbm>> -> memref<16xf32, #tpu.memory_space<hbm>>
      %dma_wait3A_372 = arith.constant 0 : i32
      %dma_wait3A_373 = tpu.memref_slice %arg4[%add3A, %dma_wait3A_372] : memref<32x16xf32, #tpu.memory_space<hbm>> -> memref<1x16xf32, #tpu.memory_space<hbm>>
      %dma_wait3A_374 = tpu.memref_squeeze %dma_wait3A_373 : memref<1x16xf32, #tpu.memory_space<hbm>> -> memref<16xf32, #tpu.memory_space<hbm>>
      tpu.wait_dma2 semaphore(%run_scoped3A : memref<!tpu.dma_semaphore, #tpu.memory_space<semaphore_mem>>) src(%arg9 : memref<16xf32, #tpu.memory_space<vmem>>) dst(%dma_wait3A_374 : memref<16xf32, #tpu.memory_space<hbm>>)
      tpu.yield
    }) : () -> ()
    return
  }
}

</mosaic_0001>

<sc_bundles>
// kernel: kernel.3.cloned.1.call-start
scs
__scs_entry_jumppad:
0x0: {  	(pc) =	sbr.rel $0x88, $3  }
0x1: {  	(tag) =	ssettag $0x0;
	lr =	simm.s32 $0x1  }
0x2: {  	[smem:$0x3F9F] =	sst lr;
	_ =	strace $0xD0000000  }
0x3: {  	_ = 	snop  }
0x4: {  	_ = 	snop  }
0x5: {  	_ = 	snop  }
0x6: {  	_ = 	snop  }
0x7: {  	_ = 	snop  }
__scs_overlays_trampoline_lowered:
0x8: {  	[smem:$0x3FAE] =	sst s0  }
0x9: {  	[smem:$0x3FAF] =	sst s1  }
0xa: {  	[smem:$0x3FB0] =	sst s2  }
0xb: {  	[smem:$0x3FB1] =	sst s3  }
0xc: {  	[smem:$0x3FB2] =	sst s4  }
0xd: {  	[smem:$0x3FB3] =	sst s5  }
0xe: {  	[smem:$0x3FB4] =	sst s6  }
0xf: {  	[smem:$0x3FB5] =	sst s7  }
0x10: {  	[smem:$0x3FB6] =	sst s8  }
0x11: {  	[smem:$0x3FB7] =	sst s9;
	s0 =	simm.s32 @!p0 $0x0  }
0x12: {  	s1 =	sld [smem:$0x3F9D];
	s0 =	simm.s32 @p0 $0x1  }
0x13: {  	[smem:$0x3FB8] =	sst s0;
	s0 =	simm.s32 @!p1 $0x0  }
0x14: {  	s2 =	sld [smem:$0x3F9C];
	s0 =	simm.s32 @p1 $0x1  }
0x15: {  	[smem:$0x3FB9] =	sst s0;
	s0 =	simm.s32 @!p2 $0x0  }
0x16: {  	s3 =	sld [smem:$0x3FDB];
	s0 =	simm.s32 @p2 $0x1  }
0x17: {  	s4 =	simm.s32 $0x1BF5;
	[smem:$0x3FBB] =	sst s0  }
0x18: {  	s0 =	sld [smem:$0x3F9E];
	_ =	swait.ge [sflag:s4], $0x0  }
0x19: {  	s7 =	sld [smem:$0x3F9F]  }
0x1a: {  	s8 =	sadd.s32 $0xFFFFE003, lr  }
0x1b: {  	s9 =	sadd.s32 $0xFFFFFEF7, lr;
	s5 =	simm.s32 $0xFFFFFFFF;
	p2 =	slt.u32 s8, $0xFFFFF086  }
0x1c: {  	p1 =	slt.u32 s9, $0xF7A;
	s5 =	simm.s32 @!p2 $0x0  }
0x1d: {  	s5 =	simm.s32 @p1 $0x1;
	p0 =	seq.s32 s7, s2  }
0x1e: {  	s7 =	smul.u32 @!p0 $0xF7A, s2;
	p2 =	seq.s32 @!p0 s5, $0x0  }
0x1f: {  	s9 =	smul.u32 $0xF7A, s1;
	s8 =	simm.s32 @!p0 $0x1BF5;
	p2 =	por !p2, p0  }
0x20: {  	[sflag:s8] =	ssyncset.s32 @!p0 $0xFFFFF086;
	s6 =	sadd.s32 @!p0 s3, s7;
	s7 =	simm.s32 @!p0 $0x108  }
0x21: {  	s3 =	sadd.s32 s3, s9;
	s6 =	sadd.s32 @!p0 $0x88, s6;
	s7 =	simm.s32 @p2 $0x1082  }
0x22: {  	[simem:s7], [sflag:s8] =	dma.local @!p0 [hbm:s6], $0xF7A  }
0x23: {  	s9 =	sor.u32 $0xD0000000, s2;
	s6 =	simm.s32 $0x108;
	_ =	swait.ge @!p0 [sflag:s8], $0x0  }
0x24: {  	s3 =	sadd.s32 $0x88, s3;
	s6 =	simm.s32 @!p1 $0x1082;
	[sflag:s4] =	ssyncset.s32 $0xFFFFF086  }
0x25: {  	[simem:s6], [sflag:s4] =	dma.local [hbm:s3], $0xF7A  }
0x26: {  	[smem:$0x3F9F] =	sst s1;
	(tag) =	ssettag s2;
	_ =	strace s9  }
0x27: {  	s1 =	sld [smem:$0x3FAF]  }
0x28: {  	s2 =	sld [smem:$0x3FB0]  }
0x29: {  	s4 =	sld [smem:$0x3FB2]  }
0x2a: {  	p0 =	seq.s32 s5, $0x0;
	s5 =	sld [smem:$0x3FB3]  }
0x2b: {  	s6 =	sld [smem:$0x3FB4]  }
0x2c: {  	s7 =	sld [smem:$0x3FB5]  }
0x2d: {  	s3 =	simm.s32 $0x108;
	s8 =	sld [smem:$0x3FB6]  }
0x2e: {  	s3 =	simm.s32 @!p0 $0x1082;
	s9 =	sld [smem:$0x3FB7]  }
0x2f: {  	lr =	sadd.s32 s0, s3;
	s0 =	sld [smem:$0x3FAE]  }
0x30: {  	s3 =	sld [smem:$0x3FB1]  }
0x31: {  	[smem:$0x3FBA] =	sst s10  }
0x32: {  	s10 =	sld [smem:$0x3FB8];
	_ =	sdelay $0x3  }
0x33: {  	p0 =	seq.s32 s10, $0x1;
	s10 =	sld [smem:$0x3FBA];
	_ =	sdelay $0x3  }
0x34: {  	[smem:$0x3FBA] =	sst s10  }
0x35: {  	s10 =	sld [smem:$0x3FB9];
	_ =	sdelay $0x3  }
0x36: {  	p1 =	seq.s32 s10, $0x1;
	s10 =	sld [smem:$0x3FBA];
	_ =	sdelay $0x3  }
0x37: {  	[smem:$0x3FBA] =	sst s10  }
0x38: {  	s10 =	sld [smem:$0x3FBB]  }
0x39: {  	_ = 	snop;
	(pc) =	sbr.ind lr, $3  }
0x3a: {  	_ = 	snop  }
0x3b: {  	_ = 	snop  }
0x3c: {  	p2 =	seq.s32 s10, $0x1;
	s10 =	sld [smem:$0x3FBA]  }
0x3d: {  	_ =	shalt  }
0x3e: {  	_ =	shalt  }
0x3f: {  	_ =	shalt  }
0x40: {  	_ =	shalt  }
0x41: {  	_ =	shalt  }
0x42: {  	_ =	shalt  }
0x43: {  	_ =	shalt  }
0x44: {  	_ =	shalt  }
0x45: {  	_ =	shalt  }
0x46: {  	_ =	shalt  }
0x47: {  	_ =	shalt  }
0x48: {  	_ =	shalt  }
0x49: {  	_ =	shalt  }
0x4a: {  	_ =	shalt  }
0x4b: {  	_ =	shalt  }
0x4c: {  	_ =	shalt  }
0x4d: {  	_ =	shalt  }
0x4e: {  	_ =	shalt  }
0x4f: {  	_ =	shalt  }
0x50: {  	_ =	shalt  }
0x51: {  	_ =	shalt  }
0x52: {  	_ =	shalt  }
0x53: {  	_ =	shalt  }
0x54: {  	_ =	shalt  }
0x55: {  	_ =	shalt  }
0x56: {  	_ =	shalt  }
0x57: {  	_ =	shalt  }
0x58: {  	_ =	shalt  }
0x59: {  	_ =	shalt  }
0x5a: {  	_ =	shalt  }
0x5b: {  	_ =	shalt  }
0x5c: {  	_ =	shalt  }
0x5d: {  	_ =	shalt  }
0x5e: {  	_ =	shalt  }
0x5f: {  	_ =	shalt  }
0x60: {  	_ =	shalt  }
0x61: {  	_ =	shalt  }
0x62: {  	_ =	shalt  }
0x63: {  	_ =	shalt  }
0x64: {  	_ =	shalt  }
0x65: {  	_ =	shalt  }
0x66: {  	_ =	shalt  }
0x67: {  	_ =	shalt  }
0x68: {  	_ =	shalt  }
0x69: {  	_ =	shalt  }
0x6a: {  	_ =	shalt  }
0x6b: {  	_ =	shalt  }
0x6c: {  	_ =	shalt  }
0x6d: {  	_ =	shalt  }
0x6e: {  	_ =	shalt  }
0x6f: {  	_ =	shalt  }
0x70: {  	_ =	shalt  }
0x71: {  	_ =	shalt  }
0x72: {  	_ =	shalt  }
0x73: {  	_ =	shalt  }
0x74: {  	_ =	shalt  }
0x75: {  	_ =	shalt  }
0x76: {  	_ =	shalt  }
0x77: {  	_ =	shalt  }
0x78: {  	_ =	shalt  }
0x79: {  	_ =	shalt  }
0x7a: {  	_ =	shalt  }
0x7b: {  	_ =	shalt  }
0x7c: {  	_ =	shalt  }
0x7d: {  	_ =	shalt  }
0x7e: {  	_ =	shalt  }
0x7f: {  	_ =	shalt  }
0x80: {  	_ =	shalt  }
0x81: {  	_ =	shalt  }
0x82: {  	_ =	shalt  }
0x83: {  	_ =	shalt  }
0x84: {  	_ =	shalt  }
0x85: {  	_ =	shalt  }
0x86: {  	_ =	shalt  }
0x87: {  	_ =	shalt  }
.Lfunc_end0:
.L_simem_size_0:
called_computation_lowered:
.L_overlay_start_0:
0x88: {  	s2 =	sld [smem:$0x3FD9]  }
0x89: {  	s3 =	sld [smem:$0x3FFE];
	_ =	sdelay $0x1  }
0x8a: {  	s1 =	srdreg.scid  }
0x8b: {  	s0 =	sand.u32 $0x1, s1  }
0x8c: {  	s17 =	sshll.u32 s0, $0xA;
	s2 =	sadd.s32 s3, s2  }
0x8d: {  	s2 =	sadd.s32 s2, s17  }
0x8e: {  	[smem:$0x3FC6] =	sst s2  }
0x8f: {  	_ = 	snop  }
0x90: {  	s2 =	sld [smem:$0x3FC9]  }
0x91: {  	s18 =	sld [smem:$0x3FC8];
	(tm) =	ssettm $0x1  }
0x92: {  	s4 =	sld [smem:$0x3FFB];
	_ =	sdelay $0x3  }
0x93: {  	_ =	strace s4  }
0x94: {  	s4 =	sld [smem:$0x3FFC];
	_ =	sdelay $0x3  }
0x95: {  	_ =	strace s4  }
0x96: {  	s4 =	sld [smem:$0x3FFD];
	_ =	sdelay $0x3  }
0x97: {  	_ =	strace s4  }
0x98: {  	_ =	strace $0x8FFFFFFF  }
0x99: {  	s19 =	sld [smem:$0x3FDB];
	_ =	sdelay $0x1  }
0x9a: {  	s5 =	simm.s32 $_scs_section_size  }
0x9b: {  	s6 =	simm.s32 $_size__tile_overlayer_lowered;
	s7 =	simm.s32 $_tile_overlayer_lowered  }
0x9c: {  	s22 =	simm.s32 $0x1BFF;
	s21 =	sshll.u32 s7, $0x1;
	s4 =	sadd.s32 s5, s19  }
0x9d: {  	s8 =	simm.s32 $0x0;
	s20 =	sshll.u32 s6, $0x1;
	s6 =	sadd.s32 s21, s4  }
0x9e: {  	[timem:s8], [sflag:s22] =	dma.local [hbm:s6], s20  }
0x9f: {  	_ =	swait.ge [sflag:s22], s20  }
0xa0: {  	s5 =	ssub.s32 $0x0, s20;
	[sflag:s22] =	ssyncset.done $0x0  }
0xa1: {  	[sflag:s22] =	ssyncadd.s32 s5;
	_ =	sdelay $0x1  }
0xa2: {  	s23 =	simm.s32 $0x1B8B  }
0xa3: {  	_ =	swait.ge [sflag:s23], $0x1  }
0xa4: {  	[sflag:s23] =	ssyncset.done $0x0  }
0xa5: {  	s25 =	simm.s32 $0x1B8E;
	s24 =	sld [smem:$0x3FFE];
	[sflag:s23] =	ssyncadd.s32 $0xFFFFFFFF  }
0xa6: {  	s26 =	simm.s32 $execute0_lowered;
	[smem:$0x3FD2] =	sst s25  }
0xa7: {  	s6 =	sshll.u32 s26, $0x1;
	_ =	strace $0x80000046;
	[dreg:$0x1] =	wrdreg $0xFFFFFFFF  }
0xa8: {  	s28 =	simm.s32 $_size_execute0_lowered;
	s4 =	sadd.s32 s4, s6;
	[dreg:$0x0] =	wrdreg $0x0  }
0xa9: {  	s6 =	sshll.u32 s28, $0x1;
	[dreg:$0x2] =	wrdreg s4  }
0xaa: {  	[dreg:$0x3] =	wrdreg s6  }
0xab: {  	[dreg:$0x4] =	wrdreg $0xC0  }
0xac: {  	_ =	task [dreg:s8], $0x5FFFF  }
0xad: {  	[dreg:$0x1] =	wrdreg $0xFFFFFFFF  }
0xae: {  	[dreg:$0x0] =	wrdreg $0x60  }
0xaf: {  	[dreg:$0x2] =	wrdreg s18  }
0xb0: {  	[dreg:$0x3] =	wrdreg s2  }
0xb1: {  	[dreg:$0x4] =	wrdreg s24  }
0xb2: {  	[dreg:$0x5] =	wrdreg $0xF4800  }
0xb3: {  	[dreg:$0x6] =	wrdreg $0x9  }
0xb4: {  	_ =	task.clear_ibuf [dreg:s8], $0x7FFFF;
	_ =	strace $0x90000046  }
0xb5: {  	s29 =	simm.s32 $0x9;
	_ =	strace $0x80000048  }
0xb6: {  	_ =	swait.ge [sflag:s29], $0x1  }
0xb7: {  	[sflag:s29] =	ssyncadd.s32 $0xFFFFFFFF  }
0xb8: {  	_ =	strace $0x90000048  }
0xb9: {  	_ =	sfence  }
0xba: {  	s30 =	sld [smem:$0x0];
	_ =	sdelay $0x2  }
0xbb: {  	s31 =	sshll.u32 s1, $0xD;
	s1 =	sshrl.u32 s1, $0x2  }
0xbc: {  	s3 =	sand.u32 $0x4000, s31;
	s1 =	sadd.s32 s1, s30  }
0xbd: {  	s0 =	sor.u32 s3, s0;
	s1 =	sshll.u32 s1, $0x11  }
0xbe: {  	s0 =	sor.u32 s1, s0  }
0xbf: {  	s0 =	sadd.s32 $0x8F2B, s0  }
0xc0: {  	[sflag:s0] =	ssyncadd.remote.s32 $0x1  }
0xc1: {  	_ =	sfence.sel $0xFFFF  }
0xc2: {  	[dreg:$0x0] =	wrdreg $0xFFFFFFFF;
	(pc) =	sbr.abs _section_cstart, $3  }
0xc3: {  	[dreg:$0x1] =	wrdreg $0xFFFFFFFF  }
0xc4: {  	_ =	task.clear_ibuf [dreg:s8], $0x2FFFF;
	_ =	strace $0x9FFFFFFF  }
0xc5: {  	(tm) =	ssettm $0x7FFFFFFF  }
tec
execute0_lowered:
.L_overlay_start_1:
0x0: {  	(tag) =	ssettag $0x1  }
0x1: {  	s0 =	rddreg [dreg:$0x0]  }
0x2: {  	s1 =	rddreg [dreg:$0x1]  }
0x3: {  	s4 =	rddreg [dreg:$0x2]  }
0x4: {  	s2 =	rddreg [dreg:$0x3]  }
0x5: {  	s5 =	srdreg.scid;
	s24 =	stileid.u32;
	s3 =	simm.s32 $0x0  }
0x6: {  	s28 =	simm.s32 $0x7A00;
	s29 =	simm.s32 $0x2;
	s30 =	simm.s32 $0xB700  }
0x7: {  	s31 =	simm.s32 $0x3;
	s5 =	sand.u32 $0x1, s5;
	s6 =	sshll.u32 s24, $0x1  }
0x8: {  	s16 =	smul.u32 $0xF420, s24;
	[smem:$0x7FF] =	sst s3;
	s15 =	sadd.s32 $0x1E840, s1  }
0x9: {  	p1 =	sne.s32 s24, $0xF;
	s24 =	simm.s32 $0x3D00;
	s7 =	ssub.s32 $0x2, s5  }
0xa: {  	s5 =	sor.u32 s5, s6;
	_ =	strace $0x80000047;
	s8 =	sshrl.u32 s7, $0x1  }
0xb: {  	s9 =	smul.u32 $0x3D00, s5;
	s17 =	sshrl.u32 s16, $0x3;
	s18 =	sadd.s32 $0x3D00, s16  }
0xc: {  	s19 =	sadd.s32 s16, s2;
	s10 =	sadd.s32 $0x7A00, s16;
	s22 =	sadd.s32 $0xB700, s16  }
0xd: {  	s12 =	smul.u32 $0x1E800, s5;
	s6 =	sadd.s32 $0xF400, s16;
	s25 =	sshll.u32 s5, $0x5  }
0xe: {  	s26 =	sshll.u32 s5, $0x4;
	p0 =	sgt.u32 s5, $0x8;
	s5 =	simm.s32 $0x0  }
0xf: {  	s7 =	ssub.s32 s7, s8;
	s8 =	sadd.s32 s1, s17;
	[dreg:$0x7] =	wrdreg s19  }
0x10: {  	s20 =	sshrl.u32 s18, $0x3;
	s21 =	sshrl.u32 s10, $0x3;
	s10 =	sadd.s32 s10, s2  }
0x11: {  	s11 =	sshrl.u32 s22, $0x3;
	s13 =	sshrl.u32 s6, $0x3;
	s9 =	sadd.s32 s0, s9  }
0x12: {  	[dreg:$0x6] =	wrdreg s8;
	s8 =	sadd.s32 s18, s2;
	s11 =	sadd.s32 s1, s11  }
0x13: {  	s14 =	sshrl.u32 s12, $0x3;
	s12 =	sadd.s32 s22, s2;
	[dreg:$0x5] =	wrdreg s9  }
0x14: {  	s13 =	sadd.s32 s1, s13;
	s9 =	sadd.s32 s1, s20;
	[dreg:$0x9] =	wrdreg s8  }
0x15: {  	s23 =	sadd.s32 s0, s14;
	s14 =	sadd.s32 s6, s2;
	s0 =	sadd.s32 s25, s0  }
0x16: {  	s20 =	sadd.s32 s4, s26;
	s25 =	smax.u32 s7, $0x1;
	s26 =	sadd.s32 $0xF4200, s2  }
.Ltmp0:
0x17: {  	s4 =	simm.s32 $0x5;
	[dreg:$0x8] =	wrdreg s9;
	(pc) =	sbr.rel .LBB2_1-.Ltmp0, $4  }
0x18: {  	s9 =	sadd.s32 s1, s21;
	s16 =	sadd.s32 $0x7A0, s23;
	s17 =	sadd.s32 $0xF40, s23  }
0x19: {  	s18 =	sadd.s32 $0x16E0, s23;
	s19 =	sadd.s32 $0x1E80, s23;
	s21 =	sadd.s32 $0x2620, s23  }
0x1a: {  	s22 =	sadd.s32 $0x2DC0, s23;
	s23 =	sadd.s32 $0x3560, s23;
	s0 =	sadd.s32 $0x7A000, s0  }
0x1b: {  	s1 =	simm.s32 $0x1;
	[dreg:$0xa] =	wrdreg s0;
	s0 =	simm.s32 $0x4  }
.LBB2_35:
0x1c: {  	v0 =	vmul.f32 $4.999999990e-07, v0;
	s5 =	sadd.s32 $0x1, s5  }
0x1d: {  	p2 =	sne.s32 s5, s25  }
.Ltmp1:
0x1e: {  	s6 =	simm.s32 $0xF400;
	[tilespmem:$0xF400] =	vst v0;
	(pc) =	sbr.rel @!p2 .LBB2_36-.Ltmp1, $4  }
0x1f: {  	[hbm4b:s20+s3] =	stream.linear.scatter [tilespmem:s6], [sflag:$0x5], $0x80, $0x38;
	[tilespmem:$0x1E8A8] =	vst v63  }
0x20: {  	_ =	swait.ge [sflag:s4], $0x80  }
0x21: {  	[sflag:s4] =	ssyncset.done $0x0  }
0x22: {  	[sflag:s4] =	ssyncadd.s32 $0xFFFFFF80  }
.LBB2_1:
0x23: {  	s6 =	rddreg [dreg:$0x5]  }
0x24: {  	[tilespmem:s3], [sflag:$0x1] =	stream.linear.gather [hbm4b:s6+s3], $0x3D00, $0x38;
	[tilespmem:$0x1E8A8] =	vst v63  }
0x25: {  	s7 =	rddreg [dreg:$0x6]  }
0x26: {  	[tilespmem:s28], [sflag:$0x2] =	stream.linear.gather [hbm4b:s7+s3], $0x3D00, $0x38;
	[tilespmem:$0x1E8A8] =	vst v63  }
0x27: {  	_ =	swait.ge [sflag:s29], $0x3D00  }
0x28: {  	[sflag:s29] =	ssyncset.done $0x0  }
0x29: {  	s8 =	rddreg [dreg:$0x7];
	[sflag:s29] =	ssyncadd.s32 $0xFFFFC300  }
0x2a: {  	[spmem:s8] =	stream.linear.scatter [tilespmem:s28], [sflag:$0x4], $0x3D00, $0x38;
	[tilespmem:$0x1E8A8] =	vst v63  }
0x2b: {  	s7 =	rddreg [dreg:$0x8]  }
0x2c: {  	[tilespmem:s30], [sflag:$0x3] =	stream.linear.gather [hbm4b:s7+s3], $0x3D00, $0x38;
	[tilespmem:$0x1E8A8] =	vst v63  }
0x2d: {  	_ =	swait.ge [sflag:s31], $0x3D00  }
0x2e: {  	[sflag:s31] =	ssyncset.done $0x0  }
0x2f: {  	s8 =	rddreg [dreg:$0x9];
	[sflag:s31] =	ssyncadd.s32 $0xFFFFC300  }
0x30: {  	[spmem:s8] =	stream.linear.scatter [tilespmem:s30], [sflag:$0x4], $0x3D00, $0x38;
	[tilespmem:$0x1E8A8] =	vst v63  }
0x31: {  	_ =	swait.ge [sflag:s0], $0x3D00  }
0x32: {  	[sflag:s0] =	ssyncset.done $0x0  }
0x33: {  	[sflag:s0] =	ssyncadd.s32 $0xFFFFC300  }
0x34: {  	[tilespmem:s28], [sflag:$0x2] =	stream.linear.gather [hbm4b:s9+s3], $0x3D00, $0x38;
	[tilespmem:$0x1E8A8] =	vst v63  }
0x35: {  	_ =	swait.ge [sflag:s29], $0x3D00  }
0x36: {  	[sflag:s29] =	ssyncset.done $0x0  }
0x37: {  	[sflag:s29] =	ssyncadd.s32 $0xFFFFC300  }
0x38: {  	[spmem:s10] =	stream.linear.scatter [tilespmem:s28], [sflag:$0x4], $0x3D00, $0x38;
	[tilespmem:$0x1E8A8] =	vst v63  }
0x39: {  	_ =	swait.ge [sflag:s0], $0x3D00  }
0x3a: {  	[sflag:s0] =	ssyncset.done $0x0  }
0x3b: {  	[sflag:s0] =	ssyncadd.s32 $0xFFFFC300  }
0x3c: {  	[tilespmem:s30], [sflag:$0x3] =	stream.linear.gather [hbm4b:s11+s3], $0x3D00, $0x38;
	[tilespmem:$0x1E8A8] =	vst v63  }
0x3d: {  	_ =	swait.ge [sflag:s31], $0x3D00  }
0x3e: {  	[sflag:s31] =	ssyncset.done $0x0  }
0x3f: {  	[sflag:s31] =	ssyncadd.s32 $0xFFFFC300  }
0x40: {  	[spmem:s12] =	stream.linear.scatter [tilespmem:s30], [sflag:$0x4], $0x3D00, $0x38;
	[tilespmem:$0x1E8A8] =	vst v63  }
0x41: {  	_ =	swait.ge [sflag:s0], $0x3D00  }
0x42: {  	[sflag:s0] =	ssyncset.done $0x0  }
0x43: {  	[sflag:s0] =	ssyncadd.s32 $0xFFFFC300  }
0x44: {  	_ =	swait.ge [sflag:s0], $0x3D00  }
0x45: {  	[sflag:s0] =	ssyncset.done $0x0  }
0x46: {  	[sflag:s0] =	ssyncadd.s32 $0xFFFFC300  }
0x47: {  	[tilespmem:s28], [sflag:$0x4] =	stream.linear.gather [hbm4b:s13+s3], $0x20, $0x38;
	[tilespmem:$0x1E8A8] =	vst v63  }
0x48: {  	_ =	swait.ge [sflag:s0], $0x20  }
0x49: {  	[sflag:s0] =	ssyncset.done $0x0  }
0x4a: {  	[sflag:s0] =	ssyncadd.s32 $0xFFFFFFE0  }
0x4b: {  	[spmem:s14] =	stream.linear.scatter [tilespmem:s28], [sflag:$0x4], $0x20, $0x38;
	[tilespmem:$0x1E8A8] =	vst v63  }
0x4c: {  	_ =	swait.ge [sflag:s0], $0x20  }
0x4d: {  	[sflag:s0] =	ssyncset.done $0x0  }
0x4e: {  	s6 =	simm.s32 @!p1 $0x0;
	s7 =	simm.s32 @!p1 $0xB700;
	[sflag:s0] =	ssyncadd.s32 $0xFFFFFFE0  }
0x4f: {  	[tilespmem:s7], [sflag:$0x4] =	stream.linear.gather @!p1 [hbm4b:s15+s6], $0x40, $0x38;
	[tilespmem:$0x1E8A8] =	vst v63  }
0x50: {  	s6 =	simm.s32 @!p1 $0x4  }
0x51: {  	_ =	swait.ge @!p1 [sflag:s6], $0x40  }
0x52: {  	[sflag:s6] =	ssyncset.done @!p1 $0x0  }
0x53: {  	[sflag:s6] =	ssyncadd.s32 @!p1 $0xFFFFFFC0  }
0x54: {  	[spmem:s26] =	stream.linear.scatter @!p1 [tilespmem:s7], [sflag:$0x4], $0x40, $0x38;
	[tilespmem:$0x1E8A8] =	vst v63  }
0x55: {  	_ =	swait.ge @!p1 [sflag:s6], $0x40  }
0x56: {  	[sflag:s6] =	ssyncset.done @!p1 $0x0  }
0x57: {  	[sflag:s6] =	ssyncadd.s32 @!p1 $0xFFFFFFC0  }
0x58: {  	[bflag:$0x0] =	sbarrier.arrive $0xFFFF  }
0x59: {  	_ =	swait.ge [sflag:s1], $0x3D00  }
0x5a: {  	[sflag:s1] =	ssyncset.done $0x0  }
0x5b: {  	s6 =	simm.s32 $0x0;
	[sflag:s1] =	ssyncadd.s32 $0xFFFFC300  }
0x5c: {  	v0 =	vld [tilespmem:s6+$0xF0]  }
0x5d: {  	v1 =	vld [tilespmem:s6+$0x0]  }
0x5e: {  	v2 =	vld [tilespmem:s6+$0x80]  }
0x5f: {  	v3 =	vld [tilespmem:s6+$0x10]  }
0x60: {  	v4 =	vld [tilespmem:s6+$0x90]  }
0x61: {  	v5 =	vld [tilespmem:s6+$0x20];
	[tilespmem:s6+$0x3DF0] =	vst v0  }
0x62: {  	[tilespmem:s6+$0x3D00] =	vst v1;
	v0 =	vld [tilespmem:s6+$0xA0]  }
0x63: {  	[tilespmem:s6+$0x3D80] =	vst v2;
	v1 =	vld [tilespmem:s6+$0x30]  }
0x64: {  	[tilespmem:s6+$0x3D10] =	vst v3;
	v2 =	vld [tilespmem:s6+$0xB0]  }
0x65: {  	[tilespmem:s6+$0x3D90] =	vst v4;
	v3 =	vld [tilespmem:s6+$0x40]  }
0x66: {  	[tilespmem:s6+$0x3D20] =	vst v5;
	v4 =	vld [tilespmem:s6+$0xC0]  }
0x67: {  	[tilespmem:s6+$0x3DA0] =	vst v0;
	v0 =	vld [tilespmem:s6+$0x50]  }
0x68: {  	[tilespmem:s6+$0x3D30] =	vst v1;
	v1 =	vld [tilespmem:s6+$0xD0]  }
0x69: {  	[tilespmem:s6+$0x3DB0] =	vst v2;
	v2 =	vld [tilespmem:s6+$0x60]  }
0x6a: {  	[tilespmem:s6+$0x3D40] =	vst v3;
	v3 =	vld [tilespmem:s6+$0xE0]  }
0x6b: {  	s8 =	simm.s32 $0x800;
	s7 =	simm.s32 $0x100;
	[tilespmem:s6+$0x3DC0] =	vst v4;
	v4 =	vld [tilespmem:s6+$0x70]  }
.LBB2_2:
0x6c: {  	p2 =	sne.s32 s8, $0xF000;
	v5 =	vld [tilespmem:s7+$0xF0];
	[tilespmem:s6+$0x3D50] =	vst v0  }
0x6d: {  	v0 =	vld [tilespmem:s7+$0x0];
	[tilespmem:s6+$0x3DD0] =	vst v1  }
0x6e: {  	v1 =	vld [tilespmem:s7+$0x80];
	[tilespmem:s6+$0x3D60] =	vst v2  }
0x6f: {  	v2 =	vld [tilespmem:s7+$0x10];
	[tilespmem:s6+$0x3DE0] =	vst v3  }
0x70: {  	v3 =	vld [tilespmem:s7+$0x90];
	[tilespmem:s6+$0x3D70] =	vst v4;
	s6 =	smov.u32 s7  }
0x71: {  	v4 =	vld [tilespmem:s6+$0x20];
	[tilespmem:s6+$0x3DF0] =	vst v5  }
0x72: {  	[tilespmem:s6+$0x3D00] =	vst v0;
	v0 =	vld [tilespmem:s6+$0xA0]  }
0x73: {  	[tilespmem:s6+$0x3D80] =	vst v1;
	v1 =	vld [tilespmem:s6+$0x30]  }
0x74: {  	[tilespmem:s6+$0x3D10] =	vst v2;
	v2 =	vld [tilespmem:s6+$0xB0]  }
0x75: {  	[tilespmem:s6+$0x3D90] =	vst v3;
	v3 =	vld [tilespmem:s6+$0x40]  }
0x76: {  	[tilespmem:s6+$0x3D20] =	vst v4;
	v4 =	vld [tilespmem:s6+$0xC0]  }
.Ltmp2:
0x77: {  	[tilespmem:s6+$0x3DA0] =	vst v0;
	v0 =	vld [tilespmem:s6+$0x50];
	(pc) =	sbr.rel @p2 .LBB2_2-.Ltmp2, $4  }
0x78: {  	[tilespmem:s6+$0x3D30] =	vst v1;
	v1 =	vld [tilespmem:s6+$0xD0]  }
0x79: {  	[tilespmem:s6+$0x3DB0] =	vst v2;
	v2 =	vld [tilespmem:s6+$0x60]  }
0x7a: {  	[tilespmem:s6+$0x3D40] =	vst v3;
	v3 =	vld [tilespmem:s6+$0xE0]  }
0x7b: {  	s7 =	sshra.s32 s8, $0x2;
	s8 =	sadd.s32 $0x400, s8;
	[tilespmem:s6+$0x3DC0] =	vst v4;
	v4 =	vld [tilespmem:s6+$0x70]  }
0x7c: {  	v5 =	vld [tilespmem:s7+$0xF0];
	[tilespmem:s6+$0x3D50] =	vst v0  }
0x7d: {  	v0 =	vld [tilespmem:s7+$0x0];
	[tilespmem:s6+$0x3DD0] =	vst v1  }
0x7e: {  	v1 =	vld [tilespmem:s7+$0x80];
	[tilespmem:s6+$0x3D60] =	vst v2  }
0x7f: {  	v2 =	vld [tilespmem:s7+$0x10];
	[tilespmem:s6+$0x3DE0] =	vst v3  }
0x80: {  	v3 =	vld [tilespmem:s7+$0x90];
	[tilespmem:s6+$0x3D70] =	vst v4  }
0x81: {  	v4 =	vld [tilespmem:s7+$0x20];
	[tilespmem:s7+$0x3DF0] =	vst v5  }
0x82: {  	[tilespmem:s7+$0x3D00] =	vst v0;
	v0 =	vld [tilespmem:s7+$0xA0]  }
0x83: {  	[tilespmem:s7+$0x3D80] =	vst v1;
	v1 =	vld [tilespmem:s7+$0x30]  }
0x84: {  	[tilespmem:s7+$0x3D10] =	vst v2;
	v2 =	vld [tilespmem:s7+$0xB0]  }
0x85: {  	[tilespmem:s7+$0x3D90] =	vst v3;
	v3 =	vld [tilespmem:s7+$0x40]  }
0x86: {  	[tilespmem:s7+$0x3D20] =	vst v4;
	v4 =	vld [tilespmem:s7+$0xC0]  }
0x87: {  	[tilespmem:s7+$0x3DA0] =	vst v0;
	v0 =	vld [tilespmem:s7+$0x50]  }
0x88: {  	[tilespmem:s7+$0x3D30] =	vst v1;
	v1 =	vld [tilespmem:s7+$0xD0]  }
0x89: {  	[tilespmem:s7+$0x3DB0] =	vst v2;
	v2 =	vld [tilespmem:s7+$0x60]  }
0x8a: {  	[tilespmem:s7+$0x3D40] =	vst v3;
	v3 =	vld [tilespmem:s7+$0xE0]  }
0x8b: {  	[tilespmem:s7+$0x3DC0] =	vst v4;
	v4 =	vld [tilespmem:s7+$0x70]  }
0x8c: {  	[tilespmem:s7+$0x3D50] =	vst v0  }
0x8d: {  	[tilespmem:s7+$0x3DD0] =	vst v1  }
0x8e: {  	[tilespmem:s7+$0x3D60] =	vst v2  }
0x8f: {  	[tilespmem:s7+$0x3DE0] =	vst v3  }
0x90: {  	s8 =	simm.s32 $0x0;
	[tilespmem:s7+$0x3D70] =	vst v4  }
0x91: {  	[tilespmem:s8], [sflag:$0x1] =	stream.linear.gather [hbm4b:s16+s8], $0x3D00, $0x38;
	[tilespmem:$0x1E8A8] =	vst v63  }
0x92: {  	_ = 	snop  }
0x93: {  	[tilespmem:s28], [sflag:$0x2] =	stream.indirect.gather [spmem:s2], $0x1, s24, s24, $0xb8;
	[tilespmem:$0x1E8A8] =	vst v63  }
0x94: {  	_ =	swait.ge [sflag:s1], $0x3D00  }
0x95: {  	[sflag:s1] =	ssyncset.done $0x0  }
0x96: {  	[sflag:s1] =	ssyncadd.s32 $0xFFFFC300  }
0x97: {  	_ =	swait.ge [sflag:s29], $0x3D00  }
0x98: {  	[sflag:s29] =	ssyncset.done $0x0  }
0x99: {  	s6 =	simm.s32 $0x0;
	[sflag:s29] =	ssyncadd.s32 $0xFFFFC300  }
0x9a: {  	v0 =	vld [tilespmem:s6+$0xF0]  }
0x9b: {  	v1 =	vld [tilespmem:s6+$0x0]  }
0x9c: {  	v2 =	vld [tilespmem:s6+$0x80]  }
0x9d: {  	v3 =	vld [tilespmem:s6+$0x10]  }
0x9e: {  	v4 =	vld [tilespmem:s6+$0x90]  }
0x9f: {  	v5 =	vld [tilespmem:s6+$0x20];
	[tilespmem:s6+$0x3DF0] =	vst v0  }
0xa0: {  	[tilespmem:s6+$0x3D00] =	vst v1;
	v0 =	vld [tilespmem:s6+$0xA0]  }
0xa1: {  	[tilespmem:s6+$0x3D80] =	vst v2;
	v1 =	vld [tilespmem:s6+$0x30]  }
0xa2: {  	[tilespmem:s6+$0x3D10] =	vst v3;
	v2 =	vld [tilespmem:s6+$0xB0]  }
0xa3: {  	[tilespmem:s6+$0x3D90] =	vst v4;
	v3 =	vld [tilespmem:s6+$0x40]  }
0xa4: {  	[tilespmem:s6+$0x3D20] =	vst v5;
	v4 =	vld [tilespmem:s6+$0xC0]  }
0xa5: {  	[tilespmem:s6+$0x3DA0] =	vst v0;
	v0 =	vld [tilespmem:s6+$0x50]  }
0xa6: {  	[tilespmem:s6+$0x3D30] =	vst v1;
	v1 =	vld [tilespmem:s6+$0xD0]  }
0xa7: {  	[tilespmem:s6+$0x3DB0] =	vst v2;
	v2 =	vld [tilespmem:s6+$0x60]  }
0xa8: {  	[tilespmem:s6+$0x3D40] =	vst v3;
	v3 =	vld [tilespmem:s6+$0xE0]  }
0xa9: {  	s7 =	simm.s32 $0x100;
	s8 =	simm.s32 $0x800;
	[tilespmem:s6+$0x3DC0] =	vst v4;
	v4 =	vld [tilespmem:s6+$0x70]  }
.LBB2_4:
0xaa: {  	p2 =	sne.s32 s8, $0xF000;
	v5 =	vld [tilespmem:s7+$0xF0];
	[tilespmem:s6+$0x3D50] =	vst v0  }
0xab: {  	v0 =	vld [tilespmem:s7+$0x0];
	[tilespmem:s6+$0x3DD0] =	vst v1  }
0xac: {  	v1 =	vld [tilespmem:s7+$0x80];
	[tilespmem:s6+$0x3D60] =	vst v2  }
0xad: {  	v2 =	vld [tilespmem:s7+$0x10];
	[tilespmem:s6+$0x3DE0] =	vst v3  }
0xae: {  	v3 =	vld [tilespmem:s7+$0x90];
	[tilespmem:s6+$0x3D70] =	vst v4;
	s6 =	smov.u32 s7  }
0xaf: {  	v4 =	vld [tilespmem:s6+$0x20];
	[tilespmem:s6+$0x3DF0] =	vst v5  }
0xb0: {  	[tilespmem:s6+$0x3D00] =	vst v0;
	v0 =	vld [tilespmem:s6+$0xA0]  }
0xb1: {  	[tilespmem:s6+$0x3D80] =	vst v1;
	v1 =	vld [tilespmem:s6+$0x30]  }
0xb2: {  	[tilespmem:s6+$0x3D10] =	vst v2;
	v2 =	vld [tilespmem:s6+$0xB0]  }
0xb3: {  	[tilespmem:s6+$0x3D90] =	vst v3;
	v3 =	vld [tilespmem:s6+$0x40]  }
0xb4: {  	[tilespmem:s6+$0x3D20] =	vst v4;
	v4 =	vld [tilespmem:s6+$0xC0]  }
.Ltmp3:
0xb5: {  	[tilespmem:s6+$0x3DA0] =	vst v0;
	v0 =	vld [tilespmem:s6+$0x50];
	(pc) =	sbr.rel @p2 .LBB2_4-.Ltmp3, $4  }
0xb6: {  	[tilespmem:s6+$0x3D30] =	vst v1;
	v1 =	vld [tilespmem:s6+$0xD0]  }
0xb7: {  	[tilespmem:s6+$0x3DB0] =	vst v2;
	v2 =	vld [tilespmem:s6+$0x60]  }
0xb8: {  	[tilespmem:s6+$0x3D40] =	vst v3;
	v3 =	vld [tilespmem:s6+$0xE0]  }
0xb9: {  	s7 =	sshra.s32 s8, $0x2;
	s8 =	sadd.s32 $0x400, s8;
	[tilespmem:s6+$0x3DC0] =	vst v4;
	v4 =	vld [tilespmem:s6+$0x70]  }
0xba: {  	v5 =	vld [tilespmem:s7+$0xF0];
	[tilespmem:s6+$0x3D50] =	vst v0  }
0xbb: {  	v0 =	vld [tilespmem:s7+$0x0];
	[tilespmem:s6+$0x3DD0] =	vst v1  }
0xbc: {  	v1 =	vld [tilespmem:s7+$0x80];
	[tilespmem:s6+$0x3D60] =	vst v2  }
0xbd: {  	v2 =	vld [tilespmem:s7+$0x10];
	[tilespmem:s6+$0x3DE0] =	vst v3  }
0xbe: {  	v3 =	vld [tilespmem:s7+$0x90];
	[tilespmem:s6+$0x3D70] =	vst v4  }
0xbf: {  	v4 =	vld [tilespmem:s7+$0x20];
	[tilespmem:s7+$0x3DF0] =	vst v5  }
0xc0: {  	[tilespmem:s7+$0x3D00] =	vst v0;
	v0 =	vld [tilespmem:s7+$0xA0]  }
0xc1: {  	[tilespmem:s7+$0x3D80] =	vst v1;
	v1 =	vld [tilespmem:s7+$0x30]  }
0xc2: {  	[tilespmem:s7+$0x3D10] =	vst v2;
	v2 =	vld [tilespmem:s7+$0xB0]  }
0xc3: {  	[tilespmem:s7+$0x3D90] =	vst v3;
	v3 =	vld [tilespmem:s7+$0x40]  }
0xc4: {  	[tilespmem:s7+$0x3D20] =	vst v4;
	v4 =	vld [tilespmem:s7+$0xC0]  }
0xc5: {  	[tilespmem:s7+$0x3DA0] =	vst v0;
	v0 =	vld [tilespmem:s7+$0x50]  }
0xc6: {  	[tilespmem:s7+$0x3D30] =	vst v1;
	v1 =	vld [tilespmem:s7+$0xD0]  }
0xc7: {  	[tilespmem:s7+$0x3DB0] =	vst v2;
	v2 =	vld [tilespmem:s7+$0x60]  }
0xc8: {  	[tilespmem:s7+$0x3D40] =	vst v3;
	v3 =	vld [tilespmem:s7+$0xE0]  }
0xc9: {  	[tilespmem:s7+$0x3DC0] =	vst v4;
	v4 =	vld [tilespmem:s7+$0x70]  }
0xca: {  	[tilespmem:s7+$0x3D50] =	vst v0  }
0xcb: {  	[tilespmem:s7+$0x3DD0] =	vst v1  }
0xcc: {  	[tilespmem:s7+$0x3D60] =	vst v2  }
0xcd: {  	[tilespmem:s7+$0x3DE0] =	vst v3  }
0xce: {  	s8 =	simm.s32 $0x0;
	[tilespmem:s7+$0x3D70] =	vst v4  }
0xcf: {  	[tilespmem:s8], [sflag:$0x1] =	stream.linear.gather [hbm4b:s17+s8], $0x3D00, $0x38;
	[tilespmem:$0x1E8A8] =	vst v63  }
0xd0: {  	s8 =	simm.s32 $0x0  }
0xd1: {  	[tilespmem:s30], [sflag:$0x3] =	stream.indirect.gather [spmem:s2], $0x1, s24, s24, $0xb8;
	[tilespmem:$0x1E8A8] =	vst v63  }
0xd2: {  	v0 =	vld [tilespmem:s8+$0x7A00]  }
0xd3: {  	v1 =	vld [tilespmem:s8+$0x7A80]  }
0xd4: {  	v2 =	vld [tilespmem:s8+$0x7A10]  }
0xd5: {  	v3 =	vld [tilespmem:s8+$0x7A90]  }
0xd6: {  	v4 =	vld [tilespmem:s8+$0x7A20]  }
0xd7: {  	v5 =	vld [tilespmem:s8+$0x7AA0];
	v0 =	vsub.f32 $1.000000000e+00, v0  }
0xd8: {  	v6 =	vld [tilespmem:s8+$0x7A30]  }
0xd9: {  	v8 =	vld [tilespmem:s8+$0x7A40];
	v0 =	vadd.f32 v1, v0;
	v1 =	vsub.f32 $1.000000000e+00, v2  }
0xda: {  	v7 =	vimm.f32 $0.0e+00;
	v2 =	vld [tilespmem:s8+$0x7AB0]  }
0xdb: {  	v9 =	vld [tilespmem:s8+$0x7AC0];
	v0 =	vmax.f32 v0, $0.0e+00;
	v1 =	vadd.f32 v3, v1;
	v3 =	vsub.f32 $1.000000000e+00, v4  }
0xdc: {  	v4 =	vadd.f32 v0, v7;
	v7 =	vld [tilespmem:s8+$0x7A50]  }
0xdd: {  	v6 =	vsub.f32 $1.000000000e+00, v6;
	v0 =	vld [tilespmem:s8+$0x7AD0];
	v1 =	vmax.f32 v1, $0.0e+00;
	v5 =	vadd.f32 v5, v3  }
0xde: {  	v3 =	vld [tilespmem:s8+$0x7A60];
	v4 =	vadd.f32 v1, v4  }
0xdf: {  	v2 =	vadd.f32 v2, v6;
	v6 =	vsub.f32 $1.000000000e+00, v8;
	v1 =	vld [tilespmem:s8+$0x7AE0];
	v5 =	vmax.f32 v5, $0.0e+00  }
0xe0: {  	v5 =	vadd.f32 v5, v4;
	v4 =	vld [tilespmem:s8+$0x7A70]  }
0xe1: {  	s6 =	simm.s32 $0x100;
	s7 =	simm.s32 $0x800;
	v8 =	vmax.f32 v2, $0.0e+00;
	v6 =	vadd.f32 v9, v6;
	v2 =	vld [tilespmem:s8+$0x7AF0];
	v7 =	vsub.f32 $1.000000000e+00, v7  }
.LBB2_6:
0xe2: {  	p2 =	sne.s32 s7, $0xF000;
	v9 =	vld [tilespmem:s6+$0x7A00];
	v5 =	vadd.f32 v8, v5  }
0xe3: {  	v8 =	vld [tilespmem:s6+$0x7A80];
	v6 =	vmax.f32 v6, $0.0e+00;
	v0 =	vadd.f32 v0, v7;
	v3 =	vsub.f32 $1.000000000e+00, v3  }
0xe4: {  	v7 =	vld [tilespmem:s6+$0x7A10];
	v5 =	vadd.f32 v6, v5  }
0xe5: {  	v6 =	vld [tilespmem:s6+$0x7A90];
	v0 =	vmax.f32 v0, $0.0e+00;
	v1 =	vadd.f32 v1, v3;
	v3 =	vsub.f32 $1.000000000e+00, v4  }
0xe6: {  	v4 =	vld [tilespmem:s6+$0x7A20];
	v0 =	vadd.f32 v0, v5  }
0xe7: {  	v5 =	vsub.f32 $1.000000000e+00, v9;
	v9 =	vld [tilespmem:s6+$0x7AA0];
	v1 =	vmax.f32 v1, $0.0e+00;
	v2 =	vadd.f32 v2, v3  }
0xe8: {  	v3 =	vld [tilespmem:s6+$0x7A30];
	v0 =	vadd.f32 v1, v0  }
0xe9: {  	v1 =	vadd.f32 v8, v5;
	v5 =	vsub.f32 $1.000000000e+00, v7;
	v7 =	vld [tilespmem:s6+$0x7AB0];
	v2 =	vmax.f32 v2, $0.0e+00  }
0xea: {  	v8 =	vld [tilespmem:s6+$0x7A40];
	v0 =	vadd.f32 v2, v0  }
0xeb: {  	v1 =	vmax.f32 v1, $0.0e+00;
	v2 =	vadd.f32 v6, v5;
	v4 =	vsub.f32 $1.000000000e+00, v4;
	v6 =	vld [tilespmem:s6+$0x7AC0]  }
0xec: {  	v1 =	vadd.f32 v1, v0;
	v10 =	vld [tilespmem:s6+$0x7A50]  }
.Ltmp4:
0xed: {  	v2 =	vmax.f32 v2, $0.0e+00;
	v4 =	vadd.f32 v9, v4;
	v5 =	vsub.f32 $1.000000000e+00, v3;
	v0 =	vld [tilespmem:s6+$0x7AD0];
	(pc) =	sbr.rel @p2 .LBB2_6-.Ltmp4, $4  }
0xee: {  	v2 =	vadd.f32 v2, v1;
	v3 =	vld [tilespmem:s6+$0x7A60]  }
0xef: {  	v4 =	vmax.f32 v4, $0.0e+00;
	v7 =	vadd.f32 v7, v5;
	v9 =	vsub.f32 $1.000000000e+00, v8;
	v1 =	vld [tilespmem:s6+$0x7AE0]  }
0xf0: {  	v5 =	vadd.f32 v4, v2;
	v4 =	vld [tilespmem:s6+$0x7A70]  }
0xf1: {  	v8 =	vmax.f32 v7, $0.0e+00;
	v6 =	vadd.f32 v6, v9;
	v7 =	vsub.f32 $1.000000000e+00, v10;
	v2 =	vld [tilespmem:s6+$0x7AF0];
	s6 =	sshra.s32 s7, $0x2;
	s7 =	sadd.s32 $0x400, s7  }
0xf2: {  	v9 =	vld [tilespmem:s6+$0x7A00]  }
0xf3: {  	v10 =	vld [tilespmem:s6+$0x7A80]  }
0xf4: {  	v11 =	vld [tilespmem:s6+$0x7A10]  }
0xf5: {  	v12 =	vld [tilespmem:s6+$0x7A90]  }
0xf6: {  	v13 =	vld [tilespmem:s6+$0x7A20]  }
0xf7: {  	v14 =	vld [tilespmem:s6+$0x7AA0]  }
0xf8: {  	v15 =	vld [tilespmem:s6+$0x7A30]  }
0xf9: {  	v16 =	vld [tilespmem:s6+$0x7AB0]  }
0xfa: {  	v17 =	vld [tilespmem:s6+$0x7A40]  }
0xfb: {  	v18 =	vld [tilespmem:s6+$0x7AC0]  }
0xfc: {  	v19 =	vld [tilespmem:s6+$0x7A50]  }
0xfd: {  	v20 =	vld [tilespmem:s6+$0x7AD0]  }
0xfe: {  	v21 =	vld [tilespmem:s6+$0x7A60]  }
0xff: {  	v22 =	vld [tilespmem:s6+$0x7AE0]  }
0x100: {  	v23 =	vld [tilespmem:s6+$0x7A70]  }
0x101: {  	v24 =	vld [tilespmem:s6+$0x7AF0];
	_ =	swait.ge [sflag:s1], $0x3D00  }
0x102: {  	[sflag:s1] =	ssyncset.done $0x0  }
0x103: {  	v5 =	vadd.f32 v8, v5;
	[sflag:s1] =	ssyncadd.s32 $0xFFFFC300  }
0x104: {  	v6 =	vmax.f32 v6, $0.0e+00;
	v0 =	vadd.f32 v0, v7;
	v3 =	vsub.f32 $1.000000000e+00, v3;
	_ =	swait.ge [sflag:s31], $0x3D00  }
0x105: {  	v5 =	vadd.f32 v6, v5;
	[sflag:s31] =	ssyncset.done $0x0  }
0x106: {  	s6 =	simm.s32 $0x0;
	v0 =	vmax.f32 v0, $0.0e+00;
	v1 =	vadd.f32 v1, v3;
	v3 =	vsub.f32 $1.000000000e+00, v4;
	[sflag:s31] =	ssyncadd.s32 $0xFFFFC300  }
0x107: {  	v0 =	vadd.f32 v0, v5;
	v7 =	vld [tilespmem:s6+$0x10]  }
0x108: {  	v2 =	vadd.f32 v2, v3;
	v3 =	vsub.f32 $1.000000000e+00, v9;
	v1 =	vmax.f32 v1, $0.0e+00  }
0x109: {  	v6 =	vld [tilespmem:s6+$0x90];
	v0 =	vadd.f32 v1, v0  }
0x10a: {  	v5 =	vsub.f32 $1.000000000e+00, v11;
	v3 =	vadd.f32 v10, v3;
	v2 =	vmax.f32 v2, $0.0e+00  }
0x10b: {  	v4 =	vld [tilespmem:s6+$0x20];
	v0 =	vadd.f32 v2, v0  }
0x10c: {  	v5 =	vadd.f32 v12, v5;
	v3 =	vmax.f32 v3, $0.0e+00;
	[tilespmem:s6+$0x3D10] =	vst v7;
	v7 =	vsub.f32 $1.000000000e+00, v13  }
0x10d: {  	v1 =	vld [tilespmem:s6+$0xA0];
	v0 =	vadd.f32 v3, v0  }
0x10e: {  	v5 =	vmax.f32 v5, $0.0e+00;
	[tilespmem:s6+$0x3D90] =	vst v6;
	v6 =	vsub.f32 $1.000000000e+00, v15;
	v7 =	vadd.f32 v14, v7  }
0x10f: {  	v2 =	vld [tilespmem:s6+$0x30];
	v0 =	vadd.f32 v5, v0  }
0x110: {  	[tilespmem:s6+$0x3D20] =	vst v4;
	v6 =	vadd.f32 v16, v6;
	v4 =	vmax.f32 v7, $0.0e+00;
	v7 =	vsub.f32 $1.000000000e+00, v17  }
0x111: {  	v25 =	vld [tilespmem:s6+$0xF0];
	v0 =	vadd.f32 v4, v0  }
0x112: {  	v26 =	vld [tilespmem:s6+$0x0];
	[tilespmem:s6+$0x3DA0] =	vst v1;
	v1 =	vmax.f32 v6, $0.0e+00;
	v6 =	vsub.f32 $1.000000000e+00, v19;
	v4 =	vadd.f32 v18, v7  }
0x113: {  	v62 =	vld [tilespmem:s6+$0x80];
	v0 =	vadd.f32 v1, v0  }
0x114: {  	v3 =	vld [tilespmem:s6+$0xB0];
	[tilespmem:s6+$0x3D30] =	vst v2;
	v6 =	vadd.f32 v20, v6;
	v2 =	vmax.f32 v4, $0.0e+00;
	v4 =	vsub.f32 $1.000000000e+00, v21  }
0x115: {  	v5 =	vld [tilespmem:s6+$0x40];
	v0 =	vadd.f32 v2, v0  }
0x116: {  	v63 =	vld [tilespmem:s6+$0xC0];
	[tilespmem:s6+$0x3DF0] =	vst v25;
	v7 =	vsub.f32 $1.000000000e+00, v23;
	v6 =	vmax.f32 v6, $0.0e+00;
	v4 =	vadd.f32 v22, v4  }
0x117: {  	[tilespmem:s6+$0x3D00] =	vst v26;
	v1 =	vld [tilespmem:s6+$0x50];
	v0 =	vadd.f32 v6, v0  }
0x118: {  	[tilespmem:s6+$0x3D80] =	vst v62;
	v2 =	vld [tilespmem:s6+$0xD0];
	v6 =	vadd.f32 v24, v7;
	v4 =	vmax.f32 v4, $0.0e+00  }
0x119: {  	[tilespmem:s6+$0x3DB0] =	vst v3;
	v3 =	vld [tilespmem:s6+$0x60];
	v0 =	vadd.f32 v4, v0  }
0x11a: {  	[tilespmem:s6+$0x3D40] =	vst v5;
	v4 =	vld [tilespmem:s6+$0xE0];
	v5 =	vmax.f32 v6, $0.0e+00  }
0x11b: {  	s7 =	simm.s32 $0x100;
	s8 =	simm.s32 $0x800;
	[tilespmem:s6+$0x3DC0] =	vst v63;
	v0 =	vadd.f32 v5, v0;
	v5 =	vld [tilespmem:s6+$0x70]  }
.LBB2_8:
0x11c: {  	p2 =	sne.s32 s8, $0xF000;
	v6 =	vld [tilespmem:s7+$0xF0];
	[tilespmem:s6+$0x3D50] =	vst v1  }
0x11d: {  	v1 =	vld [tilespmem:s7+$0x0];
	[tilespmem:s6+$0x3DD0] =	vst v2  }
0x11e: {  	v2 =	vld [tilespmem:s7+$0x80];
	[tilespmem:s6+$0x3D60] =	vst v3  }
0x11f: {  	v3 =	vld [tilespmem:s7+$0x10];
	[tilespmem:s6+$0x3DE0] =	vst v4  }
0x120: {  	v4 =	vld [tilespmem:s7+$0x90];
	[tilespmem:s6+$0x3D70] =	vst v5;
	s6 =	smov.u32 s7  }
0x121: {  	v5 =	vld [tilespmem:s6+$0x20];
	[tilespmem:s6+$0x3DF0] =	vst v6  }
0x122: {  	[tilespmem:s6+$0x3D00] =	vst v1;
	v1 =	vld [tilespmem:s6+$0xA0]  }
0x123: {  	[tilespmem:s6+$0x3D80] =	vst v2;
	v2 =	vld [tilespmem:s6+$0x30]  }
0x124: {  	[tilespmem:s6+$0x3D10] =	vst v3;
	v3 =	vld [tilespmem:s6+$0xB0]  }
0x125: {  	[tilespmem:s6+$0x3D90] =	vst v4;
	v4 =	vld [tilespmem:s6+$0x40]  }
0x126: {  	[tilespmem:s6+$0x3D20] =	vst v5;
	v5 =	vld [tilespmem:s6+$0xC0]  }
.Ltmp5:
0x127: {  	[tilespmem:s6+$0x3DA0] =	vst v1;
	v1 =	vld [tilespmem:s6+$0x50];
	(pc) =	sbr.rel @p2 .LBB2_8-.Ltmp5, $4  }
0x128: {  	[tilespmem:s6+$0x3D30] =	vst v2;
	v2 =	vld [tilespmem:s6+$0xD0]  }
0x129: {  	[tilespmem:s6+$0x3DB0] =	vst v3;
	v3 =	vld [tilespmem:s6+$0x60]  }
0x12a: {  	[tilespmem:s6+$0x3D40] =	vst v4;
	v4 =	vld [tilespmem:s6+$0xE0]  }
0x12b: {  	s7 =	sshra.s32 s8, $0x2;
	s8 =	sadd.s32 $0x400, s8;
	[tilespmem:s6+$0x3DC0] =	vst v5;
	v5 =	vld [tilespmem:s6+$0x70]  }
0x12c: {  	v6 =	vld [tilespmem:s7+$0xF0];
	[tilespmem:s6+$0x3D50] =	vst v1  }
0x12d: {  	v1 =	vld [tilespmem:s7+$0x0];
	[tilespmem:s6+$0x3DD0] =	vst v2  }
0x12e: {  	v2 =	vld [tilespmem:s7+$0x80];
	[tilespmem:s6+$0x3D60] =	vst v3  }
0x12f: {  	v3 =	vld [tilespmem:s7+$0x10];
	[tilespmem:s6+$0x3DE0] =	vst v4  }
0x130: {  	v4 =	vld [tilespmem:s7+$0x90];
	[tilespmem:s6+$0x3D70] =	vst v5  }
0x131: {  	v5 =	vld [tilespmem:s7+$0x20];
	[tilespmem:s7+$0x3DF0] =	vst v6  }
0x132: {  	[tilespmem:s7+$0x3D00] =	vst v1;
	v1 =	vld [tilespmem:s7+$0xA0]  }
0x133: {  	[tilespmem:s7+$0x3D80] =	vst v2;
	v2 =	vld [tilespmem:s7+$0x30]  }
0x134: {  	[tilespmem:s7+$0x3D10] =	vst v3;
	v3 =	vld [tilespmem:s7+$0xB0]  }
0x135: {  	[tilespmem:s7+$0x3D90] =	vst v4;
	v4 =	vld [tilespmem:s7+$0x40]  }
0x136: {  	[tilespmem:s7+$0x3D20] =	vst v5;
	v5 =	vld [tilespmem:s7+$0xC0]  }
0x137: {  	[tilespmem:s7+$0x3DA0] =	vst v1;
	v1 =	vld [tilespmem:s7+$0x50]  }
0x138: {  	[tilespmem:s7+$0x3D30] =	vst v2;
	v2 =	vld [tilespmem:s7+$0xD0]  }
0x139: {  	[tilespmem:s7+$0x3DB0] =	vst v3;
	v3 =	vld [tilespmem:s7+$0x60]  }
0x13a: {  	[tilespmem:s7+$0x3D40] =	vst v4;
	v4 =	vld [tilespmem:s7+$0xE0]  }
0x13b: {  	[tilespmem:s7+$0x3DC0] =	vst v5;
	v5 =	vld [tilespmem:s7+$0x70]  }
0x13c: {  	[tilespmem:s7+$0x3D50] =	vst v1  }
0x13d: {  	[tilespmem:s7+$0x3DD0] =	vst v2  }
0x13e: {  	[tilespmem:s7+$0x3D60] =	vst v3  }
0x13f: {  	[tilespmem:s7+$0x3DE0] =	vst v4  }
0x140: {  	s8 =	simm.s32 $0x0;
	[tilespmem:s7+$0x3D70] =	vst v5  }
0x141: {  	[tilespmem:s8], [sflag:$0x1] =	stream.linear.gather [hbm4b:s18+s8], $0x3D00, $0x38;
	[tilespmem:$0x1E8A8] =	vst v63  }
0x142: {  	s8 =	simm.s32 $0x0  }
0x143: {  	[tilespmem:s28], [sflag:$0x2] =	stream.indirect.gather [spmem:s2], $0x1, s24, s24, $0xb8;
	[tilespmem:$0x1E8A8] =	vst v63  }
0x144: {  	v1 =	vld [tilespmem:s8+$0xB700]  }
0x145: {  	v2 =	vld [tilespmem:s8+$0xB780]  }
0x146: {  	v3 =	vld [tilespmem:s8+$0xB710]  }
0x147: {  	v4 =	vld [tilespmem:s8+$0xB790]  }
0x148: {  	v5 =	vld [tilespmem:s8+$0xB720]  }
0x149: {  	v6 =	vld [tilespmem:s8+$0xB7A0];
	v1 =	vsub.f32 $1.000000000e+00, v1  }
0x14a: {  	v7 =	vld [tilespmem:s8+$0xB730]  }
0x14b: {  	v8 =	vld [tilespmem:s8+$0xB7B0];
	v1 =	vadd.f32 v2, v1;
	v2 =	vsub.f32 $1.000000000e+00, v3  }
0x14c: {  	v9 =	vld [tilespmem:s8+$0xB740]  }
0x14d: {  	v10 =	vld [tilespmem:s8+$0xB7C0];
	v3 =	vsub.f32 $1.000000000e+00, v5;
	v1 =	vmax.f32 v1, $0.0e+00;
	v2 =	vadd.f32 v4, v2  }
0x14e: {  	v11 =	vld [tilespmem:s8+$0xB750];
	v1 =	vadd.f32 v1, v0  }
0x14f: {  	v5 =	vsub.f32 $1.000000000e+00, v7;
	v4 =	vadd.f32 v6, v3;
	v3 =	vld [tilespmem:s8+$0xB760];
	v2 =	vmax.f32 v2, $0.0e+00  }
0x150: {  	v0 =	vld [tilespmem:s8+$0xB7D0];
	v2 =	vadd.f32 v2, v1  }
0x151: {  	v7 =	vsub.f32 $1.000000000e+00, v9;
	v6 =	vadd.f32 v8, v5;
	v4 =	vmax.f32 v4, $0.0e+00;
	v1 =	vld [tilespmem:s8+$0xB7E0]  }
0x152: {  	v5 =	vadd.f32 v4, v2;
	v4 =	vld [tilespmem:s8+$0xB770]  }
0x153: {  	s6 =	simm.s32 $0x100;
	s7 =	simm.s32 $0x800;
	v8 =	vmax.f32 v6, $0.0e+00;
	v6 =	vadd.f32 v10, v7;
	v7 =	vsub.f32 $1.000000000e+00, v11;
	v2 =	vld [tilespmem:s8+$0xB7F0]  }
.LBB2_10:
0x154: {  	p2 =	sne.s32 s7, $0xF000;
	v9 =	vld [tilespmem:s6+$0xB700];
	v5 =	vadd.f32 v8, v5  }
0x155: {  	v8 =	vld [tilespmem:s6+$0xB780];
	v6 =	vmax.f32 v6, $0.0e+00;
	v0 =	vadd.f32 v0, v7;
	v3 =	vsub.f32 $1.000000000e+00, v3  }
0x156: {  	v7 =	vld [tilespmem:s6+$0xB710];
	v5 =	vadd.f32 v6, v5  }
0x157: {  	v6 =	vld [tilespmem:s6+$0xB790];
	v0 =	vmax.f32 v0, $0.0e+00;
	v1 =	vadd.f32 v1, v3;
	v3 =	vsub.f32 $1.000000000e+00, v4  }
0x158: {  	v4 =	vld [tilespmem:s6+$0xB720];
	v0 =	vadd.f32 v0, v5  }
0x159: {  	v5 =	vsub.f32 $1.000000000e+00, v9;
	v9 =	vld [tilespmem:s6+$0xB7A0];
	v1 =	vmax.f32 v1, $0.0e+00;
	v2 =	vadd.f32 v2, v3  }
0x15a: {  	v3 =	vld [tilespmem:s6+$0xB730];
	v0 =	vadd.f32 v1, v0  }
0x15b: {  	v1 =	vadd.f32 v8, v5;
	v5 =	vsub.f32 $1.000000000e+00, v7;
	v7 =	vld [tilespmem:s6+$0xB7B0];
	v2 =	vmax.f32 v2, $0.0e+00  }
0x15c: {  	v8 =	vld [tilespmem:s6+$0xB740];
	v0 =	vadd.f32 v2, v0  }
0x15d: {  	v1 =	vmax.f32 v1, $0.0e+00;
	v2 =	vadd.f32 v6, v5;
	v4 =	vsub.f32 $1.000000000e+00, v4;
	v6 =	vld [tilespmem:s6+$0xB7C0]  }
0x15e: {  	v1 =	vadd.f32 v1, v0;
	v10 =	vld [tilespmem:s6+$0xB750]  }
.Ltmp6:
0x15f: {  	v2 =	vmax.f32 v2, $0.0e+00;
	v4 =	vadd.f32 v9, v4;
	v5 =	vsub.f32 $1.000000000e+00, v3;
	v0 =	vld [tilespmem:s6+$0xB7D0];
	(pc) =	sbr.rel @p2 .LBB2_10-.Ltmp6, $4  }
0x160: {  	v2 =	vadd.f32 v2, v1;
	v3 =	vld [tilespmem:s6+$0xB760]  }
0x161: {  	v4 =	vmax.f32 v4, $0.0e+00;
	v7 =	vadd.f32 v7, v5;
	v9 =	vsub.f32 $1.000000000e+00, v8;
	v1 =	vld [tilespmem:s6+$0xB7E0]  }
0x162: {  	v5 =	vadd.f32 v4, v2;
	v4 =	vld [tilespmem:s6+$0xB770]  }
0x163: {  	v8 =	vmax.f32 v7, $0.0e+00;
	v6 =	vadd.f32 v6, v9;
	v7 =	vsub.f32 $1.000000000e+00, v10;
	v2 =	vld [tilespmem:s6+$0xB7F0];
	s6 =	sshra.s32 s7, $0x2;
	s7 =	sadd.s32 $0x400, s7  }
0x164: {  	v9 =	vld [tilespmem:s6+$0xB700]  }
0x165: {  	v10 =	vld [tilespmem:s6+$0xB780]  }
0x166: {  	v11 =	vld [tilespmem:s6+$0xB710]  }
0x167: {  	v12 =	vld [tilespmem:s6+$0xB790]  }
0x168: {  	v13 =	vld [tilespmem:s6+$0xB720]  }
0x169: {  	v14 =	vld [tilespmem:s6+$0xB7A0]  }
0x16a: {  	v15 =	vld [tilespmem:s6+$0xB730]  }
0x16b: {  	v16 =	vld [tilespmem:s6+$0xB7B0]  }
0x16c: {  	v17 =	vld [tilespmem:s6+$0xB740]  }
0x16d: {  	v18 =	vld [tilespmem:s6+$0xB7C0]  }
0x16e: {  	v19 =	vld [tilespmem:s6+$0xB750]  }
0x16f: {  	v20 =	vld [tilespmem:s6+$0xB7D0]  }
0x170: {  	v21 =	vld [tilespmem:s6+$0xB760]  }
0x171: {  	v22 =	vld [tilespmem:s6+$0xB7E0]  }
0x172: {  	v23 =	vld [tilespmem:s6+$0xB770]  }
0x173: {  	v24 =	vld [tilespmem:s6+$0xB7F0];
	_ =	swait.ge [sflag:s1], $0x3D00  }
0x174: {  	[sflag:s1] =	ssyncset.done $0x0  }
0x175: {  	v5 =	vadd.f32 v8, v5;
	[sflag:s1] =	ssyncadd.s32 $0xFFFFC300  }
0x176: {  	v6 =	vmax.f32 v6, $0.0e+00;
	v0 =	vadd.f32 v0, v7;
	v3 =	vsub.f32 $1.000000000e+00, v3;
	_ =	swait.ge [sflag:s29], $0x3D00  }
0x177: {  	v5 =	vadd.f32 v6, v5;
	[sflag:s29] =	ssyncset.done $0x0  }
0x178: {  	s6 =	simm.s32 $0x0;
	v0 =	vmax.f32 v0, $0.0e+00;
	v1 =	vadd.f32 v1, v3;
	v3 =	vsub.f32 $1.000000000e+00, v4;
	[sflag:s29] =	ssyncadd.s32 $0xFFFFC300  }
0x179: {  	v0 =	vadd.f32 v0, v5;
	v7 =	vld [tilespmem:s6+$0x10]  }
0x17a: {  	v2 =	vadd.f32 v2, v3;
	v3 =	vsub.f32 $1.000000000e+00, v9;
	v1 =	vmax.f32 v1, $0.0e+00  }
0x17b: {  	v6 =	vld [tilespmem:s6+$0x90];
	v0 =	vadd.f32 v1, v0  }
0x17c: {  	v5 =	vsub.f32 $1.000000000e+00, v11;
	v3 =	vadd.f32 v10, v3;
	v2 =	vmax.f32 v2, $0.0e+00  }
0x17d: {  	v4 =	vld [tilespmem:s6+$0x20];
	v0 =	vadd.f32 v2, v0  }
0x17e: {  	v5 =	vadd.f32 v12, v5;
	v3 =	vmax.f32 v3, $0.0e+00;
	[tilespmem:s6+$0x3D10] =	vst v7;
	v7 =	vsub.f32 $1.000000000e+00, v13  }
0x17f: {  	v1 =	vld [tilespmem:s6+$0xA0];
	v0 =	vadd.f32 v3, v0  }
0x180: {  	v5 =	vmax.f32 v5, $0.0e+00;
	[tilespmem:s6+$0x3D90] =	vst v6;
	v6 =	vsub.f32 $1.000000000e+00, v15;
	v7 =	vadd.f32 v14, v7  }
0x181: {  	v2 =	vld [tilespmem:s6+$0x30];
	v0 =	vadd.f32 v5, v0  }
0x182: {  	[tilespmem:s6+$0x3D20] =	vst v4;
	v6 =	vadd.f32 v16, v6;
	v4 =	vmax.f32 v7, $0.0e+00;
	v7 =	vsub.f32 $1.000000000e+00, v17  }
0x183: {  	v25 =	vld [tilespmem:s6+$0xF0];
	v0 =	vadd.f32 v4, v0  }
0x184: {  	v26 =	vld [tilespmem:s6+$0x0];
	[tilespmem:s6+$0x3DA0] =	vst v1;
	v1 =	vmax.f32 v6, $0.0e+00;
	v6 =	vsub.f32 $1.000000000e+00, v19;
	v4 =	vadd.f32 v18, v7  }
0x185: {  	v62 =	vld [tilespmem:s6+$0x80];
	v0 =	vadd.f32 v1, v0  }
0x186: {  	v3 =	vld [tilespmem:s6+$0xB0];
	[tilespmem:s6+$0x3D30] =	vst v2;
	v6 =	vadd.f32 v20, v6;
	v2 =	vmax.f32 v4, $0.0e+00;
	v4 =	vsub.f32 $1.000000000e+00, v21  }
0x187: {  	v5 =	vld [tilespmem:s6+$0x40];
	v0 =	vadd.f32 v2, v0  }
0x188: {  	v63 =	vld [tilespmem:s6+$0xC0];
	[tilespmem:s6+$0x3DF0] =	vst v25;
	v7 =	vsub.f32 $1.000000000e+00, v23;
	v6 =	vmax.f32 v6, $0.0e+00;
	v4 =	vadd.f32 v22, v4  }
0x189: {  	[tilespmem:s6+$0x3D00] =	vst v26;
	v1 =	vld [tilespmem:s6+$0x50];
	v0 =	vadd.f32 v6, v0  }
0x18a: {  	[tilespmem:s6+$0x3D80] =	vst v62;
	v2 =	vld [tilespmem:s6+$0xD0];
	v6 =	vadd.f32 v24, v7;
	v4 =	vmax.f32 v4, $0.0e+00  }
0x18b: {  	[tilespmem:s6+$0x3DB0] =	vst v3;
	v3 =	vld [tilespmem:s6+$0x60];
	v0 =	vadd.f32 v4, v0  }
0x18c: {  	[tilespmem:s6+$0x3D40] =	vst v5;
	v4 =	vld [tilespmem:s6+$0xE0];
	v5 =	vmax.f32 v6, $0.0e+00  }
0x18d: {  	s7 =	simm.s32 $0x100;
	s8 =	simm.s32 $0x800;
	[tilespmem:s6+$0x3DC0] =	vst v63;
	v0 =	vadd.f32 v5, v0;
	v5 =	vld [tilespmem:s6+$0x70]  }
.LBB2_12:
0x18e: {  	p2 =	sne.s32 s8, $0xF000;
	v6 =	vld [tilespmem:s7+$0xF0];
	[tilespmem:s6+$0x3D50] =	vst v1  }
0x18f: {  	v1 =	vld [tilespmem:s7+$0x0];
	[tilespmem:s6+$0x3DD0] =	vst v2  }
0x190: {  	v2 =	vld [tilespmem:s7+$0x80];
	[tilespmem:s6+$0x3D60] =	vst v3  }
0x191: {  	v3 =	vld [tilespmem:s7+$0x10];
	[tilespmem:s6+$0x3DE0] =	vst v4  }
0x192: {  	v4 =	vld [tilespmem:s7+$0x90];
	[tilespmem:s6+$0x3D70] =	vst v5;
	s6 =	smov.u32 s7  }
0x193: {  	v5 =	vld [tilespmem:s6+$0x20];
	[tilespmem:s6+$0x3DF0] =	vst v6  }
0x194: {  	[tilespmem:s6+$0x3D00] =	vst v1;
	v1 =	vld [tilespmem:s6+$0xA0]  }
0x195: {  	[tilespmem:s6+$0x3D80] =	vst v2;
	v2 =	vld [tilespmem:s6+$0x30]  }
0x196: {  	[tilespmem:s6+$0x3D10] =	vst v3;
	v3 =	vld [tilespmem:s6+$0xB0]  }
0x197: {  	[tilespmem:s6+$0x3D90] =	vst v4;
	v4 =	vld [tilespmem:s6+$0x40]  }
0x198: {  	[tilespmem:s6+$0x3D20] =	vst v5;
	v5 =	vld [tilespmem:s6+$0xC0]  }
.Ltmp7:
0x199: {  	[tilespmem:s6+$0x3DA0] =	vst v1;
	v1 =	vld [tilespmem:s6+$0x50];
	(pc) =	sbr.rel @p2 .LBB2_12-.Ltmp7, $4  }
0x19a: {  	[tilespmem:s6+$0x3D30] =	vst v2;
	v2 =	vld [tilespmem:s6+$0xD0]  }
0x19b: {  	[tilespmem:s6+$0x3DB0] =	vst v3;
	v3 =	vld [tilespmem:s6+$0x60]  }
0x19c: {  	[tilespmem:s6+$0x3D40] =	vst v4;
	v4 =	vld [tilespmem:s6+$0xE0]  }
0x19d: {  	s7 =	sshra.s32 s8, $0x2;
	s8 =	sadd.s32 $0x400, s8;
	[tilespmem:s6+$0x3DC0] =	vst v5;
	v5 =	vld [tilespmem:s6+$0x70]  }
0x19e: {  	v6 =	vld [tilespmem:s7+$0xF0];
	[tilespmem:s6+$0x3D50] =	vst v1  }
0x19f: {  	v1 =	vld [tilespmem:s7+$0x0];
	[tilespmem:s6+$0x3DD0] =	vst v2  }
0x1a0: {  	v2 =	vld [tilespmem:s7+$0x80];
	[tilespmem:s6+$0x3D60] =	vst v3  }
0x1a1: {  	v3 =	vld [tilespmem:s7+$0x10];
	[tilespmem:s6+$0x3DE0] =	vst v4  }
0x1a2: {  	v4 =	vld [tilespmem:s7+$0x90];
	[tilespmem:s6+$0x3D70] =	vst v5  }
0x1a3: {  	v5 =	vld [tilespmem:s7+$0x20];
	[tilespmem:s7+$0x3DF0] =	vst v6  }
0x1a4: {  	[tilespmem:s7+$0x3D00] =	vst v1;
	v1 =	vld [tilespmem:s7+$0xA0]  }
0x1a5: {  	[tilespmem:s7+$0x3D80] =	vst v2;
	v2 =	vld [tilespmem:s7+$0x30]  }
0x1a6: {  	[tilespmem:s7+$0x3D10] =	vst v3;
	v3 =	vld [tilespmem:s7+$0xB0]  }
0x1a7: {  	[tilespmem:s7+$0x3D90] =	vst v4;
	v4 =	vld [tilespmem:s7+$0x40]  }
0x1a8: {  	[tilespmem:s7+$0x3D20] =	vst v5;
	v5 =	vld [tilespmem:s7+$0xC0]  }
0x1a9: {  	[tilespmem:s7+$0x3DA0] =	vst v1;
	v1 =	vld [tilespmem:s7+$0x50]  }
0x1aa: {  	[tilespmem:s7+$0x3D30] =	vst v2;
	v2 =	vld [tilespmem:s7+$0xD0]  }
0x1ab: {  	[tilespmem:s7+$0x3DB0] =	vst v3;
	v3 =	vld [tilespmem:s7+$0x60]  }
0x1ac: {  	[tilespmem:s7+$0x3D40] =	vst v4;
	v4 =	vld [tilespmem:s7+$0xE0]  }
0x1ad: {  	[tilespmem:s7+$0x3DC0] =	vst v5;
	v5 =	vld [tilespmem:s7+$0x70]  }
0x1ae: {  	[tilespmem:s7+$0x3D50] =	vst v1  }
0x1af: {  	[tilespmem:s7+$0x3DD0] =	vst v2  }
0x1b0: {  	[tilespmem:s7+$0x3D60] =	vst v3  }
0x1b1: {  	[tilespmem:s7+$0x3DE0] =	vst v4  }
0x1b2: {  	s8 =	simm.s32 $0x0;
	[tilespmem:s7+$0x3D70] =	vst v5  }
0x1b3: {  	[tilespmem:s8], [sflag:$0x1] =	stream.linear.gather [hbm4b:s19+s8], $0x3D00, $0x38;
	[tilespmem:$0x1E8A8] =	vst v63  }
0x1b4: {  	s8 =	simm.s32 $0x0  }
0x1b5: {  	[tilespmem:s30], [sflag:$0x3] =	stream.indirect.gather [spmem:s2], $0x1, s24, s24, $0xb8;
	[tilespmem:$0x1E8A8] =	vst v63  }
0x1b6: {  	v1 =	vld [tilespmem:s8+$0x7A00]  }
0x1b7: {  	v2 =	vld [tilespmem:s8+$0x7A80]  }
0x1b8: {  	v3 =	vld [tilespmem:s8+$0x7A10]  }
0x1b9: {  	v4 =	vld [tilespmem:s8+$0x7A90]  }
0x1ba: {  	v5 =	vld [tilespmem:s8+$0x7A20]  }
0x1bb: {  	v6 =	vld [tilespmem:s8+$0x7AA0];
	v1 =	vsub.f32 $1.000000000e+00, v1  }
0x1bc: {  	v7 =	vld [tilespmem:s8+$0x7A30]  }
0x1bd: {  	v8 =	vld [tilespmem:s8+$0x7AB0];
	v1 =	vadd.f32 v2, v1;
	v2 =	vsub.f32 $1.000000000e+00, v3  }
0x1be: {  	v9 =	vld [tilespmem:s8+$0x7A40]  }
0x1bf: {  	v10 =	vld [tilespmem:s8+$0x7AC0];
	v3 =	vsub.f32 $1.000000000e+00, v5;
	v1 =	vmax.f32 v1, $0.0e+00;
	v2 =	vadd.f32 v4, v2  }
0x1c0: {  	v11 =	vld [tilespmem:s8+$0x7A50];
	v1 =	vadd.f32 v1, v0  }
0x1c1: {  	v5 =	vsub.f32 $1.000000000e+00, v7;
	v4 =	vadd.f32 v6, v3;
	v3 =	vld [tilespmem:s8+$0x7A60];
	v2 =	vmax.f32 v2, $0.0e+00  }
0x1c2: {  	v0 =	vld [tilespmem:s8+$0x7AD0];
	v2 =	vadd.f32 v2, v1  }
0x1c3: {  	v7 =	vsub.f32 $1.000000000e+00, v9;
	v6 =	vadd.f32 v8, v5;
	v4 =	vmax.f32 v4, $0.0e+00;
	v1 =	vld [tilespmem:s8+$0x7AE0]  }
0x1c4: {  	v5 =	vadd.f32 v4, v2;
	v4 =	vld [tilespmem:s8+$0x7A70]  }
0x1c5: {  	s6 =	simm.s32 $0x100;
	s7 =	simm.s32 $0x800;
	v8 =	vmax.f32 v6, $0.0e+00;
	v6 =	vadd.f32 v10, v7;
	v7 =	vsub.f32 $1.000000000e+00, v11;
	v2 =	vld [tilespmem:s8+$0x7AF0]  }
.LBB2_14:
0x1c6: {  	p2 =	sne.s32 s7, $0xF000;
	v9 =	vld [tilespmem:s6+$0x7A00];
	v5 =	vadd.f32 v8, v5  }
0x1c7: {  	v8 =	vld [tilespmem:s6+$0x7A80];
	v6 =	vmax.f32 v6, $0.0e+00;
	v0 =	vadd.f32 v0, v7;
	v3 =	vsub.f32 $1.000000000e+00, v3  }
0x1c8: {  	v7 =	vld [tilespmem:s6+$0x7A10];
	v5 =	vadd.f32 v6, v5  }
0x1c9: {  	v6 =	vld [tilespmem:s6+$0x7A90];
	v0 =	vmax.f32 v0, $0.0e+00;
	v1 =	vadd.f32 v1, v3;
	v3 =	vsub.f32 $1.000000000e+00, v4  }
0x1ca: {  	v4 =	vld [tilespmem:s6+$0x7A20];
	v0 =	vadd.f32 v0, v5  }
0x1cb: {  	v5 =	vsub.f32 $1.000000000e+00, v9;
	v9 =	vld [tilespmem:s6+$0x7AA0];
	v1 =	vmax.f32 v1, $0.0e+00;
	v2 =	vadd.f32 v2, v3  }
0x1cc: {  	v3 =	vld [tilespmem:s6+$0x7A30];
	v0 =	vadd.f32 v1, v0  }
0x1cd: {  	v1 =	vadd.f32 v8, v5;
	v5 =	vsub.f32 $1.000000000e+00, v7;
	v7 =	vld [tilespmem:s6+$0x7AB0];
	v2 =	vmax.f32 v2, $0.0e+00  }
0x1ce: {  	v8 =	vld [tilespmem:s6+$0x7A40];
	v0 =	vadd.f32 v2, v0  }
0x1cf: {  	v1 =	vmax.f32 v1, $0.0e+00;
	v2 =	vadd.f32 v6, v5;
	v4 =	vsub.f32 $1.000000000e+00, v4;
	v6 =	vld [tilespmem:s6+$0x7AC0]  }
0x1d0: {  	v1 =	vadd.f32 v1, v0;
	v10 =	vld [tilespmem:s6+$0x7A50]  }
.Ltmp8:
0x1d1: {  	v2 =	vmax.f32 v2, $0.0e+00;
	v4 =	vadd.f32 v9, v4;
	v5 =	vsub.f32 $1.000000000e+00, v3;
	v0 =	vld [tilespmem:s6+$0x7AD0];
	(pc) =	sbr.rel @p2 .LBB2_14-.Ltmp8, $4  }
0x1d2: {  	v2 =	vadd.f32 v2, v1;
	v3 =	vld [tilespmem:s6+$0x7A60]  }
0x1d3: {  	v4 =	vmax.f32 v4, $0.0e+00;
	v7 =	vadd.f32 v7, v5;
	v9 =	vsub.f32 $1.000000000e+00, v8;
	v1 =	vld [tilespmem:s6+$0x7AE0]  }
0x1d4: {  	v5 =	vadd.f32 v4, v2;
	v4 =	vld [tilespmem:s6+$0x7A70]  }
0x1d5: {  	v8 =	vmax.f32 v7, $0.0e+00;
	v6 =	vadd.f32 v6, v9;
	v7 =	vsub.f32 $1.000000000e+00, v10;
	v2 =	vld [tilespmem:s6+$0x7AF0];
	s6 =	sshra.s32 s7, $0x2;
	s7 =	sadd.s32 $0x400, s7  }
0x1d6: {  	v9 =	vld [tilespmem:s6+$0x7A00]  }
0x1d7: {  	v10 =	vld [tilespmem:s6+$0x7A80]  }
0x1d8: {  	v11 =	vld [tilespmem:s6+$0x7A10]  }
0x1d9: {  	v12 =	vld [tilespmem:s6+$0x7A90]  }
0x1da: {  	v13 =	vld [tilespmem:s6+$0x7A20]  }
0x1db: {  	v14 =	vld [tilespmem:s6+$0x7AA0]  }
0x1dc: {  	v15 =	vld [tilespmem:s6+$0x7A30]  }
0x1dd: {  	v16 =	vld [tilespmem:s6+$0x7AB0]  }
0x1de: {  	v17 =	vld [tilespmem:s6+$0x7A40]  }
0x1df: {  	v18 =	vld [tilespmem:s6+$0x7AC0]  }
0x1e0: {  	v19 =	vld [tilespmem:s6+$0x7A50]  }
0x1e1: {  	v20 =	vld [tilespmem:s6+$0x7AD0]  }
0x1e2: {  	v21 =	vld [tilespmem:s6+$0x7A60]  }
0x1e3: {  	v22 =	vld [tilespmem:s6+$0x7AE0]  }
0x1e4: {  	v23 =	vld [tilespmem:s6+$0x7A70]  }
0x1e5: {  	v24 =	vld [tilespmem:s6+$0x7AF0];
	_ =	swait.ge [sflag:s1], $0x3D00  }
0x1e6: {  	[sflag:s1] =	ssyncset.done $0x0  }
0x1e7: {  	v5 =	vadd.f32 v8, v5;
	[sflag:s1] =	ssyncadd.s32 $0xFFFFC300  }
0x1e8: {  	v6 =	vmax.f32 v6, $0.0e+00;
	v0 =	vadd.f32 v0, v7;
	v3 =	vsub.f32 $1.000000000e+00, v3;
	_ =	swait.ge [sflag:s31], $0x3D00  }
0x1e9: {  	v5 =	vadd.f32 v6, v5;
	[sflag:s31] =	ssyncset.done $0x0  }
0x1ea: {  	s6 =	simm.s32 $0x0;
	v0 =	vmax.f32 v0, $0.0e+00;
	v1 =	vadd.f32 v1, v3;
	v3 =	vsub.f32 $1.000000000e+00, v4;
	[sflag:s31] =	ssyncadd.s32 $0xFFFFC300  }
0x1eb: {  	v0 =	vadd.f32 v0, v5;
	v7 =	vld [tilespmem:s6+$0x10]  }
0x1ec: {  	v2 =	vadd.f32 v2, v3;
	v3 =	vsub.f32 $1.000000000e+00, v9;
	v1 =	vmax.f32 v1, $0.0e+00  }
0x1ed: {  	v6 =	vld [tilespmem:s6+$0x90];
	v0 =	vadd.f32 v1, v0  }
0x1ee: {  	v5 =	vsub.f32 $1.000000000e+00, v11;
	v3 =	vadd.f32 v10, v3;
	v2 =	vmax.f32 v2, $0.0e+00  }
0x1ef: {  	v4 =	vld [tilespmem:s6+$0x20];
	v0 =	vadd.f32 v2, v0  }
0x1f0: {  	v5 =	vadd.f32 v12, v5;
	v3 =	vmax.f32 v3, $0.0e+00;
	[tilespmem:s6+$0x3D10] =	vst v7;
	v7 =	vsub.f32 $1.000000000e+00, v13  }
0x1f1: {  	v1 =	vld [tilespmem:s6+$0xA0];
	v0 =	vadd.f32 v3, v0  }
0x1f2: {  	v5 =	vmax.f32 v5, $0.0e+00;
	[tilespmem:s6+$0x3D90] =	vst v6;
	v6 =	vsub.f32 $1.000000000e+00, v15;
	v7 =	vadd.f32 v14, v7  }
0x1f3: {  	v2 =	vld [tilespmem:s6+$0x30];
	v0 =	vadd.f32 v5, v0  }
0x1f4: {  	[tilespmem:s6+$0x3D20] =	vst v4;
	v6 =	vadd.f32 v16, v6;
	v4 =	vmax.f32 v7, $0.0e+00;
	v7 =	vsub.f32 $1.000000000e+00, v17  }
0x1f5: {  	v25 =	vld [tilespmem:s6+$0xF0];
	v0 =	vadd.f32 v4, v0  }
0x1f6: {  	v26 =	vld [tilespmem:s6+$0x0];
	[tilespmem:s6+$0x3DA0] =	vst v1;
	v1 =	vmax.f32 v6, $0.0e+00;
	v6 =	vsub.f32 $1.000000000e+00, v19;
	v4 =	vadd.f32 v18, v7  }
0x1f7: {  	v62 =	vld [tilespmem:s6+$0x80];
	v0 =	vadd.f32 v1, v0  }
0x1f8: {  	v3 =	vld [tilespmem:s6+$0xB0];
	[tilespmem:s6+$0x3D30] =	vst v2;
	v6 =	vadd.f32 v20, v6;
	v2 =	vmax.f32 v4, $0.0e+00;
	v4 =	vsub.f32 $1.000000000e+00, v21  }
0x1f9: {  	v5 =	vld [tilespmem:s6+$0x40];
	v0 =	vadd.f32 v2, v0  }
0x1fa: {  	v63 =	vld [tilespmem:s6+$0xC0];
	[tilespmem:s6+$0x3DF0] =	vst v25;
	v7 =	vsub.f32 $1.000000000e+00, v23;
	v6 =	vmax.f32 v6, $0.0e+00;
	v4 =	vadd.f32 v22, v4  }
0x1fb: {  	[tilespmem:s6+$0x3D00] =	vst v26;
	v1 =	vld [tilespmem:s6+$0x50];
	v0 =	vadd.f32 v6, v0  }
0x1fc: {  	[tilespmem:s6+$0x3D80] =	vst v62;
	v2 =	vld [tilespmem:s6+$0xD0];
	v6 =	vadd.f32 v24, v7;
	v4 =	vmax.f32 v4, $0.0e+00  }
0x1fd: {  	[tilespmem:s6+$0x3DB0] =	vst v3;
	v3 =	vld [tilespmem:s6+$0x60];
	v0 =	vadd.f32 v4, v0  }
0x1fe: {  	[tilespmem:s6+$0x3D40] =	vst v5;
	v4 =	vld [tilespmem:s6+$0xE0];
	v5 =	vmax.f32 v6, $0.0e+00  }
0x1ff: {  	s7 =	simm.s32 $0x100;
	s8 =	simm.s32 $0x800;
	[tilespmem:s6+$0x3DC0] =	vst v63;
	v0 =	vadd.f32 v5, v0;
	v5 =	vld [tilespmem:s6+$0x70]  }
.LBB2_16:
0x200: {  	p2 =	sne.s32 s8, $0xF000;
	v6 =	vld [tilespmem:s7+$0xF0];
	[tilespmem:s6+$0x3D50] =	vst v1  }
0x201: {  	v1 =	vld [tilespmem:s7+$0x0];
	[tilespmem:s6+$0x3DD0] =	vst v2  }
0x202: {  	v2 =	vld [tilespmem:s7+$0x80];
	[tilespmem:s6+$0x3D60] =	vst v3  }
0x203: {  	v3 =	vld [tilespmem:s7+$0x10];
	[tilespmem:s6+$0x3DE0] =	vst v4  }
0x204: {  	v4 =	vld [tilespmem:s7+$0x90];
	[tilespmem:s6+$0x3D70] =	vst v5;
	s6 =	smov.u32 s7  }
0x205: {  	v5 =	vld [tilespmem:s6+$0x20];
	[tilespmem:s6+$0x3DF0] =	vst v6  }
0x206: {  	[tilespmem:s6+$0x3D00] =	vst v1;
	v1 =	vld [tilespmem:s6+$0xA0]  }
0x207: {  	[tilespmem:s6+$0x3D80] =	vst v2;
	v2 =	vld [tilespmem:s6+$0x30]  }
0x208: {  	[tilespmem:s6+$0x3D10] =	vst v3;
	v3 =	vld [tilespmem:s6+$0xB0]  }
0x209: {  	[tilespmem:s6+$0x3D90] =	vst v4;
	v4 =	vld [tilespmem:s6+$0x40]  }
0x20a: {  	[tilespmem:s6+$0x3D20] =	vst v5;
	v5 =	vld [tilespmem:s6+$0xC0]  }
.Ltmp9:
0x20b: {  	[tilespmem:s6+$0x3DA0] =	vst v1;
	v1 =	vld [tilespmem:s6+$0x50];
	(pc) =	sbr.rel @p2 .LBB2_16-.Ltmp9, $4  }
0x20c: {  	[tilespmem:s6+$0x3D30] =	vst v2;
	v2 =	vld [tilespmem:s6+$0xD0]  }
0x20d: {  	[tilespmem:s6+$0x3DB0] =	vst v3;
	v3 =	vld [tilespmem:s6+$0x60]  }
0x20e: {  	[tilespmem:s6+$0x3D40] =	vst v4;
	v4 =	vld [tilespmem:s6+$0xE0]  }
0x20f: {  	s7 =	sshra.s32 s8, $0x2;
	s8 =	sadd.s32 $0x400, s8;
	[tilespmem:s6+$0x3DC0] =	vst v5;
	v5 =	vld [tilespmem:s6+$0x70]  }
0x210: {  	v6 =	vld [tilespmem:s7+$0xF0];
	[tilespmem:s6+$0x3D50] =	vst v1  }
0x211: {  	v1 =	vld [tilespmem:s7+$0x0];
	[tilespmem:s6+$0x3DD0] =	vst v2  }
0x212: {  	v2 =	vld [tilespmem:s7+$0x80];
	[tilespmem:s6+$0x3D60] =	vst v3  }
0x213: {  	v3 =	vld [tilespmem:s7+$0x10];
	[tilespmem:s6+$0x3DE0] =	vst v4  }
0x214: {  	v4 =	vld [tilespmem:s7+$0x90];
	[tilespmem:s6+$0x3D70] =	vst v5  }
0x215: {  	v5 =	vld [tilespmem:s7+$0x20];
	[tilespmem:s7+$0x3DF0] =	vst v6  }
0x216: {  	[tilespmem:s7+$0x3D00] =	vst v1;
	v1 =	vld [tilespmem:s7+$0xA0]  }
0x217: {  	[tilespmem:s7+$0x3D80] =	vst v2;
	v2 =	vld [tilespmem:s7+$0x30]  }
0x218: {  	[tilespmem:s7+$0x3D10] =	vst v3;
	v3 =	vld [tilespmem:s7+$0xB0]  }
0x219: {  	[tilespmem:s7+$0x3D90] =	vst v4;
	v4 =	vld [tilespmem:s7+$0x40]  }
0x21a: {  	[tilespmem:s7+$0x3D20] =	vst v5;
	v5 =	vld [tilespmem:s7+$0xC0]  }
0x21b: {  	[tilespmem:s7+$0x3DA0] =	vst v1;
	v1 =	vld [tilespmem:s7+$0x50]  }
0x21c: {  	[tilespmem:s7+$0x3D30] =	vst v2;
	v2 =	vld [tilespmem:s7+$0xD0]  }
0x21d: {  	[tilespmem:s7+$0x3DB0] =	vst v3;
	v3 =	vld [tilespmem:s7+$0x60]  }
0x21e: {  	[tilespmem:s7+$0x3D40] =	vst v4;
	v4 =	vld [tilespmem:s7+$0xE0]  }
0x21f: {  	[tilespmem:s7+$0x3DC0] =	vst v5;
	v5 =	vld [tilespmem:s7+$0x70]  }
0x220: {  	[tilespmem:s7+$0x3D50] =	vst v1  }
0x221: {  	[tilespmem:s7+$0x3DD0] =	vst v2  }
0x222: {  	[tilespmem:s7+$0x3D60] =	vst v3  }
0x223: {  	[tilespmem:s7+$0x3DE0] =	vst v4  }
0x224: {  	s8 =	simm.s32 $0x0;
	[tilespmem:s7+$0x3D70] =	vst v5  }
0x225: {  	[tilespmem:s8], [sflag:$0x1] =	stream.linear.gather [hbm4b:s21+s8], $0x3D00, $0x38;
	[tilespmem:$0x1E8A8] =	vst v63  }
0x226: {  	s8 =	simm.s32 $0x0  }
0x227: {  	[tilespmem:s28], [sflag:$0x2] =	stream.indirect.gather [spmem:s2], $0x1, s24, s24, $0xb8;
	[tilespmem:$0x1E8A8] =	vst v63  }
0x228: {  	v1 =	vld [tilespmem:s8+$0xB700]  }
0x229: {  	v2 =	vld [tilespmem:s8+$0xB780]  }
0x22a: {  	v3 =	vld [tilespmem:s8+$0xB710]  }
0x22b: {  	v4 =	vld [tilespmem:s8+$0xB790]  }
0x22c: {  	v5 =	vld [tilespmem:s8+$0xB720]  }
0x22d: {  	v6 =	vld [tilespmem:s8+$0xB7A0];
	v1 =	vsub.f32 $1.000000000e+00, v1  }
0x22e: {  	v7 =	vld [tilespmem:s8+$0xB730]  }
0x22f: {  	v8 =	vld [tilespmem:s8+$0xB7B0];
	v1 =	vadd.f32 v2, v1;
	v2 =	vsub.f32 $1.000000000e+00, v3  }
0x230: {  	v9 =	vld [tilespmem:s8+$0xB740]  }
0x231: {  	v10 =	vld [tilespmem:s8+$0xB7C0];
	v3 =	vsub.f32 $1.000000000e+00, v5;
	v1 =	vmax.f32 v1, $0.0e+00;
	v2 =	vadd.f32 v4, v2  }
0x232: {  	v11 =	vld [tilespmem:s8+$0xB750];
	v1 =	vadd.f32 v1, v0  }
0x233: {  	v5 =	vsub.f32 $1.000000000e+00, v7;
	v4 =	vadd.f32 v6, v3;
	v3 =	vld [tilespmem:s8+$0xB760];
	v2 =	vmax.f32 v2, $0.0e+00  }
0x234: {  	v0 =	vld [tilespmem:s8+$0xB7D0];
	v2 =	vadd.f32 v2, v1  }
0x235: {  	v7 =	vsub.f32 $1.000000000e+00, v9;
	v6 =	vadd.f32 v8, v5;
	v4 =	vmax.f32 v4, $0.0e+00;
	v1 =	vld [tilespmem:s8+$0xB7E0]  }
0x236: {  	v5 =	vadd.f32 v4, v2;
	v4 =	vld [tilespmem:s8+$0xB770]  }
0x237: {  	s6 =	simm.s32 $0x100;
	s7 =	simm.s32 $0x800;
	v8 =	vmax.f32 v6, $0.0e+00;
	v6 =	vadd.f32 v10, v7;
	v7 =	vsub.f32 $1.000000000e+00, v11;
	v2 =	vld [tilespmem:s8+$0xB7F0]  }
.LBB2_18:
0x238: {  	p2 =	sne.s32 s7, $0xF000;
	v9 =	vld [tilespmem:s6+$0xB700];
	v5 =	vadd.f32 v8, v5  }
0x239: {  	v8 =	vld [tilespmem:s6+$0xB780];
	v6 =	vmax.f32 v6, $0.0e+00;
	v0 =	vadd.f32 v0, v7;
	v3 =	vsub.f32 $1.000000000e+00, v3  }
0x23a: {  	v7 =	vld [tilespmem:s6+$0xB710];
	v5 =	vadd.f32 v6, v5  }
0x23b: {  	v6 =	vld [tilespmem:s6+$0xB790];
	v0 =	vmax.f32 v0, $0.0e+00;
	v1 =	vadd.f32 v1, v3;
	v3 =	vsub.f32 $1.000000000e+00, v4  }
0x23c: {  	v4 =	vld [tilespmem:s6+$0xB720];
	v0 =	vadd.f32 v0, v5  }
0x23d: {  	v5 =	vsub.f32 $1.000000000e+00, v9;
	v9 =	vld [tilespmem:s6+$0xB7A0];
	v1 =	vmax.f32 v1, $0.0e+00;
	v2 =	vadd.f32 v2, v3  }
0x23e: {  	v3 =	vld [tilespmem:s6+$0xB730];
	v0 =	vadd.f32 v1, v0  }
0x23f: {  	v1 =	vadd.f32 v8, v5;
	v5 =	vsub.f32 $1.000000000e+00, v7;
	v7 =	vld [tilespmem:s6+$0xB7B0];
	v2 =	vmax.f32 v2, $0.0e+00  }
0x240: {  	v8 =	vld [tilespmem:s6+$0xB740];
	v0 =	vadd.f32 v2, v0  }
0x241: {  	v1 =	vmax.f32 v1, $0.0e+00;
	v2 =	vadd.f32 v6, v5;
	v4 =	vsub.f32 $1.000000000e+00, v4;
	v6 =	vld [tilespmem:s6+$0xB7C0]  }
0x242: {  	v1 =	vadd.f32 v1, v0;
	v10 =	vld [tilespmem:s6+$0xB750]  }
.Ltmp10:
0x243: {  	v2 =	vmax.f32 v2, $0.0e+00;
	v4 =	vadd.f32 v9, v4;
	v5 =	vsub.f32 $1.000000000e+00, v3;
	v0 =	vld [tilespmem:s6+$0xB7D0];
	(pc) =	sbr.rel @p2 .LBB2_18-.Ltmp10, $4  }
0x244: {  	v2 =	vadd.f32 v2, v1;
	v3 =	vld [tilespmem:s6+$0xB760]  }
0x245: {  	v4 =	vmax.f32 v4, $0.0e+00;
	v7 =	vadd.f32 v7, v5;
	v9 =	vsub.f32 $1.000000000e+00, v8;
	v1 =	vld [tilespmem:s6+$0xB7E0]  }
0x246: {  	v5 =	vadd.f32 v4, v2;
	v4 =	vld [tilespmem:s6+$0xB770]  }
0x247: {  	v8 =	vmax.f32 v7, $0.0e+00;
	v6 =	vadd.f32 v6, v9;
	v7 =	vsub.f32 $1.000000000e+00, v10;
	v2 =	vld [tilespmem:s6+$0xB7F0];
	s6 =	sshra.s32 s7, $0x2;
	s7 =	sadd.s32 $0x400, s7  }
0x248: {  	v9 =	vld [tilespmem:s6+$0xB700]  }
0x249: {  	v10 =	vld [tilespmem:s6+$0xB780]  }
0x24a: {  	v11 =	vld [tilespmem:s6+$0xB710]  }
0x24b: {  	v12 =	vld [tilespmem:s6+$0xB790]  }
0x24c: {  	v13 =	vld [tilespmem:s6+$0xB720]  }
0x24d: {  	v14 =	vld [tilespmem:s6+$0xB7A0]  }
0x24e: {  	v15 =	vld [tilespmem:s6+$0xB730]  }
0x24f: {  	v16 =	vld [tilespmem:s6+$0xB7B0]  }
0x250: {  	v17 =	vld [tilespmem:s6+$0xB740]  }
0x251: {  	v18 =	vld [tilespmem:s6+$0xB7C0]  }
0x252: {  	v19 =	vld [tilespmem:s6+$0xB750]  }
0x253: {  	v20 =	vld [tilespmem:s6+$0xB7D0]  }
0x254: {  	v21 =	vld [tilespmem:s6+$0xB760]  }
0x255: {  	v22 =	vld [tilespmem:s6+$0xB7E0]  }
0x256: {  	v23 =	vld [tilespmem:s6+$0xB770]  }
0x257: {  	v24 =	vld [tilespmem:s6+$0xB7F0];
	_ =	swait.ge [sflag:s1], $0x3D00  }
0x258: {  	[sflag:s1] =	ssyncset.done $0x0  }
0x259: {  	v5 =	vadd.f32 v8, v5;
	[sflag:s1] =	ssyncadd.s32 $0xFFFFC300  }
0x25a: {  	v6 =	vmax.f32 v6, $0.0e+00;
	v0 =	vadd.f32 v0, v7;
	v3 =	vsub.f32 $1.000000000e+00, v3;
	_ =	swait.ge [sflag:s29], $0x3D00  }
0x25b: {  	v5 =	vadd.f32 v6, v5;
	[sflag:s29] =	ssyncset.done $0x0  }
0x25c: {  	s6 =	simm.s32 $0x0;
	v0 =	vmax.f32 v0, $0.0e+00;
	v1 =	vadd.f32 v1, v3;
	v3 =	vsub.f32 $1.000000000e+00, v4;
	[sflag:s29] =	ssyncadd.s32 $0xFFFFC300  }
0x25d: {  	v0 =	vadd.f32 v0, v5;
	v7 =	vld [tilespmem:s6+$0x10]  }
0x25e: {  	v2 =	vadd.f32 v2, v3;
	v3 =	vsub.f32 $1.000000000e+00, v9;
	v1 =	vmax.f32 v1, $0.0e+00  }
0x25f: {  	v6 =	vld [tilespmem:s6+$0x90];
	v0 =	vadd.f32 v1, v0  }
0x260: {  	v5 =	vsub.f32 $1.000000000e+00, v11;
	v3 =	vadd.f32 v10, v3;
	v2 =	vmax.f32 v2, $0.0e+00  }
0x261: {  	v4 =	vld [tilespmem:s6+$0x20];
	v0 =	vadd.f32 v2, v0  }
0x262: {  	v5 =	vadd.f32 v12, v5;
	v3 =	vmax.f32 v3, $0.0e+00;
	[tilespmem:s6+$0x3D10] =	vst v7;
	v7 =	vsub.f32 $1.000000000e+00, v13  }
0x263: {  	v1 =	vld [tilespmem:s6+$0xA0];
	v0 =	vadd.f32 v3, v0  }
0x264: {  	v5 =	vmax.f32 v5, $0.0e+00;
	[tilespmem:s6+$0x3D90] =	vst v6;
	v6 =	vsub.f32 $1.000000000e+00, v15;
	v7 =	vadd.f32 v14, v7  }
0x265: {  	v2 =	vld [tilespmem:s6+$0x30];
	v0 =	vadd.f32 v5, v0  }
0x266: {  	[tilespmem:s6+$0x3D20] =	vst v4;
	v6 =	vadd.f32 v16, v6;
	v4 =	vmax.f32 v7, $0.0e+00;
	v7 =	vsub.f32 $1.000000000e+00, v17  }
0x267: {  	v25 =	vld [tilespmem:s6+$0xF0];
	v0 =	vadd.f32 v4, v0  }
0x268: {  	v26 =	vld [tilespmem:s6+$0x0];
	[tilespmem:s6+$0x3DA0] =	vst v1;
	v1 =	vmax.f32 v6, $0.0e+00;
	v6 =	vsub.f32 $1.000000000e+00, v19;
	v4 =	vadd.f32 v18, v7  }
0x269: {  	v62 =	vld [tilespmem:s6+$0x80];
	v0 =	vadd.f32 v1, v0  }
0x26a: {  	v3 =	vld [tilespmem:s6+$0xB0];
	[tilespmem:s6+$0x3D30] =	vst v2;
	v6 =	vadd.f32 v20, v6;
	v2 =	vmax.f32 v4, $0.0e+00;
	v4 =	vsub.f32 $1.000000000e+00, v21  }
0x26b: {  	v5 =	vld [tilespmem:s6+$0x40];
	v0 =	vadd.f32 v2, v0  }
0x26c: {  	v63 =	vld [tilespmem:s6+$0xC0];
	[tilespmem:s6+$0x3DF0] =	vst v25;
	v7 =	vsub.f32 $1.000000000e+00, v23;
	v6 =	vmax.f32 v6, $0.0e+00;
	v4 =	vadd.f32 v22, v4  }
0x26d: {  	[tilespmem:s6+$0x3D00] =	vst v26;
	v1 =	vld [tilespmem:s6+$0x50];
	v0 =	vadd.f32 v6, v0  }
0x26e: {  	[tilespmem:s6+$0x3D80] =	vst v62;
	v2 =	vld [tilespmem:s6+$0xD0];
	v6 =	vadd.f32 v24, v7;
	v4 =	vmax.f32 v4, $0.0e+00  }
0x26f: {  	[tilespmem:s6+$0x3DB0] =	vst v3;
	v3 =	vld [tilespmem:s6+$0x60];
	v0 =	vadd.f32 v4, v0  }
0x270: {  	[tilespmem:s6+$0x3D40] =	vst v5;
	v4 =	vld [tilespmem:s6+$0xE0];
	v5 =	vmax.f32 v6, $0.0e+00  }
0x271: {  	s7 =	simm.s32 $0x100;
	s8 =	simm.s32 $0x800;
	[tilespmem:s6+$0x3DC0] =	vst v63;
	v0 =	vadd.f32 v5, v0;
	v5 =	vld [tilespmem:s6+$0x70]  }
.LBB2_20:
0x272: {  	p2 =	sne.s32 s8, $0xF000;
	v6 =	vld [tilespmem:s7+$0xF0];
	[tilespmem:s6+$0x3D50] =	vst v1  }
0x273: {  	v1 =	vld [tilespmem:s7+$0x0];
	[tilespmem:s6+$0x3DD0] =	vst v2  }
0x274: {  	v2 =	vld [tilespmem:s7+$0x80];
	[tilespmem:s6+$0x3D60] =	vst v3  }
0x275: {  	v3 =	vld [tilespmem:s7+$0x10];
	[tilespmem:s6+$0x3DE0] =	vst v4  }
0x276: {  	v4 =	vld [tilespmem:s7+$0x90];
	[tilespmem:s6+$0x3D70] =	vst v5;
	s6 =	smov.u32 s7  }
0x277: {  	v5 =	vld [tilespmem:s6+$0x20];
	[tilespmem:s6+$0x3DF0] =	vst v6  }
0x278: {  	[tilespmem:s6+$0x3D00] =	vst v1;
	v1 =	vld [tilespmem:s6+$0xA0]  }
0x279: {  	[tilespmem:s6+$0x3D80] =	vst v2;
	v2 =	vld [tilespmem:s6+$0x30]  }
0x27a: {  	[tilespmem:s6+$0x3D10] =	vst v3;
	v3 =	vld [tilespmem:s6+$0xB0]  }
0x27b: {  	[tilespmem:s6+$0x3D90] =	vst v4;
	v4 =	vld [tilespmem:s6+$0x40]  }
0x27c: {  	[tilespmem:s6+$0x3D20] =	vst v5;
	v5 =	vld [tilespmem:s6+$0xC0]  }
.Ltmp11:
0x27d: {  	[tilespmem:s6+$0x3DA0] =	vst v1;
	v1 =	vld [tilespmem:s6+$0x50];
	(pc) =	sbr.rel @p2 .LBB2_20-.Ltmp11, $4  }
0x27e: {  	[tilespmem:s6+$0x3D30] =	vst v2;
	v2 =	vld [tilespmem:s6+$0xD0]  }
0x27f: {  	[tilespmem:s6+$0x3DB0] =	vst v3;
	v3 =	vld [tilespmem:s6+$0x60]  }
0x280: {  	[tilespmem:s6+$0x3D40] =	vst v4;
	v4 =	vld [tilespmem:s6+$0xE0]  }
0x281: {  	s7 =	sshra.s32 s8, $0x2;
	s8 =	sadd.s32 $0x400, s8;
	[tilespmem:s6+$0x3DC0] =	vst v5;
	v5 =	vld [tilespmem:s6+$0x70]  }
0x282: {  	v6 =	vld [tilespmem:s7+$0xF0];
	[tilespmem:s6+$0x3D50] =	vst v1  }
0x283: {  	v1 =	vld [tilespmem:s7+$0x0];
	[tilespmem:s6+$0x3DD0] =	vst v2  }
0x284: {  	v2 =	vld [tilespmem:s7+$0x80];
	[tilespmem:s6+$0x3D60] =	vst v3  }
0x285: {  	v3 =	vld [tilespmem:s7+$0x10];
	[tilespmem:s6+$0x3DE0] =	vst v4  }
0x286: {  	v4 =	vld [tilespmem:s7+$0x90];
	[tilespmem:s6+$0x3D70] =	vst v5  }
0x287: {  	v5 =	vld [tilespmem:s7+$0x20];
	[tilespmem:s7+$0x3DF0] =	vst v6  }
0x288: {  	[tilespmem:s7+$0x3D00] =	vst v1;
	v1 =	vld [tilespmem:s7+$0xA0]  }
0x289: {  	[tilespmem:s7+$0x3D80] =	vst v2;
	v2 =	vld [tilespmem:s7+$0x30]  }
0x28a: {  	[tilespmem:s7+$0x3D10] =	vst v3;
	v3 =	vld [tilespmem:s7+$0xB0]  }
0x28b: {  	[tilespmem:s7+$0x3D90] =	vst v4;
	v4 =	vld [tilespmem:s7+$0x40]  }
0x28c: {  	[tilespmem:s7+$0x3D20] =	vst v5;
	v5 =	vld [tilespmem:s7+$0xC0]  }
0x28d: {  	[tilespmem:s7+$0x3DA0] =	vst v1;
	v1 =	vld [tilespmem:s7+$0x50]  }
0x28e: {  	[tilespmem:s7+$0x3D30] =	vst v2;
	v2 =	vld [tilespmem:s7+$0xD0]  }
0x28f: {  	[tilespmem:s7+$0x3DB0] =	vst v3;
	v3 =	vld [tilespmem:s7+$0x60]  }
0x290: {  	[tilespmem:s7+$0x3D40] =	vst v4;
	v4 =	vld [tilespmem:s7+$0xE0]  }
0x291: {  	[tilespmem:s7+$0x3DC0] =	vst v5;
	v5 =	vld [tilespmem:s7+$0x70]  }
0x292: {  	[tilespmem:s7+$0x3D50] =	vst v1  }
0x293: {  	[tilespmem:s7+$0x3DD0] =	vst v2  }
0x294: {  	[tilespmem:s7+$0x3D60] =	vst v3  }
0x295: {  	[tilespmem:s7+$0x3DE0] =	vst v4  }
0x296: {  	s8 =	simm.s32 $0x0;
	[tilespmem:s7+$0x3D70] =	vst v5  }
0x297: {  	[tilespmem:s8], [sflag:$0x1] =	stream.linear.gather [hbm4b:s22+s8], $0x3D00, $0x38;
	[tilespmem:$0x1E8A8] =	vst v63  }
0x298: {  	s8 =	simm.s32 $0x0  }
0x299: {  	[tilespmem:s30], [sflag:$0x3] =	stream.indirect.gather [spmem:s2], $0x1, s24, s24, $0xb8;
	[tilespmem:$0x1E8A8] =	vst v63  }
0x29a: {  	v1 =	vld [tilespmem:s8+$0x7A00]  }
0x29b: {  	v2 =	vld [tilespmem:s8+$0x7A80]  }
0x29c: {  	v3 =	vld [tilespmem:s8+$0x7A10]  }
0x29d: {  	v4 =	vld [tilespmem:s8+$0x7A90]  }
0x29e: {  	v5 =	vld [tilespmem:s8+$0x7A20]  }
0x29f: {  	v6 =	vld [tilespmem:s8+$0x7AA0];
	v1 =	vsub.f32 $1.000000000e+00, v1  }
0x2a0: {  	v7 =	vld [tilespmem:s8+$0x7A30]  }
0x2a1: {  	v8 =	vld [tilespmem:s8+$0x7AB0];
	v1 =	vadd.f32 v2, v1;
	v2 =	vsub.f32 $1.000000000e+00, v3  }
0x2a2: {  	v9 =	vld [tilespmem:s8+$0x7A40]  }
0x2a3: {  	v10 =	vld [tilespmem:s8+$0x7AC0];
	v3 =	vsub.f32 $1.000000000e+00, v5;
	v1 =	vmax.f32 v1, $0.0e+00;
	v2 =	vadd.f32 v4, v2  }
0x2a4: {  	v11 =	vld [tilespmem:s8+$0x7A50];
	v1 =	vadd.f32 v1, v0  }
0x2a5: {  	v5 =	vsub.f32 $1.000000000e+00, v7;
	v4 =	vadd.f32 v6, v3;
	v3 =	vld [tilespmem:s8+$0x7A60];
	v2 =	vmax.f32 v2, $0.0e+00  }
0x2a6: {  	v0 =	vld [tilespmem:s8+$0x7AD0];
	v2 =	vadd.f32 v2, v1  }
0x2a7: {  	v7 =	vsub.f32 $1.000000000e+00, v9;
	v6 =	vadd.f32 v8, v5;
	v4 =	vmax.f32 v4, $0.0e+00;
	v1 =	vld [tilespmem:s8+$0x7AE0]  }
0x2a8: {  	v5 =	vadd.f32 v4, v2;
	v4 =	vld [tilespmem:s8+$0x7A70]  }
0x2a9: {  	s6 =	simm.s32 $0x100;
	s7 =	simm.s32 $0x800;
	v8 =	vmax.f32 v6, $0.0e+00;
	v6 =	vadd.f32 v10, v7;
	v7 =	vsub.f32 $1.000000000e+00, v11;
	v2 =	vld [tilespmem:s8+$0x7AF0]  }
.LBB2_22:
0x2aa: {  	p2 =	sne.s32 s7, $0xF000;
	v9 =	vld [tilespmem:s6+$0x7A00];
	v5 =	vadd.f32 v8, v5  }
0x2ab: {  	v8 =	vld [tilespmem:s6+$0x7A80];
	v6 =	vmax.f32 v6, $0.0e+00;
	v0 =	vadd.f32 v0, v7;
	v3 =	vsub.f32 $1.000000000e+00, v3  }
0x2ac: {  	v7 =	vld [tilespmem:s6+$0x7A10];
	v5 =	vadd.f32 v6, v5  }
0x2ad: {  	v6 =	vld [tilespmem:s6+$0x7A90];
	v0 =	vmax.f32 v0, $0.0e+00;
	v1 =	vadd.f32 v1, v3;
	v3 =	vsub.f32 $1.000000000e+00, v4  }
0x2ae: {  	v4 =	vld [tilespmem:s6+$0x7A20];
	v0 =	vadd.f32 v0, v5  }
0x2af: {  	v5 =	vsub.f32 $1.000000000e+00, v9;
	v9 =	vld [tilespmem:s6+$0x7AA0];
	v1 =	vmax.f32 v1, $0.0e+00;
	v2 =	vadd.f32 v2, v3  }
0x2b0: {  	v3 =	vld [tilespmem:s6+$0x7A30];
	v0 =	vadd.f32 v1, v0  }
0x2b1: {  	v1 =	vadd.f32 v8, v5;
	v5 =	vsub.f32 $1.000000000e+00, v7;
	v7 =	vld [tilespmem:s6+$0x7AB0];
	v2 =	vmax.f32 v2, $0.0e+00  }
0x2b2: {  	v8 =	vld [tilespmem:s6+$0x7A40];
	v0 =	vadd.f32 v2, v0  }
0x2b3: {  	v1 =	vmax.f32 v1, $0.0e+00;
	v2 =	vadd.f32 v6, v5;
	v4 =	vsub.f32 $1.000000000e+00, v4;
	v6 =	vld [tilespmem:s6+$0x7AC0]  }
0x2b4: {  	v1 =	vadd.f32 v1, v0;
	v10 =	vld [tilespmem:s6+$0x7A50]  }
.Ltmp12:
0x2b5: {  	v2 =	vmax.f32 v2, $0.0e+00;
	v4 =	vadd.f32 v9, v4;
	v5 =	vsub.f32 $1.000000000e+00, v3;
	v0 =	vld [tilespmem:s6+$0x7AD0];
	(pc) =	sbr.rel @p2 .LBB2_22-.Ltmp12, $4  }
0x2b6: {  	v2 =	vadd.f32 v2, v1;
	v3 =	vld [tilespmem:s6+$0x7A60]  }
0x2b7: {  	v4 =	vmax.f32 v4, $0.0e+00;
	v7 =	vadd.f32 v7, v5;
	v9 =	vsub.f32 $1.000000000e+00, v8;
	v1 =	vld [tilespmem:s6+$0x7AE0]  }
0x2b8: {  	v5 =	vadd.f32 v4, v2;
	v4 =	vld [tilespmem:s6+$0x7A70]  }
0x2b9: {  	v8 =	vmax.f32 v7, $0.0e+00;
	v6 =	vadd.f32 v6, v9;
	v7 =	vsub.f32 $1.000000000e+00, v10;
	v2 =	vld [tilespmem:s6+$0x7AF0];
	s6 =	sshra.s32 s7, $0x2;
	s7 =	sadd.s32 $0x400, s7  }
0x2ba: {  	v9 =	vld [tilespmem:s6+$0x7A00]  }
0x2bb: {  	v10 =	vld [tilespmem:s6+$0x7A80]  }
0x2bc: {  	v11 =	vld [tilespmem:s6+$0x7A10]  }
0x2bd: {  	v12 =	vld [tilespmem:s6+$0x7A90]  }
0x2be: {  	v13 =	vld [tilespmem:s6+$0x7A20]  }
0x2bf: {  	v14 =	vld [tilespmem:s6+$0x7AA0]  }
0x2c0: {  	v15 =	vld [tilespmem:s6+$0x7A30]  }
0x2c1: {  	v16 =	vld [tilespmem:s6+$0x7AB0]  }
0x2c2: {  	v17 =	vld [tilespmem:s6+$0x7A40]  }
0x2c3: {  	v18 =	vld [tilespmem:s6+$0x7AC0]  }
0x2c4: {  	v19 =	vld [tilespmem:s6+$0x7A50]  }
0x2c5: {  	v20 =	vld [tilespmem:s6+$0x7AD0]  }
0x2c6: {  	v21 =	vld [tilespmem:s6+$0x7A60]  }
0x2c7: {  	v22 =	vld [tilespmem:s6+$0x7AE0]  }
0x2c8: {  	v23 =	vld [tilespmem:s6+$0x7A70]  }
0x2c9: {  	v24 =	vld [tilespmem:s6+$0x7AF0];
	_ =	swait.ge [sflag:s1], $0x3D00  }
0x2ca: {  	[sflag:s1] =	ssyncset.done $0x0  }
0x2cb: {  	v5 =	vadd.f32 v8, v5;
	[sflag:s1] =	ssyncadd.s32 $0xFFFFC300  }
0x2cc: {  	v6 =	vmax.f32 v6, $0.0e+00;
	v0 =	vadd.f32 v0, v7;
	v3 =	vsub.f32 $1.000000000e+00, v3;
	_ =	swait.ge [sflag:s31], $0x3D00  }
0x2cd: {  	v5 =	vadd.f32 v6, v5;
	[sflag:s31] =	ssyncset.done $0x0  }
0x2ce: {  	s6 =	simm.s32 $0x0;
	v0 =	vmax.f32 v0, $0.0e+00;
	v1 =	vadd.f32 v1, v3;
	v3 =	vsub.f32 $1.000000000e+00, v4;
	[sflag:s31] =	ssyncadd.s32 $0xFFFFC300  }
0x2cf: {  	v0 =	vadd.f32 v0, v5;
	v7 =	vld [tilespmem:s6+$0x10]  }
0x2d0: {  	v2 =	vadd.f32 v2, v3;
	v3 =	vsub.f32 $1.000000000e+00, v9;
	v1 =	vmax.f32 v1, $0.0e+00  }
0x2d1: {  	v6 =	vld [tilespmem:s6+$0x90];
	v0 =	vadd.f32 v1, v0  }
0x2d2: {  	v5 =	vsub.f32 $1.000000000e+00, v11;
	v3 =	vadd.f32 v10, v3;
	v2 =	vmax.f32 v2, $0.0e+00  }
0x2d3: {  	v4 =	vld [tilespmem:s6+$0x20];
	v0 =	vadd.f32 v2, v0  }
0x2d4: {  	v5 =	vadd.f32 v12, v5;
	v3 =	vmax.f32 v3, $0.0e+00;
	[tilespmem:s6+$0x3D10] =	vst v7;
	v7 =	vsub.f32 $1.000000000e+00, v13  }
0x2d5: {  	v1 =	vld [tilespmem:s6+$0xA0];
	v0 =	vadd.f32 v3, v0  }
0x2d6: {  	v5 =	vmax.f32 v5, $0.0e+00;
	[tilespmem:s6+$0x3D90] =	vst v6;
	v6 =	vsub.f32 $1.000000000e+00, v15;
	v7 =	vadd.f32 v14, v7  }
0x2d7: {  	v2 =	vld [tilespmem:s6+$0x30];
	v0 =	vadd.f32 v5, v0  }
0x2d8: {  	[tilespmem:s6+$0x3D20] =	vst v4;
	v6 =	vadd.f32 v16, v6;
	v4 =	vmax.f32 v7, $0.0e+00;
	v7 =	vsub.f32 $1.000000000e+00, v17  }
0x2d9: {  	v25 =	vld [tilespmem:s6+$0xF0];
	v0 =	vadd.f32 v4, v0  }
0x2da: {  	v26 =	vld [tilespmem:s6+$0x0];
	[tilespmem:s6+$0x3DA0] =	vst v1;
	v1 =	vmax.f32 v6, $0.0e+00;
	v6 =	vsub.f32 $1.000000000e+00, v19;
	v4 =	vadd.f32 v18, v7  }
0x2db: {  	v62 =	vld [tilespmem:s6+$0x80];
	v0 =	vadd.f32 v1, v0  }
0x2dc: {  	v3 =	vld [tilespmem:s6+$0xB0];
	[tilespmem:s6+$0x3D30] =	vst v2;
	v6 =	vadd.f32 v20, v6;
	v2 =	vmax.f32 v4, $0.0e+00;
	v4 =	vsub.f32 $1.000000000e+00, v21  }
0x2dd: {  	v5 =	vld [tilespmem:s6+$0x40];
	v0 =	vadd.f32 v2, v0  }
0x2de: {  	v63 =	vld [tilespmem:s6+$0xC0];
	[tilespmem:s6+$0x3DF0] =	vst v25;
	v7 =	vsub.f32 $1.000000000e+00, v23;
	v6 =	vmax.f32 v6, $0.0e+00;
	v4 =	vadd.f32 v22, v4  }
0x2df: {  	[tilespmem:s6+$0x3D00] =	vst v26;
	v1 =	vld [tilespmem:s6+$0x50];
	v0 =	vadd.f32 v6, v0  }
0x2e0: {  	[tilespmem:s6+$0x3D80] =	vst v62;
	v2 =	vld [tilespmem:s6+$0xD0];
	v6 =	vadd.f32 v24, v7;
	v4 =	vmax.f32 v4, $0.0e+00  }
0x2e1: {  	[tilespmem:s6+$0x3DB0] =	vst v3;
	v3 =	vld [tilespmem:s6+$0x60];
	v0 =	vadd.f32 v4, v0  }
0x2e2: {  	[tilespmem:s6+$0x3D40] =	vst v5;
	v4 =	vld [tilespmem:s6+$0xE0];
	v5 =	vmax.f32 v6, $0.0e+00  }
0x2e3: {  	s7 =	simm.s32 $0x100;
	s8 =	simm.s32 $0x800;
	[tilespmem:s6+$0x3DC0] =	vst v63;
	v0 =	vadd.f32 v5, v0;
	v5 =	vld [tilespmem:s6+$0x70]  }
.LBB2_24:
0x2e4: {  	p2 =	sne.s32 s8, $0xF000;
	v6 =	vld [tilespmem:s7+$0xF0];
	[tilespmem:s6+$0x3D50] =	vst v1  }
0x2e5: {  	v1 =	vld [tilespmem:s7+$0x0];
	[tilespmem:s6+$0x3DD0] =	vst v2  }
0x2e6: {  	v2 =	vld [tilespmem:s7+$0x80];
	[tilespmem:s6+$0x3D60] =	vst v3  }
0x2e7: {  	v3 =	vld [tilespmem:s7+$0x10];
	[tilespmem:s6+$0x3DE0] =	vst v4  }
0x2e8: {  	v4 =	vld [tilespmem:s7+$0x90];
	[tilespmem:s6+$0x3D70] =	vst v5;
	s6 =	smov.u32 s7  }
0x2e9: {  	v5 =	vld [tilespmem:s6+$0x20];
	[tilespmem:s6+$0x3DF0] =	vst v6  }
0x2ea: {  	[tilespmem:s6+$0x3D00] =	vst v1;
	v1 =	vld [tilespmem:s6+$0xA0]  }
0x2eb: {  	[tilespmem:s6+$0x3D80] =	vst v2;
	v2 =	vld [tilespmem:s6+$0x30]  }
0x2ec: {  	[tilespmem:s6+$0x3D10] =	vst v3;
	v3 =	vld [tilespmem:s6+$0xB0]  }
0x2ed: {  	[tilespmem:s6+$0x3D90] =	vst v4;
	v4 =	vld [tilespmem:s6+$0x40]  }
0x2ee: {  	[tilespmem:s6+$0x3D20] =	vst v5;
	v5 =	vld [tilespmem:s6+$0xC0]  }
.Ltmp13:
0x2ef: {  	[tilespmem:s6+$0x3DA0] =	vst v1;
	v1 =	vld [tilespmem:s6+$0x50];
	(pc) =	sbr.rel @p2 .LBB2_24-.Ltmp13, $4  }
0x2f0: {  	[tilespmem:s6+$0x3D30] =	vst v2;
	v2 =	vld [tilespmem:s6+$0xD0]  }
0x2f1: {  	[tilespmem:s6+$0x3DB0] =	vst v3;
	v3 =	vld [tilespmem:s6+$0x60]  }
0x2f2: {  	[tilespmem:s6+$0x3D40] =	vst v4;
	v4 =	vld [tilespmem:s6+$0xE0]  }
0x2f3: {  	s7 =	sshra.s32 s8, $0x2;
	s8 =	sadd.s32 $0x400, s8;
	[tilespmem:s6+$0x3DC0] =	vst v5;
	v5 =	vld [tilespmem:s6+$0x70]  }
0x2f4: {  	v6 =	vld [tilespmem:s7+$0xF0];
	[tilespmem:s6+$0x3D50] =	vst v1  }
0x2f5: {  	v1 =	vld [tilespmem:s7+$0x0];
	[tilespmem:s6+$0x3DD0] =	vst v2  }
0x2f6: {  	v2 =	vld [tilespmem:s7+$0x80];
	[tilespmem:s6+$0x3D60] =	vst v3  }
0x2f7: {  	v3 =	vld [tilespmem:s7+$0x10];
	[tilespmem:s6+$0x3DE0] =	vst v4  }
0x2f8: {  	v4 =	vld [tilespmem:s7+$0x90];
	[tilespmem:s6+$0x3D70] =	vst v5  }
0x2f9: {  	v5 =	vld [tilespmem:s7+$0x20];
	[tilespmem:s7+$0x3DF0] =	vst v6  }
0x2fa: {  	[tilespmem:s7+$0x3D00] =	vst v1;
	v1 =	vld [tilespmem:s7+$0xA0]  }
0x2fb: {  	[tilespmem:s7+$0x3D80] =	vst v2;
	v2 =	vld [tilespmem:s7+$0x30]  }
0x2fc: {  	[tilespmem:s7+$0x3D10] =	vst v3;
	v3 =	vld [tilespmem:s7+$0xB0]  }
0x2fd: {  	[tilespmem:s7+$0x3D90] =	vst v4;
	v4 =	vld [tilespmem:s7+$0x40]  }
0x2fe: {  	[tilespmem:s7+$0x3D20] =	vst v5;
	v5 =	vld [tilespmem:s7+$0xC0]  }
0x2ff: {  	[tilespmem:s7+$0x3DA0] =	vst v1;
	v1 =	vld [tilespmem:s7+$0x50]  }
0x300: {  	[tilespmem:s7+$0x3D30] =	vst v2;
	v2 =	vld [tilespmem:s7+$0xD0]  }
0x301: {  	[tilespmem:s7+$0x3DB0] =	vst v3;
	v3 =	vld [tilespmem:s7+$0x60]  }
0x302: {  	[tilespmem:s7+$0x3D40] =	vst v4;
	v4 =	vld [tilespmem:s7+$0xE0]  }
0x303: {  	[tilespmem:s7+$0x3DC0] =	vst v5;
	v5 =	vld [tilespmem:s7+$0x70]  }
0x304: {  	[tilespmem:s7+$0x3D50] =	vst v1  }
0x305: {  	[tilespmem:s7+$0x3DD0] =	vst v2  }
0x306: {  	[tilespmem:s7+$0x3D60] =	vst v3  }
0x307: {  	[tilespmem:s7+$0x3DE0] =	vst v4  }
0x308: {  	s8 =	simm.s32 $0x0;
	[tilespmem:s7+$0x3D70] =	vst v5  }
0x309: {  	[tilespmem:s8], [sflag:$0x1] =	stream.linear.gather [hbm4b:s23+s8], $0x3D00, $0x38;
	[tilespmem:$0x1E8A8] =	vst v63  }
0x30a: {  	s8 =	simm.s32 $0x0  }
0x30b: {  	[tilespmem:s28], [sflag:$0x2] =	stream.indirect.gather [spmem:s2], $0x1, s24, s24, $0xb8;
	[tilespmem:$0x1E8A8] =	vst v63  }
0x30c: {  	v1 =	vld [tilespmem:s8+$0xB700]  }
0x30d: {  	v2 =	vld [tilespmem:s8+$0xB780]  }
0x30e: {  	v3 =	vld [tilespmem:s8+$0xB710]  }
0x30f: {  	v4 =	vld [tilespmem:s8+$0xB790]  }
0x310: {  	v5 =	vld [tilespmem:s8+$0xB720]  }
0x311: {  	v6 =	vld [tilespmem:s8+$0xB7A0];
	v1 =	vsub.f32 $1.000000000e+00, v1  }
0x312: {  	v7 =	vld [tilespmem:s8+$0xB730]  }
0x313: {  	v8 =	vld [tilespmem:s8+$0xB7B0];
	v1 =	vadd.f32 v2, v1;
	v2 =	vsub.f32 $1.000000000e+00, v3  }
0x314: {  	v9 =	vld [tilespmem:s8+$0xB740]  }
0x315: {  	v10 =	vld [tilespmem:s8+$0xB7C0];
	v3 =	vsub.f32 $1.000000000e+00, v5;
	v1 =	vmax.f32 v1, $0.0e+00;
	v2 =	vadd.f32 v4, v2  }
0x316: {  	v11 =	vld [tilespmem:s8+$0xB750];
	v1 =	vadd.f32 v1, v0  }
0x317: {  	v5 =	vsub.f32 $1.000000000e+00, v7;
	v4 =	vadd.f32 v6, v3;
	v3 =	vld [tilespmem:s8+$0xB760];
	v2 =	vmax.f32 v2, $0.0e+00  }
0x318: {  	v0 =	vld [tilespmem:s8+$0xB7D0];
	v2 =	vadd.f32 v2, v1  }
0x319: {  	v7 =	vsub.f32 $1.000000000e+00, v9;
	v6 =	vadd.f32 v8, v5;
	v4 =	vmax.f32 v4, $0.0e+00;
	v1 =	vld [tilespmem:s8+$0xB7E0]  }
0x31a: {  	v5 =	vadd.f32 v4, v2;
	v4 =	vld [tilespmem:s8+$0xB770]  }
0x31b: {  	s6 =	simm.s32 $0x100;
	s7 =	simm.s32 $0x800;
	v8 =	vmax.f32 v6, $0.0e+00;
	v6 =	vadd.f32 v10, v7;
	v7 =	vsub.f32 $1.000000000e+00, v11;
	v2 =	vld [tilespmem:s8+$0xB7F0]  }
.LBB2_26:
0x31c: {  	p2 =	sne.s32 s7, $0xF000;
	v9 =	vld [tilespmem:s6+$0xB700];
	v5 =	vadd.f32 v8, v5  }
0x31d: {  	v8 =	vld [tilespmem:s6+$0xB780];
	v6 =	vmax.f32 v6, $0.0e+00;
	v0 =	vadd.f32 v0, v7;
	v3 =	vsub.f32 $1.000000000e+00, v3  }
0x31e: {  	v7 =	vld [tilespmem:s6+$0xB710];
	v5 =	vadd.f32 v6, v5  }
0x31f: {  	v6 =	vld [tilespmem:s6+$0xB790];
	v0 =	vmax.f32 v0, $0.0e+00;
	v1 =	vadd.f32 v1, v3;
	v3 =	vsub.f32 $1.000000000e+00, v4  }
0x320: {  	v4 =	vld [tilespmem:s6+$0xB720];
	v0 =	vadd.f32 v0, v5  }
0x321: {  	v5 =	vsub.f32 $1.000000000e+00, v9;
	v9 =	vld [tilespmem:s6+$0xB7A0];
	v1 =	vmax.f32 v1, $0.0e+00;
	v2 =	vadd.f32 v2, v3  }
0x322: {  	v3 =	vld [tilespmem:s6+$0xB730];
	v0 =	vadd.f32 v1, v0  }
0x323: {  	v1 =	vadd.f32 v8, v5;
	v5 =	vsub.f32 $1.000000000e+00, v7;
	v7 =	vld [tilespmem:s6+$0xB7B0];
	v2 =	vmax.f32 v2, $0.0e+00  }
0x324: {  	v8 =	vld [tilespmem:s6+$0xB740];
	v0 =	vadd.f32 v2, v0  }
0x325: {  	v1 =	vmax.f32 v1, $0.0e+00;
	v2 =	vadd.f32 v6, v5;
	v4 =	vsub.f32 $1.000000000e+00, v4;
	v6 =	vld [tilespmem:s6+$0xB7C0]  }
0x326: {  	v1 =	vadd.f32 v1, v0;
	v10 =	vld [tilespmem:s6+$0xB750]  }
.Ltmp14:
0x327: {  	v2 =	vmax.f32 v2, $0.0e+00;
	v4 =	vadd.f32 v9, v4;
	v5 =	vsub.f32 $1.000000000e+00, v3;
	v0 =	vld [tilespmem:s6+$0xB7D0];
	(pc) =	sbr.rel @p2 .LBB2_26-.Ltmp14, $4  }
0x328: {  	v2 =	vadd.f32 v2, v1;
	v3 =	vld [tilespmem:s6+$0xB760]  }
0x329: {  	v4 =	vmax.f32 v4, $0.0e+00;
	v7 =	vadd.f32 v7, v5;
	v9 =	vsub.f32 $1.000000000e+00, v8;
	v1 =	vld [tilespmem:s6+$0xB7E0]  }
0x32a: {  	v5 =	vadd.f32 v4, v2;
	v4 =	vld [tilespmem:s6+$0xB770]  }
0x32b: {  	v8 =	vmax.f32 v7, $0.0e+00;
	v6 =	vadd.f32 v6, v9;
	v7 =	vsub.f32 $1.000000000e+00, v10;
	v2 =	vld [tilespmem:s6+$0xB7F0];
	s6 =	sshra.s32 s7, $0x2;
	s7 =	sadd.s32 $0x400, s7  }
0x32c: {  	v9 =	vld [tilespmem:s6+$0xB700]  }
0x32d: {  	v10 =	vld [tilespmem:s6+$0xB780]  }
0x32e: {  	v11 =	vld [tilespmem:s6+$0xB710]  }
0x32f: {  	v12 =	vld [tilespmem:s6+$0xB790]  }
0x330: {  	v13 =	vld [tilespmem:s6+$0xB720]  }
0x331: {  	v14 =	vld [tilespmem:s6+$0xB7A0]  }
0x332: {  	v15 =	vld [tilespmem:s6+$0xB730]  }
0x333: {  	v16 =	vld [tilespmem:s6+$0xB7B0]  }
0x334: {  	v17 =	vld [tilespmem:s6+$0xB740]  }
0x335: {  	v18 =	vld [tilespmem:s6+$0xB7C0]  }
0x336: {  	v19 =	vld [tilespmem:s6+$0xB750]  }
0x337: {  	v20 =	vld [tilespmem:s6+$0xB7D0]  }
0x338: {  	v21 =	vld [tilespmem:s6+$0xB760]  }
0x339: {  	v22 =	vld [tilespmem:s6+$0xB7E0]  }
0x33a: {  	v23 =	vld [tilespmem:s6+$0xB770]  }
0x33b: {  	v24 =	vld [tilespmem:s6+$0xB7F0];
	_ =	swait.ge [sflag:s1], $0x3D00  }
0x33c: {  	[sflag:s1] =	ssyncset.done $0x0  }
0x33d: {  	v5 =	vadd.f32 v8, v5;
	[sflag:s1] =	ssyncadd.s32 $0xFFFFC300  }
0x33e: {  	v6 =	vmax.f32 v6, $0.0e+00;
	v0 =	vadd.f32 v0, v7;
	v3 =	vsub.f32 $1.000000000e+00, v3;
	_ =	swait.ge [sflag:s29], $0x3D00  }
0x33f: {  	v5 =	vadd.f32 v6, v5;
	[sflag:s29] =	ssyncset.done $0x0  }
0x340: {  	s6 =	simm.s32 $0x0;
	v0 =	vmax.f32 v0, $0.0e+00;
	v1 =	vadd.f32 v1, v3;
	v3 =	vsub.f32 $1.000000000e+00, v4;
	[sflag:s29] =	ssyncadd.s32 $0xFFFFC300  }
0x341: {  	v0 =	vadd.f32 v0, v5;
	v7 =	vld [tilespmem:s6+$0x10]  }
0x342: {  	v2 =	vadd.f32 v2, v3;
	v3 =	vsub.f32 $1.000000000e+00, v9;
	v1 =	vmax.f32 v1, $0.0e+00  }
0x343: {  	v6 =	vld [tilespmem:s6+$0x90];
	v0 =	vadd.f32 v1, v0  }
0x344: {  	v5 =	vsub.f32 $1.000000000e+00, v11;
	v3 =	vadd.f32 v10, v3;
	v2 =	vmax.f32 v2, $0.0e+00  }
0x345: {  	v4 =	vld [tilespmem:s6+$0x20];
	v0 =	vadd.f32 v2, v0  }
0x346: {  	v5 =	vadd.f32 v12, v5;
	v3 =	vmax.f32 v3, $0.0e+00;
	[tilespmem:s6+$0x3D10] =	vst v7;
	v7 =	vsub.f32 $1.000000000e+00, v13  }
0x347: {  	v1 =	vld [tilespmem:s6+$0xA0];
	v0 =	vadd.f32 v3, v0  }
0x348: {  	v5 =	vmax.f32 v5, $0.0e+00;
	[tilespmem:s6+$0x3D90] =	vst v6;
	v6 =	vsub.f32 $1.000000000e+00, v15;
	v7 =	vadd.f32 v14, v7  }
0x349: {  	v2 =	vld [tilespmem:s6+$0x30];
	v0 =	vadd.f32 v5, v0  }
0x34a: {  	[tilespmem:s6+$0x3D20] =	vst v4;
	v6 =	vadd.f32 v16, v6;
	v4 =	vmax.f32 v7, $0.0e+00;
	v7 =	vsub.f32 $1.000000000e+00, v17  }
0x34b: {  	v25 =	vld [tilespmem:s6+$0xF0];
	v0 =	vadd.f32 v4, v0  }
0x34c: {  	v26 =	vld [tilespmem:s6+$0x0];
	[tilespmem:s6+$0x3DA0] =	vst v1;
	v1 =	vmax.f32 v6, $0.0e+00;
	v6 =	vsub.f32 $1.000000000e+00, v19;
	v4 =	vadd.f32 v18, v7  }
0x34d: {  	v62 =	vld [tilespmem:s6+$0x80];
	v0 =	vadd.f32 v1, v0  }
0x34e: {  	v3 =	vld [tilespmem:s6+$0xB0];
	[tilespmem:s6+$0x3D30] =	vst v2;
	v6 =	vadd.f32 v20, v6;
	v2 =	vmax.f32 v4, $0.0e+00;
	v4 =	vsub.f32 $1.000000000e+00, v21  }
0x34f: {  	v5 =	vld [tilespmem:s6+$0x40];
	v0 =	vadd.f32 v2, v0  }
0x350: {  	v63 =	vld [tilespmem:s6+$0xC0];
	[tilespmem:s6+$0x3DF0] =	vst v25;
	v7 =	vsub.f32 $1.000000000e+00, v23;
	v6 =	vmax.f32 v6, $0.0e+00;
	v4 =	vadd.f32 v22, v4  }
0x351: {  	[tilespmem:s6+$0x3D00] =	vst v26;
	v1 =	vld [tilespmem:s6+$0x50];
	v0 =	vadd.f32 v6, v0  }
0x352: {  	[tilespmem:s6+$0x3D80] =	vst v62;
	v2 =	vld [tilespmem:s6+$0xD0];
	v6 =	vadd.f32 v24, v7;
	v4 =	vmax.f32 v4, $0.0e+00  }
0x353: {  	[tilespmem:s6+$0x3DB0] =	vst v3;
	v3 =	vld [tilespmem:s6+$0x60];
	v0 =	vadd.f32 v4, v0  }
0x354: {  	[tilespmem:s6+$0x3D40] =	vst v5;
	v4 =	vld [tilespmem:s6+$0xE0];
	v5 =	vmax.f32 v6, $0.0e+00  }
0x355: {  	s7 =	simm.s32 $0x100;
	s8 =	simm.s32 $0x800;
	[tilespmem:s6+$0x3DC0] =	vst v63;
	v0 =	vadd.f32 v5, v0;
	v5 =	vld [tilespmem:s6+$0x70]  }
.LBB2_28:
0x356: {  	p2 =	sne.s32 s8, $0xF000;
	v6 =	vld [tilespmem:s7+$0xF0];
	[tilespmem:s6+$0x3D50] =	vst v1  }
0x357: {  	v1 =	vld [tilespmem:s7+$0x0];
	[tilespmem:s6+$0x3DD0] =	vst v2  }
0x358: {  	v2 =	vld [tilespmem:s7+$0x80];
	[tilespmem:s6+$0x3D60] =	vst v3  }
0x359: {  	v3 =	vld [tilespmem:s7+$0x10];
	[tilespmem:s6+$0x3DE0] =	vst v4  }
0x35a: {  	v4 =	vld [tilespmem:s7+$0x90];
	[tilespmem:s6+$0x3D70] =	vst v5;
	s6 =	smov.u32 s7  }
0x35b: {  	v5 =	vld [tilespmem:s6+$0x20];
	[tilespmem:s6+$0x3DF0] =	vst v6  }
0x35c: {  	[tilespmem:s6+$0x3D00] =	vst v1;
	v1 =	vld [tilespmem:s6+$0xA0]  }
0x35d: {  	[tilespmem:s6+$0x3D80] =	vst v2;
	v2 =	vld [tilespmem:s6+$0x30]  }
0x35e: {  	[tilespmem:s6+$0x3D10] =	vst v3;
	v3 =	vld [tilespmem:s6+$0xB0]  }
0x35f: {  	[tilespmem:s6+$0x3D90] =	vst v4;
	v4 =	vld [tilespmem:s6+$0x40]  }
0x360: {  	[tilespmem:s6+$0x3D20] =	vst v5;
	v5 =	vld [tilespmem:s6+$0xC0]  }
.Ltmp15:
0x361: {  	[tilespmem:s6+$0x3DA0] =	vst v1;
	v1 =	vld [tilespmem:s6+$0x50];
	(pc) =	sbr.rel @p2 .LBB2_28-.Ltmp15, $4  }
0x362: {  	[tilespmem:s6+$0x3D30] =	vst v2;
	v2 =	vld [tilespmem:s6+$0xD0]  }
0x363: {  	[tilespmem:s6+$0x3DB0] =	vst v3;
	v3 =	vld [tilespmem:s6+$0x60]  }
0x364: {  	[tilespmem:s6+$0x3D40] =	vst v4;
	v4 =	vld [tilespmem:s6+$0xE0]  }
0x365: {  	s7 =	sshra.s32 s8, $0x2;
	s8 =	sadd.s32 $0x400, s8;
	[tilespmem:s6+$0x3DC0] =	vst v5;
	v5 =	vld [tilespmem:s6+$0x70]  }
0x366: {  	v6 =	vld [tilespmem:s7+$0xF0];
	[tilespmem:s6+$0x3D50] =	vst v1  }
0x367: {  	v1 =	vld [tilespmem:s7+$0x0];
	[tilespmem:s6+$0x3DD0] =	vst v2  }
0x368: {  	v2 =	vld [tilespmem:s7+$0x80];
	[tilespmem:s6+$0x3D60] =	vst v3  }
0x369: {  	v3 =	vld [tilespmem:s7+$0x10];
	[tilespmem:s6+$0x3DE0] =	vst v4  }
0x36a: {  	v4 =	vld [tilespmem:s7+$0x90];
	[tilespmem:s6+$0x3D70] =	vst v5  }
0x36b: {  	v5 =	vld [tilespmem:s7+$0x20];
	[tilespmem:s7+$0x3DF0] =	vst v6  }
0x36c: {  	[tilespmem:s7+$0x3D00] =	vst v1;
	v1 =	vld [tilespmem:s7+$0xA0]  }
0x36d: {  	[tilespmem:s7+$0x3D80] =	vst v2;
	v2 =	vld [tilespmem:s7+$0x30]  }
0x36e: {  	[tilespmem:s7+$0x3D10] =	vst v3;
	v3 =	vld [tilespmem:s7+$0xB0]  }
0x36f: {  	[tilespmem:s7+$0x3D90] =	vst v4;
	v4 =	vld [tilespmem:s7+$0x40]  }
0x370: {  	[tilespmem:s7+$0x3D20] =	vst v5;
	v5 =	vld [tilespmem:s7+$0xC0]  }
0x371: {  	[tilespmem:s7+$0x3DA0] =	vst v1;
	v1 =	vld [tilespmem:s7+$0x50]  }
0x372: {  	[tilespmem:s7+$0x3D30] =	vst v2;
	v2 =	vld [tilespmem:s7+$0xD0]  }
0x373: {  	[tilespmem:s7+$0x3DB0] =	vst v3;
	v3 =	vld [tilespmem:s7+$0x60]  }
0x374: {  	[tilespmem:s7+$0x3D40] =	vst v4;
	v4 =	vld [tilespmem:s7+$0xE0]  }
0x375: {  	[tilespmem:s7+$0x3DC0] =	vst v5;
	v5 =	vld [tilespmem:s7+$0x70]  }
0x376: {  	[tilespmem:s7+$0x3D50] =	vst v1  }
0x377: {  	[tilespmem:s7+$0x3DD0] =	vst v2  }
0x378: {  	[tilespmem:s7+$0x3D60] =	vst v3  }
0x379: {  	[tilespmem:s7+$0x3DE0] =	vst v4  }
0x37a: {  	s8 =	simm.s32 $0x0;
	[tilespmem:s7+$0x3D70] =	vst v5  }
0x37b: {  	[tilespmem:s30], [sflag:$0x3] =	stream.indirect.gather [spmem:s2], $0x1, s24, s24, $0xb8;
	[tilespmem:$0x1E8A8] =	vst v63  }
0x37c: {  	v1 =	vld [tilespmem:s8+$0x7A00]  }
0x37d: {  	v2 =	vld [tilespmem:s8+$0x7A80]  }
0x37e: {  	v3 =	vld [tilespmem:s8+$0x7A10]  }
0x37f: {  	v4 =	vld [tilespmem:s8+$0x7A90]  }
0x380: {  	v5 =	vld [tilespmem:s8+$0x7A20]  }
0x381: {  	v6 =	vld [tilespmem:s8+$0x7AA0];
	v1 =	vsub.f32 $1.000000000e+00, v1  }
0x382: {  	v7 =	vld [tilespmem:s8+$0x7A30]  }
0x383: {  	v8 =	vld [tilespmem:s8+$0x7AB0];
	v1 =	vadd.f32 v2, v1;
	v2 =	vsub.f32 $1.000000000e+00, v3  }
0x384: {  	v9 =	vld [tilespmem:s8+$0x7A40]  }
0x385: {  	v10 =	vld [tilespmem:s8+$0x7AC0];
	v3 =	vsub.f32 $1.000000000e+00, v5;
	v1 =	vmax.f32 v1, $0.0e+00;
	v2 =	vadd.f32 v4, v2  }
0x386: {  	v11 =	vld [tilespmem:s8+$0x7A50];
	v1 =	vadd.f32 v1, v0  }
0x387: {  	v5 =	vsub.f32 $1.000000000e+00, v7;
	v4 =	vadd.f32 v6, v3;
	v3 =	vld [tilespmem:s8+$0x7A60];
	v2 =	vmax.f32 v2, $0.0e+00  }
0x388: {  	v0 =	vld [tilespmem:s8+$0x7AD0];
	v2 =	vadd.f32 v2, v1  }
0x389: {  	v7 =	vsub.f32 $1.000000000e+00, v9;
	v6 =	vadd.f32 v8, v5;
	v4 =	vmax.f32 v4, $0.0e+00;
	v1 =	vld [tilespmem:s8+$0x7AE0]  }
0x38a: {  	v5 =	vadd.f32 v4, v2;
	v4 =	vld [tilespmem:s8+$0x7A70]  }
0x38b: {  	s6 =	simm.s32 $0x100;
	s7 =	simm.s32 $0x800;
	v8 =	vmax.f32 v6, $0.0e+00;
	v6 =	vadd.f32 v10, v7;
	v7 =	vsub.f32 $1.000000000e+00, v11;
	v2 =	vld [tilespmem:s8+$0x7AF0]  }
.LBB2_30:
0x38c: {  	p2 =	sne.s32 s7, $0xF000;
	v9 =	vld [tilespmem:s6+$0x7A00];
	v5 =	vadd.f32 v8, v5  }
0x38d: {  	v8 =	vld [tilespmem:s6+$0x7A80];
	v6 =	vmax.f32 v6, $0.0e+00;
	v0 =	vadd.f32 v0, v7;
	v3 =	vsub.f32 $1.000000000e+00, v3  }
0x38e: {  	v7 =	vld [tilespmem:s6+$0x7A10];
	v5 =	vadd.f32 v6, v5  }
0x38f: {  	v6 =	vld [tilespmem:s6+$0x7A90];
	v0 =	vmax.f32 v0, $0.0e+00;
	v1 =	vadd.f32 v1, v3;
	v3 =	vsub.f32 $1.000000000e+00, v4  }
0x390: {  	v4 =	vld [tilespmem:s6+$0x7A20];
	v0 =	vadd.f32 v0, v5  }
0x391: {  	v5 =	vsub.f32 $1.000000000e+00, v9;
	v9 =	vld [tilespmem:s6+$0x7AA0];
	v1 =	vmax.f32 v1, $0.0e+00;
	v2 =	vadd.f32 v2, v3  }
0x392: {  	v3 =	vld [tilespmem:s6+$0x7A30];
	v0 =	vadd.f32 v1, v0  }
0x393: {  	v1 =	vadd.f32 v8, v5;
	v5 =	vsub.f32 $1.000000000e+00, v7;
	v7 =	vld [tilespmem:s6+$0x7AB0];
	v2 =	vmax.f32 v2, $0.0e+00  }
0x394: {  	v8 =	vld [tilespmem:s6+$0x7A40];
	v0 =	vadd.f32 v2, v0  }
0x395: {  	v1 =	vmax.f32 v1, $0.0e+00;
	v2 =	vadd.f32 v6, v5;
	v4 =	vsub.f32 $1.000000000e+00, v4;
	v6 =	vld [tilespmem:s6+$0x7AC0]  }
0x396: {  	v1 =	vadd.f32 v1, v0;
	v10 =	vld [tilespmem:s6+$0x7A50]  }
.Ltmp16:
0x397: {  	v2 =	vmax.f32 v2, $0.0e+00;
	v4 =	vadd.f32 v9, v4;
	v5 =	vsub.f32 $1.000000000e+00, v3;
	v0 =	vld [tilespmem:s6+$0x7AD0];
	(pc) =	sbr.rel @p2 .LBB2_30-.Ltmp16, $4  }
0x398: {  	v2 =	vadd.f32 v2, v1;
	v3 =	vld [tilespmem:s6+$0x7A60]  }
0x399: {  	v4 =	vmax.f32 v4, $0.0e+00;
	v7 =	vadd.f32 v7, v5;
	v9 =	vsub.f32 $1.000000000e+00, v8;
	v1 =	vld [tilespmem:s6+$0x7AE0]  }
0x39a: {  	v5 =	vadd.f32 v4, v2;
	v4 =	vld [tilespmem:s6+$0x7A70]  }
0x39b: {  	v8 =	vmax.f32 v7, $0.0e+00;
	v6 =	vadd.f32 v6, v9;
	v7 =	vsub.f32 $1.000000000e+00, v10;
	v2 =	vld [tilespmem:s6+$0x7AF0];
	s6 =	sshra.s32 s7, $0x2;
	s7 =	sadd.s32 $0x400, s7  }
0x39c: {  	v9 =	vld [tilespmem:s6+$0x7A00]  }
0x39d: {  	v10 =	vld [tilespmem:s6+$0x7A80]  }
0x39e: {  	v11 =	vld [tilespmem:s6+$0x7A10];
	v5 =	vadd.f32 v8, v5  }
0x39f: {  	v8 =	vld [tilespmem:s6+$0x7A90];
	v6 =	vmax.f32 v6, $0.0e+00;
	v0 =	vadd.f32 v0, v7;
	v3 =	vsub.f32 $1.000000000e+00, v3  }
0x3a0: {  	v7 =	vld [tilespmem:s6+$0x7A20];
	v5 =	vadd.f32 v6, v5  }
0x3a1: {  	v6 =	vld [tilespmem:s6+$0x7AA0];
	v0 =	vmax.f32 v0, $0.0e+00;
	v1 =	vadd.f32 v1, v3;
	v3 =	vsub.f32 $1.000000000e+00, v4  }
0x3a2: {  	v4 =	vld [tilespmem:s6+$0x7A30];
	v0 =	vadd.f32 v0, v5  }
0x3a3: {  	v5 =	vld [tilespmem:s6+$0x7AB0];
	v9 =	vsub.f32 $1.000000000e+00, v9;
	v1 =	vmax.f32 v1, $0.0e+00;
	v2 =	vadd.f32 v2, v3  }
0x3a4: {  	v3 =	vld [tilespmem:s6+$0x7A40];
	v0 =	vadd.f32 v1, v0  }
0x3a5: {  	v1 =	vld [tilespmem:s6+$0x7AC0];
	v9 =	vadd.f32 v10, v9;
	v10 =	vsub.f32 $1.000000000e+00, v11;
	v2 =	vmax.f32 v2, $0.0e+00  }
0x3a6: {  	v7 =	vsub.f32 $1.000000000e+00, v7;
	v11 =	vld [tilespmem:s6+$0x7A50];
	v0 =	vadd.f32 v2, v0  }
0x3a7: {  	v2 =	vld [tilespmem:s6+$0x7AD0];
	v9 =	vmax.f32 v9, $0.0e+00;
	v8 =	vadd.f32 v8, v10  }
0x3a8: {  	v6 =	vadd.f32 v6, v7;
	v7 =	vld [tilespmem:s6+$0x7A70];
	v0 =	vadd.f32 v9, v0  }
0x3a9: {  	v4 =	vsub.f32 $1.000000000e+00, v4;
	v10 =	vld [tilespmem:s6+$0x7A60];
	v8 =	vmax.f32 v8, $0.0e+00  }
0x3aa: {  	v9 =	vld [tilespmem:s6+$0x7AE0];
	v0 =	vadd.f32 v8, v0  }
0x3ab: {  	v4 =	vadd.f32 v5, v4;
	v5 =	vmax.f32 v6, $0.0e+00;
	v3 =	vsub.f32 $1.000000000e+00, v3;
	v8 =	vld [tilespmem:s6+$0x7AF0];
	_ =	swait.ge [sflag:s31], $0x3D00  }
0x3ac: {  	[sflag:s31] =	ssyncset.done $0x0;
	v0 =	vadd.f32 v5, v0  }
0x3ad: {  	s8 =	simm.s32 $0x0;
	v4 =	vmax.f32 v4, $0.0e+00;
	v1 =	vadd.f32 v1, v3;
	v3 =	vsub.f32 $1.000000000e+00, v11;
	[sflag:s31] =	ssyncadd.s32 $0xFFFFC300  }
0x3ae: {  	v0 =	vadd.f32 v4, v0;
	v4 =	vld [tilespmem:s8+$0xB700]  }
0x3af: {  	v1 =	vmax.f32 v1, $0.0e+00;
	v2 =	vadd.f32 v2, v3;
	v3 =	vsub.f32 $1.000000000e+00, v10;
	v5 =	vld [tilespmem:s8+$0xB780]  }
0x3b0: {  	v0 =	vadd.f32 v1, v0;
	v1 =	vld [tilespmem:s8+$0xB710]  }
0x3b1: {  	v6 =	vsub.f32 $1.000000000e+00, v7;
	v7 =	vld [tilespmem:s8+$0xB790];
	v2 =	vmax.f32 v2, $0.0e+00;
	v3 =	vadd.f32 v9, v3  }
0x3b2: {  	v0 =	vadd.f32 v2, v0;
	v2 =	vld [tilespmem:s8+$0xB720]  }
0x3b3: {  	v6 =	vadd.f32 v8, v6;
	v8 =	vld [tilespmem:s8+$0xB7A0];
	v3 =	vmax.f32 v3, $0.0e+00;
	v4 =	vsub.f32 $1.000000000e+00, v4  }
0x3b4: {  	v0 =	vadd.f32 v3, v0;
	v3 =	vld [tilespmem:s8+$0xB730]  }
0x3b5: {  	v6 =	vmax.f32 v6, $0.0e+00;
	v4 =	vadd.f32 v5, v4;
	v1 =	vsub.f32 $1.000000000e+00, v1;
	v5 =	vld [tilespmem:s8+$0xB7B0]  }
0x3b6: {  	v0 =	vadd.f32 v6, v0;
	v6 =	vld [tilespmem:s8+$0xB740]  }
0x3b7: {  	v9 =	vld [tilespmem:s8+$0xB750];
	v4 =	vmax.f32 v4, $0.0e+00;
	v1 =	vadd.f32 v7, v1;
	v2 =	vsub.f32 $1.000000000e+00, v2  }
0x3b8: {  	v7 =	vld [tilespmem:s8+$0xB7C0];
	v4 =	vadd.f32 v4, v0  }
0x3b9: {  	v0 =	vld [tilespmem:s8+$0xB7D0];
	v1 =	vmax.f32 v1, $0.0e+00;
	v2 =	vadd.f32 v8, v2;
	v8 =	vsub.f32 $1.000000000e+00, v3  }
0x3ba: {  	v3 =	vld [tilespmem:s8+$0xB760];
	v4 =	vadd.f32 v1, v4  }
0x3bb: {  	v1 =	vld [tilespmem:s8+$0xB7E0];
	v2 =	vmax.f32 v2, $0.0e+00;
	v8 =	vadd.f32 v5, v8;
	v6 =	vsub.f32 $1.000000000e+00, v6  }
0x3bc: {  	v5 =	vadd.f32 v2, v4;
	v4 =	vld [tilespmem:s8+$0xB770]  }
0x3bd: {  	s7 =	simm.s32 $0x800;
	s6 =	simm.s32 $0x100;
	v2 =	vld [tilespmem:s8+$0xB7F0];
	v8 =	vmax.f32 v8, $0.0e+00;
	v6 =	vadd.f32 v7, v6;
	v7 =	vsub.f32 $1.000000000e+00, v9  }
.LBB2_32:
0x3be: {  	p2 =	sne.s32 s7, $0xF000;
	v9 =	vld [tilespmem:s6+$0xB700];
	v5 =	vadd.f32 v8, v5  }
0x3bf: {  	v8 =	vld [tilespmem:s6+$0xB780];
	v6 =	vmax.f32 v6, $0.0e+00;
	v0 =	vadd.f32 v0, v7;
	v3 =	vsub.f32 $1.000000000e+00, v3  }
0x3c0: {  	v7 =	vld [tilespmem:s6+$0xB710];
	v5 =	vadd.f32 v6, v5  }
0x3c1: {  	v6 =	vld [tilespmem:s6+$0xB790];
	v0 =	vmax.f32 v0, $0.0e+00;
	v1 =	vadd.f32 v1, v3;
	v3 =	vsub.f32 $1.000000000e+00, v4  }
0x3c2: {  	v4 =	vld [tilespmem:s6+$0xB720];
	v0 =	vadd.f32 v0, v5  }
0x3c3: {  	v5 =	vsub.f32 $1.000000000e+00, v9;
	v9 =	vld [tilespmem:s6+$0xB7A0];
	v1 =	vmax.f32 v1, $0.0e+00;
	v2 =	vadd.f32 v2, v3  }
0x3c4: {  	v3 =	vld [tilespmem:s6+$0xB730];
	v0 =	vadd.f32 v1, v0  }
0x3c5: {  	v1 =	vadd.f32 v8, v5;
	v5 =	vsub.f32 $1.000000000e+00, v7;
	v7 =	vld [tilespmem:s6+$0xB7B0];
	v2 =	vmax.f32 v2, $0.0e+00  }
0x3c6: {  	v8 =	vld [tilespmem:s6+$0xB740];
	v0 =	vadd.f32 v2, v0  }
0x3c7: {  	v1 =	vmax.f32 v1, $0.0e+00;
	v2 =	vadd.f32 v6, v5;
	v4 =	vsub.f32 $1.000000000e+00, v4;
	v6 =	vld [tilespmem:s6+$0xB7C0]  }
0x3c8: {  	v1 =	vadd.f32 v1, v0;
	v10 =	vld [tilespmem:s6+$0xB750]  }
.Ltmp17:
0x3c9: {  	v2 =	vmax.f32 v2, $0.0e+00;
	v4 =	vadd.f32 v9, v4;
	v5 =	vsub.f32 $1.000000000e+00, v3;
	v0 =	vld [tilespmem:s6+$0xB7D0];
	(pc) =	sbr.rel @p2 .LBB2_32-.Ltmp17, $4  }
0x3ca: {  	v2 =	vadd.f32 v2, v1;
	v3 =	vld [tilespmem:s6+$0xB760]  }
0x3cb: {  	v4 =	vmax.f32 v4, $0.0e+00;
	v7 =	vadd.f32 v7, v5;
	v9 =	vsub.f32 $1.000000000e+00, v8;
	v1 =	vld [tilespmem:s6+$0xB7E0]  }
0x3cc: {  	v5 =	vadd.f32 v4, v2;
	v4 =	vld [tilespmem:s6+$0xB770]  }
0x3cd: {  	v8 =	vmax.f32 v7, $0.0e+00;
	v6 =	vadd.f32 v6, v9;
	v7 =	vsub.f32 $1.000000000e+00, v10;
	v2 =	vld [tilespmem:s6+$0xB7F0];
	s6 =	sshra.s32 s7, $0x2;
	s7 =	sadd.s32 $0x400, s7  }
0x3ce: {  	v9 =	vld [tilespmem:s6+$0xB700];
	v5 =	vadd.f32 v8, v5  }
0x3cf: {  	v49 =	vld [tilespmem:s6+$0xB780];
	v6 =	vmax.f32 v6, $0.0e+00;
	v0 =	vadd.f32 v0, v7;
	v3 =	vsub.f32 $1.000000000e+00, v3  }
0x3d0: {  	v50 =	vld [tilespmem:s6+$0xB710];
	v5 =	vadd.f32 v6, v5  }
0x3d1: {  	v51 =	vld [tilespmem:s6+$0xB790];
	v0 =	vmax.f32 v0, $0.0e+00;
	v1 =	vadd.f32 v1, v3;
	v3 =	vsub.f32 $1.000000000e+00, v4  }
0x3d2: {  	v52 =	vld [tilespmem:s6+$0xB720];
	v0 =	vadd.f32 v0, v5  }
0x3d3: {  	v54 =	vld [tilespmem:s6+$0xB7A0];
	v53 =	vsub.f32 $1.000000000e+00, v9;
	v1 =	vmax.f32 v1, $0.0e+00;
	v2 =	vadd.f32 v2, v3  }
0x3d4: {  	v3 =	vld [tilespmem:s6+$0xB730];
	v0 =	vadd.f32 v1, v0  }
0x3d5: {  	v56 =	vld [tilespmem:s6+$0xB7B0];
	v55 =	vsub.f32 $1.000000000e+00, v50;
	v1 =	vadd.f32 v49, v53;
	v2 =	vmax.f32 v2, $0.0e+00  }
0x3d6: {  	v57 =	vld [tilespmem:s6+$0xB740];
	v0 =	vadd.f32 v2, v0  }
0x3d7: {  	v58 =	vld [tilespmem:s6+$0xB7C0];
	v4 =	vsub.f32 $1.000000000e+00, v52;
	v2 =	vadd.f32 v51, v55;
	v1 =	vmax.f32 v1, $0.0e+00  }
0x3d8: {  	v0 =	vadd.f32 v1, v0;
	v1 =	vld [tilespmem:s6+$0xB750]  }
0x3d9: {  	v59 =	vld [tilespmem:s6+$0xB7D0];
	v4 =	vadd.f32 v54, v4;
	v2 =	vmax.f32 v2, $0.0e+00;
	v3 =	vsub.f32 $1.000000000e+00, v3  }
0x3da: {  	v0 =	vadd.f32 v2, v0;
	v2 =	vld [tilespmem:s6+$0xB760]  }
0x3db: {  	v61 =	vld [tilespmem:s6+$0xB7E0];
	v60 =	vsub.f32 $1.000000000e+00, v57;
	v4 =	vmax.f32 v4, $0.0e+00;
	v3 =	vadd.f32 v56, v3  }
0x3dc: {  	v62 =	vld [tilespmem:s6+$0xB770];
	v0 =	vadd.f32 v4, v0  }
0x3dd: {  	v5 =	vadd.f32 v58, v60;
	v3 =	vmax.f32 v3, $0.0e+00;
	v1 =	vsub.f32 $1.000000000e+00, v1  }
0x3de: {  	v63 =	vld [tilespmem:s6+$0xB7F0];
	v0 =	vadd.f32 v3, v0  }
0x3df: {  	v3 =	vmax.f32 v5, $0.0e+00;
	v1 =	vadd.f32 v59, v1;
	v2 =	vsub.f32 $1.000000000e+00, v2  }
0x3e0: {  	v0 =	vadd.f32 v3, v0  }
0x3e1: {  	v3 =	vsub.f32 $1.000000000e+00, v62;
	v1 =	vmax.f32 v1, $0.0e+00;
	v2 =	vadd.f32 v61, v2  }
0x3e2: {  	v0 =	vadd.f32 v1, v0  }
.Ltmp18:
0x3e3: {  	v1 =	vmax.f32 v2, $0.0e+00;
	v2 =	vadd.f32 v63, v3;
	(pc) =	sbr.rel @p0 .LBB2_35-.Ltmp18, $3  }
0x3e4: {  	v0 =	vadd.f32 v1, v0  }
0x3e5: {  	v1 =	vmax.f32 v2, $0.0e+00  }
0x3e6: {  	v0 =	vadd.f32 v1, v0;
	_ =	sdelay $0x1  }
0x3e7: {  	s6 =	rddreg [dreg:$0xa]  }
0x3e8: {  	[tilespmem:s3], [sflag:$0x1] =	stream.linear.gather [hbm4b:s6+s3], $0x100, $0x38;
	[tilespmem:$0x1E8A8] =	vst v63  }
0x3e9: {  	_ =	swait.ge [sflag:s1], $0x100  }
0x3ea: {  	[sflag:s1] =	ssyncset.done $0x0  }
0x3eb: {  	s8 =	simm.s32 $0x80;
	[sflag:s1] =	ssyncadd.s32 $0xFFFFFF00  }
0x3ec: {  	[tilespmem:s28], [sflag:$0x2] =	stream.indirect.gather [spmem:s2], $0x1, s3, s8, $0xb8;
	[tilespmem:$0x1E8A8] =	vst v63  }
0x3ed: {  	s7 =	simm.s32 $0x7A80  }
0x3ee: {  	[tilespmem:s7], [sflag:$0x2] =	stream.indirect.gather [spmem:s2], $0x1, s8, s8, $0xb8;
	[tilespmem:$0x1E8A8] =	vst v63  }
0x3ef: {  	_ =	swait.ge [sflag:s29], $0x80  }
0x3f0: {  	[sflag:s29] =	ssyncset.done $0x0  }
0x3f1: {  	[sflag:s29] =	ssyncadd.s32 $0xFFFFFF80  }
0x3f2: {  	_ =	swait.ge [sflag:s29], $0x80  }
0x3f3: {  	[sflag:s29] =	ssyncset.done $0x0  }
0x3f4: {  	[sflag:s29] =	ssyncadd.s32 $0xFFFFFF80  }
0x3f5: {  	v1 =	vld [tilespmem:$0x7A00]  }
0x3f6: {  	v2 =	vld [tilespmem:$0x7A80]  }
0x3f7: {  	v3 =	vld [tilespmem:$0x7A10]  }
0x3f8: {  	v4 =	vld [tilespmem:$0x7A90]  }
0x3f9: {  	v5 =	vld [tilespmem:$0x7A20]  }
0x3fa: {  	v6 =	vld [tilespmem:$0x7AA0];
	v1 =	vsub.f32 $1.000000000e+00, v1  }
0x3fb: {  	v7 =	vld [tilespmem:$0x7A30]  }
0x3fc: {  	v8 =	vld [tilespmem:$0x7A40];
	v1 =	vadd.f32 v2, v1;
	v2 =	vsub.f32 $1.000000000e+00, v3  }
0x3fd: {  	v3 =	vld [tilespmem:$0x7AB0]  }
0x3fe: {  	v58 =	vld [tilespmem:$0x7AC0];
	v57 =	vsub.f32 $1.000000000e+00, v5;
	v1 =	vmax.f32 v1, $0.0e+00;
	v2 =	vadd.f32 v4, v2  }
0x3ff: {  	v0 =	vadd.f32 v1, v0;
	v1 =	vld [tilespmem:$0x7A50]  }
0x400: {  	v60 =	vld [tilespmem:$0x7AD0];
	v59 =	vsub.f32 $1.000000000e+00, v7;
	v4 =	vadd.f32 v6, v57;
	v2 =	vmax.f32 v2, $0.0e+00  }
0x401: {  	v0 =	vadd.f32 v2, v0;
	v2 =	vld [tilespmem:$0x7A60]  }
0x402: {  	v62 =	vld [tilespmem:$0x7AE0];
	v61 =	vsub.f32 $1.000000000e+00, v8;
	v4 =	vmax.f32 v4, $0.0e+00;
	v3 =	vadd.f32 v3, v59  }
0x403: {  	v63 =	vld [tilespmem:$0x7A70];
	v0 =	vadd.f32 v4, v0  }
0x404: {  	v5 =	vadd.f32 v58, v61;
	v3 =	vmax.f32 v3, $0.0e+00;
	v1 =	vsub.f32 $1.000000000e+00, v1  }
0x405: {  	v0 =	vadd.f32 v3, v0;
	v3 =	vld [tilespmem:$0x7AF0]  }
0x406: {  	v5 =	vmax.f32 v5, $0.0e+00;
	v1 =	vadd.f32 v60, v1;
	v2 =	vsub.f32 $1.000000000e+00, v2  }
0x407: {  	v0 =	vadd.f32 v5, v0  }
0x408: {  	v4 =	vsub.f32 $1.000000000e+00, v63;
	v2 =	vadd.f32 v62, v2;
	v1 =	vmax.f32 v1, $0.0e+00  }
0x409: {  	v0 =	vadd.f32 v1, v0  }
.Ltmp19:
0x40a: {  	v1 =	vadd.f32 v3, v4;
	v2 =	vmax.f32 v2, $0.0e+00;
	(pc) =	sbr.rel .LBB2_35-.Ltmp19, $3  }
0x40b: {  	v0 =	vadd.f32 v2, v0  }
0x40c: {  	v1 =	vmax.f32 v1, $0.0e+00  }
0x40d: {  	v0 =	vadd.f32 v1, v0;
	_ =	sdelay $0x1  }
.LBB2_36:
0x40e: {  	_ =	sfence.sel $0x180000  }
0x40f: {  	[bflag:$0x0] =	sbarrier.arrive $0xFFFF  }
0x410: {  	_ =	strace $0x90000047  }
0x411: {  	s0 =	stileid.u32;
	[bflag:$0x2] =	sbarrier.arrive $0xFFFF  }
0x412: {  	p0 =	sne.s32 s0, $0x0;
	s0 =	rddreg [dreg:$0x4]  }
0x413: {  	s0 =	sadd.s32 @!p0 $0x100000, s0  }
0x414: {  	[sflag:s0] =	ssyncadd.tile.s32 @!p0 $0x1;
	_ =	shalt  }
.Lfunc_end2:
_tile_overlayer_lowered:
.L_overlay_start_2:
0x415: {  	(tag) =	ssettag $0x2  }
0x416: {  	s0 =	rddreg [dreg:$0x0];
	s2 =	stileid.u32  }
0x417: {  	s1 =	rddreg [dreg:$0x1];
	p0 =	sne.s32 s2, $0x0  }
0x418: {  	s3 =	rddreg [dreg:$0x2];
	[bflag:$0x3] =	sbarrier.arrive $0xFFFF;
	s2 =	simm.s32 @!p0 $0x1C05  }
0x419: {  	[timem:s3], [sflag:s2] =	dma.local @!p0 [hbm:s0], s1  }
0x41a: {  	s0 =	simm.s32 @!p0 $0x5  }
0x41b: {  	_ =	swait.ge @!p0 [sflag:s0], s1  }
0x41c: {  	s1 =	ssub.s32 @!p0 $0x0, s1;
	[sflag:s0] =	ssyncset.done @!p0 $0x0  }
0x41d: {  	[sflag:s0] =	ssyncadd.s32 @!p0 s1  }
0x41e: {  	[bflag:$0x3] =	sbarrier.arrive $0xFFFF  }
0x41f: {  	_ =	shalt  }

</sc_bundles>
